<compile_context>
chip_gen: v7x
topology: tpu7x:2x2x1
jax: 0.10.2.dev20260603
libtpu: 0.0.44.dev20260713+nightly
codegen_flags: <defaults>
</compile_context>

<pallas_src>
import functools

import jax
import jax.numpy as jnp
from jax import lax
from jax.experimental import pallas as pl
from jax.experimental.pallas import tpu as pltpu
from jax.experimental.pallas import tpu_sc as plsc


def kernel(idx, token_embedding_table, pos_encoding):
    B, T = idx.shape
    V, D = token_embedding_table.shape
    G = T // 2
    SEG_PER_SEQ = 2
    SEQ_PER_CHUNK = 2
    NSEG = SEG_PER_SEQ * SEQ_PER_CHUNK
    NSLOT = 3
    VL = 16
    KD = D // VL

    info = plsc.get_sparse_core_info()
    NC, NS = info.num_cores, info.num_subcores
    NW = NC * NS
    n_chunks = B // SEQ_PER_CHUNK
    chunks_per_w = n_chunks // NW
    segs_per_w = chunks_per_w * NSEG

    idx2 = idx.reshape(B * SEG_PER_SEQ, G)
    pe_seq = pos_encoding.reshape(SEG_PER_SEQ, G, D)

    mesh = plsc.VectorSubcoreMesh(core_axis_name="c", subcore_axis_name="s")

    @functools.partial(
        pl.kernel,
        mesh=mesh,
        out_type=jax.ShapeDtypeStruct((n_chunks, NSEG, G, D), jnp.float32),
        scratch_types=[
            pltpu.VMEM((segs_per_w, G), jnp.int32),
            pltpu.VMEM((SEG_PER_SEQ, G, D), jnp.float32),
            pltpu.VMEM((NSLOT, NSEG, G, D), jnp.float32),
            pltpu.SemaphoreType.DMA,
            pltpu.SemaphoreType.DMA,
            pltpu.SemaphoreType.DMA,
            pltpu.SemaphoreType.DMA,
            pltpu.SemaphoreType.DMA,
            pltpu.SemaphoreType.DMA,
        ],
        compiler_params=pltpu.CompilerParams(use_tc_tiling_on_sc=False),
    )
    def run(idx_hbm, table_hbm, pe_hbm, out_hbm, idx_all, pe_v,
            rows, g0, g1, g2, o0, o1, o2):
        wid = lax.axis_index("s") * NC + lax.axis_index("c")
        base_c = wid * chunks_per_w
        pltpu.sync_copy(pe_hbm, pe_v)
        pltpu.sync_copy(idx_hbm.at[pl.ds(wid * segs_per_w, segs_per_w)], idx_all)
        gsem = (g0, g1, g2)
        osem = (o0, o1, o2)

        def fire_gathers(t, s):
            for j in range(NSEG):
                pltpu.async_copy(
                    table_hbm.at[idx_all.at[t * NSEG + j]], rows.at[s].at[j],
                    gsem[s],
                )

        def wait_gathers(s):
            pltpu.make_async_copy(out_hbm.at[0], rows.at[s], gsem[s]).wait()

        def wait_out(s):
            pltpu.make_async_copy(out_hbm.at[0], rows.at[s], osem[s]).wait()

        def fire_out(t, s):
            pltpu.async_copy(rows.at[s], out_hbm.at[base_c + t], osem[s])

        def add_pe(s):
            for j in range(NSEG):
                jp = j % SEG_PER_SEQ

                def vbody(p, carry, j=j, jp=jp):
                    for k in range(KD):
                        sl = pl.ds(k * VL, VL)
                        rows[s, j, p, sl] = rows[s, j, p, sl] + pe_v[jp, p, sl]
                    return carry
                lax.fori_loop(0, G, vbody, 0)

        def body(t, s, first):
            s2 = (s + 2) % NSLOT
            wait_gathers(s)
            if not first:
                wait_out(s2)
            fire_gathers(t + 2, s2)
            add_pe(s)
            fire_out(t, s)

        fire_gathers(0, 0)
        fire_gathers(1, 1)
        body(0, 0, first=True)

        n_triples = (chunks_per_w - 4) // NSLOT

        def triple(p, carry):
            t1 = NSLOT * p + 1
            body(t1, 1 % NSLOT, first=False)
            body(t1 + 1, 2 % NSLOT, first=False)
            body(t1 + 2, 0, first=False)
            return carry

        lax.fori_loop(0, n_triples, triple, 0)

        n = chunks_per_w
        body(n - 3, (n - 3) % NSLOT, first=False)
        wait_gathers((n - 2) % NSLOT)
        add_pe((n - 2) % NSLOT)
        fire_out(n - 2, (n - 2) % NSLOT)
        wait_gathers((n - 1) % NSLOT)
        add_pe((n - 1) % NSLOT)
        fire_out(n - 1, (n - 1) % NSLOT)
        for s in range(NSLOT):
            wait_out(s)

    out = run(idx2, token_embedding_table, pe_seq)
    return out.reshape(B, T, D)

# --- scband reference (transcript-rebuilt; emitter-appended) ---
"""Pipeline reference for scband-embedding-83794811945529 (READ-ONLY COPY).

The authoritative reference and input builder live on the scoring server;
editing this copy changes nothing except your own understanding.
"""

import jax, jax.numpy as jnp
import numpy as np


def make_pos_encoding(context_length, embedding_dim, base=10000.0):
    pos = jnp.arange(context_length, dtype=jnp.float32)[:, None]
    i = jnp.arange(embedding_dim // 2, dtype=jnp.float32)[None, :]
    angle = pos / jnp.power(base, 2.0 * i / embedding_dim)
    pe = jnp.zeros((context_length, embedding_dim), dtype=jnp.float32)
    pe = pe.at[:, 0::2].set(jnp.sin(angle))
    pe = pe.at[:, 1::2].set(jnp.cos(angle))
    return pe[None, :, :]


def setup_inputs(seed: int = 0):
    key = jax.random.key(seed)
    k1, k2 = jax.random.split(key)
    vocab_size, embedding_dim, context_length = 1000000, 64, 200
    B, T = 4096, 200
    idx = jax.random.randint(k1, (B, T), 0, vocab_size, dtype=jnp.int32)
    token_embedding_table = jax.random.normal(k2, (vocab_size, embedding_dim), dtype=jnp.float32)
    pos_encoding = make_pos_encoding(context_length, embedding_dim)
    return {"idx": idx, "token_embedding_table": token_embedding_table, "pos_encoding": pos_encoding}


def reference(idx, token_embedding_table, pos_encoding):
    B, T = idx.shape
    tok_emb = jnp.take(token_embedding_table, idx, axis=0)
    x = tok_emb + pos_encoding[:, :T, :]
    return x

if __name__ == "__main__":
    import jax
    _d = setup_inputs()
    print(jax.jit(kernel)(*tuple(_d.values())))

</pallas_src>

<mosaic_0001>
#map = affine_map<(d0, d1) -> (0, 0)>
#map1 = affine_map<(d0, d1) -> (0, 0, 0)>
#map2 = affine_map<(d0, d1) -> (0, 0, 0, 0)>
module attributes {stable_mosaic.version = 14 : i64} {
  func.func @run(%arg0: i32, %arg1: i32, %arg2: memref<8192x100xi32, #tpu.memory_space<hbm>>, %arg3: memref<1000000x64xf32, #tpu.memory_space<hbm>>, %arg4: memref<2x100x64xf32, #tpu.memory_space<hbm>>, %arg5: memref<2048x4x100x64xf32, #tpu.memory_space<hbm>>, %arg6: memref<256x100xi32, #tpu.memory_space<vmem>>, %arg7: memref<2x100x64xf32, #tpu.memory_space<vmem>>, %arg8: memref<3x4x100x64xf32, #tpu.memory_space<vmem>>, %arg9: memref<!tpu.dma_semaphore, #tpu.memory_space<semaphore_mem>>, %arg10: memref<!tpu.dma_semaphore, #tpu.memory_space<semaphore_mem>>, %arg11: memref<!tpu.dma_semaphore, #tpu.memory_space<semaphore_mem>>, %arg12: memref<!tpu.dma_semaphore, #tpu.memory_space<semaphore_mem>>, %arg13: memref<!tpu.dma_semaphore, #tpu.memory_space<semaphore_mem>>, %arg14: memref<!tpu.dma_semaphore, #tpu.memory_space<semaphore_mem>>) attributes {dimension_semantics = [#tpu.dimension_semantics<core_parallel>, #tpu.dimension_semantics<subcore_parallel>], iteration_bounds = array<i64: 2, 16>, scalar_prefetch = 0 : i64, scratch_operands = 9 : i64, tpu.core_type = #tpu.core_type<sc_vector_subcore>, window_params = [{transform_indices = #map}, {transform_indices = #map}, {transform_indices = #map1}, {transform_indices = #map2}]} {
    %mul3A = arith.constant 2 : i32
    %mul3A_0 = arith.muli %arg1, %mul3A : i32
    %add3A = arith.addi %mul3A_0, %arg0 : i32
    %mul3A_1 = arith.constant 64 : i32
    %mul3A_2 = arith.muli %add3A, %mul3A_1 : i32
    "tpu.region"() ({
      %run_scoped3A = tpu.sem_alloc : memref<!tpu.dma_semaphore, #tpu.memory_space<semaphore_mem>>
      tpu.enqueue_dma source(%arg4 : memref<2x100x64xf32, #tpu.memory_space<hbm>>) target(%arg7 : memref<2x100x64xf32, #tpu.memory_space<vmem>>) target_semaphore(%run_scoped3A : memref<!tpu.dma_semaphore, #tpu.memory_space<semaphore_mem>>)
      tpu.wait_dma2 semaphore(%run_scoped3A : memref<!tpu.dma_semaphore, #tpu.memory_space<semaphore_mem>>) src(%arg4 : memref<2x100x64xf32, #tpu.memory_space<hbm>>) dst(%arg7 : memref<2x100x64xf32, #tpu.memory_space<vmem>>)
      tpu.yield
    }) : () -> ()
    %mul3A_3 = arith.constant 256 : i32
    %mul3A_4 = arith.muli %add3A, %mul3A_3 : i32
    "tpu.region"() ({
      %run_scoped3A = tpu.sem_alloc : memref<!tpu.dma_semaphore, #tpu.memory_space<semaphore_mem>>
      %dma_start3A_660 = arith.constant 0 : i32
      %dma_start3A_661 = tpu.memref_slice %arg2[%mul3A_4, %dma_start3A_660] : memref<8192x100xi32, #tpu.memory_space<hbm>> -> memref<256x100xi32, #tpu.memory_space<hbm>>
      %dma_start3A_662 = arith.constant 0 : i32
      %dma_start3A_663 = tpu.memref_slice %arg2[%mul3A_4, %dma_start3A_662] : memref<8192x100xi32, #tpu.memory_space<hbm>> -> memref<256x100xi32, #tpu.memory_space<hbm>>
      tpu.enqueue_dma source(%dma_start3A_663 : memref<256x100xi32, #tpu.memory_space<hbm>>) target(%arg6 : memref<256x100xi32, #tpu.memory_space<vmem>>) target_semaphore(%run_scoped3A : memref<!tpu.dma_semaphore, #tpu.memory_space<semaphore_mem>>)
      %dma_wait3A_664 = arith.constant 0 : i32
      %dma_wait3A_665 = tpu.memref_slice %arg2[%mul3A_4, %dma_wait3A_664] : memref<8192x100xi32, #tpu.memory_space<hbm>> -> memref<256x100xi32, #tpu.memory_space<hbm>>
      %dma_wait3A_666 = arith.constant 0 : i32
      %dma_wait3A_667 = tpu.memref_slice %arg2[%mul3A_4, %dma_wait3A_666] : memref<8192x100xi32, #tpu.memory_space<hbm>> -> memref<256x100xi32, #tpu.memory_space<hbm>>
      tpu.wait_dma2 semaphore(%run_scoped3A : memref<!tpu.dma_semaphore, #tpu.memory_space<semaphore_mem>>) src(%dma_wait3A_667 : memref<256x100xi32, #tpu.memory_space<hbm>>) dst(%arg6 : memref<256x100xi32, #tpu.memory_space<vmem>>)
      tpu.yield
    }) : () -> ()
    %dma_start3A = arith.constant 0 : i32
    %dma_start3A_5 = arith.constant 0 : i32
    %dma_start3A_6 = arith.constant 0 : i32
    %dma_start3A_7 = arith.constant 0 : i32
    %dma_start3A_8 = arith.constant 0 : i32
    %dma_start3A_9 = arith.constant 0 : i32
    %dma_start3A_10 = tpu.memref_slice %arg8[%dma_start3A_5, %dma_start3A_7, %dma_start3A_8, %dma_start3A_9] : memref<3x4x100x64xf32, #tpu.memory_space<vmem>> -> memref<1x4x100x64xf32, #tpu.memory_space<vmem>>
    %dma_start3A_11 = tpu.memref_squeeze %dma_start3A_10 : memref<1x4x100x64xf32, #tpu.memory_space<vmem>> -> memref<4x100x64xf32, #tpu.memory_space<vmem>>
    %dma_start3A_12 = arith.constant 0 : i32
    %dma_start3A_13 = arith.constant 0 : i32
    %dma_start3A_14 = tpu.memref_slice %dma_start3A_11[%dma_start3A_6, %dma_start3A_12, %dma_start3A_13] : memref<4x100x64xf32, #tpu.memory_space<vmem>> -> memref<1x100x64xf32, #tpu.memory_space<vmem>>
    %dma_start3A_15 = tpu.memref_squeeze %dma_start3A_14 : memref<1x100x64xf32, #tpu.memory_space<vmem>> -> memref<100x64xf32, #tpu.memory_space<vmem>>
    %dma_start3A_16 = arith.constant 0 : i32
    %dma_start3A_17 = tpu.memref_slice %arg6[%dma_start3A, %dma_start3A_16] : memref<256x100xi32, #tpu.memory_space<vmem>> -> memref<1x100xi32, #tpu.memory_space<vmem>>
    %dma_start3A_18 = tpu.memref_squeeze %dma_start3A_17 : memref<1x100xi32, #tpu.memory_space<vmem>> -> memref<100xi32, #tpu.memory_space<vmem>>
    %dma_start3A_19 = arith.constant 0 : i32
    %dma_start3A_20 = arith.constant 0 : i32
    %dma_start3A_21 = tpu.memref_slice %arg3[%dma_start3A_19, %dma_start3A_20] : memref<1000000x64xf32, #tpu.memory_space<hbm>> -> memref<1000000x64xf32, #tpu.memory_space<hbm>>
    tpu.enqueue_indirect_dma source(%dma_start3A_21 : memref<1000000x64xf32, #tpu.memory_space<hbm>>) target(%dma_start3A_15 : memref<100x64xf32, #tpu.memory_space<vmem>>) offsets(%dma_start3A_18 : memref<100xi32, #tpu.memory_space<vmem>>) semaphore(%arg9 : memref<!tpu.dma_semaphore, #tpu.memory_space<semaphore_mem>>)
    %dma_start3A_22 = arith.constant 1 : i32
    %dma_start3A_23 = arith.constant 0 : i32
    %dma_start3A_24 = arith.constant 1 : i32
    %dma_start3A_25 = arith.constant 0 : i32
    %dma_start3A_26 = arith.constant 0 : i32
    %dma_start3A_27 = arith.constant 0 : i32
    %dma_start3A_28 = tpu.memref_slice %arg8[%dma_start3A_23, %dma_start3A_25, %dma_start3A_26, %dma_start3A_27] : memref<3x4x100x64xf32, #tpu.memory_space<vmem>> -> memref<1x4x100x64xf32, #tpu.memory_space<vmem>>
    %dma_start3A_29 = tpu.memref_squeeze %dma_start3A_28 : memref<1x4x100x64xf32, #tpu.memory_space<vmem>> -> memref<4x100x64xf32, #tpu.memory_space<vmem>>
    %dma_start3A_30 = arith.constant 0 : i32
    %dma_start3A_31 = arith.constant 0 : i32
    %dma_start3A_32 = tpu.memref_slice %dma_start3A_29[%dma_start3A_24, %dma_start3A_30, %dma_start3A_31] : memref<4x100x64xf32, #tpu.memory_space<vmem>> -> memref<1x100x64xf32, #tpu.memory_space<vmem>>
    %dma_start3A_33 = tpu.memref_squeeze %dma_start3A_32 : memref<1x100x64xf32, #tpu.memory_space<vmem>> -> memref<100x64xf32, #tpu.memory_space<vmem>>
    %dma_start3A_34 = arith.constant 0 : i32
    %dma_start3A_35 = tpu.memref_slice %arg6[%dma_start3A_22, %dma_start3A_34] : memref<256x100xi32, #tpu.memory_space<vmem>> -> memref<1x100xi32, #tpu.memory_space<vmem>>
    %dma_start3A_36 = tpu.memref_squeeze %dma_start3A_35 : memref<1x100xi32, #tpu.memory_space<vmem>> -> memref<100xi32, #tpu.memory_space<vmem>>
    %dma_start3A_37 = arith.constant 0 : i32
    %dma_start3A_38 = arith.constant 0 : i32
    %dma_start3A_39 = tpu.memref_slice %arg3[%dma_start3A_37, %dma_start3A_38] : memref<1000000x64xf32, #tpu.memory_space<hbm>> -> memref<1000000x64xf32, #tpu.memory_space<hbm>>
    tpu.enqueue_indirect_dma source(%dma_start3A_39 : memref<1000000x64xf32, #tpu.memory_space<hbm>>) target(%dma_start3A_33 : memref<100x64xf32, #tpu.memory_space<vmem>>) offsets(%dma_start3A_36 : memref<100xi32, #tpu.memory_space<vmem>>) semaphore(%arg9 : memref<!tpu.dma_semaphore, #tpu.memory_space<semaphore_mem>>)
    %dma_start3A_40 = arith.constant 2 : i32
    %dma_start3A_41 = arith.constant 0 : i32
    %dma_start3A_42 = arith.constant 2 : i32
    %dma_start3A_43 = arith.constant 0 : i32
    %dma_start3A_44 = arith.constant 0 : i32
    %dma_start3A_45 = arith.constant 0 : i32
    %dma_start3A_46 = tpu.memref_slice %arg8[%dma_start3A_41, %dma_start3A_43, %dma_start3A_44, %dma_start3A_45] : memref<3x4x100x64xf32, #tpu.memory_space<vmem>> -> memref<1x4x100x64xf32, #tpu.memory_space<vmem>>
    %dma_start3A_47 = tpu.memref_squeeze %dma_start3A_46 : memref<1x4x100x64xf32, #tpu.memory_space<vmem>> -> memref<4x100x64xf32, #tpu.memory_space<vmem>>
    %dma_start3A_48 = arith.constant 0 : i32
    %dma_start3A_49 = arith.constant 0 : i32
    %dma_start3A_50 = tpu.memref_slice %dma_start3A_47[%dma_start3A_42, %dma_start3A_48, %dma_start3A_49] : memref<4x100x64xf32, #tpu.memory_space<vmem>> -> memref<1x100x64xf32, #tpu.memory_space<vmem>>
    %dma_start3A_51 = tpu.memref_squeeze %dma_start3A_50 : memref<1x100x64xf32, #tpu.memory_space<vmem>> -> memref<100x64xf32, #tpu.memory_space<vmem>>
    %dma_start3A_52 = arith.constant 0 : i32
    %dma_start3A_53 = tpu.memref_slice %arg6[%dma_start3A_40, %dma_start3A_52] : memref<256x100xi32, #tpu.memory_space<vmem>> -> memref<1x100xi32, #tpu.memory_space<vmem>>
    %dma_start3A_54 = tpu.memref_squeeze %dma_start3A_53 : memref<1x100xi32, #tpu.memory_space<vmem>> -> memref<100xi32, #tpu.memory_space<vmem>>
    %dma_start3A_55 = arith.constant 0 : i32
    %dma_start3A_56 = arith.constant 0 : i32
    %dma_start3A_57 = tpu.memref_slice %arg3[%dma_start3A_55, %dma_start3A_56] : memref<1000000x64xf32, #tpu.memory_space<hbm>> -> memref<1000000x64xf32, #tpu.memory_space<hbm>>
    tpu.enqueue_indirect_dma source(%dma_start3A_57 : memref<1000000x64xf32, #tpu.memory_space<hbm>>) target(%dma_start3A_51 : memref<100x64xf32, #tpu.memory_space<vmem>>) offsets(%dma_start3A_54 : memref<100xi32, #tpu.memory_space<vmem>>) semaphore(%arg9 : memref<!tpu.dma_semaphore, #tpu.memory_space<semaphore_mem>>)
    %dma_start3A_58 = arith.constant 3 : i32
    %dma_start3A_59 = arith.constant 0 : i32
    %dma_start3A_60 = arith.constant 3 : i32
    %dma_start3A_61 = arith.constant 0 : i32
    %dma_start3A_62 = arith.constant 0 : i32
    %dma_start3A_63 = arith.constant 0 : i32
    %dma_start3A_64 = tpu.memref_slice %arg8[%dma_start3A_59, %dma_start3A_61, %dma_start3A_62, %dma_start3A_63] : memref<3x4x100x64xf32, #tpu.memory_space<vmem>> -> memref<1x4x100x64xf32, #tpu.memory_space<vmem>>
    %dma_start3A_65 = tpu.memref_squeeze %dma_start3A_64 : memref<1x4x100x64xf32, #tpu.memory_space<vmem>> -> memref<4x100x64xf32, #tpu.memory_space<vmem>>
    %dma_start3A_66 = arith.constant 0 : i32
    %dma_start3A_67 = arith.constant 0 : i32
    %dma_start3A_68 = tpu.memref_slice %dma_start3A_65[%dma_start3A_60, %dma_start3A_66, %dma_start3A_67] : memref<4x100x64xf32, #tpu.memory_space<vmem>> -> memref<1x100x64xf32, #tpu.memory_space<vmem>>
    %dma_start3A_69 = tpu.memref_squeeze %dma_start3A_68 : memref<1x100x64xf32, #tpu.memory_space<vmem>> -> memref<100x64xf32, #tpu.memory_space<vmem>>
    %dma_start3A_70 = arith.constant 0 : i32
    %dma_start3A_71 = tpu.memref_slice %arg6[%dma_start3A_58, %dma_start3A_70] : memref<256x100xi32, #tpu.memory_space<vmem>> -> memref<1x100xi32, #tpu.memory_space<vmem>>
    %dma_start3A_72 = tpu.memref_squeeze %dma_start3A_71 : memref<1x100xi32, #tpu.memory_space<vmem>> -> memref<100xi32, #tpu.memory_space<vmem>>
    %dma_start3A_73 = arith.constant 0 : i32
    %dma_start3A_74 = arith.constant 0 : i32
    %dma_start3A_75 = tpu.memref_slice %arg3[%dma_start3A_73, %dma_start3A_74] : memref<1000000x64xf32, #tpu.memory_space<hbm>> -> memref<1000000x64xf32, #tpu.memory_space<hbm>>
    tpu.enqueue_indirect_dma source(%dma_start3A_75 : memref<1000000x64xf32, #tpu.memory_space<hbm>>) target(%dma_start3A_69 : memref<100x64xf32, #tpu.memory_space<vmem>>) offsets(%dma_start3A_72 : memref<100xi32, #tpu.memory_space<vmem>>) semaphore(%arg9 : memref<!tpu.dma_semaphore, #tpu.memory_space<semaphore_mem>>)
    %dma_start3A_76 = arith.constant 4 : i32
    %dma_start3A_77 = arith.constant 1 : i32
    %dma_start3A_78 = arith.constant 0 : i32
    %dma_start3A_79 = arith.constant 0 : i32
    %dma_start3A_80 = arith.constant 0 : i32
    %dma_start3A_81 = arith.constant 0 : i32
    %dma_start3A_82 = tpu.memref_slice %arg8[%dma_start3A_77, %dma_start3A_79, %dma_start3A_80, %dma_start3A_81] : memref<3x4x100x64xf32, #tpu.memory_space<vmem>> -> memref<1x4x100x64xf32, #tpu.memory_space<vmem>>
    %dma_start3A_83 = tpu.memref_squeeze %dma_start3A_82 : memref<1x4x100x64xf32, #tpu.memory_space<vmem>> -> memref<4x100x64xf32, #tpu.memory_space<vmem>>
    %dma_start3A_84 = arith.constant 0 : i32
    %dma_start3A_85 = arith.constant 0 : i32
    %dma_start3A_86 = tpu.memref_slice %dma_start3A_83[%dma_start3A_78, %dma_start3A_84, %dma_start3A_85] : memref<4x100x64xf32, #tpu.memory_space<vmem>> -> memref<1x100x64xf32, #tpu.memory_space<vmem>>
    %dma_start3A_87 = tpu.memref_squeeze %dma_start3A_86 : memref<1x100x64xf32, #tpu.memory_space<vmem>> -> memref<100x64xf32, #tpu.memory_space<vmem>>
    %dma_start3A_88 = arith.constant 0 : i32
    %dma_start3A_89 = tpu.memref_slice %arg6[%dma_start3A_76, %dma_start3A_88] : memref<256x100xi32, #tpu.memory_space<vmem>> -> memref<1x100xi32, #tpu.memory_space<vmem>>
    %dma_start3A_90 = tpu.memref_squeeze %dma_start3A_89 : memref<1x100xi32, #tpu.memory_space<vmem>> -> memref<100xi32, #tpu.memory_space<vmem>>
    %dma_start3A_91 = arith.constant 0 : i32
    %dma_start3A_92 = arith.constant 0 : i32
    %dma_start3A_93 = tpu.memref_slice %arg3[%dma_start3A_91, %dma_start3A_92] : memref<1000000x64xf32, #tpu.memory_space<hbm>> -> memref<1000000x64xf32, #tpu.memory_space<hbm>>
    tpu.enqueue_indirect_dma source(%dma_start3A_93 : memref<1000000x64xf32, #tpu.memory_space<hbm>>) target(%dma_start3A_87 : memref<100x64xf32, #tpu.memory_space<vmem>>) offsets(%dma_start3A_90 : memref<100xi32, #tpu.memory_space<vmem>>) semaphore(%arg10 : memref<!tpu.dma_semaphore, #tpu.memory_space<semaphore_mem>>)
    %dma_start3A_94 = arith.constant 5 : i32
    %dma_start3A_95 = arith.constant 1 : i32
    %dma_start3A_96 = arith.constant 1 : i32
    %dma_start3A_97 = arith.constant 0 : i32
    %dma_start3A_98 = arith.constant 0 : i32
    %dma_start3A_99 = arith.constant 0 : i32
    %dma_start3A_100 = tpu.memref_slice %arg8[%dma_start3A_95, %dma_start3A_97, %dma_start3A_98, %dma_start3A_99] : memref<3x4x100x64xf32, #tpu.memory_space<vmem>> -> memref<1x4x100x64xf32, #tpu.memory_space<vmem>>
    %dma_start3A_101 = tpu.memref_squeeze %dma_start3A_100 : memref<1x4x100x64xf32, #tpu.memory_space<vmem>> -> memref<4x100x64xf32, #tpu.memory_space<vmem>>
    %dma_start3A_102 = arith.constant 0 : i32
    %dma_start3A_103 = arith.constant 0 : i32
    %dma_start3A_104 = tpu.memref_slice %dma_start3A_101[%dma_start3A_96, %dma_start3A_102, %dma_start3A_103] : memref<4x100x64xf32, #tpu.memory_space<vmem>> -> memref<1x100x64xf32, #tpu.memory_space<vmem>>
    %dma_start3A_105 = tpu.memref_squeeze %dma_start3A_104 : memref<1x100x64xf32, #tpu.memory_space<vmem>> -> memref<100x64xf32, #tpu.memory_space<vmem>>
    %dma_start3A_106 = arith.constant 0 : i32
    %dma_start3A_107 = tpu.memref_slice %arg6[%dma_start3A_94, %dma_start3A_106] : memref<256x100xi32, #tpu.memory_space<vmem>> -> memref<1x100xi32, #tpu.memory_space<vmem>>
    %dma_start3A_108 = tpu.memref_squeeze %dma_start3A_107 : memref<1x100xi32, #tpu.memory_space<vmem>> -> memref<100xi32, #tpu.memory_space<vmem>>
    %dma_start3A_109 = arith.constant 0 : i32
    %dma_start3A_110 = arith.constant 0 : i32
    %dma_start3A_111 = tpu.memref_slice %arg3[%dma_start3A_109, %dma_start3A_110] : memref<1000000x64xf32, #tpu.memory_space<hbm>> -> memref<1000000x64xf32, #tpu.memory_space<hbm>>
    tpu.enqueue_indirect_dma source(%dma_start3A_111 : memref<1000000x64xf32, #tpu.memory_space<hbm>>) target(%dma_start3A_105 : memref<100x64xf32, #tpu.memory_space<vmem>>) offsets(%dma_start3A_108 : memref<100xi32, #tpu.memory_space<vmem>>) semaphore(%arg10 : memref<!tpu.dma_semaphore, #tpu.memory_space<semaphore_mem>>)
    %dma_start3A_112 = arith.constant 6 : i32
    %dma_start3A_113 = arith.constant 1 : i32
    %dma_start3A_114 = arith.constant 2 : i32
    %dma_start3A_115 = arith.constant 0 : i32
    %dma_start3A_116 = arith.constant 0 : i32
    %dma_start3A_117 = arith.constant 0 : i32
    %dma_start3A_118 = tpu.memref_slice %arg8[%dma_start3A_113, %dma_start3A_115, %dma_start3A_116, %dma_start3A_117] : memref<3x4x100x64xf32, #tpu.memory_space<vmem>> -> memref<1x4x100x64xf32, #tpu.memory_space<vmem>>
    %dma_start3A_119 = tpu.memref_squeeze %dma_start3A_118 : memref<1x4x100x64xf32, #tpu.memory_space<vmem>> -> memref<4x100x64xf32, #tpu.memory_space<vmem>>
    %dma_start3A_120 = arith.constant 0 : i32
    %dma_start3A_121 = arith.constant 0 : i32
    %dma_start3A_122 = tpu.memref_slice %dma_start3A_119[%dma_start3A_114, %dma_start3A_120, %dma_start3A_121] : memref<4x100x64xf32, #tpu.memory_space<vmem>> -> memref<1x100x64xf32, #tpu.memory_space<vmem>>
    %dma_start3A_123 = tpu.memref_squeeze %dma_start3A_122 : memref<1x100x64xf32, #tpu.memory_space<vmem>> -> memref<100x64xf32, #tpu.memory_space<vmem>>
    %dma_start3A_124 = arith.constant 0 : i32
    %dma_start3A_125 = tpu.memref_slice %arg6[%dma_start3A_112, %dma_start3A_124] : memref<256x100xi32, #tpu.memory_space<vmem>> -> memref<1x100xi32, #tpu.memory_space<vmem>>
    %dma_start3A_126 = tpu.memref_squeeze %dma_start3A_125 : memref<1x100xi32, #tpu.memory_space<vmem>> -> memref<100xi32, #tpu.memory_space<vmem>>
    %dma_start3A_127 = arith.constant 0 : i32
    %dma_start3A_128 = arith.constant 0 : i32
    %dma_start3A_129 = tpu.memref_slice %arg3[%dma_start3A_127, %dma_start3A_128] : memref<1000000x64xf32, #tpu.memory_space<hbm>> -> memref<1000000x64xf32, #tpu.memory_space<hbm>>
    tpu.enqueue_indirect_dma source(%dma_start3A_129 : memref<1000000x64xf32, #tpu.memory_space<hbm>>) target(%dma_start3A_123 : memref<100x64xf32, #tpu.memory_space<vmem>>) offsets(%dma_start3A_126 : memref<100xi32, #tpu.memory_space<vmem>>) semaphore(%arg10 : memref<!tpu.dma_semaphore, #tpu.memory_space<semaphore_mem>>)
    %dma_start3A_130 = arith.constant 7 : i32
    %dma_start3A_131 = arith.constant 1 : i32
    %dma_start3A_132 = arith.constant 3 : i32
    %dma_start3A_133 = arith.constant 0 : i32
    %dma_start3A_134 = arith.constant 0 : i32
    %dma_start3A_135 = arith.constant 0 : i32
    %dma_start3A_136 = tpu.memref_slice %arg8[%dma_start3A_131, %dma_start3A_133, %dma_start3A_134, %dma_start3A_135] : memref<3x4x100x64xf32, #tpu.memory_space<vmem>> -> memref<1x4x100x64xf32, #tpu.memory_space<vmem>>
    %dma_start3A_137 = tpu.memref_squeeze %dma_start3A_136 : memref<1x4x100x64xf32, #tpu.memory_space<vmem>> -> memref<4x100x64xf32, #tpu.memory_space<vmem>>
    %dma_start3A_138 = arith.constant 0 : i32
    %dma_start3A_139 = arith.constant 0 : i32
    %dma_start3A_140 = tpu.memref_slice %dma_start3A_137[%dma_start3A_132, %dma_start3A_138, %dma_start3A_139] : memref<4x100x64xf32, #tpu.memory_space<vmem>> -> memref<1x100x64xf32, #tpu.memory_space<vmem>>
    %dma_start3A_141 = tpu.memref_squeeze %dma_start3A_140 : memref<1x100x64xf32, #tpu.memory_space<vmem>> -> memref<100x64xf32, #tpu.memory_space<vmem>>
    %dma_start3A_142 = arith.constant 0 : i32
    %dma_start3A_143 = tpu.memref_slice %arg6[%dma_start3A_130, %dma_start3A_142] : memref<256x100xi32, #tpu.memory_space<vmem>> -> memref<1x100xi32, #tpu.memory_space<vmem>>
    %dma_start3A_144 = tpu.memref_squeeze %dma_start3A_143 : memref<1x100xi32, #tpu.memory_space<vmem>> -> memref<100xi32, #tpu.memory_space<vmem>>
    %dma_start3A_145 = arith.constant 0 : i32
    %dma_start3A_146 = arith.constant 0 : i32
    %dma_start3A_147 = tpu.memref_slice %arg3[%dma_start3A_145, %dma_start3A_146] : memref<1000000x64xf32, #tpu.memory_space<hbm>> -> memref<1000000x64xf32, #tpu.memory_space<hbm>>
    tpu.enqueue_indirect_dma source(%dma_start3A_147 : memref<1000000x64xf32, #tpu.memory_space<hbm>>) target(%dma_start3A_141 : memref<100x64xf32, #tpu.memory_space<vmem>>) offsets(%dma_start3A_144 : memref<100xi32, #tpu.memory_space<vmem>>) semaphore(%arg10 : memref<!tpu.dma_semaphore, #tpu.memory_space<semaphore_mem>>)
    %dma_wait3A = arith.constant 0 : i32
    %dma_wait3A_148 = arith.constant 0 : i32
    %dma_wait3A_149 = arith.constant 0 : i32
    %dma_wait3A_150 = arith.constant 0 : i32
    %dma_wait3A_151 = arith.constant 0 : i32
    %dma_wait3A_152 = tpu.memref_slice %arg8[%dma_wait3A_148, %dma_wait3A_149, %dma_wait3A_150, %dma_wait3A_151] : memref<3x4x100x64xf32, #tpu.memory_space<vmem>> -> memref<1x4x100x64xf32, #tpu.memory_space<vmem>>
    %dma_wait3A_153 = tpu.memref_squeeze %dma_wait3A_152 : memref<1x4x100x64xf32, #tpu.memory_space<vmem>> -> memref<4x100x64xf32, #tpu.memory_space<vmem>>
    %dma_wait3A_154 = arith.constant 0 : i32
    %dma_wait3A_155 = arith.constant 0 : i32
    %dma_wait3A_156 = arith.constant 0 : i32
    %dma_wait3A_157 = tpu.memref_slice %arg5[%dma_wait3A, %dma_wait3A_154, %dma_wait3A_155, %dma_wait3A_156] : memref<2048x4x100x64xf32, #tpu.memory_space<hbm>> -> memref<1x4x100x64xf32, #tpu.memory_space<hbm>>
    %dma_wait3A_158 = tpu.memref_squeeze %dma_wait3A_157 : memref<1x4x100x64xf32, #tpu.memory_space<hbm>> -> memref<4x100x64xf32, #tpu.memory_space<hbm>>
    %dma_wait3A_159 = arith.constant 0 : i32
    %dma_wait3A_160 = arith.constant 0 : i32
    %dma_wait3A_161 = arith.constant 0 : i32
    %dma_wait3A_162 = tpu.memref_slice %arg8[%dma_wait3A_148, %dma_wait3A_159, %dma_wait3A_160, %dma_wait3A_161] : memref<3x4x100x64xf32, #tpu.memory_space<vmem>> -> memref<1x4x100x64xf32, #tpu.memory_space<vmem>>
    %dma_wait3A_163 = tpu.memref_squeeze %dma_wait3A_162 : memref<1x4x100x64xf32, #tpu.memory_space<vmem>> -> memref<4x100x64xf32, #tpu.memory_space<vmem>>
    %dma_wait3A_164 = arith.constant 0 : i32
    %dma_wait3A_165 = arith.constant 0 : i32
    %dma_wait3A_166 = arith.constant 0 : i32
    %dma_wait3A_167 = tpu.memref_slice %arg5[%dma_wait3A, %dma_wait3A_164, %dma_wait3A_165, %dma_wait3A_166] : memref<2048x4x100x64xf32, #tpu.memory_space<hbm>> -> memref<1x4x100x64xf32, #tpu.memory_space<hbm>>
    %dma_wait3A_168 = tpu.memref_squeeze %dma_wait3A_167 : memref<1x4x100x64xf32, #tpu.memory_space<hbm>> -> memref<4x100x64xf32, #tpu.memory_space<hbm>>
    tpu.wait_dma2 semaphore(%arg9 : memref<!tpu.dma_semaphore, #tpu.memory_space<semaphore_mem>>) src(%dma_wait3A_168 : memref<4x100x64xf32, #tpu.memory_space<hbm>>) dst(%dma_wait3A_163 : memref<4x100x64xf32, #tpu.memory_space<vmem>>)
    %dma_start3A_169 = arith.constant 8 : i32
    %dma_start3A_170 = arith.constant 2 : i32
    %dma_start3A_171 = arith.constant 0 : i32
    %dma_start3A_172 = arith.constant 0 : i32
    %dma_start3A_173 = arith.constant 0 : i32
    %dma_start3A_174 = arith.constant 0 : i32
    %dma_start3A_175 = tpu.memref_slice %arg8[%dma_start3A_170, %dma_start3A_172, %dma_start3A_173, %dma_start3A_174] : memref<3x4x100x64xf32, #tpu.memory_space<vmem>> -> memref<1x4x100x64xf32, #tpu.memory_space<vmem>>
    %dma_start3A_176 = tpu.memref_squeeze %dma_start3A_175 : memref<1x4x100x64xf32, #tpu.memory_space<vmem>> -> memref<4x100x64xf32, #tpu.memory_space<vmem>>
    %dma_start3A_177 = arith.constant 0 : i32
    %dma_start3A_178 = arith.constant 0 : i32
    %dma_start3A_179 = tpu.memref_slice %dma_start3A_176[%dma_start3A_171, %dma_start3A_177, %dma_start3A_178] : memref<4x100x64xf32, #tpu.memory_space<vmem>> -> memref<1x100x64xf32, #tpu.memory_space<vmem>>
    %dma_start3A_180 = tpu.memref_squeeze %dma_start3A_179 : memref<1x100x64xf32, #tpu.memory_space<vmem>> -> memref<100x64xf32, #tpu.memory_space<vmem>>
    %dma_start3A_181 = arith.constant 0 : i32
    %dma_start3A_182 = tpu.memref_slice %arg6[%dma_start3A_169, %dma_start3A_181] : memref<256x100xi32, #tpu.memory_space<vmem>> -> memref<1x100xi32, #tpu.memory_space<vmem>>
    %dma_start3A_183 = tpu.memref_squeeze %dma_start3A_182 : memref<1x100xi32, #tpu.memory_space<vmem>> -> memref<100xi32, #tpu.memory_space<vmem>>
    %dma_start3A_184 = arith.constant 0 : i32
    %dma_start3A_185 = arith.constant 0 : i32
    %dma_start3A_186 = tpu.memref_slice %arg3[%dma_start3A_184, %dma_start3A_185] : memref<1000000x64xf32, #tpu.memory_space<hbm>> -> memref<1000000x64xf32, #tpu.memory_space<hbm>>
    tpu.enqueue_indirect_dma source(%dma_start3A_186 : memref<1000000x64xf32, #tpu.memory_space<hbm>>) target(%dma_start3A_180 : memref<100x64xf32, #tpu.memory_space<vmem>>) offsets(%dma_start3A_183 : memref<100xi32, #tpu.memory_space<vmem>>) semaphore(%arg11 : memref<!tpu.dma_semaphore, #tpu.memory_space<semaphore_mem>>)
    %dma_start3A_187 = arith.constant 9 : i32
    %dma_start3A_188 = arith.constant 2 : i32
    %dma_start3A_189 = arith.constant 1 : i32
    %dma_start3A_190 = arith.constant 0 : i32
    %dma_start3A_191 = arith.constant 0 : i32
    %dma_start3A_192 = arith.constant 0 : i32
    %dma_start3A_193 = tpu.memref_slice %arg8[%dma_start3A_188, %dma_start3A_190, %dma_start3A_191, %dma_start3A_192] : memref<3x4x100x64xf32, #tpu.memory_space<vmem>> -> memref<1x4x100x64xf32, #tpu.memory_space<vmem>>
    %dma_start3A_194 = tpu.memref_squeeze %dma_start3A_193 : memref<1x4x100x64xf32, #tpu.memory_space<vmem>> -> memref<4x100x64xf32, #tpu.memory_space<vmem>>
    %dma_start3A_195 = arith.constant 0 : i32
    %dma_start3A_196 = arith.constant 0 : i32
    %dma_start3A_197 = tpu.memref_slice %dma_start3A_194[%dma_start3A_189, %dma_start3A_195, %dma_start3A_196] : memref<4x100x64xf32, #tpu.memory_space<vmem>> -> memref<1x100x64xf32, #tpu.memory_space<vmem>>
    %dma_start3A_198 = tpu.memref_squeeze %dma_start3A_197 : memref<1x100x64xf32, #tpu.memory_space<vmem>> -> memref<100x64xf32, #tpu.memory_space<vmem>>
    %dma_start3A_199 = arith.constant 0 : i32
    %dma_start3A_200 = tpu.memref_slice %arg6[%dma_start3A_187, %dma_start3A_199] : memref<256x100xi32, #tpu.memory_space<vmem>> -> memref<1x100xi32, #tpu.memory_space<vmem>>
    %dma_start3A_201 = tpu.memref_squeeze %dma_start3A_200 : memref<1x100xi32, #tpu.memory_space<vmem>> -> memref<100xi32, #tpu.memory_space<vmem>>
    %dma_start3A_202 = arith.constant 0 : i32
    %dma_start3A_203 = arith.constant 0 : i32
    %dma_start3A_204 = tpu.memref_slice %arg3[%dma_start3A_202, %dma_start3A_203] : memref<1000000x64xf32, #tpu.memory_space<hbm>> -> memref<1000000x64xf32, #tpu.memory_space<hbm>>
    tpu.enqueue_indirect_dma source(%dma_start3A_204 : memref<1000000x64xf32, #tpu.memory_space<hbm>>) target(%dma_start3A_198 : memref<100x64xf32, #tpu.memory_space<vmem>>) offsets(%dma_start3A_201 : memref<100xi32, #tpu.memory_space<vmem>>) semaphore(%arg11 : memref<!tpu.dma_semaphore, #tpu.memory_space<semaphore_mem>>)
    %dma_start3A_205 = arith.constant 10 : i32
    %dma_start3A_206 = arith.constant 2 : i32
    %dma_start3A_207 = arith.constant 2 : i32
    %dma_start3A_208 = arith.constant 0 : i32
    %dma_start3A_209 = arith.constant 0 : i32
    %dma_start3A_210 = arith.constant 0 : i32
    %dma_start3A_211 = tpu.memref_slice %arg8[%dma_start3A_206, %dma_start3A_208, %dma_start3A_209, %dma_start3A_210] : memref<3x4x100x64xf32, #tpu.memory_space<vmem>> -> memref<1x4x100x64xf32, #tpu.memory_space<vmem>>
    %dma_start3A_212 = tpu.memref_squeeze %dma_start3A_211 : memref<1x4x100x64xf32, #tpu.memory_space<vmem>> -> memref<4x100x64xf32, #tpu.memory_space<vmem>>
    %dma_start3A_213 = arith.constant 0 : i32
    %dma_start3A_214 = arith.constant 0 : i32
    %dma_start3A_215 = tpu.memref_slice %dma_start3A_212[%dma_start3A_207, %dma_start3A_213, %dma_start3A_214] : memref<4x100x64xf32, #tpu.memory_space<vmem>> -> memref<1x100x64xf32, #tpu.memory_space<vmem>>
    %dma_start3A_216 = tpu.memref_squeeze %dma_start3A_215 : memref<1x100x64xf32, #tpu.memory_space<vmem>> -> memref<100x64xf32, #tpu.memory_space<vmem>>
    %dma_start3A_217 = arith.constant 0 : i32
    %dma_start3A_218 = tpu.memref_slice %arg6[%dma_start3A_205, %dma_start3A_217] : memref<256x100xi32, #tpu.memory_space<vmem>> -> memref<1x100xi32, #tpu.memory_space<vmem>>
    %dma_start3A_219 = tpu.memref_squeeze %dma_start3A_218 : memref<1x100xi32, #tpu.memory_space<vmem>> -> memref<100xi32, #tpu.memory_space<vmem>>
    %dma_start3A_220 = arith.constant 0 : i32
    %dma_start3A_221 = arith.constant 0 : i32
    %dma_start3A_222 = tpu.memref_slice %arg3[%dma_start3A_220, %dma_start3A_221] : memref<1000000x64xf32, #tpu.memory_space<hbm>> -> memref<1000000x64xf32, #tpu.memory_space<hbm>>
    tpu.enqueue_indirect_dma source(%dma_start3A_222 : memref<1000000x64xf32, #tpu.memory_space<hbm>>) target(%dma_start3A_216 : memref<100x64xf32, #tpu.memory_space<vmem>>) offsets(%dma_start3A_219 : memref<100xi32, #tpu.memory_space<vmem>>) semaphore(%arg11 : memref<!tpu.dma_semaphore, #tpu.memory_space<semaphore_mem>>)
    %dma_start3A_223 = arith.constant 11 : i32
    %dma_start3A_224 = arith.constant 2 : i32
    %dma_start3A_225 = arith.constant 3 : i32
    %dma_start3A_226 = arith.constant 0 : i32
    %dma_start3A_227 = arith.constant 0 : i32
    %dma_start3A_228 = arith.constant 0 : i32
    %dma_start3A_229 = tpu.memref_slice %arg8[%dma_start3A_224, %dma_start3A_226, %dma_start3A_227, %dma_start3A_228] : memref<3x4x100x64xf32, #tpu.memory_space<vmem>> -> memref<1x4x100x64xf32, #tpu.memory_space<vmem>>
    %dma_start3A_230 = tpu.memref_squeeze %dma_start3A_229 : memref<1x4x100x64xf32, #tpu.memory_space<vmem>> -> memref<4x100x64xf32, #tpu.memory_space<vmem>>
    %dma_start3A_231 = arith.constant 0 : i32
    %dma_start3A_232 = arith.constant 0 : i32
    %dma_start3A_233 = tpu.memref_slice %dma_start3A_230[%dma_start3A_225, %dma_start3A_231, %dma_start3A_232] : memref<4x100x64xf32, #tpu.memory_space<vmem>> -> memref<1x100x64xf32, #tpu.memory_space<vmem>>
    %dma_start3A_234 = tpu.memref_squeeze %dma_start3A_233 : memref<1x100x64xf32, #tpu.memory_space<vmem>> -> memref<100x64xf32, #tpu.memory_space<vmem>>
    %dma_start3A_235 = arith.constant 0 : i32
    %dma_start3A_236 = tpu.memref_slice %arg6[%dma_start3A_223, %dma_start3A_235] : memref<256x100xi32, #tpu.memory_space<vmem>> -> memref<1x100xi32, #tpu.memory_space<vmem>>
    %dma_start3A_237 = tpu.memref_squeeze %dma_start3A_236 : memref<1x100xi32, #tpu.memory_space<vmem>> -> memref<100xi32, #tpu.memory_space<vmem>>
    %dma_start3A_238 = arith.constant 0 : i32
    %dma_start3A_239 = arith.constant 0 : i32
    %dma_start3A_240 = tpu.memref_slice %arg3[%dma_start3A_238, %dma_start3A_239] : memref<1000000x64xf32, #tpu.memory_space<hbm>> -> memref<1000000x64xf32, #tpu.memory_space<hbm>>
    tpu.enqueue_indirect_dma source(%dma_start3A_240 : memref<1000000x64xf32, #tpu.memory_space<hbm>>) target(%dma_start3A_234 : memref<100x64xf32, #tpu.memory_space<vmem>>) offsets(%dma_start3A_237 : memref<100xi32, #tpu.memory_space<vmem>>) semaphore(%arg11 : memref<!tpu.dma_semaphore, #tpu.memory_space<semaphore_mem>>)
    %scan3A = arith.constant 0 : i32
    %scan3A_241 = arith.constant 0 : i32
    %scan3A_242 = arith.constant 100 : i32
    %scan3A_243 = arith.addi %scan3A_241, %scan3A_242 : i32
    %scan3A_244 = arith.constant 1 : i32
    scf.for %scan3A_660 = %scan3A_241 to %scan3A_243 step %scan3A_244  : i32 {
      %get3A = arith.constant 0 : i32
      %get3A_661 = arith.constant 0 : i32
      %get3A_662 = arith.index_cast %get3A : i32 to index
      %get3A_663 = arith.index_cast %get3A_661 : i32 to index
      %get3A_664 = arith.index_cast %scan3A_660 : i32 to index
      %get3A_665 = arith.constant 0 : index
      %get3A_666 = tpu.vector_load %arg8[%get3A_662, %get3A_663, %get3A_664, %get3A_665] {strides = array<i32>} : memref<3x4x100x64xf32, #tpu.memory_space<vmem>>, vector<1x1x1x16xf32>,
      %get3A_667 = vector.shape_cast %get3A_666 : vector<1x1x1x16xf32> to vector<16xf32>
      %get3A_668 = arith.constant 0 : i32
      %get3A_669 = arith.index_cast %get3A_668 : i32 to index
      %get3A_670 = arith.index_cast %scan3A_660 : i32 to index
      %get3A_671 = arith.constant 0 : index
      %get3A_672 = tpu.vector_load %arg7[%get3A_669, %get3A_670, %get3A_671] {strides = array<i32>} : memref<2x100x64xf32, #tpu.memory_space<vmem>>, vector<1x1x16xf32>,
      %get3A_673 = vector.shape_cast %get3A_672 : vector<1x1x16xf32> to vector<16xf32>
      %add3A_674 = arith.addf %get3A_667, %get3A_673 : vector<16xf32>
      %swap3A = arith.constant 0 : i32
      %swap3A_675 = arith.constant 0 : i32
      %swap3A_676 = arith.index_cast %swap3A : i32 to index
      %swap3A_677 = arith.index_cast %swap3A_675 : i32 to index
      %swap3A_678 = arith.index_cast %scan3A_660 : i32 to index
      %swap3A_679 = arith.constant 0 : index
      %swap3A_680 = tpu.vector_load %arg8[%swap3A_676, %swap3A_677, %swap3A_678, %swap3A_679] {strides = array<i32>} : memref<3x4x100x64xf32, #tpu.memory_space<vmem>>, vector<1x1x1x16xf32>,
      %swap3A_681 = vector.shape_cast %swap3A_680 : vector<1x1x1x16xf32> to vector<16xf32>
      %swap3A_682 = vector.shape_cast %add3A_674 : vector<16xf32> to vector<1x1x1x16xf32>
      tpu.vector_store %arg8[%swap3A_676, %swap3A_677, %swap3A_678, %swap3A_679], %swap3A_682 {strides = array<i32>} : memref<3x4x100x64xf32, #tpu.memory_space<vmem>>, vector<1x1x1x16xf32>,
      %get3A_683 = arith.constant 0 : i32
      %get3A_684 = arith.constant 0 : i32
      %get3A_685 = arith.index_cast %get3A_683 : i32 to index
      %get3A_686 = arith.index_cast %get3A_684 : i32 to index
      %get3A_687 = arith.index_cast %scan3A_660 : i32 to index
      %get3A_688 = arith.constant 16 : index
      %get3A_689 = tpu.vector_load %arg8[%get3A_685, %get3A_686, %get3A_687, %get3A_688] {strides = array<i32>} : memref<3x4x100x64xf32, #tpu.memory_space<vmem>>, vector<1x1x1x16xf32>,
      %get3A_690 = vector.shape_cast %get3A_689 : vector<1x1x1x16xf32> to vector<16xf32>
      %get3A_691 = arith.constant 0 : i32
      %get3A_692 = arith.index_cast %get3A_691 : i32 to index
      %get3A_693 = arith.index_cast %scan3A_660 : i32 to index
      %get3A_694 = arith.constant 16 : index
      %get3A_695 = tpu.vector_load %arg7[%get3A_692, %get3A_693, %get3A_694] {strides = array<i32>} : memref<2x100x64xf32, #tpu.memory_space<vmem>>, vector<1x1x16xf32>,
      %get3A_696 = vector.shape_cast %get3A_695 : vector<1x1x16xf32> to vector<16xf32>
      %add3A_697 = arith.addf %get3A_690, %get3A_696 : vector<16xf32>
      %swap3A_698 = arith.constant 0 : i32
      %swap3A_699 = arith.constant 0 : i32
      %swap3A_700 = arith.index_cast %swap3A_698 : i32 to index
      %swap3A_701 = arith.index_cast %swap3A_699 : i32 to index
      %swap3A_702 = arith.index_cast %scan3A_660 : i32 to index
      %swap3A_703 = arith.constant 16 : index
      %swap3A_704 = tpu.vector_load %arg8[%swap3A_700, %swap3A_701, %swap3A_702, %swap3A_703] {strides = array<i32>} : memref<3x4x100x64xf32, #tpu.memory_space<vmem>>, vector<1x1x1x16xf32>,
      %swap3A_705 = vector.shape_cast %swap3A_704 : vector<1x1x1x16xf32> to vector<16xf32>
      %swap3A_706 = vector.shape_cast %add3A_697 : vector<16xf32> to vector<1x1x1x16xf32>
      tpu.vector_store %arg8[%swap3A_700, %swap3A_701, %swap3A_702, %swap3A_703], %swap3A_706 {strides = array<i32>} : memref<3x4x100x64xf32, #tpu.memory_space<vmem>>, vector<1x1x1x16xf32>,
      %get3A_707 = arith.constant 0 : i32
      %get3A_708 = arith.constant 0 : i32
      %get3A_709 = arith.index_cast %get3A_707 : i32 to index
      %get3A_710 = arith.index_cast %get3A_708 : i32 to index
      %get3A_711 = arith.index_cast %scan3A_660 : i32 to index
      %get3A_712 = arith.constant 32 : index
      %get3A_713 = tpu.vector_load %arg8[%get3A_709, %get3A_710, %get3A_711, %get3A_712] {strides = array<i32>} : memref<3x4x100x64xf32, #tpu.memory_space<vmem>>, vector<1x1x1x16xf32>,
      %get3A_714 = vector.shape_cast %get3A_713 : vector<1x1x1x16xf32> to vector<16xf32>
      %get3A_715 = arith.constant 0 : i32
      %get3A_716 = arith.index_cast %get3A_715 : i32 to index
      %get3A_717 = arith.index_cast %scan3A_660 : i32 to index
      %get3A_718 = arith.constant 32 : index
      %get3A_719 = tpu.vector_load %arg7[%get3A_716, %get3A_717, %get3A_718] {strides = array<i32>} : memref<2x100x64xf32, #tpu.memory_space<vmem>>, vector<1x1x16xf32>,
      %get3A_720 = vector.shape_cast %get3A_719 : vector<1x1x16xf32> to vector<16xf32>
      %add3A_721 = arith.addf %get3A_714, %get3A_720 : vector<16xf32>
      %swap3A_722 = arith.constant 0 : i32
      %swap3A_723 = arith.constant 0 : i32
      %swap3A_724 = arith.index_cast %swap3A_722 : i32 to index
      %swap3A_725 = arith.index_cast %swap3A_723 : i32 to index
      %swap3A_726 = arith.index_cast %scan3A_660 : i32 to index
      %swap3A_727 = arith.constant 32 : index
      %swap3A_728 = tpu.vector_load %arg8[%swap3A_724, %swap3A_725, %swap3A_726, %swap3A_727] {strides = array<i32>} : memref<3x4x100x64xf32, #tpu.memory_space<vmem>>, vector<1x1x1x16xf32>,
      %swap3A_729 = vector.shape_cast %swap3A_728 : vector<1x1x1x16xf32> to vector<16xf32>
      %swap3A_730 = vector.shape_cast %add3A_721 : vector<16xf32> to vector<1x1x1x16xf32>
      tpu.vector_store %arg8[%swap3A_724, %swap3A_725, %swap3A_726, %swap3A_727], %swap3A_730 {strides = array<i32>} : memref<3x4x100x64xf32, #tpu.memory_space<vmem>>, vector<1x1x1x16xf32>,
      %get3A_731 = arith.constant 0 : i32
      %get3A_732 = arith.constant 0 : i32
      %get3A_733 = arith.index_cast %get3A_731 : i32 to index
      %get3A_734 = arith.index_cast %get3A_732 : i32 to index
      %get3A_735 = arith.index_cast %scan3A_660 : i32 to index
      %get3A_736 = arith.constant 48 : index
      %get3A_737 = tpu.vector_load %arg8[%get3A_733, %get3A_734, %get3A_735, %get3A_736] {strides = array<i32>} : memref<3x4x100x64xf32, #tpu.memory_space<vmem>>, vector<1x1x1x16xf32>,
      %get3A_738 = vector.shape_cast %get3A_737 : vector<1x1x1x16xf32> to vector<16xf32>
      %get3A_739 = arith.constant 0 : i32
      %get3A_740 = arith.index_cast %get3A_739 : i32 to index
      %get3A_741 = arith.index_cast %scan3A_660 : i32 to index
      %get3A_742 = arith.constant 48 : index
      %get3A_743 = tpu.vector_load %arg7[%get3A_740, %get3A_741, %get3A_742] {strides = array<i32>} : memref<2x100x64xf32, #tpu.memory_space<vmem>>, vector<1x1x16xf32>,
      %get3A_744 = vector.shape_cast %get3A_743 : vector<1x1x16xf32> to vector<16xf32>
      %add3A_745 = arith.addf %get3A_738, %get3A_744 : vector<16xf32>
      %swap3A_746 = arith.constant 0 : i32
      %swap3A_747 = arith.constant 0 : i32
      %swap3A_748 = arith.index_cast %swap3A_746 : i32 to index
      %swap3A_749 = arith.index_cast %swap3A_747 : i32 to index
      %swap3A_750 = arith.index_cast %scan3A_660 : i32 to index
      %swap3A_751 = arith.constant 48 : index
      %swap3A_752 = tpu.vector_load %arg8[%swap3A_748, %swap3A_749, %swap3A_750, %swap3A_751] {strides = array<i32>} : memref<3x4x100x64xf32, #tpu.memory_space<vmem>>, vector<1x1x1x16xf32>,
      %swap3A_753 = vector.shape_cast %swap3A_752 : vector<1x1x1x16xf32> to vector<16xf32>
      %swap3A_754 = vector.shape_cast %add3A_745 : vector<16xf32> to vector<1x1x1x16xf32>
      tpu.vector_store %arg8[%swap3A_748, %swap3A_749, %swap3A_750, %swap3A_751], %swap3A_754 {strides = array<i32>} : memref<3x4x100x64xf32, #tpu.memory_space<vmem>>, vector<1x1x1x16xf32>,
    }
    %scan3A_245 = arith.constant 100 : i32
    %scan3A_246 = arith.constant 0 : i32
    %scan3A_247 = arith.constant 0 : i32
    %scan3A_248 = arith.constant 100 : i32
    %scan3A_249 = arith.addi %scan3A_247, %scan3A_248 : i32
    %scan3A_250 = arith.constant 1 : i32
    scf.for %scan3A_660 = %scan3A_247 to %scan3A_249 step %scan3A_250  : i32 {
      %get3A = arith.constant 0 : i32
      %get3A_661 = arith.constant 1 : i32
      %get3A_662 = arith.index_cast %get3A : i32 to index
      %get3A_663 = arith.index_cast %get3A_661 : i32 to index
      %get3A_664 = arith.index_cast %scan3A_660 : i32 to index
      %get3A_665 = arith.constant 0 : index
      %get3A_666 = tpu.vector_load %arg8[%get3A_662, %get3A_663, %get3A_664, %get3A_665] {strides = array<i32>} : memref<3x4x100x64xf32, #tpu.memory_space<vmem>>, vector<1x1x1x16xf32>,
      %get3A_667 = vector.shape_cast %get3A_666 : vector<1x1x1x16xf32> to vector<16xf32>
      %get3A_668 = arith.constant 1 : i32
      %get3A_669 = arith.index_cast %get3A_668 : i32 to index
      %get3A_670 = arith.index_cast %scan3A_660 : i32 to index
      %get3A_671 = arith.constant 0 : index
      %get3A_672 = tpu.vector_load %arg7[%get3A_669, %get3A_670, %get3A_671] {strides = array<i32>} : memref<2x100x64xf32, #tpu.memory_space<vmem>>, vector<1x1x16xf32>,
      %get3A_673 = vector.shape_cast %get3A_672 : vector<1x1x16xf32> to vector<16xf32>
      %add3A_674 = arith.addf %get3A_667, %get3A_673 : vector<16xf32>
      %swap3A = arith.constant 0 : i32
      %swap3A_675 = arith.constant 1 : i32
      %swap3A_676 = arith.index_cast %swap3A : i32 to index
      %swap3A_677 = arith.index_cast %swap3A_675 : i32 to index
      %swap3A_678 = arith.index_cast %scan3A_660 : i32 to index
      %swap3A_679 = arith.constant 0 : index
      %swap3A_680 = tpu.vector_load %arg8[%swap3A_676, %swap3A_677, %swap3A_678, %swap3A_679] {strides = array<i32>} : memref<3x4x100x64xf32, #tpu.memory_space<vmem>>, vector<1x1x1x16xf32>,
      %swap3A_681 = vector.shape_cast %swap3A_680 : vector<1x1x1x16xf32> to vector<16xf32>
      %swap3A_682 = vector.shape_cast %add3A_674 : vector<16xf32> to vector<1x1x1x16xf32>
      tpu.vector_store %arg8[%swap3A_676, %swap3A_677, %swap3A_678, %swap3A_679], %swap3A_682 {strides = array<i32>} : memref<3x4x100x64xf32, #tpu.memory_space<vmem>>, vector<1x1x1x16xf32>,
      %get3A_683 = arith.constant 0 : i32
      %get3A_684 = arith.constant 1 : i32
      %get3A_685 = arith.index_cast %get3A_683 : i32 to index
      %get3A_686 = arith.index_cast %get3A_684 : i32 to index
      %get3A_687 = arith.index_cast %scan3A_660 : i32 to index
      %get3A_688 = arith.constant 16 : index
      %get3A_689 = tpu.vector_load %arg8[%get3A_685, %get3A_686, %get3A_687, %get3A_688] {strides = array<i32>} : memref<3x4x100x64xf32, #tpu.memory_space<vmem>>, vector<1x1x1x16xf32>,
      %get3A_690 = vector.shape_cast %get3A_689 : vector<1x1x1x16xf32> to vector<16xf32>
      %get3A_691 = arith.constant 1 : i32
      %get3A_692 = arith.index_cast %get3A_691 : i32 to index
      %get3A_693 = arith.index_cast %scan3A_660 : i32 to index
      %get3A_694 = arith.constant 16 : index
      %get3A_695 = tpu.vector_load %arg7[%get3A_692, %get3A_693, %get3A_694] {strides = array<i32>} : memref<2x100x64xf32, #tpu.memory_space<vmem>>, vector<1x1x16xf32>,
      %get3A_696 = vector.shape_cast %get3A_695 : vector<1x1x16xf32> to vector<16xf32>
      %add3A_697 = arith.addf %get3A_690, %get3A_696 : vector<16xf32>
      %swap3A_698 = arith.constant 0 : i32
      %swap3A_699 = arith.constant 1 : i32
      %swap3A_700 = arith.index_cast %swap3A_698 : i32 to index
      %swap3A_701 = arith.index_cast %swap3A_699 : i32 to index
      %swap3A_702 = arith.index_cast %scan3A_660 : i32 to index
      %swap3A_703 = arith.constant 16 : index
      %swap3A_704 = tpu.vector_load %arg8[%swap3A_700, %swap3A_701, %swap3A_702, %swap3A_703] {strides = array<i32>} : memref<3x4x100x64xf32, #tpu.memory_space<vmem>>, vector<1x1x1x16xf32>,
      %swap3A_705 = vector.shape_cast %swap3A_704 : vector<1x1x1x16xf32> to vector<16xf32>
      %swap3A_706 = vector.shape_cast %add3A_697 : vector<16xf32> to vector<1x1x1x16xf32>
      tpu.vector_store %arg8[%swap3A_700, %swap3A_701, %swap3A_702, %swap3A_703], %swap3A_706 {strides = array<i32>} : memref<3x4x100x64xf32, #tpu.memory_space<vmem>>, vector<1x1x1x16xf32>,
      %get3A_707 = arith.constant 0 : i32
      %get3A_708 = arith.constant 1 : i32
      %get3A_709 = arith.index_cast %get3A_707 : i32 to index
      %get3A_710 = arith.index_cast %get3A_708 : i32 to index
      %get3A_711 = arith.index_cast %scan3A_660 : i32 to index
      %get3A_712 = arith.constant 32 : index
      %get3A_713 = tpu.vector_load %arg8[%get3A_709, %get3A_710, %get3A_711, %get3A_712] {strides = array<i32>} : memref<3x4x100x64xf32, #tpu.memory_space<vmem>>, vector<1x1x1x16xf32>,
      %get3A_714 = vector.shape_cast %get3A_713 : vector<1x1x1x16xf32> to vector<16xf32>
      %get3A_715 = arith.constant 1 : i32
      %get3A_716 = arith.index_cast %get3A_715 : i32 to index
      %get3A_717 = arith.index_cast %scan3A_660 : i32 to index
      %get3A_718 = arith.constant 32 : index
      %get3A_719 = tpu.vector_load %arg7[%get3A_716, %get3A_717, %get3A_718] {strides = array<i32>} : memref<2x100x64xf32, #tpu.memory_space<vmem>>, vector<1x1x16xf32>,
      %get3A_720 = vector.shape_cast %get3A_719 : vector<1x1x16xf32> to vector<16xf32>
      %add3A_721 = arith.addf %get3A_714, %get3A_720 : vector<16xf32>
      %swap3A_722 = arith.constant 0 : i32
      %swap3A_723 = arith.constant 1 : i32
      %swap3A_724 = arith.index_cast %swap3A_722 : i32 to index
      %swap3A_725 = arith.index_cast %swap3A_723 : i32 to index
      %swap3A_726 = arith.index_cast %scan3A_660 : i32 to index
      %swap3A_727 = arith.constant 32 : index
      %swap3A_728 = tpu.vector_load %arg8[%swap3A_724, %swap3A_725, %swap3A_726, %swap3A_727] {strides = array<i32>} : memref<3x4x100x64xf32, #tpu.memory_space<vmem>>, vector<1x1x1x16xf32>,
      %swap3A_729 = vector.shape_cast %swap3A_728 : vector<1x1x1x16xf32> to vector<16xf32>
      %swap3A_730 = vector.shape_cast %add3A_721 : vector<16xf32> to vector<1x1x1x16xf32>
      tpu.vector_store %arg8[%swap3A_724, %swap3A_725, %swap3A_726, %swap3A_727], %swap3A_730 {strides = array<i32>} : memref<3x4x100x64xf32, #tpu.memory_space<vmem>>, vector<1x1x1x16xf32>,
      %get3A_731 = arith.constant 0 : i32
      %get3A_732 = arith.constant 1 : i32
      %get3A_733 = arith.index_cast %get3A_731 : i32 to index
      %get3A_734 = arith.index_cast %get3A_732 : i32 to index
      %get3A_735 = arith.index_cast %scan3A_660 : i32 to index
      %get3A_736 = arith.constant 48 : index
      %get3A_737 = tpu.vector_load %arg8[%get3A_733, %get3A_734, %get3A_735, %get3A_736] {strides = array<i32>} : memref<3x4x100x64xf32, #tpu.memory_space<vmem>>, vector<1x1x1x16xf32>,
      %get3A_738 = vector.shape_cast %get3A_737 : vector<1x1x1x16xf32> to vector<16xf32>
      %get3A_739 = arith.constant 1 : i32
      %get3A_740 = arith.index_cast %get3A_739 : i32 to index
      %get3A_741 = arith.index_cast %scan3A_660 : i32 to index
      %get3A_742 = arith.constant 48 : index
      %get3A_743 = tpu.vector_load %arg7[%get3A_740, %get3A_741, %get3A_742] {strides = array<i32>} : memref<2x100x64xf32, #tpu.memory_space<vmem>>, vector<1x1x16xf32>,
      %get3A_744 = vector.shape_cast %get3A_743 : vector<1x1x16xf32> to vector<16xf32>
      %add3A_745 = arith.addf %get3A_738, %get3A_744 : vector<16xf32>
      %swap3A_746 = arith.constant 0 : i32
      %swap3A_747 = arith.constant 1 : i32
      %swap3A_748 = arith.index_cast %swap3A_746 : i32 to index
      %swap3A_749 = arith.index_cast %swap3A_747 : i32 to index
      %swap3A_750 = arith.index_cast %scan3A_660 : i32 to index
      %swap3A_751 = arith.constant 48 : index
      %swap3A_752 = tpu.vector_load %arg8[%swap3A_748, %swap3A_749, %swap3A_750, %swap3A_751] {strides = array<i32>} : memref<3x4x100x64xf32, #tpu.memory_space<vmem>>, vector<1x1x1x16xf32>,
      %swap3A_753 = vector.shape_cast %swap3A_752 : vector<1x1x1x16xf32> to vector<16xf32>
      %swap3A_754 = vector.shape_cast %add3A_745 : vector<16xf32> to vector<1x1x1x16xf32>
      tpu.vector_store %arg8[%swap3A_748, %swap3A_749, %swap3A_750, %swap3A_751], %swap3A_754 {strides = array<i32>} : memref<3x4x100x64xf32, #tpu.memory_space<vmem>>, vector<1x1x1x16xf32>,
    }
    %scan3A_251 = arith.constant 100 : i32
    %scan3A_252 = arith.constant 0 : i32
    %scan3A_253 = arith.constant 0 : i32
    %scan3A_254 = arith.constant 100 : i32
    %scan3A_255 = arith.addi %scan3A_253, %scan3A_254 : i32
    %scan3A_256 = arith.constant 1 : i32
    scf.for %scan3A_660 = %scan3A_253 to %scan3A_255 step %scan3A_256  : i32 {
      %get3A = arith.constant 0 : i32
      %get3A_661 = arith.constant 2 : i32
      %get3A_662 = arith.index_cast %get3A : i32 to index
      %get3A_663 = arith.index_cast %get3A_661 : i32 to index
      %get3A_664 = arith.index_cast %scan3A_660 : i32 to index
      %get3A_665 = arith.constant 0 : index
      %get3A_666 = tpu.vector_load %arg8[%get3A_662, %get3A_663, %get3A_664, %get3A_665] {strides = array<i32>} : memref<3x4x100x64xf32, #tpu.memory_space<vmem>>, vector<1x1x1x16xf32>,
      %get3A_667 = vector.shape_cast %get3A_666 : vector<1x1x1x16xf32> to vector<16xf32>
      %get3A_668 = arith.constant 0 : i32
      %get3A_669 = arith.index_cast %get3A_668 : i32 to index
      %get3A_670 = arith.index_cast %scan3A_660 : i32 to index
      %get3A_671 = arith.constant 0 : index
      %get3A_672 = tpu.vector_load %arg7[%get3A_669, %get3A_670, %get3A_671] {strides = array<i32>} : memref<2x100x64xf32, #tpu.memory_space<vmem>>, vector<1x1x16xf32>,
      %get3A_673 = vector.shape_cast %get3A_672 : vector<1x1x16xf32> to vector<16xf32>
      %add3A_674 = arith.addf %get3A_667, %get3A_673 : vector<16xf32>
      %swap3A = arith.constant 0 : i32
      %swap3A_675 = arith.constant 2 : i32
      %swap3A_676 = arith.index_cast %swap3A : i32 to index
      %swap3A_677 = arith.index_cast %swap3A_675 : i32 to index
      %swap3A_678 = arith.index_cast %scan3A_660 : i32 to index
      %swap3A_679 = arith.constant 0 : index
      %swap3A_680 = tpu.vector_load %arg8[%swap3A_676, %swap3A_677, %swap3A_678, %swap3A_679] {strides = array<i32>} : memref<3x4x100x64xf32, #tpu.memory_space<vmem>>, vector<1x1x1x16xf32>,
      %swap3A_681 = vector.shape_cast %swap3A_680 : vector<1x1x1x16xf32> to vector<16xf32>
      %swap3A_682 = vector.shape_cast %add3A_674 : vector<16xf32> to vector<1x1x1x16xf32>
      tpu.vector_store %arg8[%swap3A_676, %swap3A_677, %swap3A_678, %swap3A_679], %swap3A_682 {strides = array<i32>} : memref<3x4x100x64xf32, #tpu.memory_space<vmem>>, vector<1x1x1x16xf32>,
      %get3A_683 = arith.constant 0 : i32
      %get3A_684 = arith.constant 2 : i32
      %get3A_685 = arith.index_cast %get3A_683 : i32 to index
      %get3A_686 = arith.index_cast %get3A_684 : i32 to index
      %get3A_687 = arith.index_cast %scan3A_660 : i32 to index
      %get3A_688 = arith.constant 16 : index
      %get3A_689 = tpu.vector_load %arg8[%get3A_685, %get3A_686, %get3A_687, %get3A_688] {strides = array<i32>} : memref<3x4x100x64xf32, #tpu.memory_space<vmem>>, vector<1x1x1x16xf32>,
      %get3A_690 = vector.shape_cast %get3A_689 : vector<1x1x1x16xf32> to vector<16xf32>
      %get3A_691 = arith.constant 0 : i32
      %get3A_692 = arith.index_cast %get3A_691 : i32 to index
      %get3A_693 = arith.index_cast %scan3A_660 : i32 to index
      %get3A_694 = arith.constant 16 : index
      %get3A_695 = tpu.vector_load %arg7[%get3A_692, %get3A_693, %get3A_694] {strides = array<i32>} : memref<2x100x64xf32, #tpu.memory_space<vmem>>, vector<1x1x16xf32>,
      %get3A_696 = vector.shape_cast %get3A_695 : vector<1x1x16xf32> to vector<16xf32>
      %add3A_697 = arith.addf %get3A_690, %get3A_696 : vector<16xf32>
      %swap3A_698 = arith.constant 0 : i32
      %swap3A_699 = arith.constant 2 : i32
      %swap3A_700 = arith.index_cast %swap3A_698 : i32 to index
      %swap3A_701 = arith.index_cast %swap3A_699 : i32 to index
      %swap3A_702 = arith.index_cast %scan3A_660 : i32 to index
      %swap3A_703 = arith.constant 16 : index
      %swap3A_704 = tpu.vector_load %arg8[%swap3A_700, %swap3A_701, %swap3A_702, %swap3A_703] {strides = array<i32>} : memref<3x4x100x64xf32, #tpu.memory_space<vmem>>, vector<1x1x1x16xf32>,
      %swap3A_705 = vector.shape_cast %swap3A_704 : vector<1x1x1x16xf32> to vector<16xf32>
      %swap3A_706 = vector.shape_cast %add3A_697 : vector<16xf32> to vector<1x1x1x16xf32>
      tpu.vector_store %arg8[%swap3A_700, %swap3A_701, %swap3A_702, %swap3A_703], %swap3A_706 {strides = array<i32>} : memref<3x4x100x64xf32, #tpu.memory_space<vmem>>, vector<1x1x1x16xf32>,
      %get3A_707 = arith.constant 0 : i32
      %get3A_708 = arith.constant 2 : i32
      %get3A_709 = arith.index_cast %get3A_707 : i32 to index
      %get3A_710 = arith.index_cast %get3A_708 : i32 to index
      %get3A_711 = arith.index_cast %scan3A_660 : i32 to index
      %get3A_712 = arith.constant 32 : index
      %get3A_713 = tpu.vector_load %arg8[%get3A_709, %get3A_710, %get3A_711, %get3A_712] {strides = array<i32>} : memref<3x4x100x64xf32, #tpu.memory_space<vmem>>, vector<1x1x1x16xf32>,
      %get3A_714 = vector.shape_cast %get3A_713 : vector<1x1x1x16xf32> to vector<16xf32>
      %get3A_715 = arith.constant 0 : i32
      %get3A_716 = arith.index_cast %get3A_715 : i32 to index
      %get3A_717 = arith.index_cast %scan3A_660 : i32 to index
      %get3A_718 = arith.constant 32 : index
      %get3A_719 = tpu.vector_load %arg7[%get3A_716, %get3A_717, %get3A_718] {strides = array<i32>} : memref<2x100x64xf32, #tpu.memory_space<vmem>>, vector<1x1x16xf32>,
      %get3A_720 = vector.shape_cast %get3A_719 : vector<1x1x16xf32> to vector<16xf32>
      %add3A_721 = arith.addf %get3A_714, %get3A_720 : vector<16xf32>
      %swap3A_722 = arith.constant 0 : i32
      %swap3A_723 = arith.constant 2 : i32
      %swap3A_724 = arith.index_cast %swap3A_722 : i32 to index
      %swap3A_725 = arith.index_cast %swap3A_723 : i32 to index
      %swap3A_726 = arith.index_cast %scan3A_660 : i32 to index
      %swap3A_727 = arith.constant 32 : index
      %swap3A_728 = tpu.vector_load %arg8[%swap3A_724, %swap3A_725, %swap3A_726, %swap3A_727] {strides = array<i32>} : memref<3x4x100x64xf32, #tpu.memory_space<vmem>>, vector<1x1x1x16xf32>,
      %swap3A_729 = vector.shape_cast %swap3A_728 : vector<1x1x1x16xf32> to vector<16xf32>
      %swap3A_730 = vector.shape_cast %add3A_721 : vector<16xf32> to vector<1x1x1x16xf32>
      tpu.vector_store %arg8[%swap3A_724, %swap3A_725, %swap3A_726, %swap3A_727], %swap3A_730 {strides = array<i32>} : memref<3x4x100x64xf32, #tpu.memory_space<vmem>>, vector<1x1x1x16xf32>,
      %get3A_731 = arith.constant 0 : i32
      %get3A_732 = arith.constant 2 : i32
      %get3A_733 = arith.index_cast %get3A_731 : i32 to index
      %get3A_734 = arith.index_cast %get3A_732 : i32 to index
      %get3A_735 = arith.index_cast %scan3A_660 : i32 to index
      %get3A_736 = arith.constant 48 : index
      %get3A_737 = tpu.vector_load %arg8[%get3A_733, %get3A_734, %get3A_735, %get3A_736] {strides = array<i32>} : memref<3x4x100x64xf32, #tpu.memory_space<vmem>>, vector<1x1x1x16xf32>,
      %get3A_738 = vector.shape_cast %get3A_737 : vector<1x1x1x16xf32> to vector<16xf32>
      %get3A_739 = arith.constant 0 : i32
      %get3A_740 = arith.index_cast %get3A_739 : i32 to index
      %get3A_741 = arith.index_cast %scan3A_660 : i32 to index
      %get3A_742 = arith.constant 48 : index
      %get3A_743 = tpu.vector_load %arg7[%get3A_740, %get3A_741, %get3A_742] {strides = array<i32>} : memref<2x100x64xf32, #tpu.memory_space<vmem>>, vector<1x1x16xf32>,
      %get3A_744 = vector.shape_cast %get3A_743 : vector<1x1x16xf32> to vector<16xf32>
      %add3A_745 = arith.addf %get3A_738, %get3A_744 : vector<16xf32>
      %swap3A_746 = arith.constant 0 : i32
      %swap3A_747 = arith.constant 2 : i32
      %swap3A_748 = arith.index_cast %swap3A_746 : i32 to index
      %swap3A_749 = arith.index_cast %swap3A_747 : i32 to index
      %swap3A_750 = arith.index_cast %scan3A_660 : i32 to index
      %swap3A_751 = arith.constant 48 : index
      %swap3A_752 = tpu.vector_load %arg8[%swap3A_748, %swap3A_749, %swap3A_750, %swap3A_751] {strides = array<i32>} : memref<3x4x100x64xf32, #tpu.memory_space<vmem>>, vector<1x1x1x16xf32>,
      %swap3A_753 = vector.shape_cast %swap3A_752 : vector<1x1x1x16xf32> to vector<16xf32>
      %swap3A_754 = vector.shape_cast %add3A_745 : vector<16xf32> to vector<1x1x1x16xf32>
      tpu.vector_store %arg8[%swap3A_748, %swap3A_749, %swap3A_750, %swap3A_751], %swap3A_754 {strides = array<i32>} : memref<3x4x100x64xf32, #tpu.memory_space<vmem>>, vector<1x1x1x16xf32>,
    }
    %scan3A_257 = arith.constant 100 : i32
    %scan3A_258 = arith.constant 0 : i32
    %scan3A_259 = arith.constant 0 : i32
    %scan3A_260 = arith.constant 100 : i32
    %scan3A_261 = arith.addi %scan3A_259, %scan3A_260 : i32
    %scan3A_262 = arith.constant 1 : i32
    scf.for %scan3A_660 = %scan3A_259 to %scan3A_261 step %scan3A_262  : i32 {
      %get3A = arith.constant 0 : i32
      %get3A_661 = arith.constant 3 : i32
      %get3A_662 = arith.index_cast %get3A : i32 to index
      %get3A_663 = arith.index_cast %get3A_661 : i32 to index
      %get3A_664 = arith.index_cast %scan3A_660 : i32 to index
      %get3A_665 = arith.constant 0 : index
      %get3A_666 = tpu.vector_load %arg8[%get3A_662, %get3A_663, %get3A_664, %get3A_665] {strides = array<i32>} : memref<3x4x100x64xf32, #tpu.memory_space<vmem>>, vector<1x1x1x16xf32>,
      %get3A_667 = vector.shape_cast %get3A_666 : vector<1x1x1x16xf32> to vector<16xf32>
      %get3A_668 = arith.constant 1 : i32
      %get3A_669 = arith.index_cast %get3A_668 : i32 to index
      %get3A_670 = arith.index_cast %scan3A_660 : i32 to index
      %get3A_671 = arith.constant 0 : index
      %get3A_672 = tpu.vector_load %arg7[%get3A_669, %get3A_670, %get3A_671] {strides = array<i32>} : memref<2x100x64xf32, #tpu.memory_space<vmem>>, vector<1x1x16xf32>,
      %get3A_673 = vector.shape_cast %get3A_672 : vector<1x1x16xf32> to vector<16xf32>
      %add3A_674 = arith.addf %get3A_667, %get3A_673 : vector<16xf32>
      %swap3A = arith.constant 0 : i32
      %swap3A_675 = arith.constant 3 : i32
      %swap3A_676 = arith.index_cast %swap3A : i32 to index
      %swap3A_677 = arith.index_cast %swap3A_675 : i32 to index
      %swap3A_678 = arith.index_cast %scan3A_660 : i32 to index
      %swap3A_679 = arith.constant 0 : index
      %swap3A_680 = tpu.vector_load %arg8[%swap3A_676, %swap3A_677, %swap3A_678, %swap3A_679] {strides = array<i32>} : memref<3x4x100x64xf32, #tpu.memory_space<vmem>>, vector<1x1x1x16xf32>,
      %swap3A_681 = vector.shape_cast %swap3A_680 : vector<1x1x1x16xf32> to vector<16xf32>
      %swap3A_682 = vector.shape_cast %add3A_674 : vector<16xf32> to vector<1x1x1x16xf32>
      tpu.vector_store %arg8[%swap3A_676, %swap3A_677, %swap3A_678, %swap3A_679], %swap3A_682 {strides = array<i32>} : memref<3x4x100x64xf32, #tpu.memory_space<vmem>>, vector<1x1x1x16xf32>,
      %get3A_683 = arith.constant 0 : i32
      %get3A_684 = arith.constant 3 : i32
      %get3A_685 = arith.index_cast %get3A_683 : i32 to index
      %get3A_686 = arith.index_cast %get3A_684 : i32 to index
      %get3A_687 = arith.index_cast %scan3A_660 : i32 to index
      %get3A_688 = arith.constant 16 : index
      %get3A_689 = tpu.vector_load %arg8[%get3A_685, %get3A_686, %get3A_687, %get3A_688] {strides = array<i32>} : memref<3x4x100x64xf32, #tpu.memory_space<vmem>>, vector<1x1x1x16xf32>,
      %get3A_690 = vector.shape_cast %get3A_689 : vector<1x1x1x16xf32> to vector<16xf32>
      %get3A_691 = arith.constant 1 : i32
      %get3A_692 = arith.index_cast %get3A_691 : i32 to index
      %get3A_693 = arith.index_cast %scan3A_660 : i32 to index
      %get3A_694 = arith.constant 16 : index
      %get3A_695 = tpu.vector_load %arg7[%get3A_692, %get3A_693, %get3A_694] {strides = array<i32>} : memref<2x100x64xf32, #tpu.memory_space<vmem>>, vector<1x1x16xf32>,
      %get3A_696 = vector.shape_cast %get3A_695 : vector<1x1x16xf32> to vector<16xf32>
      %add3A_697 = arith.addf %get3A_690, %get3A_696 : vector<16xf32>
      %swap3A_698 = arith.constant 0 : i32
      %swap3A_699 = arith.constant 3 : i32
      %swap3A_700 = arith.index_cast %swap3A_698 : i32 to index
      %swap3A_701 = arith.index_cast %swap3A_699 : i32 to index
      %swap3A_702 = arith.index_cast %scan3A_660 : i32 to index
      %swap3A_703 = arith.constant 16 : index
      %swap3A_704 = tpu.vector_load %arg8[%swap3A_700, %swap3A_701, %swap3A_702, %swap3A_703] {strides = array<i32>} : memref<3x4x100x64xf32, #tpu.memory_space<vmem>>, vector<1x1x1x16xf32>,
      %swap3A_705 = vector.shape_cast %swap3A_704 : vector<1x1x1x16xf32> to vector<16xf32>
      %swap3A_706 = vector.shape_cast %add3A_697 : vector<16xf32> to vector<1x1x1x16xf32>
      tpu.vector_store %arg8[%swap3A_700, %swap3A_701, %swap3A_702, %swap3A_703], %swap3A_706 {strides = array<i32>} : memref<3x4x100x64xf32, #tpu.memory_space<vmem>>, vector<1x1x1x16xf32>,
      %get3A_707 = arith.constant 0 : i32
      %get3A_708 = arith.constant 3 : i32
      %get3A_709 = arith.index_cast %get3A_707 : i32 to index
      %get3A_710 = arith.index_cast %get3A_708 : i32 to index
      %get3A_711 = arith.index_cast %scan3A_660 : i32 to index
      %get3A_712 = arith.constant 32 : index
      %get3A_713 = tpu.vector_load %arg8[%get3A_709, %get3A_710, %get3A_711, %get3A_712] {strides = array<i32>} : memref<3x4x100x64xf32, #tpu.memory_space<vmem>>, vector<1x1x1x16xf32>,
      %get3A_714 = vector.shape_cast %get3A_713 : vector<1x1x1x16xf32> to vector<16xf32>
      %get3A_715 = arith.constant 1 : i32
      %get3A_716 = arith.index_cast %get3A_715 : i32 to index
      %get3A_717 = arith.index_cast %scan3A_660 : i32 to index
      %get3A_718 = arith.constant 32 : index
      %get3A_719 = tpu.vector_load %arg7[%get3A_716, %get3A_717, %get3A_718] {strides = array<i32>} : memref<2x100x64xf32, #tpu.memory_space<vmem>>, vector<1x1x16xf32>,
      %get3A_720 = vector.shape_cast %get3A_719 : vector<1x1x16xf32> to vector<16xf32>
      %add3A_721 = arith.addf %get3A_714, %get3A_720 : vector<16xf32>
      %swap3A_722 = arith.constant 0 : i32
      %swap3A_723 = arith.constant 3 : i32
      %swap3A_724 = arith.index_cast %swap3A_722 : i32 to index
      %swap3A_725 = arith.index_cast %swap3A_723 : i32 to index
      %swap3A_726 = arith.index_cast %scan3A_660 : i32 to index
      %swap3A_727 = arith.constant 32 : index
      %swap3A_728 = tpu.vector_load %arg8[%swap3A_724, %swap3A_725, %swap3A_726, %swap3A_727] {strides = array<i32>} : memref<3x4x100x64xf32, #tpu.memory_space<vmem>>, vector<1x1x1x16xf32>,
      %swap3A_729 = vector.shape_cast %swap3A_728 : vector<1x1x1x16xf32> to vector<16xf32>
      %swap3A_730 = vector.shape_cast %add3A_721 : vector<16xf32> to vector<1x1x1x16xf32>
      tpu.vector_store %arg8[%swap3A_724, %swap3A_725, %swap3A_726, %swap3A_727], %swap3A_730 {strides = array<i32>} : memref<3x4x100x64xf32, #tpu.memory_space<vmem>>, vector<1x1x1x16xf32>,
      %get3A_731 = arith.constant 0 : i32
      %get3A_732 = arith.constant 3 : i32
      %get3A_733 = arith.index_cast %get3A_731 : i32 to index
      %get3A_734 = arith.index_cast %get3A_732 : i32 to index
      %get3A_735 = arith.index_cast %scan3A_660 : i32 to index
      %get3A_736 = arith.constant 48 : index
      %get3A_737 = tpu.vector_load %arg8[%get3A_733, %get3A_734, %get3A_735, %get3A_736] {strides = array<i32>} : memref<3x4x100x64xf32, #tpu.memory_space<vmem>>, vector<1x1x1x16xf32>,
      %get3A_738 = vector.shape_cast %get3A_737 : vector<1x1x1x16xf32> to vector<16xf32>
      %get3A_739 = arith.constant 1 : i32
      %get3A_740 = arith.index_cast %get3A_739 : i32 to index
      %get3A_741 = arith.index_cast %scan3A_660 : i32 to index
      %get3A_742 = arith.constant 48 : index
      %get3A_743 = tpu.vector_load %arg7[%get3A_740, %get3A_741, %get3A_742] {strides = array<i32>} : memref<2x100x64xf32, #tpu.memory_space<vmem>>, vector<1x1x16xf32>,
      %get3A_744 = vector.shape_cast %get3A_743 : vector<1x1x16xf32> to vector<16xf32>
      %add3A_745 = arith.addf %get3A_738, %get3A_744 : vector<16xf32>
      %swap3A_746 = arith.constant 0 : i32
      %swap3A_747 = arith.constant 3 : i32
      %swap3A_748 = arith.index_cast %swap3A_746 : i32 to index
      %swap3A_749 = arith.index_cast %swap3A_747 : i32 to index
      %swap3A_750 = arith.index_cast %scan3A_660 : i32 to index
      %swap3A_751 = arith.constant 48 : index
      %swap3A_752 = tpu.vector_load %arg8[%swap3A_748, %swap3A_749, %swap3A_750, %swap3A_751] {strides = array<i32>} : memref<3x4x100x64xf32, #tpu.memory_space<vmem>>, vector<1x1x1x16xf32>,
      %swap3A_753 = vector.shape_cast %swap3A_752 : vector<1x1x1x16xf32> to vector<16xf32>
      %swap3A_754 = vector.shape_cast %add3A_745 : vector<16xf32> to vector<1x1x1x16xf32>
      tpu.vector_store %arg8[%swap3A_748, %swap3A_749, %swap3A_750, %swap3A_751], %swap3A_754 {strides = array<i32>} : memref<3x4x100x64xf32, #tpu.memory_space<vmem>>, vector<1x1x1x16xf32>,
    }
    %scan3A_263 = arith.constant 100 : i32
    %add3A_264 = arith.constant 0 : i32
    %add3A_265 = arith.addi %mul3A_2, %add3A_264 : i32
    %dma_start3A_266 = arith.constant 0 : i32
    %dma_start3A_267 = arith.constant 0 : i32
    %dma_start3A_268 = arith.constant 0 : i32
    %dma_start3A_269 = arith.constant 0 : i32
    %dma_start3A_270 = tpu.memref_slice %arg8[%dma_start3A_266, %dma_start3A_267, %dma_start3A_268, %dma_start3A_269] : memref<3x4x100x64xf32, #tpu.memory_space<vmem>> -> memref<1x4x100x64xf32, #tpu.memory_space<vmem>>
    %dma_start3A_271 = tpu.memref_squeeze %dma_start3A_270 : memref<1x4x100x64xf32, #tpu.memory_space<vmem>> -> memref<4x100x64xf32, #tpu.memory_space<vmem>>
    %dma_start3A_272 = arith.constant 0 : i32
    %dma_start3A_273 = arith.constant 0 : i32
    %dma_start3A_274 = arith.constant 0 : i32
    %dma_start3A_275 = tpu.memref_slice %arg5[%add3A_265, %dma_start3A_272, %dma_start3A_273, %dma_start3A_274] : memref<2048x4x100x64xf32, #tpu.memory_space<hbm>> -> memref<1x4x100x64xf32, #tpu.memory_space<hbm>>
    %dma_start3A_276 = tpu.memref_squeeze %dma_start3A_275 : memref<1x4x100x64xf32, #tpu.memory_space<hbm>> -> memref<4x100x64xf32, #tpu.memory_space<hbm>>
    %dma_start3A_277 = arith.constant 0 : i32
    %dma_start3A_278 = arith.constant 0 : i32
    %dma_start3A_279 = arith.constant 0 : i32
    %dma_start3A_280 = tpu.memref_slice %arg5[%add3A_265, %dma_start3A_277, %dma_start3A_278, %dma_start3A_279] : memref<2048x4x100x64xf32, #tpu.memory_space<hbm>> -> memref<1x4x100x64xf32, #tpu.memory_space<hbm>>
    %dma_start3A_281 = tpu.memref_squeeze %dma_start3A_280 : memref<1x4x100x64xf32, #tpu.memory_space<hbm>> -> memref<4x100x64xf32, #tpu.memory_space<hbm>>
    %dma_start3A_282 = arith.constant 0 : i32
    %dma_start3A_283 = arith.constant 0 : i32
    %dma_start3A_284 = arith.constant 0 : i32
    %dma_start3A_285 = tpu.memref_slice %arg8[%dma_start3A_266, %dma_start3A_282, %dma_start3A_283, %dma_start3A_284] : memref<3x4x100x64xf32, #tpu.memory_space<vmem>> -> memref<1x4x100x64xf32, #tpu.memory_space<vmem>>
    %dma_start3A_286 = tpu.memref_squeeze %dma_start3A_285 : memref<1x4x100x64xf32, #tpu.memory_space<vmem>> -> memref<4x100x64xf32, #tpu.memory_space<vmem>>
    tpu.enqueue_dma source(%dma_start3A_286 : memref<4x100x64xf32, #tpu.memory_space<vmem>>) target(%dma_start3A_281 : memref<4x100x64xf32, #tpu.memory_space<hbm>>) target_semaphore(%arg12 : memref<!tpu.dma_semaphore, #tpu.memory_space<semaphore_mem>>)
    %scan3A_287 = arith.constant 0 : i32
    %scan3A_288 = arith.constant 0 : i32
    %scan3A_289 = arith.constant 20 : i32
    %scan3A_290 = arith.addi %scan3A_288, %scan3A_289 : i32
    %scan3A_291 = arith.constant 1 : i32
    scf.for %scan3A_660 = %scan3A_288 to %scan3A_290 step %scan3A_291  : i32 {
      %mul3A_661 = arith.constant 3 : i32
      %mul3A_662 = arith.muli %mul3A_661, %scan3A_660 : i32
      %add3A_663 = arith.constant 1 : i32
      %add3A_664 = arith.addi %mul3A_662, %add3A_663 : i32
      %dma_wait3A_665 = arith.constant 0 : i32
      %dma_wait3A_666 = arith.constant 1 : i32
      %dma_wait3A_667 = arith.constant 0 : i32
      %dma_wait3A_668 = arith.constant 0 : i32
      %dma_wait3A_669 = arith.constant 0 : i32
      %dma_wait3A_670 = tpu.memref_slice %arg8[%dma_wait3A_666, %dma_wait3A_667, %dma_wait3A_668, %dma_wait3A_669] : memref<3x4x100x64xf32, #tpu.memory_space<vmem>> -> memref<1x4x100x64xf32, #tpu.memory_space<vmem>>
      %dma_wait3A_671 = tpu.memref_squeeze %dma_wait3A_670 : memref<1x4x100x64xf32, #tpu.memory_space<vmem>> -> memref<4x100x64xf32, #tpu.memory_space<vmem>>
      %dma_wait3A_672 = arith.constant 0 : i32
      %dma_wait3A_673 = arith.constant 0 : i32
      %dma_wait3A_674 = arith.constant 0 : i32
      %dma_wait3A_675 = tpu.memref_slice %arg5[%dma_wait3A_665, %dma_wait3A_672, %dma_wait3A_673, %dma_wait3A_674] : memref<2048x4x100x64xf32, #tpu.memory_space<hbm>> -> memref<1x4x100x64xf32, #tpu.memory_space<hbm>>
      %dma_wait3A_676 = tpu.memref_squeeze %dma_wait3A_675 : memref<1x4x100x64xf32, #tpu.memory_space<hbm>> -> memref<4x100x64xf32, #tpu.memory_space<hbm>>
      %dma_wait3A_677 = arith.constant 0 : i32
      %dma_wait3A_678 = arith.constant 0 : i32
      %dma_wait3A_679 = arith.constant 0 : i32
      %dma_wait3A_680 = tpu.memref_slice %arg8[%dma_wait3A_666, %dma_wait3A_677, %dma_wait3A_678, %dma_wait3A_679] : memref<3x4x100x64xf32, #tpu.memory_space<vmem>> -> memref<1x4x100x64xf32, #tpu.memory_space<vmem>>
      %dma_wait3A_681 = tpu.memref_squeeze %dma_wait3A_680 : memref<1x4x100x64xf32, #tpu.memory_space<vmem>> -> memref<4x100x64xf32, #tpu.memory_space<vmem>>
      %dma_wait3A_682 = arith.constant 0 : i32
      %dma_wait3A_683 = arith.constant 0 : i32
      %dma_wait3A_684 = arith.constant 0 : i32
      %dma_wait3A_685 = tpu.memref_slice %arg5[%dma_wait3A_665, %dma_wait3A_682, %dma_wait3A_683, %dma_wait3A_684] : memref<2048x4x100x64xf32, #tpu.memory_space<hbm>> -> memref<1x4x100x64xf32, #tpu.memory_space<hbm>>
      %dma_wait3A_686 = tpu.memref_squeeze %dma_wait3A_685 : memref<1x4x100x64xf32, #tpu.memory_space<hbm>> -> memref<4x100x64xf32, #tpu.memory_space<hbm>>
      tpu.wait_dma2 semaphore(%arg10 : memref<!tpu.dma_semaphore, #tpu.memory_space<semaphore_mem>>) src(%dma_wait3A_686 : memref<4x100x64xf32, #tpu.memory_space<hbm>>) dst(%dma_wait3A_681 : memref<4x100x64xf32, #tpu.memory_space<vmem>>)
      %dma_wait3A_687 = arith.constant 0 : i32
      %dma_wait3A_688 = arith.constant 0 : i32
      %dma_wait3A_689 = arith.constant 0 : i32
      %dma_wait3A_690 = arith.constant 0 : i32
      %dma_wait3A_691 = arith.constant 0 : i32
      %dma_wait3A_692 = tpu.memref_slice %arg8[%dma_wait3A_688, %dma_wait3A_689, %dma_wait3A_690, %dma_wait3A_691] : memref<3x4x100x64xf32, #tpu.memory_space<vmem>> -> memref<1x4x100x64xf32, #tpu.memory_space<vmem>>
      %dma_wait3A_693 = tpu.memref_squeeze %dma_wait3A_692 : memref<1x4x100x64xf32, #tpu.memory_space<vmem>> -> memref<4x100x64xf32, #tpu.memory_space<vmem>>
      %dma_wait3A_694 = arith.constant 0 : i32
      %dma_wait3A_695 = arith.constant 0 : i32
      %dma_wait3A_696 = arith.constant 0 : i32
      %dma_wait3A_697 = tpu.memref_slice %arg5[%dma_wait3A_687, %dma_wait3A_694, %dma_wait3A_695, %dma_wait3A_696] : memref<2048x4x100x64xf32, #tpu.memory_space<hbm>> -> memref<1x4x100x64xf32, #tpu.memory_space<hbm>>
      %dma_wait3A_698 = tpu.memref_squeeze %dma_wait3A_697 : memref<1x4x100x64xf32, #tpu.memory_space<hbm>> -> memref<4x100x64xf32, #tpu.memory_space<hbm>>
      %dma_wait3A_699 = arith.constant 0 : i32
      %dma_wait3A_700 = arith.constant 0 : i32
      %dma_wait3A_701 = arith.constant 0 : i32
      %dma_wait3A_702 = tpu.memref_slice %arg8[%dma_wait3A_688, %dma_wait3A_699, %dma_wait3A_700, %dma_wait3A_701] : memref<3x4x100x64xf32, #tpu.memory_space<vmem>> -> memref<1x4x100x64xf32, #tpu.memory_space<vmem>>
      %dma_wait3A_703 = tpu.memref_squeeze %dma_wait3A_702 : memref<1x4x100x64xf32, #tpu.memory_space<vmem>> -> memref<4x100x64xf32, #tpu.memory_space<vmem>>
      %dma_wait3A_704 = arith.constant 0 : i32
      %dma_wait3A_705 = arith.constant 0 : i32
      %dma_wait3A_706 = arith.constant 0 : i32
      %dma_wait3A_707 = tpu.memref_slice %arg5[%dma_wait3A_687, %dma_wait3A_704, %dma_wait3A_705, %dma_wait3A_706] : memref<2048x4x100x64xf32, #tpu.memory_space<hbm>> -> memref<1x4x100x64xf32, #tpu.memory_space<hbm>>
      %dma_wait3A_708 = tpu.memref_squeeze %dma_wait3A_707 : memref<1x4x100x64xf32, #tpu.memory_space<hbm>> -> memref<4x100x64xf32, #tpu.memory_space<hbm>>
      tpu.wait_dma2 semaphore(%arg12 : memref<!tpu.dma_semaphore, #tpu.memory_space<semaphore_mem>>) src(%dma_wait3A_708 : memref<4x100x64xf32, #tpu.memory_space<hbm>>) dst(%dma_wait3A_703 : memref<4x100x64xf32, #tpu.memory_space<vmem>>)
      %add3A_709 = arith.constant 2 : i32
      %add3A_710 = arith.addi %add3A_664, %add3A_709 : i32
      %mul3A_711 = arith.constant 4 : i32
      %mul3A_712 = arith.muli %add3A_710, %mul3A_711 : i32
      %add3A_713 = arith.constant 0 : i32
      %add3A_714 = arith.addi %mul3A_712, %add3A_713 : i32
      %dma_start3A_715 = arith.constant 0 : i32
      %dma_start3A_716 = arith.constant 0 : i32
      %dma_start3A_717 = arith.constant 0 : i32
      %dma_start3A_718 = arith.constant 0 : i32
      %dma_start3A_719 = arith.constant 0 : i32
      %dma_start3A_720 = tpu.memref_slice %arg8[%dma_start3A_715, %dma_start3A_717, %dma_start3A_718, %dma_start3A_719] : memref<3x4x100x64xf32, #tpu.memory_space<vmem>> -> memref<1x4x100x64xf32, #tpu.memory_space<vmem>>
      %dma_start3A_721 = tpu.memref_squeeze %dma_start3A_720 : memref<1x4x100x64xf32, #tpu.memory_space<vmem>> -> memref<4x100x64xf32, #tpu.memory_space<vmem>>
      %dma_start3A_722 = arith.constant 0 : i32
      %dma_start3A_723 = arith.constant 0 : i32
      %dma_start3A_724 = tpu.memref_slice %dma_start3A_721[%dma_start3A_716, %dma_start3A_722, %dma_start3A_723] : memref<4x100x64xf32, #tpu.memory_space<vmem>> -> memref<1x100x64xf32, #tpu.memory_space<vmem>>
      %dma_start3A_725 = tpu.memref_squeeze %dma_start3A_724 : memref<1x100x64xf32, #tpu.memory_space<vmem>> -> memref<100x64xf32, #tpu.memory_space<vmem>>
      %dma_start3A_726 = arith.constant 0 : i32
      %dma_start3A_727 = tpu.memref_slice %arg6[%add3A_714, %dma_start3A_726] : memref<256x100xi32, #tpu.memory_space<vmem>> -> memref<1x100xi32, #tpu.memory_space<vmem>>
      %dma_start3A_728 = tpu.memref_squeeze %dma_start3A_727 : memref<1x100xi32, #tpu.memory_space<vmem>> -> memref<100xi32, #tpu.memory_space<vmem>>
      %dma_start3A_729 = arith.constant 0 : i32
      %dma_start3A_730 = arith.constant 0 : i32
      %dma_start3A_731 = tpu.memref_slice %arg3[%dma_start3A_729, %dma_start3A_730] : memref<1000000x64xf32, #tpu.memory_space<hbm>> -> memref<1000000x64xf32, #tpu.memory_space<hbm>>
      tpu.enqueue_indirect_dma source(%dma_start3A_731 : memref<1000000x64xf32, #tpu.memory_space<hbm>>) target(%dma_start3A_725 : memref<100x64xf32, #tpu.memory_space<vmem>>) offsets(%dma_start3A_728 : memref<100xi32, #tpu.memory_space<vmem>>) semaphore(%arg9 : memref<!tpu.dma_semaphore, #tpu.memory_space<semaphore_mem>>)
      %mul3A_732 = arith.constant 4 : i32
      %mul3A_733 = arith.muli %add3A_710, %mul3A_732 : i32
      %add3A_734 = arith.constant 1 : i32
      %add3A_735 = arith.addi %mul3A_733, %add3A_734 : i32
      %dma_start3A_736 = arith.constant 0 : i32
      %dma_start3A_737 = arith.constant 1 : i32
      %dma_start3A_738 = arith.constant 0 : i32
      %dma_start3A_739 = arith.constant 0 : i32
      %dma_start3A_740 = arith.constant 0 : i32
      %dma_start3A_741 = tpu.memref_slice %arg8[%dma_start3A_736, %dma_start3A_738, %dma_start3A_739, %dma_start3A_740] : memref<3x4x100x64xf32, #tpu.memory_space<vmem>> -> memref<1x4x100x64xf32, #tpu.memory_space<vmem>>
      %dma_start3A_742 = tpu.memref_squeeze %dma_start3A_741 : memref<1x4x100x64xf32, #tpu.memory_space<vmem>> -> memref<4x100x64xf32, #tpu.memory_space<vmem>>
      %dma_start3A_743 = arith.constant 0 : i32
      %dma_start3A_744 = arith.constant 0 : i32
      %dma_start3A_745 = tpu.memref_slice %dma_start3A_742[%dma_start3A_737, %dma_start3A_743, %dma_start3A_744] : memref<4x100x64xf32, #tpu.memory_space<vmem>> -> memref<1x100x64xf32, #tpu.memory_space<vmem>>
      %dma_start3A_746 = tpu.memref_squeeze %dma_start3A_745 : memref<1x100x64xf32, #tpu.memory_space<vmem>> -> memref<100x64xf32, #tpu.memory_space<vmem>>
      %dma_start3A_747 = arith.constant 0 : i32
      %dma_start3A_748 = tpu.memref_slice %arg6[%add3A_735, %dma_start3A_747] : memref<256x100xi32, #tpu.memory_space<vmem>> -> memref<1x100xi32, #tpu.memory_space<vmem>>
      %dma_start3A_749 = tpu.memref_squeeze %dma_start3A_748 : memref<1x100xi32, #tpu.memory_space<vmem>> -> memref<100xi32, #tpu.memory_space<vmem>>
      %dma_start3A_750 = arith.constant 0 : i32
      %dma_start3A_751 = arith.constant 0 : i32
      %dma_start3A_752 = tpu.memref_slice %arg3[%dma_start3A_750, %dma_start3A_751] : memref<1000000x64xf32, #tpu.memory_space<hbm>> -> memref<1000000x64xf32, #tpu.memory_space<hbm>>
      tpu.enqueue_indirect_dma source(%dma_start3A_752 : memref<1000000x64xf32, #tpu.memory_space<hbm>>) target(%dma_start3A_746 : memref<100x64xf32, #tpu.memory_space<vmem>>) offsets(%dma_start3A_749 : memref<100xi32, #tpu.memory_space<vmem>>) semaphore(%arg9 : memref<!tpu.dma_semaphore, #tpu.memory_space<semaphore_mem>>)
      %mul3A_753 = arith.constant 4 : i32
      %mul3A_754 = arith.muli %add3A_710, %mul3A_753 : i32
      %add3A_755 = arith.constant 2 : i32
      %add3A_756 = arith.addi %mul3A_754, %add3A_755 : i32
      %dma_start3A_757 = arith.constant 0 : i32
      %dma_start3A_758 = arith.constant 2 : i32
      %dma_start3A_759 = arith.constant 0 : i32
      %dma_start3A_760 = arith.constant 0 : i32
      %dma_start3A_761 = arith.constant 0 : i32
      %dma_start3A_762 = tpu.memref_slice %arg8[%dma_start3A_757, %dma_start3A_759, %dma_start3A_760, %dma_start3A_761] : memref<3x4x100x64xf32, #tpu.memory_space<vmem>> -> memref<1x4x100x64xf32, #tpu.memory_space<vmem>>
      %dma_start3A_763 = tpu.memref_squeeze %dma_start3A_762 : memref<1x4x100x64xf32, #tpu.memory_space<vmem>> -> memref<4x100x64xf32, #tpu.memory_space<vmem>>
      %dma_start3A_764 = arith.constant 0 : i32
      %dma_start3A_765 = arith.constant 0 : i32
      %dma_start3A_766 = tpu.memref_slice %dma_start3A_763[%dma_start3A_758, %dma_start3A_764, %dma_start3A_765] : memref<4x100x64xf32, #tpu.memory_space<vmem>> -> memref<1x100x64xf32, #tpu.memory_space<vmem>>
      %dma_start3A_767 = tpu.memref_squeeze %dma_start3A_766 : memref<1x100x64xf32, #tpu.memory_space<vmem>> -> memref<100x64xf32, #tpu.memory_space<vmem>>
      %dma_start3A_768 = arith.constant 0 : i32
      %dma_start3A_769 = tpu.memref_slice %arg6[%add3A_756, %dma_start3A_768] : memref<256x100xi32, #tpu.memory_space<vmem>> -> memref<1x100xi32, #tpu.memory_space<vmem>>
      %dma_start3A_770 = tpu.memref_squeeze %dma_start3A_769 : memref<1x100xi32, #tpu.memory_space<vmem>> -> memref<100xi32, #tpu.memory_space<vmem>>
      %dma_start3A_771 = arith.constant 0 : i32
      %dma_start3A_772 = arith.constant 0 : i32
      %dma_start3A_773 = tpu.memref_slice %arg3[%dma_start3A_771, %dma_start3A_772] : memref<1000000x64xf32, #tpu.memory_space<hbm>> -> memref<1000000x64xf32, #tpu.memory_space<hbm>>
      tpu.enqueue_indirect_dma source(%dma_start3A_773 : memref<1000000x64xf32, #tpu.memory_space<hbm>>) target(%dma_start3A_767 : memref<100x64xf32, #tpu.memory_space<vmem>>) offsets(%dma_start3A_770 : memref<100xi32, #tpu.memory_space<vmem>>) semaphore(%arg9 : memref<!tpu.dma_semaphore, #tpu.memory_space<semaphore_mem>>)
      %mul3A_774 = arith.constant 4 : i32
      %mul3A_775 = arith.muli %add3A_710, %mul3A_774 : i32
      %add3A_776 = arith.constant 3 : i32
      %add3A_777 = arith.addi %mul3A_775, %add3A_776 : i32
      %dma_start3A_778 = arith.constant 0 : i32
      %dma_start3A_779 = arith.constant 3 : i32
      %dma_start3A_780 = arith.constant 0 : i32
      %dma_start3A_781 = arith.constant 0 : i32
      %dma_start3A_782 = arith.constant 0 : i32
      %dma_start3A_783 = tpu.memref_slice %arg8[%dma_start3A_778, %dma_start3A_780, %dma_start3A_781, %dma_start3A_782] : memref<3x4x100x64xf32, #tpu.memory_space<vmem>> -> memref<1x4x100x64xf32, #tpu.memory_space<vmem>>
      %dma_start3A_784 = tpu.memref_squeeze %dma_start3A_783 : memref<1x4x100x64xf32, #tpu.memory_space<vmem>> -> memref<4x100x64xf32, #tpu.memory_space<vmem>>
      %dma_start3A_785 = arith.constant 0 : i32
      %dma_start3A_786 = arith.constant 0 : i32
      %dma_start3A_787 = tpu.memref_slice %dma_start3A_784[%dma_start3A_779, %dma_start3A_785, %dma_start3A_786] : memref<4x100x64xf32, #tpu.memory_space<vmem>> -> memref<1x100x64xf32, #tpu.memory_space<vmem>>
      %dma_start3A_788 = tpu.memref_squeeze %dma_start3A_787 : memref<1x100x64xf32, #tpu.memory_space<vmem>> -> memref<100x64xf32, #tpu.memory_space<vmem>>
      %dma_start3A_789 = arith.constant 0 : i32
      %dma_start3A_790 = tpu.memref_slice %arg6[%add3A_777, %dma_start3A_789] : memref<256x100xi32, #tpu.memory_space<vmem>> -> memref<1x100xi32, #tpu.memory_space<vmem>>
      %dma_start3A_791 = tpu.memref_squeeze %dma_start3A_790 : memref<1x100xi32, #tpu.memory_space<vmem>> -> memref<100xi32, #tpu.memory_space<vmem>>
      %dma_start3A_792 = arith.constant 0 : i32
      %dma_start3A_793 = arith.constant 0 : i32
      %dma_start3A_794 = tpu.memref_slice %arg3[%dma_start3A_792, %dma_start3A_793] : memref<1000000x64xf32, #tpu.memory_space<hbm>> -> memref<1000000x64xf32, #tpu.memory_space<hbm>>
      tpu.enqueue_indirect_dma source(%dma_start3A_794 : memref<1000000x64xf32, #tpu.memory_space<hbm>>) target(%dma_start3A_788 : memref<100x64xf32, #tpu.memory_space<vmem>>) offsets(%dma_start3A_791 : memref<100xi32, #tpu.memory_space<vmem>>) semaphore(%arg9 : memref<!tpu.dma_semaphore, #tpu.memory_space<semaphore_mem>>)
      %scan3A_795 = arith.constant 0 : i32
      %scan3A_796 = arith.constant 0 : i32
      %scan3A_797 = arith.constant 100 : i32
      %scan3A_798 = arith.addi %scan3A_796, %scan3A_797 : i32
      %scan3A_799 = arith.constant 1 : i32
      scf.for %scan3A_1197 = %scan3A_796 to %scan3A_798 step %scan3A_799  : i32 {
        %get3A = arith.constant 1 : i32
        %get3A_1198 = arith.constant 0 : i32
        %get3A_1199 = arith.index_cast %get3A : i32 to index
        %get3A_1200 = arith.index_cast %get3A_1198 : i32 to index
        %get3A_1201 = arith.index_cast %scan3A_1197 : i32 to index
        %get3A_1202 = arith.constant 0 : index
        %get3A_1203 = tpu.vector_load %arg8[%get3A_1199, %get3A_1200, %get3A_1201, %get3A_1202] {strides = array<i32>} : memref<3x4x100x64xf32, #tpu.memory_space<vmem>>, vector<1x1x1x16xf32>,
        %get3A_1204 = vector.shape_cast %get3A_1203 : vector<1x1x1x16xf32> to vector<16xf32>
        %get3A_1205 = arith.constant 0 : i32
        %get3A_1206 = arith.index_cast %get3A_1205 : i32 to index
        %get3A_1207 = arith.index_cast %scan3A_1197 : i32 to index
        %get3A_1208 = arith.constant 0 : index
        %get3A_1209 = tpu.vector_load %arg7[%get3A_1206, %get3A_1207, %get3A_1208] {strides = array<i32>} : memref<2x100x64xf32, #tpu.memory_space<vmem>>, vector<1x1x16xf32>,
        %get3A_1210 = vector.shape_cast %get3A_1209 : vector<1x1x16xf32> to vector<16xf32>
        %add3A_1211 = arith.addf %get3A_1204, %get3A_1210 : vector<16xf32>
        %swap3A = arith.constant 1 : i32
        %swap3A_1212 = arith.constant 0 : i32
        %swap3A_1213 = arith.index_cast %swap3A : i32 to index
        %swap3A_1214 = arith.index_cast %swap3A_1212 : i32 to index
        %swap3A_1215 = arith.index_cast %scan3A_1197 : i32 to index
        %swap3A_1216 = arith.constant 0 : index
        %swap3A_1217 = tpu.vector_load %arg8[%swap3A_1213, %swap3A_1214, %swap3A_1215, %swap3A_1216] {strides = array<i32>} : memref<3x4x100x64xf32, #tpu.memory_space<vmem>>, vector<1x1x1x16xf32>,
        %swap3A_1218 = vector.shape_cast %swap3A_1217 : vector<1x1x1x16xf32> to vector<16xf32>
        %swap3A_1219 = vector.shape_cast %add3A_1211 : vector<16xf32> to vector<1x1x1x16xf32>
        tpu.vector_store %arg8[%swap3A_1213, %swap3A_1214, %swap3A_1215, %swap3A_1216], %swap3A_1219 {strides = array<i32>} : memref<3x4x100x64xf32, #tpu.memory_space<vmem>>, vector<1x1x1x16xf32>,
        %get3A_1220 = arith.constant 1 : i32
        %get3A_1221 = arith.constant 0 : i32
        %get3A_1222 = arith.index_cast %get3A_1220 : i32 to index
        %get3A_1223 = arith.index_cast %get3A_1221 : i32 to index
        %get3A_1224 = arith.index_cast %scan3A_1197 : i32 to index
        %get3A_1225 = arith.constant 16 : index
        %get3A_1226 = tpu.vector_load %arg8[%get3A_1222, %get3A_1223, %get3A_1224, %get3A_1225] {strides = array<i32>} : memref<3x4x100x64xf32, #tpu.memory_space<vmem>>, vector<1x1x1x16xf32>,
        %get3A_1227 = vector.shape_cast %get3A_1226 : vector<1x1x1x16xf32> to vector<16xf32>
        %get3A_1228 = arith.constant 0 : i32
        %get3A_1229 = arith.index_cast %get3A_1228 : i32 to index
        %get3A_1230 = arith.index_cast %scan3A_1197 : i32 to index
        %get3A_1231 = arith.constant 16 : index
        %get3A_1232 = tpu.vector_load %arg7[%get3A_1229, %get3A_1230, %get3A_1231] {strides = array<i32>} : memref<2x100x64xf32, #tpu.memory_space<vmem>>, vector<1x1x16xf32>,
        %get3A_1233 = vector.shape_cast %get3A_1232 : vector<1x1x16xf32> to vector<16xf32>
        %add3A_1234 = arith.addf %get3A_1227, %get3A_1233 : vector<16xf32>
        %swap3A_1235 = arith.constant 1 : i32
        %swap3A_1236 = arith.constant 0 : i32
        %swap3A_1237 = arith.index_cast %swap3A_1235 : i32 to index
        %swap3A_1238 = arith.index_cast %swap3A_1236 : i32 to index
        %swap3A_1239 = arith.index_cast %scan3A_1197 : i32 to index
        %swap3A_1240 = arith.constant 16 : index
        %swap3A_1241 = tpu.vector_load %arg8[%swap3A_1237, %swap3A_1238, %swap3A_1239, %swap3A_1240] {strides = array<i32>} : memref<3x4x100x64xf32, #tpu.memory_space<vmem>>, vector<1x1x1x16xf32>,
        %swap3A_1242 = vector.shape_cast %swap3A_1241 : vector<1x1x1x16xf32> to vector<16xf32>
        %swap3A_1243 = vector.shape_cast %add3A_1234 : vector<16xf32> to vector<1x1x1x16xf32>
        tpu.vector_store %arg8[%swap3A_1237, %swap3A_1238, %swap3A_1239, %swap3A_1240], %swap3A_1243 {strides = array<i32>} : memref<3x4x100x64xf32, #tpu.memory_space<vmem>>, vector<1x1x1x16xf32>,
        %get3A_1244 = arith.constant 1 : i32
        %get3A_1245 = arith.constant 0 : i32
        %get3A_1246 = arith.index_cast %get3A_1244 : i32 to index
        %get3A_1247 = arith.index_cast %get3A_1245 : i32 to index
        %get3A_1248 = arith.index_cast %scan3A_1197 : i32 to index
        %get3A_1249 = arith.constant 32 : index
        %get3A_1250 = tpu.vector_load %arg8[%get3A_1246, %get3A_1247, %get3A_1248, %get3A_1249] {strides = array<i32>} : memref<3x4x100x64xf32, #tpu.memory_space<vmem>>, vector<1x1x1x16xf32>,
        %get3A_1251 = vector.shape_cast %get3A_1250 : vector<1x1x1x16xf32> to vector<16xf32>
        %get3A_1252 = arith.constant 0 : i32
        %get3A_1253 = arith.index_cast %get3A_1252 : i32 to index
        %get3A_1254 = arith.index_cast %scan3A_1197 : i32 to index
        %get3A_1255 = arith.constant 32 : index
        %get3A_1256 = tpu.vector_load %arg7[%get3A_1253, %get3A_1254, %get3A_1255] {strides = array<i32>} : memref<2x100x64xf32, #tpu.memory_space<vmem>>, vector<1x1x16xf32>,
        %get3A_1257 = vector.shape_cast %get3A_1256 : vector<1x1x16xf32> to vector<16xf32>
        %add3A_1258 = arith.addf %get3A_1251, %get3A_1257 : vector<16xf32>
        %swap3A_1259 = arith.constant 1 : i32
        %swap3A_1260 = arith.constant 0 : i32
        %swap3A_1261 = arith.index_cast %swap3A_1259 : i32 to index
        %swap3A_1262 = arith.index_cast %swap3A_1260 : i32 to index
        %swap3A_1263 = arith.index_cast %scan3A_1197 : i32 to index
        %swap3A_1264 = arith.constant 32 : index
        %swap3A_1265 = tpu.vector_load %arg8[%swap3A_1261, %swap3A_1262, %swap3A_1263, %swap3A_1264] {strides = array<i32>} : memref<3x4x100x64xf32, #tpu.memory_space<vmem>>, vector<1x1x1x16xf32>,
        %swap3A_1266 = vector.shape_cast %swap3A_1265 : vector<1x1x1x16xf32> to vector<16xf32>
        %swap3A_1267 = vector.shape_cast %add3A_1258 : vector<16xf32> to vector<1x1x1x16xf32>
        tpu.vector_store %arg8[%swap3A_1261, %swap3A_1262, %swap3A_1263, %swap3A_1264], %swap3A_1267 {strides = array<i32>} : memref<3x4x100x64xf32, #tpu.memory_space<vmem>>, vector<1x1x1x16xf32>,
        %get3A_1268 = arith.constant 1 : i32
        %get3A_1269 = arith.constant 0 : i32
        %get3A_1270 = arith.index_cast %get3A_1268 : i32 to index
        %get3A_1271 = arith.index_cast %get3A_1269 : i32 to index
        %get3A_1272 = arith.index_cast %scan3A_1197 : i32 to index
        %get3A_1273 = arith.constant 48 : index
        %get3A_1274 = tpu.vector_load %arg8[%get3A_1270, %get3A_1271, %get3A_1272, %get3A_1273] {strides = array<i32>} : memref<3x4x100x64xf32, #tpu.memory_space<vmem>>, vector<1x1x1x16xf32>,
        %get3A_1275 = vector.shape_cast %get3A_1274 : vector<1x1x1x16xf32> to vector<16xf32>
        %get3A_1276 = arith.constant 0 : i32
        %get3A_1277 = arith.index_cast %get3A_1276 : i32 to index
        %get3A_1278 = arith.index_cast %scan3A_1197 : i32 to index
        %get3A_1279 = arith.constant 48 : index
        %get3A_1280 = tpu.vector_load %arg7[%get3A_1277, %get3A_1278, %get3A_1279] {strides = array<i32>} : memref<2x100x64xf32, #tpu.memory_space<vmem>>, vector<1x1x16xf32>,
        %get3A_1281 = vector.shape_cast %get3A_1280 : vector<1x1x16xf32> to vector<16xf32>
        %add3A_1282 = arith.addf %get3A_1275, %get3A_1281 : vector<16xf32>
        %swap3A_1283 = arith.constant 1 : i32
        %swap3A_1284 = arith.constant 0 : i32
        %swap3A_1285 = arith.index_cast %swap3A_1283 : i32 to index
        %swap3A_1286 = arith.index_cast %swap3A_1284 : i32 to index
        %swap3A_1287 = arith.index_cast %scan3A_1197 : i32 to index
        %swap3A_1288 = arith.constant 48 : index
        %swap3A_1289 = tpu.vector_load %arg8[%swap3A_1285, %swap3A_1286, %swap3A_1287, %swap3A_1288] {strides = array<i32>} : memref<3x4x100x64xf32, #tpu.memory_space<vmem>>, vector<1x1x1x16xf32>,
        %swap3A_1290 = vector.shape_cast %swap3A_1289 : vector<1x1x1x16xf32> to vector<16xf32>
        %swap3A_1291 = vector.shape_cast %add3A_1282 : vector<16xf32> to vector<1x1x1x16xf32>
        tpu.vector_store %arg8[%swap3A_1285, %swap3A_1286, %swap3A_1287, %swap3A_1288], %swap3A_1291 {strides = array<i32>} : memref<3x4x100x64xf32, #tpu.memory_space<vmem>>, vector<1x1x1x16xf32>,
      }
      %scan3A_800 = arith.constant 100 : i32
      %scan3A_801 = arith.constant 0 : i32
      %scan3A_802 = arith.constant 0 : i32
      %scan3A_803 = arith.constant 100 : i32
      %scan3A_804 = arith.addi %scan3A_802, %scan3A_803 : i32
      %scan3A_805 = arith.constant 1 : i32
      scf.for %scan3A_1197 = %scan3A_802 to %scan3A_804 step %scan3A_805  : i32 {
        %get3A = arith.constant 1 : i32
        %get3A_1198 = arith.constant 1 : i32
        %get3A_1199 = arith.index_cast %get3A : i32 to index
        %get3A_1200 = arith.index_cast %get3A_1198 : i32 to index
        %get3A_1201 = arith.index_cast %scan3A_1197 : i32 to index
        %get3A_1202 = arith.constant 0 : index
        %get3A_1203 = tpu.vector_load %arg8[%get3A_1199, %get3A_1200, %get3A_1201, %get3A_1202] {strides = array<i32>} : memref<3x4x100x64xf32, #tpu.memory_space<vmem>>, vector<1x1x1x16xf32>,
        %get3A_1204 = vector.shape_cast %get3A_1203 : vector<1x1x1x16xf32> to vector<16xf32>
        %get3A_1205 = arith.constant 1 : i32
        %get3A_1206 = arith.index_cast %get3A_1205 : i32 to index
        %get3A_1207 = arith.index_cast %scan3A_1197 : i32 to index
        %get3A_1208 = arith.constant 0 : index
        %get3A_1209 = tpu.vector_load %arg7[%get3A_1206, %get3A_1207, %get3A_1208] {strides = array<i32>} : memref<2x100x64xf32, #tpu.memory_space<vmem>>, vector<1x1x16xf32>,
        %get3A_1210 = vector.shape_cast %get3A_1209 : vector<1x1x16xf32> to vector<16xf32>
        %add3A_1211 = arith.addf %get3A_1204, %get3A_1210 : vector<16xf32>
        %swap3A = arith.constant 1 : i32
        %swap3A_1212 = arith.constant 1 : i32
        %swap3A_1213 = arith.index_cast %swap3A : i32 to index
        %swap3A_1214 = arith.index_cast %swap3A_1212 : i32 to index
        %swap3A_1215 = arith.index_cast %scan3A_1197 : i32 to index
        %swap3A_1216 = arith.constant 0 : index
        %swap3A_1217 = tpu.vector_load %arg8[%swap3A_1213, %swap3A_1214, %swap3A_1215, %swap3A_1216] {strides = array<i32>} : memref<3x4x100x64xf32, #tpu.memory_space<vmem>>, vector<1x1x1x16xf32>,
        %swap3A_1218 = vector.shape_cast %swap3A_1217 : vector<1x1x1x16xf32> to vector<16xf32>
        %swap3A_1219 = vector.shape_cast %add3A_1211 : vector<16xf32> to vector<1x1x1x16xf32>
        tpu.vector_store %arg8[%swap3A_1213, %swap3A_1214, %swap3A_1215, %swap3A_1216], %swap3A_1219 {strides = array<i32>} : memref<3x4x100x64xf32, #tpu.memory_space<vmem>>, vector<1x1x1x16xf32>,
        %get3A_1220 = arith.constant 1 : i32
        %get3A_1221 = arith.constant 1 : i32
        %get3A_1222 = arith.index_cast %get3A_1220 : i32 to index
        %get3A_1223 = arith.index_cast %get3A_1221 : i32 to index
        %get3A_1224 = arith.index_cast %scan3A_1197 : i32 to index
        %get3A_1225 = arith.constant 16 : index
        %get3A_1226 = tpu.vector_load %arg8[%get3A_1222, %get3A_1223, %get3A_1224, %get3A_1225] {strides = array<i32>} : memref<3x4x100x64xf32, #tpu.memory_space<vmem>>, vector<1x1x1x16xf32>,
        %get3A_1227 = vector.shape_cast %get3A_1226 : vector<1x1x1x16xf32> to vector<16xf32>
        %get3A_1228 = arith.constant 1 : i32
        %get3A_1229 = arith.index_cast %get3A_1228 : i32 to index
        %get3A_1230 = arith.index_cast %scan3A_1197 : i32 to index
        %get3A_1231 = arith.constant 16 : index
        %get3A_1232 = tpu.vector_load %arg7[%get3A_1229, %get3A_1230, %get3A_1231] {strides = array<i32>} : memref<2x100x64xf32, #tpu.memory_space<vmem>>, vector<1x1x16xf32>,
        %get3A_1233 = vector.shape_cast %get3A_1232 : vector<1x1x16xf32> to vector<16xf32>
        %add3A_1234 = arith.addf %get3A_1227, %get3A_1233 : vector<16xf32>
        %swap3A_1235 = arith.constant 1 : i32
        %swap3A_1236 = arith.constant 1 : i32
        %swap3A_1237 = arith.index_cast %swap3A_1235 : i32 to index
        %swap3A_1238 = arith.index_cast %swap3A_1236 : i32 to index
        %swap3A_1239 = arith.index_cast %scan3A_1197 : i32 to index
        %swap3A_1240 = arith.constant 16 : index
        %swap3A_1241 = tpu.vector_load %arg8[%swap3A_1237, %swap3A_1238, %swap3A_1239, %swap3A_1240] {strides = array<i32>} : memref<3x4x100x64xf32, #tpu.memory_space<vmem>>, vector<1x1x1x16xf32>,
        %swap3A_1242 = vector.shape_cast %swap3A_1241 : vector<1x1x1x16xf32> to vector<16xf32>
        %swap3A_1243 = vector.shape_cast %add3A_1234 : vector<16xf32> to vector<1x1x1x16xf32>
        tpu.vector_store %arg8[%swap3A_1237, %swap3A_1238, %swap3A_1239, %swap3A_1240], %swap3A_1243 {strides = array<i32>} : memref<3x4x100x64xf32, #tpu.memory_space<vmem>>, vector<1x1x1x16xf32>,
        %get3A_1244 = arith.constant 1 : i32
        %get3A_1245 = arith.constant 1 : i32
        %get3A_1246 = arith.index_cast %get3A_1244 : i32 to index
        %get3A_1247 = arith.index_cast %get3A_1245 : i32 to index
        %get3A_1248 = arith.index_cast %scan3A_1197 : i32 to index
        %get3A_1249 = arith.constant 32 : index
        %get3A_1250 = tpu.vector_load %arg8[%get3A_1246, %get3A_1247, %get3A_1248, %get3A_1249] {strides = array<i32>} : memref<3x4x100x64xf32, #tpu.memory_space<vmem>>, vector<1x1x1x16xf32>,
        %get3A_1251 = vector.shape_cast %get3A_1250 : vector<1x1x1x16xf32> to vector<16xf32>
        %get3A_1252 = arith.constant 1 : i32
        %get3A_1253 = arith.index_cast %get3A_1252 : i32 to index
        %get3A_1254 = arith.index_cast %scan3A_1197 : i32 to index
        %get3A_1255 = arith.constant 32 : index
        %get3A_1256 = tpu.vector_load %arg7[%get3A_1253, %get3A_1254, %get3A_1255] {strides = array<i32>} : memref<2x100x64xf32, #tpu.memory_space<vmem>>, vector<1x1x16xf32>,
        %get3A_1257 = vector.shape_cast %get3A_1256 : vector<1x1x16xf32> to vector<16xf32>
        %add3A_1258 = arith.addf %get3A_1251, %get3A_1257 : vector<16xf32>
        %swap3A_1259 = arith.constant 1 : i32
        %swap3A_1260 = arith.constant 1 : i32
        %swap3A_1261 = arith.index_cast %swap3A_1259 : i32 to index
        %swap3A_1262 = arith.index_cast %swap3A_1260 : i32 to index
        %swap3A_1263 = arith.index_cast %scan3A_1197 : i32 to index
        %swap3A_1264 = arith.constant 32 : index
        %swap3A_1265 = tpu.vector_load %arg8[%swap3A_1261, %swap3A_1262, %swap3A_1263, %swap3A_1264] {strides = array<i32>} : memref<3x4x100x64xf32, #tpu.memory_space<vmem>>, vector<1x1x1x16xf32>,
        %swap3A_1266 = vector.shape_cast %swap3A_1265 : vector<1x1x1x16xf32> to vector<16xf32>
        %swap3A_1267 = vector.shape_cast %add3A_1258 : vector<16xf32> to vector<1x1x1x16xf32>
        tpu.vector_store %arg8[%swap3A_1261, %swap3A_1262, %swap3A_1263, %swap3A_1264], %swap3A_1267 {strides = array<i32>} : memref<3x4x100x64xf32, #tpu.memory_space<vmem>>, vector<1x1x1x16xf32>,
        %get3A_1268 = arith.constant 1 : i32
        %get3A_1269 = arith.constant 1 : i32
        %get3A_1270 = arith.index_cast %get3A_1268 : i32 to index
        %get3A_1271 = arith.index_cast %get3A_1269 : i32 to index
        %get3A_1272 = arith.index_cast %scan3A_1197 : i32 to index
        %get3A_1273 = arith.constant 48 : index
        %get3A_1274 = tpu.vector_load %arg8[%get3A_1270, %get3A_1271, %get3A_1272, %get3A_1273] {strides = array<i32>} : memref<3x4x100x64xf32, #tpu.memory_space<vmem>>, vector<1x1x1x16xf32>,
        %get3A_1275 = vector.shape_cast %get3A_1274 : vector<1x1x1x16xf32> to vector<16xf32>
        %get3A_1276 = arith.constant 1 : i32
        %get3A_1277 = arith.index_cast %get3A_1276 : i32 to index
        %get3A_1278 = arith.index_cast %scan3A_1197 : i32 to index
        %get3A_1279 = arith.constant 48 : index
        %get3A_1280 = tpu.vector_load %arg7[%get3A_1277, %get3A_1278, %get3A_1279] {strides = array<i32>} : memref<2x100x64xf32, #tpu.memory_space<vmem>>, vector<1x1x16xf32>,
        %get3A_1281 = vector.shape_cast %get3A_1280 : vector<1x1x16xf32> to vector<16xf32>
        %add3A_1282 = arith.addf %get3A_1275, %get3A_1281 : vector<16xf32>
        %swap3A_1283 = arith.constant 1 : i32
        %swap3A_1284 = arith.constant 1 : i32
        %swap3A_1285 = arith.index_cast %swap3A_1283 : i32 to index
        %swap3A_1286 = arith.index_cast %swap3A_1284 : i32 to index
        %swap3A_1287 = arith.index_cast %scan3A_1197 : i32 to index
        %swap3A_1288 = arith.constant 48 : index
        %swap3A_1289 = tpu.vector_load %arg8[%swap3A_1285, %swap3A_1286, %swap3A_1287, %swap3A_1288] {strides = array<i32>} : memref<3x4x100x64xf32, #tpu.memory_space<vmem>>, vector<1x1x1x16xf32>,
        %swap3A_1290 = vector.shape_cast %swap3A_1289 : vector<1x1x1x16xf32> to vector<16xf32>
        %swap3A_1291 = vector.shape_cast %add3A_1282 : vector<16xf32> to vector<1x1x1x16xf32>
        tpu.vector_store %arg8[%swap3A_1285, %swap3A_1286, %swap3A_1287, %swap3A_1288], %swap3A_1291 {strides = array<i32>} : memref<3x4x100x64xf32, #tpu.memory_space<vmem>>, vector<1x1x1x16xf32>,
      }
      %scan3A_806 = arith.constant 100 : i32
      %scan3A_807 = arith.constant 0 : i32
      %scan3A_808 = arith.constant 0 : i32
      %scan3A_809 = arith.constant 100 : i32
      %scan3A_810 = arith.addi %scan3A_808, %scan3A_809 : i32
      %scan3A_811 = arith.constant 1 : i32
      scf.for %scan3A_1197 = %scan3A_808 to %scan3A_810 step %scan3A_811  : i32 {
        %get3A = arith.constant 1 : i32
        %get3A_1198 = arith.constant 2 : i32
        %get3A_1199 = arith.index_cast %get3A : i32 to index
        %get3A_1200 = arith.index_cast %get3A_1198 : i32 to index
        %get3A_1201 = arith.index_cast %scan3A_1197 : i32 to index
        %get3A_1202 = arith.constant 0 : index
        %get3A_1203 = tpu.vector_load %arg8[%get3A_1199, %get3A_1200, %get3A_1201, %get3A_1202] {strides = array<i32>} : memref<3x4x100x64xf32, #tpu.memory_space<vmem>>, vector<1x1x1x16xf32>,
        %get3A_1204 = vector.shape_cast %get3A_1203 : vector<1x1x1x16xf32> to vector<16xf32>
        %get3A_1205 = arith.constant 0 : i32
        %get3A_1206 = arith.index_cast %get3A_1205 : i32 to index
        %get3A_1207 = arith.index_cast %scan3A_1197 : i32 to index
        %get3A_1208 = arith.constant 0 : index
        %get3A_1209 = tpu.vector_load %arg7[%get3A_1206, %get3A_1207, %get3A_1208] {strides = array<i32>} : memref<2x100x64xf32, #tpu.memory_space<vmem>>, vector<1x1x16xf32>,
        %get3A_1210 = vector.shape_cast %get3A_1209 : vector<1x1x16xf32> to vector<16xf32>
        %add3A_1211 = arith.addf %get3A_1204, %get3A_1210 : vector<16xf32>
        %swap3A = arith.constant 1 : i32
        %swap3A_1212 = arith.constant 2 : i32
        %swap3A_1213 = arith.index_cast %swap3A : i32 to index
        %swap3A_1214 = arith.index_cast %swap3A_1212 : i32 to index
        %swap3A_1215 = arith.index_cast %scan3A_1197 : i32 to index
        %swap3A_1216 = arith.constant 0 : index
        %swap3A_1217 = tpu.vector_load %arg8[%swap3A_1213, %swap3A_1214, %swap3A_1215, %swap3A_1216] {strides = array<i32>} : memref<3x4x100x64xf32, #tpu.memory_space<vmem>>, vector<1x1x1x16xf32>,
        %swap3A_1218 = vector.shape_cast %swap3A_1217 : vector<1x1x1x16xf32> to vector<16xf32>
        %swap3A_1219 = vector.shape_cast %add3A_1211 : vector<16xf32> to vector<1x1x1x16xf32>
        tpu.vector_store %arg8[%swap3A_1213, %swap3A_1214, %swap3A_1215, %swap3A_1216], %swap3A_1219 {strides = array<i32>} : memref<3x4x100x64xf32, #tpu.memory_space<vmem>>, vector<1x1x1x16xf32>,
        %get3A_1220 = arith.constant 1 : i32
        %get3A_1221 = arith.constant 2 : i32
        %get3A_1222 = arith.index_cast %get3A_1220 : i32 to index
        %get3A_1223 = arith.index_cast %get3A_1221 : i32 to index
        %get3A_1224 = arith.index_cast %scan3A_1197 : i32 to index
        %get3A_1225 = arith.constant 16 : index
        %get3A_1226 = tpu.vector_load %arg8[%get3A_1222, %get3A_1223, %get3A_1224, %get3A_1225] {strides = array<i32>} : memref<3x4x100x64xf32, #tpu.memory_space<vmem>>, vector<1x1x1x16xf32>,
        %get3A_1227 = vector.shape_cast %get3A_1226 : vector<1x1x1x16xf32> to vector<16xf32>
        %get3A_1228 = arith.constant 0 : i32
        %get3A_1229 = arith.index_cast %get3A_1228 : i32 to index
        %get3A_1230 = arith.index_cast %scan3A_1197 : i32 to index
        %get3A_1231 = arith.constant 16 : index
        %get3A_1232 = tpu.vector_load %arg7[%get3A_1229, %get3A_1230, %get3A_1231] {strides = array<i32>} : memref<2x100x64xf32, #tpu.memory_space<vmem>>, vector<1x1x16xf32>,
        %get3A_1233 = vector.shape_cast %get3A_1232 : vector<1x1x16xf32> to vector<16xf32>
        %add3A_1234 = arith.addf %get3A_1227, %get3A_1233 : vector<16xf32>
        %swap3A_1235 = arith.constant 1 : i32
        %swap3A_1236 = arith.constant 2 : i32
        %swap3A_1237 = arith.index_cast %swap3A_1235 : i32 to index
        %swap3A_1238 = arith.index_cast %swap3A_1236 : i32 to index
        %swap3A_1239 = arith.index_cast %scan3A_1197 : i32 to index
        %swap3A_1240 = arith.constant 16 : index
        %swap3A_1241 = tpu.vector_load %arg8[%swap3A_1237, %swap3A_1238, %swap3A_1239, %swap3A_1240] {strides = array<i32>} : memref<3x4x100x64xf32, #tpu.memory_space<vmem>>, vector<1x1x1x16xf32>,
        %swap3A_1242 = vector.shape_cast %swap3A_1241 : vector<1x1x1x16xf32> to vector<16xf32>
        %swap3A_1243 = vector.shape_cast %add3A_1234 : vector<16xf32> to vector<1x1x1x16xf32>
        tpu.vector_store %arg8[%swap3A_1237, %swap3A_1238, %swap3A_1239, %swap3A_1240], %swap3A_1243 {strides = array<i32>} : memref<3x4x100x64xf32, #tpu.memory_space<vmem>>, vector<1x1x1x16xf32>,
        %get3A_1244 = arith.constant 1 : i32
        %get3A_1245 = arith.constant 2 : i32
        %get3A_1246 = arith.index_cast %get3A_1244 : i32 to index
        %get3A_1247 = arith.index_cast %get3A_1245 : i32 to index
        %get3A_1248 = arith.index_cast %scan3A_1197 : i32 to index
        %get3A_1249 = arith.constant 32 : index
        %get3A_1250 = tpu.vector_load %arg8[%get3A_1246, %get3A_1247, %get3A_1248, %get3A_1249] {strides = array<i32>} : memref<3x4x100x64xf32, #tpu.memory_space<vmem>>, vector<1x1x1x16xf32>,
        %get3A_1251 = vector.shape_cast %get3A_1250 : vector<1x1x1x16xf32> to vector<16xf32>
        %get3A_1252 = arith.constant 0 : i32
        %get3A_1253 = arith.index_cast %get3A_1252 : i32 to index
        %get3A_1254 = arith.index_cast %scan3A_1197 : i32 to index
        %get3A_1255 = arith.constant 32 : index
        %get3A_1256 = tpu.vector_load %arg7[%get3A_1253, %get3A_1254, %get3A_1255] {strides = array<i32>} : memref<2x100x64xf32, #tpu.memory_space<vmem>>, vector<1x1x16xf32>,
        %get3A_1257 = vector.shape_cast %get3A_1256 : vector<1x1x16xf32> to vector<16xf32>
        %add3A_1258 = arith.addf %get3A_1251, %get3A_1257 : vector<16xf32>
        %swap3A_1259 = arith.constant 1 : i32
        %swap3A_1260 = arith.constant 2 : i32
        %swap3A_1261 = arith.index_cast %swap3A_1259 : i32 to index
        %swap3A_1262 = arith.index_cast %swap3A_1260 : i32 to index
        %swap3A_1263 = arith.index_cast %scan3A_1197 : i32 to index
        %swap3A_1264 = arith.constant 32 : index
        %swap3A_1265 = tpu.vector_load %arg8[%swap3A_1261, %swap3A_1262, %swap3A_1263, %swap3A_1264] {strides = array<i32>} : memref<3x4x100x64xf32, #tpu.memory_space<vmem>>, vector<1x1x1x16xf32>,
        %swap3A_1266 = vector.shape_cast %swap3A_1265 : vector<1x1x1x16xf32> to vector<16xf32>
        %swap3A_1267 = vector.shape_cast %add3A_1258 : vector<16xf32> to vector<1x1x1x16xf32>
        tpu.vector_store %arg8[%swap3A_1261, %swap3A_1262, %swap3A_1263, %swap3A_1264], %swap3A_1267 {strides = array<i32>} : memref<3x4x100x64xf32, #tpu.memory_space<vmem>>, vector<1x1x1x16xf32>,
        %get3A_1268 = arith.constant 1 : i32
        %get3A_1269 = arith.constant 2 : i32
        %get3A_1270 = arith.index_cast %get3A_1268 : i32 to index
        %get3A_1271 = arith.index_cast %get3A_1269 : i32 to index
        %get3A_1272 = arith.index_cast %scan3A_1197 : i32 to index
        %get3A_1273 = arith.constant 48 : index
        %get3A_1274 = tpu.vector_load %arg8[%get3A_1270, %get3A_1271, %get3A_1272, %get3A_1273] {strides = array<i32>} : memref<3x4x100x64xf32, #tpu.memory_space<vmem>>, vector<1x1x1x16xf32>,
        %get3A_1275 = vector.shape_cast %get3A_1274 : vector<1x1x1x16xf32> to vector<16xf32>
        %get3A_1276 = arith.constant 0 : i32
        %get3A_1277 = arith.index_cast %get3A_1276 : i32 to index
        %get3A_1278 = arith.index_cast %scan3A_1197 : i32 to index
        %get3A_1279 = arith.constant 48 : index
        %get3A_1280 = tpu.vector_load %arg7[%get3A_1277, %get3A_1278, %get3A_1279] {strides = array<i32>} : memref<2x100x64xf32, #tpu.memory_space<vmem>>, vector<1x1x16xf32>,
        %get3A_1281 = vector.shape_cast %get3A_1280 : vector<1x1x16xf32> to vector<16xf32>
        %add3A_1282 = arith.addf %get3A_1275, %get3A_1281 : vector<16xf32>
        %swap3A_1283 = arith.constant 1 : i32
        %swap3A_1284 = arith.constant 2 : i32
        %swap3A_1285 = arith.index_cast %swap3A_1283 : i32 to index
        %swap3A_1286 = arith.index_cast %swap3A_1284 : i32 to index
        %swap3A_1287 = arith.index_cast %scan3A_1197 : i32 to index
        %swap3A_1288 = arith.constant 48 : index
        %swap3A_1289 = tpu.vector_load %arg8[%swap3A_1285, %swap3A_1286, %swap3A_1287, %swap3A_1288] {strides = array<i32>} : memref<3x4x100x64xf32, #tpu.memory_space<vmem>>, vector<1x1x1x16xf32>,
        %swap3A_1290 = vector.shape_cast %swap3A_1289 : vector<1x1x1x16xf32> to vector<16xf32>
        %swap3A_1291 = vector.shape_cast %add3A_1282 : vector<16xf32> to vector<1x1x1x16xf32>
        tpu.vector_store %arg8[%swap3A_1285, %swap3A_1286, %swap3A_1287, %swap3A_1288], %swap3A_1291 {strides = array<i32>} : memref<3x4x100x64xf32, #tpu.memory_space<vmem>>, vector<1x1x1x16xf32>,
      }
      %scan3A_812 = arith.constant 100 : i32
      %scan3A_813 = arith.constant 0 : i32
      %scan3A_814 = arith.constant 0 : i32
      %scan3A_815 = arith.constant 100 : i32
      %scan3A_816 = arith.addi %scan3A_814, %scan3A_815 : i32
      %scan3A_817 = arith.constant 1 : i32
      scf.for %scan3A_1197 = %scan3A_814 to %scan3A_816 step %scan3A_817  : i32 {
        %get3A = arith.constant 1 : i32
        %get3A_1198 = arith.constant 3 : i32
        %get3A_1199 = arith.index_cast %get3A : i32 to index
        %get3A_1200 = arith.index_cast %get3A_1198 : i32 to index
        %get3A_1201 = arith.index_cast %scan3A_1197 : i32 to index
        %get3A_1202 = arith.constant 0 : index
        %get3A_1203 = tpu.vector_load %arg8[%get3A_1199, %get3A_1200, %get3A_1201, %get3A_1202] {strides = array<i32>} : memref<3x4x100x64xf32, #tpu.memory_space<vmem>>, vector<1x1x1x16xf32>,
        %get3A_1204 = vector.shape_cast %get3A_1203 : vector<1x1x1x16xf32> to vector<16xf32>
        %get3A_1205 = arith.constant 1 : i32
        %get3A_1206 = arith.index_cast %get3A_1205 : i32 to index
        %get3A_1207 = arith.index_cast %scan3A_1197 : i32 to index
        %get3A_1208 = arith.constant 0 : index
        %get3A_1209 = tpu.vector_load %arg7[%get3A_1206, %get3A_1207, %get3A_1208] {strides = array<i32>} : memref<2x100x64xf32, #tpu.memory_space<vmem>>, vector<1x1x16xf32>,
        %get3A_1210 = vector.shape_cast %get3A_1209 : vector<1x1x16xf32> to vector<16xf32>
        %add3A_1211 = arith.addf %get3A_1204, %get3A_1210 : vector<16xf32>
        %swap3A = arith.constant 1 : i32
        %swap3A_1212 = arith.constant 3 : i32
        %swap3A_1213 = arith.index_cast %swap3A : i32 to index
        %swap3A_1214 = arith.index_cast %swap3A_1212 : i32 to index
        %swap3A_1215 = arith.index_cast %scan3A_1197 : i32 to index
        %swap3A_1216 = arith.constant 0 : index
        %swap3A_1217 = tpu.vector_load %arg8[%swap3A_1213, %swap3A_1214, %swap3A_1215, %swap3A_1216] {strides = array<i32>} : memref<3x4x100x64xf32, #tpu.memory_space<vmem>>, vector<1x1x1x16xf32>,
        %swap3A_1218 = vector.shape_cast %swap3A_1217 : vector<1x1x1x16xf32> to vector<16xf32>
        %swap3A_1219 = vector.shape_cast %add3A_1211 : vector<16xf32> to vector<1x1x1x16xf32>
        tpu.vector_store %arg8[%swap3A_1213, %swap3A_1214, %swap3A_1215, %swap3A_1216], %swap3A_1219 {strides = array<i32>} : memref<3x4x100x64xf32, #tpu.memory_space<vmem>>, vector<1x1x1x16xf32>,
        %get3A_1220 = arith.constant 1 : i32
        %get3A_1221 = arith.constant 3 : i32
        %get3A_1222 = arith.index_cast %get3A_1220 : i32 to index
        %get3A_1223 = arith.index_cast %get3A_1221 : i32 to index
        %get3A_1224 = arith.index_cast %scan3A_1197 : i32 to index
        %get3A_1225 = arith.constant 16 : index
        %get3A_1226 = tpu.vector_load %arg8[%get3A_1222, %get3A_1223, %get3A_1224, %get3A_1225] {strides = array<i32>} : memref<3x4x100x64xf32, #tpu.memory_space<vmem>>, vector<1x1x1x16xf32>,
        %get3A_1227 = vector.shape_cast %get3A_1226 : vector<1x1x1x16xf32> to vector<16xf32>
        %get3A_1228 = arith.constant 1 : i32
        %get3A_1229 = arith.index_cast %get3A_1228 : i32 to index
        %get3A_1230 = arith.index_cast %scan3A_1197 : i32 to index
        %get3A_1231 = arith.constant 16 : index
        %get3A_1232 = tpu.vector_load %arg7[%get3A_1229, %get3A_1230, %get3A_1231] {strides = array<i32>} : memref<2x100x64xf32, #tpu.memory_space<vmem>>, vector<1x1x16xf32>,
        %get3A_1233 = vector.shape_cast %get3A_1232 : vector<1x1x16xf32> to vector<16xf32>
        %add3A_1234 = arith.addf %get3A_1227, %get3A_1233 : vector<16xf32>
        %swap3A_1235 = arith.constant 1 : i32
        %swap3A_1236 = arith.constant 3 : i32
        %swap3A_1237 = arith.index_cast %swap3A_1235 : i32 to index
        %swap3A_1238 = arith.index_cast %swap3A_1236 : i32 to index
        %swap3A_1239 = arith.index_cast %scan3A_1197 : i32 to index
        %swap3A_1240 = arith.constant 16 : index
        %swap3A_1241 = tpu.vector_load %arg8[%swap3A_1237, %swap3A_1238, %swap3A_1239, %swap3A_1240] {strides = array<i32>} : memref<3x4x100x64xf32, #tpu.memory_space<vmem>>, vector<1x1x1x16xf32>,
        %swap3A_1242 = vector.shape_cast %swap3A_1241 : vector<1x1x1x16xf32> to vector<16xf32>
        %swap3A_1243 = vector.shape_cast %add3A_1234 : vector<16xf32> to vector<1x1x1x16xf32>
        tpu.vector_store %arg8[%swap3A_1237, %swap3A_1238, %swap3A_1239, %swap3A_1240], %swap3A_1243 {strides = array<i32>} : memref<3x4x100x64xf32, #tpu.memory_space<vmem>>, vector<1x1x1x16xf32>,
        %get3A_1244 = arith.constant 1 : i32
        %get3A_1245 = arith.constant 3 : i32
        %get3A_1246 = arith.index_cast %get3A_1244 : i32 to index
        %get3A_1247 = arith.index_cast %get3A_1245 : i32 to index
        %get3A_1248 = arith.index_cast %scan3A_1197 : i32 to index
        %get3A_1249 = arith.constant 32 : index
        %get3A_1250 = tpu.vector_load %arg8[%get3A_1246, %get3A_1247, %get3A_1248, %get3A_1249] {strides = array<i32>} : memref<3x4x100x64xf32, #tpu.memory_space<vmem>>, vector<1x1x1x16xf32>,
        %get3A_1251 = vector.shape_cast %get3A_1250 : vector<1x1x1x16xf32> to vector<16xf32>
        %get3A_1252 = arith.constant 1 : i32
        %get3A_1253 = arith.index_cast %get3A_1252 : i32 to index
        %get3A_1254 = arith.index_cast %scan3A_1197 : i32 to index
        %get3A_1255 = arith.constant 32 : index
        %get3A_1256 = tpu.vector_load %arg7[%get3A_1253, %get3A_1254, %get3A_1255] {strides = array<i32>} : memref<2x100x64xf32, #tpu.memory_space<vmem>>, vector<1x1x16xf32>,
        %get3A_1257 = vector.shape_cast %get3A_1256 : vector<1x1x16xf32> to vector<16xf32>
        %add3A_1258 = arith.addf %get3A_1251, %get3A_1257 : vector<16xf32>
        %swap3A_1259 = arith.constant 1 : i32
        %swap3A_1260 = arith.constant 3 : i32
        %swap3A_1261 = arith.index_cast %swap3A_1259 : i32 to index
        %swap3A_1262 = arith.index_cast %swap3A_1260 : i32 to index
        %swap3A_1263 = arith.index_cast %scan3A_1197 : i32 to index
        %swap3A_1264 = arith.constant 32 : index
        %swap3A_1265 = tpu.vector_load %arg8[%swap3A_1261, %swap3A_1262, %swap3A_1263, %swap3A_1264] {strides = array<i32>} : memref<3x4x100x64xf32, #tpu.memory_space<vmem>>, vector<1x1x1x16xf32>,
        %swap3A_1266 = vector.shape_cast %swap3A_1265 : vector<1x1x1x16xf32> to vector<16xf32>
        %swap3A_1267 = vector.shape_cast %add3A_1258 : vector<16xf32> to vector<1x1x1x16xf32>
        tpu.vector_store %arg8[%swap3A_1261, %swap3A_1262, %swap3A_1263, %swap3A_1264], %swap3A_1267 {strides = array<i32>} : memref<3x4x100x64xf32, #tpu.memory_space<vmem>>, vector<1x1x1x16xf32>,
        %get3A_1268 = arith.constant 1 : i32
        %get3A_1269 = arith.constant 3 : i32
        %get3A_1270 = arith.index_cast %get3A_1268 : i32 to index
        %get3A_1271 = arith.index_cast %get3A_1269 : i32 to index
        %get3A_1272 = arith.index_cast %scan3A_1197 : i32 to index
        %get3A_1273 = arith.constant 48 : index
        %get3A_1274 = tpu.vector_load %arg8[%get3A_1270, %get3A_1271, %get3A_1272, %get3A_1273] {strides = array<i32>} : memref<3x4x100x64xf32, #tpu.memory_space<vmem>>, vector<1x1x1x16xf32>,
        %get3A_1275 = vector.shape_cast %get3A_1274 : vector<1x1x1x16xf32> to vector<16xf32>
        %get3A_1276 = arith.constant 1 : i32
        %get3A_1277 = arith.index_cast %get3A_1276 : i32 to index
        %get3A_1278 = arith.index_cast %scan3A_1197 : i32 to index
        %get3A_1279 = arith.constant 48 : index
        %get3A_1280 = tpu.vector_load %arg7[%get3A_1277, %get3A_1278, %get3A_1279] {strides = array<i32>} : memref<2x100x64xf32, #tpu.memory_space<vmem>>, vector<1x1x16xf32>,
        %get3A_1281 = vector.shape_cast %get3A_1280 : vector<1x1x16xf32> to vector<16xf32>
        %add3A_1282 = arith.addf %get3A_1275, %get3A_1281 : vector<16xf32>
        %swap3A_1283 = arith.constant 1 : i32
        %swap3A_1284 = arith.constant 3 : i32
        %swap3A_1285 = arith.index_cast %swap3A_1283 : i32 to index
        %swap3A_1286 = arith.index_cast %swap3A_1284 : i32 to index
        %swap3A_1287 = arith.index_cast %scan3A_1197 : i32 to index
        %swap3A_1288 = arith.constant 48 : index
        %swap3A_1289 = tpu.vector_load %arg8[%swap3A_1285, %swap3A_1286, %swap3A_1287, %swap3A_1288] {strides = array<i32>} : memref<3x4x100x64xf32, #tpu.memory_space<vmem>>, vector<1x1x1x16xf32>,
        %swap3A_1290 = vector.shape_cast %swap3A_1289 : vector<1x1x1x16xf32> to vector<16xf32>
        %swap3A_1291 = vector.shape_cast %add3A_1282 : vector<16xf32> to vector<1x1x1x16xf32>
        tpu.vector_store %arg8[%swap3A_1285, %swap3A_1286, %swap3A_1287, %swap3A_1288], %swap3A_1291 {strides = array<i32>} : memref<3x4x100x64xf32, #tpu.memory_space<vmem>>, vector<1x1x1x16xf32>,
      }
      %scan3A_818 = arith.constant 100 : i32
      %add3A_819 = arith.addi %mul3A_2, %add3A_664 : i32
      %dma_start3A_820 = arith.constant 1 : i32
      %dma_start3A_821 = arith.constant 0 : i32
      %dma_start3A_822 = arith.constant 0 : i32
      %dma_start3A_823 = arith.constant 0 : i32
      %dma_start3A_824 = tpu.memref_slice %arg8[%dma_start3A_820, %dma_start3A_821, %dma_start3A_822, %dma_start3A_823] : memref<3x4x100x64xf32, #tpu.memory_space<vmem>> -> memref<1x4x100x64xf32, #tpu.memory_space<vmem>>
      %dma_start3A_825 = tpu.memref_squeeze %dma_start3A_824 : memref<1x4x100x64xf32, #tpu.memory_space<vmem>> -> memref<4x100x64xf32, #tpu.memory_space<vmem>>
      %dma_start3A_826 = arith.constant 0 : i32
      %dma_start3A_827 = arith.constant 0 : i32
      %dma_start3A_828 = arith.constant 0 : i32
      %dma_start3A_829 = tpu.memref_slice %arg5[%add3A_819, %dma_start3A_826, %dma_start3A_827, %dma_start3A_828] : memref<2048x4x100x64xf32, #tpu.memory_space<hbm>> -> memref<1x4x100x64xf32, #tpu.memory_space<hbm>>
      %dma_start3A_830 = tpu.memref_squeeze %dma_start3A_829 : memref<1x4x100x64xf32, #tpu.memory_space<hbm>> -> memref<4x100x64xf32, #tpu.memory_space<hbm>>
      %dma_start3A_831 = arith.constant 0 : i32
      %dma_start3A_832 = arith.constant 0 : i32
      %dma_start3A_833 = arith.constant 0 : i32
      %dma_start3A_834 = tpu.memref_slice %arg5[%add3A_819, %dma_start3A_831, %dma_start3A_832, %dma_start3A_833] : memref<2048x4x100x64xf32, #tpu.memory_space<hbm>> -> memref<1x4x100x64xf32, #tpu.memory_space<hbm>>
      %dma_start3A_835 = tpu.memref_squeeze %dma_start3A_834 : memref<1x4x100x64xf32, #tpu.memory_space<hbm>> -> memref<4x100x64xf32, #tpu.memory_space<hbm>>
      %dma_start3A_836 = arith.constant 0 : i32
      %dma_start3A_837 = arith.constant 0 : i32
      %dma_start3A_838 = arith.constant 0 : i32
      %dma_start3A_839 = tpu.memref_slice %arg8[%dma_start3A_820, %dma_start3A_836, %dma_start3A_837, %dma_start3A_838] : memref<3x4x100x64xf32, #tpu.memory_space<vmem>> -> memref<1x4x100x64xf32, #tpu.memory_space<vmem>>
      %dma_start3A_840 = tpu.memref_squeeze %dma_start3A_839 : memref<1x4x100x64xf32, #tpu.memory_space<vmem>> -> memref<4x100x64xf32, #tpu.memory_space<vmem>>
      tpu.enqueue_dma source(%dma_start3A_840 : memref<4x100x64xf32, #tpu.memory_space<vmem>>) target(%dma_start3A_835 : memref<4x100x64xf32, #tpu.memory_space<hbm>>) target_semaphore(%arg13 : memref<!tpu.dma_semaphore, #tpu.memory_space<semaphore_mem>>)
      %add3A_841 = arith.constant 1 : i32
      %add3A_842 = arith.addi %add3A_664, %add3A_841 : i32
      %dma_wait3A_843 = arith.constant 0 : i32
      %dma_wait3A_844 = arith.constant 2 : i32
      %dma_wait3A_845 = arith.constant 0 : i32
      %dma_wait3A_846 = arith.constant 0 : i32
      %dma_wait3A_847 = arith.constant 0 : i32
      %dma_wait3A_848 = tpu.memref_slice %arg8[%dma_wait3A_844, %dma_wait3A_845, %dma_wait3A_846, %dma_wait3A_847] : memref<3x4x100x64xf32, #tpu.memory_space<vmem>> -> memref<1x4x100x64xf32, #tpu.memory_space<vmem>>
      %dma_wait3A_849 = tpu.memref_squeeze %dma_wait3A_848 : memref<1x4x100x64xf32, #tpu.memory_space<vmem>> -> memref<4x100x64xf32, #tpu.memory_space<vmem>>
      %dma_wait3A_850 = arith.constant 0 : i32
      %dma_wait3A_851 = arith.constant 0 : i32
      %dma_wait3A_852 = arith.constant 0 : i32
      %dma_wait3A_853 = tpu.memref_slice %arg5[%dma_wait3A_843, %dma_wait3A_850, %dma_wait3A_851, %dma_wait3A_852] : memref<2048x4x100x64xf32, #tpu.memory_space<hbm>> -> memref<1x4x100x64xf32, #tpu.memory_space<hbm>>
      %dma_wait3A_854 = tpu.memref_squeeze %dma_wait3A_853 : memref<1x4x100x64xf32, #tpu.memory_space<hbm>> -> memref<4x100x64xf32, #tpu.memory_space<hbm>>
      %dma_wait3A_855 = arith.constant 0 : i32
      %dma_wait3A_856 = arith.constant 0 : i32
      %dma_wait3A_857 = arith.constant 0 : i32
      %dma_wait3A_858 = tpu.memref_slice %arg8[%dma_wait3A_844, %dma_wait3A_855, %dma_wait3A_856, %dma_wait3A_857] : memref<3x4x100x64xf32, #tpu.memory_space<vmem>> -> memref<1x4x100x64xf32, #tpu.memory_space<vmem>>
      %dma_wait3A_859 = tpu.memref_squeeze %dma_wait3A_858 : memref<1x4x100x64xf32, #tpu.memory_space<vmem>> -> memref<4x100x64xf32, #tpu.memory_space<vmem>>
      %dma_wait3A_860 = arith.constant 0 : i32
      %dma_wait3A_861 = arith.constant 0 : i32
      %dma_wait3A_862 = arith.constant 0 : i32
      %dma_wait3A_863 = tpu.memref_slice %arg5[%dma_wait3A_843, %dma_wait3A_860, %dma_wait3A_861, %dma_wait3A_862] : memref<2048x4x100x64xf32, #tpu.memory_space<hbm>> -> memref<1x4x100x64xf32, #tpu.memory_space<hbm>>
      %dma_wait3A_864 = tpu.memref_squeeze %dma_wait3A_863 : memref<1x4x100x64xf32, #tpu.memory_space<hbm>> -> memref<4x100x64xf32, #tpu.memory_space<hbm>>
      tpu.wait_dma2 semaphore(%arg11 : memref<!tpu.dma_semaphore, #tpu.memory_space<semaphore_mem>>) src(%dma_wait3A_864 : memref<4x100x64xf32, #tpu.memory_space<hbm>>) dst(%dma_wait3A_859 : memref<4x100x64xf32, #tpu.memory_space<vmem>>)
      %dma_wait3A_865 = arith.constant 0 : i32
      %dma_wait3A_866 = arith.constant 1 : i32
      %dma_wait3A_867 = arith.constant 0 : i32
      %dma_wait3A_868 = arith.constant 0 : i32
      %dma_wait3A_869 = arith.constant 0 : i32
      %dma_wait3A_870 = tpu.memref_slice %arg8[%dma_wait3A_866, %dma_wait3A_867, %dma_wait3A_868, %dma_wait3A_869] : memref<3x4x100x64xf32, #tpu.memory_space<vmem>> -> memref<1x4x100x64xf32, #tpu.memory_space<vmem>>
      %dma_wait3A_871 = tpu.memref_squeeze %dma_wait3A_870 : memref<1x4x100x64xf32, #tpu.memory_space<vmem>> -> memref<4x100x64xf32, #tpu.memory_space<vmem>>
      %dma_wait3A_872 = arith.constant 0 : i32
      %dma_wait3A_873 = arith.constant 0 : i32
      %dma_wait3A_874 = arith.constant 0 : i32
      %dma_wait3A_875 = tpu.memref_slice %arg5[%dma_wait3A_865, %dma_wait3A_872, %dma_wait3A_873, %dma_wait3A_874] : memref<2048x4x100x64xf32, #tpu.memory_space<hbm>> -> memref<1x4x100x64xf32, #tpu.memory_space<hbm>>
      %dma_wait3A_876 = tpu.memref_squeeze %dma_wait3A_875 : memref<1x4x100x64xf32, #tpu.memory_space<hbm>> -> memref<4x100x64xf32, #tpu.memory_space<hbm>>
      %dma_wait3A_877 = arith.constant 0 : i32
      %dma_wait3A_878 = arith.constant 0 : i32
      %dma_wait3A_879 = arith.constant 0 : i32
      %dma_wait3A_880 = tpu.memref_slice %arg8[%dma_wait3A_866, %dma_wait3A_877, %dma_wait3A_878, %dma_wait3A_879] : memref<3x4x100x64xf32, #tpu.memory_space<vmem>> -> memref<1x4x100x64xf32, #tpu.memory_space<vmem>>
      %dma_wait3A_881 = tpu.memref_squeeze %dma_wait3A_880 : memref<1x4x100x64xf32, #tpu.memory_space<vmem>> -> memref<4x100x64xf32, #tpu.memory_space<vmem>>
      %dma_wait3A_882 = arith.constant 0 : i32
      %dma_wait3A_883 = arith.constant 0 : i32
      %dma_wait3A_884 = arith.constant 0 : i32
      %dma_wait3A_885 = tpu.memref_slice %arg5[%dma_wait3A_865, %dma_wait3A_882, %dma_wait3A_883, %dma_wait3A_884] : memref<2048x4x100x64xf32, #tpu.memory_space<hbm>> -> memref<1x4x100x64xf32, #tpu.memory_space<hbm>>
      %dma_wait3A_886 = tpu.memref_squeeze %dma_wait3A_885 : memref<1x4x100x64xf32, #tpu.memory_space<hbm>> -> memref<4x100x64xf32, #tpu.memory_space<hbm>>
      tpu.wait_dma2 semaphore(%arg13 : memref<!tpu.dma_semaphore, #tpu.memory_space<semaphore_mem>>) src(%dma_wait3A_886 : memref<4x100x64xf32, #tpu.memory_space<hbm>>) dst(%dma_wait3A_881 : memref<4x100x64xf32, #tpu.memory_space<vmem>>)
      %add3A_887 = arith.constant 2 : i32
      %add3A_888 = arith.addi %add3A_842, %add3A_887 : i32
      %mul3A_889 = arith.constant 4 : i32
      %mul3A_890 = arith.muli %add3A_888, %mul3A_889 : i32
      %add3A_891 = arith.constant 0 : i32
      %add3A_892 = arith.addi %mul3A_890, %add3A_891 : i32
      %dma_start3A_893 = arith.constant 1 : i32
      %dma_start3A_894 = arith.constant 0 : i32
      %dma_start3A_895 = arith.constant 0 : i32
      %dma_start3A_896 = arith.constant 0 : i32
      %dma_start3A_897 = arith.constant 0 : i32
      %dma_start3A_898 = tpu.memref_slice %arg8[%dma_start3A_893, %dma_start3A_895, %dma_start3A_896, %dma_start3A_897] : memref<3x4x100x64xf32, #tpu.memory_space<vmem>> -> memref<1x4x100x64xf32, #tpu.memory_space<vmem>>
      %dma_start3A_899 = tpu.memref_squeeze %dma_start3A_898 : memref<1x4x100x64xf32, #tpu.memory_space<vmem>> -> memref<4x100x64xf32, #tpu.memory_space<vmem>>
      %dma_start3A_900 = arith.constant 0 : i32
      %dma_start3A_901 = arith.constant 0 : i32
      %dma_start3A_902 = tpu.memref_slice %dma_start3A_899[%dma_start3A_894, %dma_start3A_900, %dma_start3A_901] : memref<4x100x64xf32, #tpu.memory_space<vmem>> -> memref<1x100x64xf32, #tpu.memory_space<vmem>>
      %dma_start3A_903 = tpu.memref_squeeze %dma_start3A_902 : memref<1x100x64xf32, #tpu.memory_space<vmem>> -> memref<100x64xf32, #tpu.memory_space<vmem>>
      %dma_start3A_904 = arith.constant 0 : i32
      %dma_start3A_905 = tpu.memref_slice %arg6[%add3A_892, %dma_start3A_904] : memref<256x100xi32, #tpu.memory_space<vmem>> -> memref<1x100xi32, #tpu.memory_space<vmem>>
      %dma_start3A_906 = tpu.memref_squeeze %dma_start3A_905 : memref<1x100xi32, #tpu.memory_space<vmem>> -> memref<100xi32, #tpu.memory_space<vmem>>
      %dma_start3A_907 = arith.constant 0 : i32
      %dma_start3A_908 = arith.constant 0 : i32
      %dma_start3A_909 = tpu.memref_slice %arg3[%dma_start3A_907, %dma_start3A_908] : memref<1000000x64xf32, #tpu.memory_space<hbm>> -> memref<1000000x64xf32, #tpu.memory_space<hbm>>
      tpu.enqueue_indirect_dma source(%dma_start3A_909 : memref<1000000x64xf32, #tpu.memory_space<hbm>>) target(%dma_start3A_903 : memref<100x64xf32, #tpu.memory_space<vmem>>) offsets(%dma_start3A_906 : memref<100xi32, #tpu.memory_space<vmem>>) semaphore(%arg10 : memref<!tpu.dma_semaphore, #tpu.memory_space<semaphore_mem>>)
      %mul3A_910 = arith.constant 4 : i32
      %mul3A_911 = arith.muli %add3A_888, %mul3A_910 : i32
      %add3A_912 = arith.constant 1 : i32
      %add3A_913 = arith.addi %mul3A_911, %add3A_912 : i32
      %dma_start3A_914 = arith.constant 1 : i32
      %dma_start3A_915 = arith.constant 1 : i32
      %dma_start3A_916 = arith.constant 0 : i32
      %dma_start3A_917 = arith.constant 0 : i32
      %dma_start3A_918 = arith.constant 0 : i32
      %dma_start3A_919 = tpu.memref_slice %arg8[%dma_start3A_914, %dma_start3A_916, %dma_start3A_917, %dma_start3A_918] : memref<3x4x100x64xf32, #tpu.memory_space<vmem>> -> memref<1x4x100x64xf32, #tpu.memory_space<vmem>>
      %dma_start3A_920 = tpu.memref_squeeze %dma_start3A_919 : memref<1x4x100x64xf32, #tpu.memory_space<vmem>> -> memref<4x100x64xf32, #tpu.memory_space<vmem>>
      %dma_start3A_921 = arith.constant 0 : i32
      %dma_start3A_922 = arith.constant 0 : i32
      %dma_start3A_923 = tpu.memref_slice %dma_start3A_920[%dma_start3A_915, %dma_start3A_921, %dma_start3A_922] : memref<4x100x64xf32, #tpu.memory_space<vmem>> -> memref<1x100x64xf32, #tpu.memory_space<vmem>>
      %dma_start3A_924 = tpu.memref_squeeze %dma_start3A_923 : memref<1x100x64xf32, #tpu.memory_space<vmem>> -> memref<100x64xf32, #tpu.memory_space<vmem>>
      %dma_start3A_925 = arith.constant 0 : i32
      %dma_start3A_926 = tpu.memref_slice %arg6[%add3A_913, %dma_start3A_925] : memref<256x100xi32, #tpu.memory_space<vmem>> -> memref<1x100xi32, #tpu.memory_space<vmem>>
      %dma_start3A_927 = tpu.memref_squeeze %dma_start3A_926 : memref<1x100xi32, #tpu.memory_space<vmem>> -> memref<100xi32, #tpu.memory_space<vmem>>
      %dma_start3A_928 = arith.constant 0 : i32
      %dma_start3A_929 = arith.constant 0 : i32
      %dma_start3A_930 = tpu.memref_slice %arg3[%dma_start3A_928, %dma_start3A_929] : memref<1000000x64xf32, #tpu.memory_space<hbm>> -> memref<1000000x64xf32, #tpu.memory_space<hbm>>
      tpu.enqueue_indirect_dma source(%dma_start3A_930 : memref<1000000x64xf32, #tpu.memory_space<hbm>>) target(%dma_start3A_924 : memref<100x64xf32, #tpu.memory_space<vmem>>) offsets(%dma_start3A_927 : memref<100xi32, #tpu.memory_space<vmem>>) semaphore(%arg10 : memref<!tpu.dma_semaphore, #tpu.memory_space<semaphore_mem>>)
      %mul3A_931 = arith.constant 4 : i32
      %mul3A_932 = arith.muli %add3A_888, %mul3A_931 : i32
      %add3A_933 = arith.constant 2 : i32
      %add3A_934 = arith.addi %mul3A_932, %add3A_933 : i32
      %dma_start3A_935 = arith.constant 1 : i32
      %dma_start3A_936 = arith.constant 2 : i32
      %dma_start3A_937 = arith.constant 0 : i32
      %dma_start3A_938 = arith.constant 0 : i32
      %dma_start3A_939 = arith.constant 0 : i32
      %dma_start3A_940 = tpu.memref_slice %arg8[%dma_start3A_935, %dma_start3A_937, %dma_start3A_938, %dma_start3A_939] : memref<3x4x100x64xf32, #tpu.memory_space<vmem>> -> memref<1x4x100x64xf32, #tpu.memory_space<vmem>>
      %dma_start3A_941 = tpu.memref_squeeze %dma_start3A_940 : memref<1x4x100x64xf32, #tpu.memory_space<vmem>> -> memref<4x100x64xf32, #tpu.memory_space<vmem>>
      %dma_start3A_942 = arith.constant 0 : i32
      %dma_start3A_943 = arith.constant 0 : i32
      %dma_start3A_944 = tpu.memref_slice %dma_start3A_941[%dma_start3A_936, %dma_start3A_942, %dma_start3A_943] : memref<4x100x64xf32, #tpu.memory_space<vmem>> -> memref<1x100x64xf32, #tpu.memory_space<vmem>>
      %dma_start3A_945 = tpu.memref_squeeze %dma_start3A_944 : memref<1x100x64xf32, #tpu.memory_space<vmem>> -> memref<100x64xf32, #tpu.memory_space<vmem>>
      %dma_start3A_946 = arith.constant 0 : i32
      %dma_start3A_947 = tpu.memref_slice %arg6[%add3A_934, %dma_start3A_946] : memref<256x100xi32, #tpu.memory_space<vmem>> -> memref<1x100xi32, #tpu.memory_space<vmem>>
      %dma_start3A_948 = tpu.memref_squeeze %dma_start3A_947 : memref<1x100xi32, #tpu.memory_space<vmem>> -> memref<100xi32, #tpu.memory_space<vmem>>
      %dma_start3A_949 = arith.constant 0 : i32
      %dma_start3A_950 = arith.constant 0 : i32
      %dma_start3A_951 = tpu.memref_slice %arg3[%dma_start3A_949, %dma_start3A_950] : memref<1000000x64xf32, #tpu.memory_space<hbm>> -> memref<1000000x64xf32, #tpu.memory_space<hbm>>
      tpu.enqueue_indirect_dma source(%dma_start3A_951 : memref<1000000x64xf32, #tpu.memory_space<hbm>>) target(%dma_start3A_945 : memref<100x64xf32, #tpu.memory_space<vmem>>) offsets(%dma_start3A_948 : memref<100xi32, #tpu.memory_space<vmem>>) semaphore(%arg10 : memref<!tpu.dma_semaphore, #tpu.memory_space<semaphore_mem>>)
      %mul3A_952 = arith.constant 4 : i32
      %mul3A_953 = arith.muli %add3A_888, %mul3A_952 : i32
      %add3A_954 = arith.constant 3 : i32
      %add3A_955 = arith.addi %mul3A_953, %add3A_954 : i32
      %dma_start3A_956 = arith.constant 1 : i32
      %dma_start3A_957 = arith.constant 3 : i32
      %dma_start3A_958 = arith.constant 0 : i32
      %dma_start3A_959 = arith.constant 0 : i32
      %dma_start3A_960 = arith.constant 0 : i32
      %dma_start3A_961 = tpu.memref_slice %arg8[%dma_start3A_956, %dma_start3A_958, %dma_start3A_959, %dma_start3A_960] : memref<3x4x100x64xf32, #tpu.memory_space<vmem>> -> memref<1x4x100x64xf32, #tpu.memory_space<vmem>>
      %dma_start3A_962 = tpu.memref_squeeze %dma_start3A_961 : memref<1x4x100x64xf32, #tpu.memory_space<vmem>> -> memref<4x100x64xf32, #tpu.memory_space<vmem>>
      %dma_start3A_963 = arith.constant 0 : i32
      %dma_start3A_964 = arith.constant 0 : i32
      %dma_start3A_965 = tpu.memref_slice %dma_start3A_962[%dma_start3A_957, %dma_start3A_963, %dma_start3A_964] : memref<4x100x64xf32, #tpu.memory_space<vmem>> -> memref<1x100x64xf32, #tpu.memory_space<vmem>>
      %dma_start3A_966 = tpu.memref_squeeze %dma_start3A_965 : memref<1x100x64xf32, #tpu.memory_space<vmem>> -> memref<100x64xf32, #tpu.memory_space<vmem>>
      %dma_start3A_967 = arith.constant 0 : i32
      %dma_start3A_968 = tpu.memref_slice %arg6[%add3A_955, %dma_start3A_967] : memref<256x100xi32, #tpu.memory_space<vmem>> -> memref<1x100xi32, #tpu.memory_space<vmem>>
      %dma_start3A_969 = tpu.memref_squeeze %dma_start3A_968 : memref<1x100xi32, #tpu.memory_space<vmem>> -> memref<100xi32, #tpu.memory_space<vmem>>
      %dma_start3A_970 = arith.constant 0 : i32
      %dma_start3A_971 = arith.constant 0 : i32
      %dma_start3A_972 = tpu.memref_slice %arg3[%dma_start3A_970, %dma_start3A_971] : memref<1000000x64xf32, #tpu.memory_space<hbm>> -> memref<1000000x64xf32, #tpu.memory_space<hbm>>
      tpu.enqueue_indirect_dma source(%dma_start3A_972 : memref<1000000x64xf32, #tpu.memory_space<hbm>>) target(%dma_start3A_966 : memref<100x64xf32, #tpu.memory_space<vmem>>) offsets(%dma_start3A_969 : memref<100xi32, #tpu.memory_space<vmem>>) semaphore(%arg10 : memref<!tpu.dma_semaphore, #tpu.memory_space<semaphore_mem>>)
      %scan3A_973 = arith.constant 0 : i32
      %scan3A_974 = arith.constant 0 : i32
      %scan3A_975 = arith.constant 100 : i32
      %scan3A_976 = arith.addi %scan3A_974, %scan3A_975 : i32
      %scan3A_977 = arith.constant 1 : i32
      scf.for %scan3A_1197 = %scan3A_974 to %scan3A_976 step %scan3A_977  : i32 {
        %get3A = arith.constant 2 : i32
        %get3A_1198 = arith.constant 0 : i32
        %get3A_1199 = arith.index_cast %get3A : i32 to index
        %get3A_1200 = arith.index_cast %get3A_1198 : i32 to index
        %get3A_1201 = arith.index_cast %scan3A_1197 : i32 to index
        %get3A_1202 = arith.constant 0 : index
        %get3A_1203 = tpu.vector_load %arg8[%get3A_1199, %get3A_1200, %get3A_1201, %get3A_1202] {strides = array<i32>} : memref<3x4x100x64xf32, #tpu.memory_space<vmem>>, vector<1x1x1x16xf32>,
        %get3A_1204 = vector.shape_cast %get3A_1203 : vector<1x1x1x16xf32> to vector<16xf32>
        %get3A_1205 = arith.constant 0 : i32
        %get3A_1206 = arith.index_cast %get3A_1205 : i32 to index
        %get3A_1207 = arith.index_cast %scan3A_1197 : i32 to index
        %get3A_1208 = arith.constant 0 : index
        %get3A_1209 = tpu.vector_load %arg7[%get3A_1206, %get3A_1207, %get3A_1208] {strides = array<i32>} : memref<2x100x64xf32, #tpu.memory_space<vmem>>, vector<1x1x16xf32>,
        %get3A_1210 = vector.shape_cast %get3A_1209 : vector<1x1x16xf32> to vector<16xf32>
        %add3A_1211 = arith.addf %get3A_1204, %get3A_1210 : vector<16xf32>
        %swap3A = arith.constant 2 : i32
        %swap3A_1212 = arith.constant 0 : i32
        %swap3A_1213 = arith.index_cast %swap3A : i32 to index
        %swap3A_1214 = arith.index_cast %swap3A_1212 : i32 to index
        %swap3A_1215 = arith.index_cast %scan3A_1197 : i32 to index
        %swap3A_1216 = arith.constant 0 : index
        %swap3A_1217 = tpu.vector_load %arg8[%swap3A_1213, %swap3A_1214, %swap3A_1215, %swap3A_1216] {strides = array<i32>} : memref<3x4x100x64xf32, #tpu.memory_space<vmem>>, vector<1x1x1x16xf32>,
        %swap3A_1218 = vector.shape_cast %swap3A_1217 : vector<1x1x1x16xf32> to vector<16xf32>
        %swap3A_1219 = vector.shape_cast %add3A_1211 : vector<16xf32> to vector<1x1x1x16xf32>
        tpu.vector_store %arg8[%swap3A_1213, %swap3A_1214, %swap3A_1215, %swap3A_1216], %swap3A_1219 {strides = array<i32>} : memref<3x4x100x64xf32, #tpu.memory_space<vmem>>, vector<1x1x1x16xf32>,
        %get3A_1220 = arith.constant 2 : i32
        %get3A_1221 = arith.constant 0 : i32
        %get3A_1222 = arith.index_cast %get3A_1220 : i32 to index
        %get3A_1223 = arith.index_cast %get3A_1221 : i32 to index
        %get3A_1224 = arith.index_cast %scan3A_1197 : i32 to index
        %get3A_1225 = arith.constant 16 : index
        %get3A_1226 = tpu.vector_load %arg8[%get3A_1222, %get3A_1223, %get3A_1224, %get3A_1225] {strides = array<i32>} : memref<3x4x100x64xf32, #tpu.memory_space<vmem>>, vector<1x1x1x16xf32>,
        %get3A_1227 = vector.shape_cast %get3A_1226 : vector<1x1x1x16xf32> to vector<16xf32>
        %get3A_1228 = arith.constant 0 : i32
        %get3A_1229 = arith.index_cast %get3A_1228 : i32 to index
        %get3A_1230 = arith.index_cast %scan3A_1197 : i32 to index
        %get3A_1231 = arith.constant 16 : index
        %get3A_1232 = tpu.vector_load %arg7[%get3A_1229, %get3A_1230, %get3A_1231] {strides = array<i32>} : memref<2x100x64xf32, #tpu.memory_space<vmem>>, vector<1x1x16xf32>,
        %get3A_1233 = vector.shape_cast %get3A_1232 : vector<1x1x16xf32> to vector<16xf32>
        %add3A_1234 = arith.addf %get3A_1227, %get3A_1233 : vector<16xf32>
        %swap3A_1235 = arith.constant 2 : i32
        %swap3A_1236 = arith.constant 0 : i32
        %swap3A_1237 = arith.index_cast %swap3A_1235 : i32 to index
        %swap3A_1238 = arith.index_cast %swap3A_1236 : i32 to index
        %swap3A_1239 = arith.index_cast %scan3A_1197 : i32 to index
        %swap3A_1240 = arith.constant 16 : index
        %swap3A_1241 = tpu.vector_load %arg8[%swap3A_1237, %swap3A_1238, %swap3A_1239, %swap3A_1240] {strides = array<i32>} : memref<3x4x100x64xf32, #tpu.memory_space<vmem>>, vector<1x1x1x16xf32>,
        %swap3A_1242 = vector.shape_cast %swap3A_1241 : vector<1x1x1x16xf32> to vector<16xf32>
        %swap3A_1243 = vector.shape_cast %add3A_1234 : vector<16xf32> to vector<1x1x1x16xf32>
        tpu.vector_store %arg8[%swap3A_1237, %swap3A_1238, %swap3A_1239, %swap3A_1240], %swap3A_1243 {strides = array<i32>} : memref<3x4x100x64xf32, #tpu.memory_space<vmem>>, vector<1x1x1x16xf32>,
        %get3A_1244 = arith.constant 2 : i32
        %get3A_1245 = arith.constant 0 : i32
        %get3A_1246 = arith.index_cast %get3A_1244 : i32 to index
        %get3A_1247 = arith.index_cast %get3A_1245 : i32 to index
        %get3A_1248 = arith.index_cast %scan3A_1197 : i32 to index
        %get3A_1249 = arith.constant 32 : index
        %get3A_1250 = tpu.vector_load %arg8[%get3A_1246, %get3A_1247, %get3A_1248, %get3A_1249] {strides = array<i32>} : memref<3x4x100x64xf32, #tpu.memory_space<vmem>>, vector<1x1x1x16xf32>,
        %get3A_1251 = vector.shape_cast %get3A_1250 : vector<1x1x1x16xf32> to vector<16xf32>
        %get3A_1252 = arith.constant 0 : i32
        %get3A_1253 = arith.index_cast %get3A_1252 : i32 to index
        %get3A_1254 = arith.index_cast %scan3A_1197 : i32 to index
        %get3A_1255 = arith.constant 32 : index
        %get3A_1256 = tpu.vector_load %arg7[%get3A_1253, %get3A_1254, %get3A_1255] {strides = array<i32>} : memref<2x100x64xf32, #tpu.memory_space<vmem>>, vector<1x1x16xf32>,
        %get3A_1257 = vector.shape_cast %get3A_1256 : vector<1x1x16xf32> to vector<16xf32>
        %add3A_1258 = arith.addf %get3A_1251, %get3A_1257 : vector<16xf32>
        %swap3A_1259 = arith.constant 2 : i32
        %swap3A_1260 = arith.constant 0 : i32
        %swap3A_1261 = arith.index_cast %swap3A_1259 : i32 to index
        %swap3A_1262 = arith.index_cast %swap3A_1260 : i32 to index
        %swap3A_1263 = arith.index_cast %scan3A_1197 : i32 to index
        %swap3A_1264 = arith.constant 32 : index
        %swap3A_1265 = tpu.vector_load %arg8[%swap3A_1261, %swap3A_1262, %swap3A_1263, %swap3A_1264] {strides = array<i32>} : memref<3x4x100x64xf32, #tpu.memory_space<vmem>>, vector<1x1x1x16xf32>,
        %swap3A_1266 = vector.shape_cast %swap3A_1265 : vector<1x1x1x16xf32> to vector<16xf32>
        %swap3A_1267 = vector.shape_cast %add3A_1258 : vector<16xf32> to vector<1x1x1x16xf32>
        tpu.vector_store %arg8[%swap3A_1261, %swap3A_1262, %swap3A_1263, %swap3A_1264], %swap3A_1267 {strides = array<i32>} : memref<3x4x100x64xf32, #tpu.memory_space<vmem>>, vector<1x1x1x16xf32>,
        %get3A_1268 = arith.constant 2 : i32
        %get3A_1269 = arith.constant 0 : i32
        %get3A_1270 = arith.index_cast %get3A_1268 : i32 to index
        %get3A_1271 = arith.index_cast %get3A_1269 : i32 to index
        %get3A_1272 = arith.index_cast %scan3A_1197 : i32 to index
        %get3A_1273 = arith.constant 48 : index
        %get3A_1274 = tpu.vector_load %arg8[%get3A_1270, %get3A_1271, %get3A_1272, %get3A_1273] {strides = array<i32>} : memref<3x4x100x64xf32, #tpu.memory_space<vmem>>, vector<1x1x1x16xf32>,
        %get3A_1275 = vector.shape_cast %get3A_1274 : vector<1x1x1x16xf32> to vector<16xf32>
        %get3A_1276 = arith.constant 0 : i32
        %get3A_1277 = arith.index_cast %get3A_1276 : i32 to index
        %get3A_1278 = arith.index_cast %scan3A_1197 : i32 to index
        %get3A_1279 = arith.constant 48 : index
        %get3A_1280 = tpu.vector_load %arg7[%get3A_1277, %get3A_1278, %get3A_1279] {strides = array<i32>} : memref<2x100x64xf32, #tpu.memory_space<vmem>>, vector<1x1x16xf32>,
        %get3A_1281 = vector.shape_cast %get3A_1280 : vector<1x1x16xf32> to vector<16xf32>
        %add3A_1282 = arith.addf %get3A_1275, %get3A_1281 : vector<16xf32>
        %swap3A_1283 = arith.constant 2 : i32
        %swap3A_1284 = arith.constant 0 : i32
        %swap3A_1285 = arith.index_cast %swap3A_1283 : i32 to index
        %swap3A_1286 = arith.index_cast %swap3A_1284 : i32 to index
        %swap3A_1287 = arith.index_cast %scan3A_1197 : i32 to index
        %swap3A_1288 = arith.constant 48 : index
        %swap3A_1289 = tpu.vector_load %arg8[%swap3A_1285, %swap3A_1286, %swap3A_1287, %swap3A_1288] {strides = array<i32>} : memref<3x4x100x64xf32, #tpu.memory_space<vmem>>, vector<1x1x1x16xf32>,
        %swap3A_1290 = vector.shape_cast %swap3A_1289 : vector<1x1x1x16xf32> to vector<16xf32>
        %swap3A_1291 = vector.shape_cast %add3A_1282 : vector<16xf32> to vector<1x1x1x16xf32>
        tpu.vector_store %arg8[%swap3A_1285, %swap3A_1286, %swap3A_1287, %swap3A_1288], %swap3A_1291 {strides = array<i32>} : memref<3x4x100x64xf32, #tpu.memory_space<vmem>>, vector<1x1x1x16xf32>,
      }
      %scan3A_978 = arith.constant 100 : i32
      %scan3A_979 = arith.constant 0 : i32
      %scan3A_980 = arith.constant 0 : i32
      %scan3A_981 = arith.constant 100 : i32
      %scan3A_982 = arith.addi %scan3A_980, %scan3A_981 : i32
      %scan3A_983 = arith.constant 1 : i32
      scf.for %scan3A_1197 = %scan3A_980 to %scan3A_982 step %scan3A_983  : i32 {
        %get3A = arith.constant 2 : i32
        %get3A_1198 = arith.constant 1 : i32
        %get3A_1199 = arith.index_cast %get3A : i32 to index
        %get3A_1200 = arith.index_cast %get3A_1198 : i32 to index
        %get3A_1201 = arith.index_cast %scan3A_1197 : i32 to index
        %get3A_1202 = arith.constant 0 : index
        %get3A_1203 = tpu.vector_load %arg8[%get3A_1199, %get3A_1200, %get3A_1201, %get3A_1202] {strides = array<i32>} : memref<3x4x100x64xf32, #tpu.memory_space<vmem>>, vector<1x1x1x16xf32>,
        %get3A_1204 = vector.shape_cast %get3A_1203 : vector<1x1x1x16xf32> to vector<16xf32>
        %get3A_1205 = arith.constant 1 : i32
        %get3A_1206 = arith.index_cast %get3A_1205 : i32 to index
        %get3A_1207 = arith.index_cast %scan3A_1197 : i32 to index
        %get3A_1208 = arith.constant 0 : index
        %get3A_1209 = tpu.vector_load %arg7[%get3A_1206, %get3A_1207, %get3A_1208] {strides = array<i32>} : memref<2x100x64xf32, #tpu.memory_space<vmem>>, vector<1x1x16xf32>,
        %get3A_1210 = vector.shape_cast %get3A_1209 : vector<1x1x16xf32> to vector<16xf32>
        %add3A_1211 = arith.addf %get3A_1204, %get3A_1210 : vector<16xf32>
        %swap3A = arith.constant 2 : i32
        %swap3A_1212 = arith.constant 1 : i32
        %swap3A_1213 = arith.index_cast %swap3A : i32 to index
        %swap3A_1214 = arith.index_cast %swap3A_1212 : i32 to index
        %swap3A_1215 = arith.index_cast %scan3A_1197 : i32 to index
        %swap3A_1216 = arith.constant 0 : index
        %swap3A_1217 = tpu.vector_load %arg8[%swap3A_1213, %swap3A_1214, %swap3A_1215, %swap3A_1216] {strides = array<i32>} : memref<3x4x100x64xf32, #tpu.memory_space<vmem>>, vector<1x1x1x16xf32>,
        %swap3A_1218 = vector.shape_cast %swap3A_1217 : vector<1x1x1x16xf32> to vector<16xf32>
        %swap3A_1219 = vector.shape_cast %add3A_1211 : vector<16xf32> to vector<1x1x1x16xf32>
        tpu.vector_store %arg8[%swap3A_1213, %swap3A_1214, %swap3A_1215, %swap3A_1216], %swap3A_1219 {strides = array<i32>} : memref<3x4x100x64xf32, #tpu.memory_space<vmem>>, vector<1x1x1x16xf32>,
        %get3A_1220 = arith.constant 2 : i32
        %get3A_1221 = arith.constant 1 : i32
        %get3A_1222 = arith.index_cast %get3A_1220 : i32 to index
        %get3A_1223 = arith.index_cast %get3A_1221 : i32 to index
        %get3A_1224 = arith.index_cast %scan3A_1197 : i32 to index
        %get3A_1225 = arith.constant 16 : index
        %get3A_1226 = tpu.vector_load %arg8[%get3A_1222, %get3A_1223, %get3A_1224, %get3A_1225] {strides = array<i32>} : memref<3x4x100x64xf32, #tpu.memory_space<vmem>>, vector<1x1x1x16xf32>,
        %get3A_1227 = vector.shape_cast %get3A_1226 : vector<1x1x1x16xf32> to vector<16xf32>
        %get3A_1228 = arith.constant 1 : i32
        %get3A_1229 = arith.index_cast %get3A_1228 : i32 to index
        %get3A_1230 = arith.index_cast %scan3A_1197 : i32 to index
        %get3A_1231 = arith.constant 16 : index
        %get3A_1232 = tpu.vector_load %arg7[%get3A_1229, %get3A_1230, %get3A_1231] {strides = array<i32>} : memref<2x100x64xf32, #tpu.memory_space<vmem>>, vector<1x1x16xf32>,
        %get3A_1233 = vector.shape_cast %get3A_1232 : vector<1x1x16xf32> to vector<16xf32>
        %add3A_1234 = arith.addf %get3A_1227, %get3A_1233 : vector<16xf32>
        %swap3A_1235 = arith.constant 2 : i32
        %swap3A_1236 = arith.constant 1 : i32
        %swap3A_1237 = arith.index_cast %swap3A_1235 : i32 to index
        %swap3A_1238 = arith.index_cast %swap3A_1236 : i32 to index
        %swap3A_1239 = arith.index_cast %scan3A_1197 : i32 to index
        %swap3A_1240 = arith.constant 16 : index
        %swap3A_1241 = tpu.vector_load %arg8[%swap3A_1237, %swap3A_1238, %swap3A_1239, %swap3A_1240] {strides = array<i32>} : memref<3x4x100x64xf32, #tpu.memory_space<vmem>>, vector<1x1x1x16xf32>,
        %swap3A_1242 = vector.shape_cast %swap3A_1241 : vector<1x1x1x16xf32> to vector<16xf32>
        %swap3A_1243 = vector.shape_cast %add3A_1234 : vector<16xf32> to vector<1x1x1x16xf32>
        tpu.vector_store %arg8[%swap3A_1237, %swap3A_1238, %swap3A_1239, %swap3A_1240], %swap3A_1243 {strides = array<i32>} : memref<3x4x100x64xf32, #tpu.memory_space<vmem>>, vector<1x1x1x16xf32>,
        %get3A_1244 = arith.constant 2 : i32
        %get3A_1245 = arith.constant 1 : i32
        %get3A_1246 = arith.index_cast %get3A_1244 : i32 to index
        %get3A_1247 = arith.index_cast %get3A_1245 : i32 to index
        %get3A_1248 = arith.index_cast %scan3A_1197 : i32 to index
        %get3A_1249 = arith.constant 32 : index
        %get3A_1250 = tpu.vector_load %arg8[%get3A_1246, %get3A_1247, %get3A_1248, %get3A_1249] {strides = array<i32>} : memref<3x4x100x64xf32, #tpu.memory_space<vmem>>, vector<1x1x1x16xf32>,
        %get3A_1251 = vector.shape_cast %get3A_1250 : vector<1x1x1x16xf32> to vector<16xf32>
        %get3A_1252 = arith.constant 1 : i32
        %get3A_1253 = arith.index_cast %get3A_1252 : i32 to index
        %get3A_1254 = arith.index_cast %scan3A_1197 : i32 to index
        %get3A_1255 = arith.constant 32 : index
        %get3A_1256 = tpu.vector_load %arg7[%get3A_1253, %get3A_1254, %get3A_1255] {strides = array<i32>} : memref<2x100x64xf32, #tpu.memory_space<vmem>>, vector<1x1x16xf32>,
        %get3A_1257 = vector.shape_cast %get3A_1256 : vector<1x1x16xf32> to vector<16xf32>
        %add3A_1258 = arith.addf %get3A_1251, %get3A_1257 : vector<16xf32>
        %swap3A_1259 = arith.constant 2 : i32
        %swap3A_1260 = arith.constant 1 : i32
        %swap3A_1261 = arith.index_cast %swap3A_1259 : i32 to index
        %swap3A_1262 = arith.index_cast %swap3A_1260 : i32 to index
        %swap3A_1263 = arith.index_cast %scan3A_1197 : i32 to index
        %swap3A_1264 = arith.constant 32 : index
        %swap3A_1265 = tpu.vector_load %arg8[%swap3A_1261, %swap3A_1262, %swap3A_1263, %swap3A_1264] {strides = array<i32>} : memref<3x4x100x64xf32, #tpu.memory_space<vmem>>, vector<1x1x1x16xf32>,
        %swap3A_1266 = vector.shape_cast %swap3A_1265 : vector<1x1x1x16xf32> to vector<16xf32>
        %swap3A_1267 = vector.shape_cast %add3A_1258 : vector<16xf32> to vector<1x1x1x16xf32>
        tpu.vector_store %arg8[%swap3A_1261, %swap3A_1262, %swap3A_1263, %swap3A_1264], %swap3A_1267 {strides = array<i32>} : memref<3x4x100x64xf32, #tpu.memory_space<vmem>>, vector<1x1x1x16xf32>,
        %get3A_1268 = arith.constant 2 : i32
        %get3A_1269 = arith.constant 1 : i32
        %get3A_1270 = arith.index_cast %get3A_1268 : i32 to index
        %get3A_1271 = arith.index_cast %get3A_1269 : i32 to index
        %get3A_1272 = arith.index_cast %scan3A_1197 : i32 to index
        %get3A_1273 = arith.constant 48 : index
        %get3A_1274 = tpu.vector_load %arg8[%get3A_1270, %get3A_1271, %get3A_1272, %get3A_1273] {strides = array<i32>} : memref<3x4x100x64xf32, #tpu.memory_space<vmem>>, vector<1x1x1x16xf32>,
        %get3A_1275 = vector.shape_cast %get3A_1274 : vector<1x1x1x16xf32> to vector<16xf32>
        %get3A_1276 = arith.constant 1 : i32
        %get3A_1277 = arith.index_cast %get3A_1276 : i32 to index
        %get3A_1278 = arith.index_cast %scan3A_1197 : i32 to index
        %get3A_1279 = arith.constant 48 : index
        %get3A_1280 = tpu.vector_load %arg7[%get3A_1277, %get3A_1278, %get3A_1279] {strides = array<i32>} : memref<2x100x64xf32, #tpu.memory_space<vmem>>, vector<1x1x16xf32>,
        %get3A_1281 = vector.shape_cast %get3A_1280 : vector<1x1x16xf32> to vector<16xf32>
        %add3A_1282 = arith.addf %get3A_1275, %get3A_1281 : vector<16xf32>
        %swap3A_1283 = arith.constant 2 : i32
        %swap3A_1284 = arith.constant 1 : i32
        %swap3A_1285 = arith.index_cast %swap3A_1283 : i32 to index
        %swap3A_1286 = arith.index_cast %swap3A_1284 : i32 to index
        %swap3A_1287 = arith.index_cast %scan3A_1197 : i32 to index
        %swap3A_1288 = arith.constant 48 : index
        %swap3A_1289 = tpu.vector_load %arg8[%swap3A_1285, %swap3A_1286, %swap3A_1287, %swap3A_1288] {strides = array<i32>} : memref<3x4x100x64xf32, #tpu.memory_space<vmem>>, vector<1x1x1x16xf32>,
        %swap3A_1290 = vector.shape_cast %swap3A_1289 : vector<1x1x1x16xf32> to vector<16xf32>
        %swap3A_1291 = vector.shape_cast %add3A_1282 : vector<16xf32> to vector<1x1x1x16xf32>
        tpu.vector_store %arg8[%swap3A_1285, %swap3A_1286, %swap3A_1287, %swap3A_1288], %swap3A_1291 {strides = array<i32>} : memref<3x4x100x64xf32, #tpu.memory_space<vmem>>, vector<1x1x1x16xf32>,
      }
      %scan3A_984 = arith.constant 100 : i32
      %scan3A_985 = arith.constant 0 : i32
      %scan3A_986 = arith.constant 0 : i32
      %scan3A_987 = arith.constant 100 : i32
      %scan3A_988 = arith.addi %scan3A_986, %scan3A_987 : i32
      %scan3A_989 = arith.constant 1 : i32
      scf.for %scan3A_1197 = %scan3A_986 to %scan3A_988 step %scan3A_989  : i32 {
        %get3A = arith.constant 2 : i32
        %get3A_1198 = arith.constant 2 : i32
        %get3A_1199 = arith.index_cast %get3A : i32 to index
        %get3A_1200 = arith.index_cast %get3A_1198 : i32 to index
        %get3A_1201 = arith.index_cast %scan3A_1197 : i32 to index
        %get3A_1202 = arith.constant 0 : index
        %get3A_1203 = tpu.vector_load %arg8[%get3A_1199, %get3A_1200, %get3A_1201, %get3A_1202] {strides = array<i32>} : memref<3x4x100x64xf32, #tpu.memory_space<vmem>>, vector<1x1x1x16xf32>,
        %get3A_1204 = vector.shape_cast %get3A_1203 : vector<1x1x1x16xf32> to vector<16xf32>
        %get3A_1205 = arith.constant 0 : i32
        %get3A_1206 = arith.index_cast %get3A_1205 : i32 to index
        %get3A_1207 = arith.index_cast %scan3A_1197 : i32 to index
        %get3A_1208 = arith.constant 0 : index
        %get3A_1209 = tpu.vector_load %arg7[%get3A_1206, %get3A_1207, %get3A_1208] {strides = array<i32>} : memref<2x100x64xf32, #tpu.memory_space<vmem>>, vector<1x1x16xf32>,
        %get3A_1210 = vector.shape_cast %get3A_1209 : vector<1x1x16xf32> to vector<16xf32>
        %add3A_1211 = arith.addf %get3A_1204, %get3A_1210 : vector<16xf32>
        %swap3A = arith.constant 2 : i32
        %swap3A_1212 = arith.constant 2 : i32
        %swap3A_1213 = arith.index_cast %swap3A : i32 to index
        %swap3A_1214 = arith.index_cast %swap3A_1212 : i32 to index
        %swap3A_1215 = arith.index_cast %scan3A_1197 : i32 to index
        %swap3A_1216 = arith.constant 0 : index
        %swap3A_1217 = tpu.vector_load %arg8[%swap3A_1213, %swap3A_1214, %swap3A_1215, %swap3A_1216] {strides = array<i32>} : memref<3x4x100x64xf32, #tpu.memory_space<vmem>>, vector<1x1x1x16xf32>,
        %swap3A_1218 = vector.shape_cast %swap3A_1217 : vector<1x1x1x16xf32> to vector<16xf32>
        %swap3A_1219 = vector.shape_cast %add3A_1211 : vector<16xf32> to vector<1x1x1x16xf32>
        tpu.vector_store %arg8[%swap3A_1213, %swap3A_1214, %swap3A_1215, %swap3A_1216], %swap3A_1219 {strides = array<i32>} : memref<3x4x100x64xf32, #tpu.memory_space<vmem>>, vector<1x1x1x16xf32>,
        %get3A_1220 = arith.constant 2 : i32
        %get3A_1221 = arith.constant 2 : i32
        %get3A_1222 = arith.index_cast %get3A_1220 : i32 to index
        %get3A_1223 = arith.index_cast %get3A_1221 : i32 to index
        %get3A_1224 = arith.index_cast %scan3A_1197 : i32 to index
        %get3A_1225 = arith.constant 16 : index
        %get3A_1226 = tpu.vector_load %arg8[%get3A_1222, %get3A_1223, %get3A_1224, %get3A_1225] {strides = array<i32>} : memref<3x4x100x64xf32, #tpu.memory_space<vmem>>, vector<1x1x1x16xf32>,
        %get3A_1227 = vector.shape_cast %get3A_1226 : vector<1x1x1x16xf32> to vector<16xf32>
        %get3A_1228 = arith.constant 0 : i32
        %get3A_1229 = arith.index_cast %get3A_1228 : i32 to index
        %get3A_1230 = arith.index_cast %scan3A_1197 : i32 to index
        %get3A_1231 = arith.constant 16 : index
        %get3A_1232 = tpu.vector_load %arg7[%get3A_1229, %get3A_1230, %get3A_1231] {strides = array<i32>} : memref<2x100x64xf32, #tpu.memory_space<vmem>>, vector<1x1x16xf32>,
        %get3A_1233 = vector.shape_cast %get3A_1232 : vector<1x1x16xf32> to vector<16xf32>
        %add3A_1234 = arith.addf %get3A_1227, %get3A_1233 : vector<16xf32>
        %swap3A_1235 = arith.constant 2 : i32
        %swap3A_1236 = arith.constant 2 : i32
        %swap3A_1237 = arith.index_cast %swap3A_1235 : i32 to index
        %swap3A_1238 = arith.index_cast %swap3A_1236 : i32 to index
        %swap3A_1239 = arith.index_cast %scan3A_1197 : i32 to index
        %swap3A_1240 = arith.constant 16 : index
        %swap3A_1241 = tpu.vector_load %arg8[%swap3A_1237, %swap3A_1238, %swap3A_1239, %swap3A_1240] {strides = array<i32>} : memref<3x4x100x64xf32, #tpu.memory_space<vmem>>, vector<1x1x1x16xf32>,
        %swap3A_1242 = vector.shape_cast %swap3A_1241 : vector<1x1x1x16xf32> to vector<16xf32>
        %swap3A_1243 = vector.shape_cast %add3A_1234 : vector<16xf32> to vector<1x1x1x16xf32>
        tpu.vector_store %arg8[%swap3A_1237, %swap3A_1238, %swap3A_1239, %swap3A_1240], %swap3A_1243 {strides = array<i32>} : memref<3x4x100x64xf32, #tpu.memory_space<vmem>>, vector<1x1x1x16xf32>,
        %get3A_1244 = arith.constant 2 : i32
        %get3A_1245 = arith.constant 2 : i32
        %get3A_1246 = arith.index_cast %get3A_1244 : i32 to index
        %get3A_1247 = arith.index_cast %get3A_1245 : i32 to index
        %get3A_1248 = arith.index_cast %scan3A_1197 : i32 to index
        %get3A_1249 = arith.constant 32 : index
        %get3A_1250 = tpu.vector_load %arg8[%get3A_1246, %get3A_1247, %get3A_1248, %get3A_1249] {strides = array<i32>} : memref<3x4x100x64xf32, #tpu.memory_space<vmem>>, vector<1x1x1x16xf32>,
        %get3A_1251 = vector.shape_cast %get3A_1250 : vector<1x1x1x16xf32> to vector<16xf32>
        %get3A_1252 = arith.constant 0 : i32
        %get3A_1253 = arith.index_cast %get3A_1252 : i32 to index
        %get3A_1254 = arith.index_cast %scan3A_1197 : i32 to index
        %get3A_1255 = arith.constant 32 : index
        %get3A_1256 = tpu.vector_load %arg7[%get3A_1253, %get3A_1254, %get3A_1255] {strides = array<i32>} : memref<2x100x64xf32, #tpu.memory_space<vmem>>, vector<1x1x16xf32>,
        %get3A_1257 = vector.shape_cast %get3A_1256 : vector<1x1x16xf32> to vector<16xf32>
        %add3A_1258 = arith.addf %get3A_1251, %get3A_1257 : vector<16xf32>
        %swap3A_1259 = arith.constant 2 : i32
        %swap3A_1260 = arith.constant 2 : i32
        %swap3A_1261 = arith.index_cast %swap3A_1259 : i32 to index
        %swap3A_1262 = arith.index_cast %swap3A_1260 : i32 to index
        %swap3A_1263 = arith.index_cast %scan3A_1197 : i32 to index
        %swap3A_1264 = arith.constant 32 : index
        %swap3A_1265 = tpu.vector_load %arg8[%swap3A_1261, %swap3A_1262, %swap3A_1263, %swap3A_1264] {strides = array<i32>} : memref<3x4x100x64xf32, #tpu.memory_space<vmem>>, vector<1x1x1x16xf32>,
        %swap3A_1266 = vector.shape_cast %swap3A_1265 : vector<1x1x1x16xf32> to vector<16xf32>
        %swap3A_1267 = vector.shape_cast %add3A_1258 : vector<16xf32> to vector<1x1x1x16xf32>
        tpu.vector_store %arg8[%swap3A_1261, %swap3A_1262, %swap3A_1263, %swap3A_1264], %swap3A_1267 {strides = array<i32>} : memref<3x4x100x64xf32, #tpu.memory_space<vmem>>, vector<1x1x1x16xf32>,
        %get3A_1268 = arith.constant 2 : i32
        %get3A_1269 = arith.constant 2 : i32
        %get3A_1270 = arith.index_cast %get3A_1268 : i32 to index
        %get3A_1271 = arith.index_cast %get3A_1269 : i32 to index
        %get3A_1272 = arith.index_cast %scan3A_1197 : i32 to index
        %get3A_1273 = arith.constant 48 : index
        %get3A_1274 = tpu.vector_load %arg8[%get3A_1270, %get3A_1271, %get3A_1272, %get3A_1273] {strides = array<i32>} : memref<3x4x100x64xf32, #tpu.memory_space<vmem>>, vector<1x1x1x16xf32>,
        %get3A_1275 = vector.shape_cast %get3A_1274 : vector<1x1x1x16xf32> to vector<16xf32>
        %get3A_1276 = arith.constant 0 : i32
        %get3A_1277 = arith.index_cast %get3A_1276 : i32 to index
        %get3A_1278 = arith.index_cast %scan3A_1197 : i32 to index
        %get3A_1279 = arith.constant 48 : index
        %get3A_1280 = tpu.vector_load %arg7[%get3A_1277, %get3A_1278, %get3A_1279] {strides = array<i32>} : memref<2x100x64xf32, #tpu.memory_space<vmem>>, vector<1x1x16xf32>,
        %get3A_1281 = vector.shape_cast %get3A_1280 : vector<1x1x16xf32> to vector<16xf32>
        %add3A_1282 = arith.addf %get3A_1275, %get3A_1281 : vector<16xf32>
        %swap3A_1283 = arith.constant 2 : i32
        %swap3A_1284 = arith.constant 2 : i32
        %swap3A_1285 = arith.index_cast %swap3A_1283 : i32 to index
        %swap3A_1286 = arith.index_cast %swap3A_1284 : i32 to index
        %swap3A_1287 = arith.index_cast %scan3A_1197 : i32 to index
        %swap3A_1288 = arith.constant 48 : index
        %swap3A_1289 = tpu.vector_load %arg8[%swap3A_1285, %swap3A_1286, %swap3A_1287, %swap3A_1288] {strides = array<i32>} : memref<3x4x100x64xf32, #tpu.memory_space<vmem>>, vector<1x1x1x16xf32>,
        %swap3A_1290 = vector.shape_cast %swap3A_1289 : vector<1x1x1x16xf32> to vector<16xf32>
        %swap3A_1291 = vector.shape_cast %add3A_1282 : vector<16xf32> to vector<1x1x1x16xf32>
        tpu.vector_store %arg8[%swap3A_1285, %swap3A_1286, %swap3A_1287, %swap3A_1288], %swap3A_1291 {strides = array<i32>} : memref<3x4x100x64xf32, #tpu.memory_space<vmem>>, vector<1x1x1x16xf32>,
      }
      %scan3A_990 = arith.constant 100 : i32
      %scan3A_991 = arith.constant 0 : i32
      %scan3A_992 = arith.constant 0 : i32
      %scan3A_993 = arith.constant 100 : i32
      %scan3A_994 = arith.addi %scan3A_992, %scan3A_993 : i32
      %scan3A_995 = arith.constant 1 : i32
      scf.for %scan3A_1197 = %scan3A_992 to %scan3A_994 step %scan3A_995  : i32 {
        %get3A = arith.constant 2 : i32
        %get3A_1198 = arith.constant 3 : i32
        %get3A_1199 = arith.index_cast %get3A : i32 to index
        %get3A_1200 = arith.index_cast %get3A_1198 : i32 to index
        %get3A_1201 = arith.index_cast %scan3A_1197 : i32 to index
        %get3A_1202 = arith.constant 0 : index
        %get3A_1203 = tpu.vector_load %arg8[%get3A_1199, %get3A_1200, %get3A_1201, %get3A_1202] {strides = array<i32>} : memref<3x4x100x64xf32, #tpu.memory_space<vmem>>, vector<1x1x1x16xf32>,
        %get3A_1204 = vector.shape_cast %get3A_1203 : vector<1x1x1x16xf32> to vector<16xf32>
        %get3A_1205 = arith.constant 1 : i32
        %get3A_1206 = arith.index_cast %get3A_1205 : i32 to index
        %get3A_1207 = arith.index_cast %scan3A_1197 : i32 to index
        %get3A_1208 = arith.constant 0 : index
        %get3A_1209 = tpu.vector_load %arg7[%get3A_1206, %get3A_1207, %get3A_1208] {strides = array<i32>} : memref<2x100x64xf32, #tpu.memory_space<vmem>>, vector<1x1x16xf32>,
        %get3A_1210 = vector.shape_cast %get3A_1209 : vector<1x1x16xf32> to vector<16xf32>
        %add3A_1211 = arith.addf %get3A_1204, %get3A_1210 : vector<16xf32>
        %swap3A = arith.constant 2 : i32
        %swap3A_1212 = arith.constant 3 : i32
        %swap3A_1213 = arith.index_cast %swap3A : i32 to index
        %swap3A_1214 = arith.index_cast %swap3A_1212 : i32 to index
        %swap3A_1215 = arith.index_cast %scan3A_1197 : i32 to index
        %swap3A_1216 = arith.constant 0 : index
        %swap3A_1217 = tpu.vector_load %arg8[%swap3A_1213, %swap3A_1214, %swap3A_1215, %swap3A_1216] {strides = array<i32>} : memref<3x4x100x64xf32, #tpu.memory_space<vmem>>, vector<1x1x1x16xf32>,
        %swap3A_1218 = vector.shape_cast %swap3A_1217 : vector<1x1x1x16xf32> to vector<16xf32>
        %swap3A_1219 = vector.shape_cast %add3A_1211 : vector<16xf32> to vector<1x1x1x16xf32>
        tpu.vector_store %arg8[%swap3A_1213, %swap3A_1214, %swap3A_1215, %swap3A_1216], %swap3A_1219 {strides = array<i32>} : memref<3x4x100x64xf32, #tpu.memory_space<vmem>>, vector<1x1x1x16xf32>,
        %get3A_1220 = arith.constant 2 : i32
        %get3A_1221 = arith.constant 3 : i32
        %get3A_1222 = arith.index_cast %get3A_1220 : i32 to index
        %get3A_1223 = arith.index_cast %get3A_1221 : i32 to index
        %get3A_1224 = arith.index_cast %scan3A_1197 : i32 to index
        %get3A_1225 = arith.constant 16 : index
        %get3A_1226 = tpu.vector_load %arg8[%get3A_1222, %get3A_1223, %get3A_1224, %get3A_1225] {strides = array<i32>} : memref<3x4x100x64xf32, #tpu.memory_space<vmem>>, vector<1x1x1x16xf32>,
        %get3A_1227 = vector.shape_cast %get3A_1226 : vector<1x1x1x16xf32> to vector<16xf32>
        %get3A_1228 = arith.constant 1 : i32
        %get3A_1229 = arith.index_cast %get3A_1228 : i32 to index
        %get3A_1230 = arith.index_cast %scan3A_1197 : i32 to index
        %get3A_1231 = arith.constant 16 : index
        %get3A_1232 = tpu.vector_load %arg7[%get3A_1229, %get3A_1230, %get3A_1231] {strides = array<i32>} : memref<2x100x64xf32, #tpu.memory_space<vmem>>, vector<1x1x16xf32>,
        %get3A_1233 = vector.shape_cast %get3A_1232 : vector<1x1x16xf32> to vector<16xf32>
        %add3A_1234 = arith.addf %get3A_1227, %get3A_1233 : vector<16xf32>
        %swap3A_1235 = arith.constant 2 : i32
        %swap3A_1236 = arith.constant 3 : i32
        %swap3A_1237 = arith.index_cast %swap3A_1235 : i32 to index
        %swap3A_1238 = arith.index_cast %swap3A_1236 : i32 to index
        %swap3A_1239 = arith.index_cast %scan3A_1197 : i32 to index
        %swap3A_1240 = arith.constant 16 : index
        %swap3A_1241 = tpu.vector_load %arg8[%swap3A_1237, %swap3A_1238, %swap3A_1239, %swap3A_1240] {strides = array<i32>} : memref<3x4x100x64xf32, #tpu.memory_space<vmem>>, vector<1x1x1x16xf32>,
        %swap3A_1242 = vector.shape_cast %swap3A_1241 : vector<1x1x1x16xf32> to vector<16xf32>
        %swap3A_1243 = vector.shape_cast %add3A_1234 : vector<16xf32> to vector<1x1x1x16xf32>
        tpu.vector_store %arg8[%swap3A_1237, %swap3A_1238, %swap3A_1239, %swap3A_1240], %swap3A_1243 {strides = array<i32>} : memref<3x4x100x64xf32, #tpu.memory_space<vmem>>, vector<1x1x1x16xf32>,
        %get3A_1244 = arith.constant 2 : i32
        %get3A_1245 = arith.constant 3 : i32
        %get3A_1246 = arith.index_cast %get3A_1244 : i32 to index
        %get3A_1247 = arith.index_cast %get3A_1245 : i32 to index
        %get3A_1248 = arith.index_cast %scan3A_1197 : i32 to index
        %get3A_1249 = arith.constant 32 : index
        %get3A_1250 = tpu.vector_load %arg8[%get3A_1246, %get3A_1247, %get3A_1248, %get3A_1249] {strides = array<i32>} : memref<3x4x100x64xf32, #tpu.memory_space<vmem>>, vector<1x1x1x16xf32>,
        %get3A_1251 = vector.shape_cast %get3A_1250 : vector<1x1x1x16xf32> to vector<16xf32>
        %get3A_1252 = arith.constant 1 : i32
        %get3A_1253 = arith.index_cast %get3A_1252 : i32 to index
        %get3A_1254 = arith.index_cast %scan3A_1197 : i32 to index
        %get3A_1255 = arith.constant 32 : index
        %get3A_1256 = tpu.vector_load %arg7[%get3A_1253, %get3A_1254, %get3A_1255] {strides = array<i32>} : memref<2x100x64xf32, #tpu.memory_space<vmem>>, vector<1x1x16xf32>,
        %get3A_1257 = vector.shape_cast %get3A_1256 : vector<1x1x16xf32> to vector<16xf32>
        %add3A_1258 = arith.addf %get3A_1251, %get3A_1257 : vector<16xf32>
        %swap3A_1259 = arith.constant 2 : i32
        %swap3A_1260 = arith.constant 3 : i32
        %swap3A_1261 = arith.index_cast %swap3A_1259 : i32 to index
        %swap3A_1262 = arith.index_cast %swap3A_1260 : i32 to index
        %swap3A_1263 = arith.index_cast %scan3A_1197 : i32 to index
        %swap3A_1264 = arith.constant 32 : index
        %swap3A_1265 = tpu.vector_load %arg8[%swap3A_1261, %swap3A_1262, %swap3A_1263, %swap3A_1264] {strides = array<i32>} : memref<3x4x100x64xf32, #tpu.memory_space<vmem>>, vector<1x1x1x16xf32>,
        %swap3A_1266 = vector.shape_cast %swap3A_1265 : vector<1x1x1x16xf32> to vector<16xf32>
        %swap3A_1267 = vector.shape_cast %add3A_1258 : vector<16xf32> to vector<1x1x1x16xf32>
        tpu.vector_store %arg8[%swap3A_1261, %swap3A_1262, %swap3A_1263, %swap3A_1264], %swap3A_1267 {strides = array<i32>} : memref<3x4x100x64xf32, #tpu.memory_space<vmem>>, vector<1x1x1x16xf32>,
        %get3A_1268 = arith.constant 2 : i32
        %get3A_1269 = arith.constant 3 : i32
        %get3A_1270 = arith.index_cast %get3A_1268 : i32 to index
        %get3A_1271 = arith.index_cast %get3A_1269 : i32 to index
        %get3A_1272 = arith.index_cast %scan3A_1197 : i32 to index
        %get3A_1273 = arith.constant 48 : index
        %get3A_1274 = tpu.vector_load %arg8[%get3A_1270, %get3A_1271, %get3A_1272, %get3A_1273] {strides = array<i32>} : memref<3x4x100x64xf32, #tpu.memory_space<vmem>>, vector<1x1x1x16xf32>,
        %get3A_1275 = vector.shape_cast %get3A_1274 : vector<1x1x1x16xf32> to vector<16xf32>
        %get3A_1276 = arith.constant 1 : i32
        %get3A_1277 = arith.index_cast %get3A_1276 : i32 to index
        %get3A_1278 = arith.index_cast %scan3A_1197 : i32 to index
        %get3A_1279 = arith.constant 48 : index
        %get3A_1280 = tpu.vector_load %arg7[%get3A_1277, %get3A_1278, %get3A_1279] {strides = array<i32>} : memref<2x100x64xf32, #tpu.memory_space<vmem>>, vector<1x1x16xf32>,
        %get3A_1281 = vector.shape_cast %get3A_1280 : vector<1x1x16xf32> to vector<16xf32>
        %add3A_1282 = arith.addf %get3A_1275, %get3A_1281 : vector<16xf32>
        %swap3A_1283 = arith.constant 2 : i32
        %swap3A_1284 = arith.constant 3 : i32
        %swap3A_1285 = arith.index_cast %swap3A_1283 : i32 to index
        %swap3A_1286 = arith.index_cast %swap3A_1284 : i32 to index
        %swap3A_1287 = arith.index_cast %scan3A_1197 : i32 to index
        %swap3A_1288 = arith.constant 48 : index
        %swap3A_1289 = tpu.vector_load %arg8[%swap3A_1285, %swap3A_1286, %swap3A_1287, %swap3A_1288] {strides = array<i32>} : memref<3x4x100x64xf32, #tpu.memory_space<vmem>>, vector<1x1x1x16xf32>,
        %swap3A_1290 = vector.shape_cast %swap3A_1289 : vector<1x1x1x16xf32> to vector<16xf32>
        %swap3A_1291 = vector.shape_cast %add3A_1282 : vector<16xf32> to vector<1x1x1x16xf32>
        tpu.vector_store %arg8[%swap3A_1285, %swap3A_1286, %swap3A_1287, %swap3A_1288], %swap3A_1291 {strides = array<i32>} : memref<3x4x100x64xf32, #tpu.memory_space<vmem>>, vector<1x1x1x16xf32>,
      }
      %scan3A_996 = arith.constant 100 : i32
      %add3A_997 = arith.addi %mul3A_2, %add3A_842 : i32
      %dma_start3A_998 = arith.constant 2 : i32
      %dma_start3A_999 = arith.constant 0 : i32
      %dma_start3A_1000 = arith.constant 0 : i32
      %dma_start3A_1001 = arith.constant 0 : i32
      %dma_start3A_1002 = tpu.memref_slice %arg8[%dma_start3A_998, %dma_start3A_999, %dma_start3A_1000, %dma_start3A_1001] : memref<3x4x100x64xf32, #tpu.memory_space<vmem>> -> memref<1x4x100x64xf32, #tpu.memory_space<vmem>>
      %dma_start3A_1003 = tpu.memref_squeeze %dma_start3A_1002 : memref<1x4x100x64xf32, #tpu.memory_space<vmem>> -> memref<4x100x64xf32, #tpu.memory_space<vmem>>
      %dma_start3A_1004 = arith.constant 0 : i32
      %dma_start3A_1005 = arith.constant 0 : i32
      %dma_start3A_1006 = arith.constant 0 : i32
      %dma_start3A_1007 = tpu.memref_slice %arg5[%add3A_997, %dma_start3A_1004, %dma_start3A_1005, %dma_start3A_1006] : memref<2048x4x100x64xf32, #tpu.memory_space<hbm>> -> memref<1x4x100x64xf32, #tpu.memory_space<hbm>>
      %dma_start3A_1008 = tpu.memref_squeeze %dma_start3A_1007 : memref<1x4x100x64xf32, #tpu.memory_space<hbm>> -> memref<4x100x64xf32, #tpu.memory_space<hbm>>
      %dma_start3A_1009 = arith.constant 0 : i32
      %dma_start3A_1010 = arith.constant 0 : i32
      %dma_start3A_1011 = arith.constant 0 : i32
      %dma_start3A_1012 = tpu.memref_slice %arg5[%add3A_997, %dma_start3A_1009, %dma_start3A_1010, %dma_start3A_1011] : memref<2048x4x100x64xf32, #tpu.memory_space<hbm>> -> memref<1x4x100x64xf32, #tpu.memory_space<hbm>>
      %dma_start3A_1013 = tpu.memref_squeeze %dma_start3A_1012 : memref<1x4x100x64xf32, #tpu.memory_space<hbm>> -> memref<4x100x64xf32, #tpu.memory_space<hbm>>
      %dma_start3A_1014 = arith.constant 0 : i32
      %dma_start3A_1015 = arith.constant 0 : i32
      %dma_start3A_1016 = arith.constant 0 : i32
      %dma_start3A_1017 = tpu.memref_slice %arg8[%dma_start3A_998, %dma_start3A_1014, %dma_start3A_1015, %dma_start3A_1016] : memref<3x4x100x64xf32, #tpu.memory_space<vmem>> -> memref<1x4x100x64xf32, #tpu.memory_space<vmem>>
      %dma_start3A_1018 = tpu.memref_squeeze %dma_start3A_1017 : memref<1x4x100x64xf32, #tpu.memory_space<vmem>> -> memref<4x100x64xf32, #tpu.memory_space<vmem>>
      tpu.enqueue_dma source(%dma_start3A_1018 : memref<4x100x64xf32, #tpu.memory_space<vmem>>) target(%dma_start3A_1013 : memref<4x100x64xf32, #tpu.memory_space<hbm>>) target_semaphore(%arg14 : memref<!tpu.dma_semaphore, #tpu.memory_space<semaphore_mem>>)
      %add3A_1019 = arith.constant 2 : i32
      %add3A_1020 = arith.addi %add3A_664, %add3A_1019 : i32
      %dma_wait3A_1021 = arith.constant 0 : i32
      %dma_wait3A_1022 = arith.constant 0 : i32
      %dma_wait3A_1023 = arith.constant 0 : i32
      %dma_wait3A_1024 = arith.constant 0 : i32
      %dma_wait3A_1025 = arith.constant 0 : i32
      %dma_wait3A_1026 = tpu.memref_slice %arg8[%dma_wait3A_1022, %dma_wait3A_1023, %dma_wait3A_1024, %dma_wait3A_1025] : memref<3x4x100x64xf32, #tpu.memory_space<vmem>> -> memref<1x4x100x64xf32, #tpu.memory_space<vmem>>
      %dma_wait3A_1027 = tpu.memref_squeeze %dma_wait3A_1026 : memref<1x4x100x64xf32, #tpu.memory_space<vmem>> -> memref<4x100x64xf32, #tpu.memory_space<vmem>>
      %dma_wait3A_1028 = arith.constant 0 : i32
      %dma_wait3A_1029 = arith.constant 0 : i32
      %dma_wait3A_1030 = arith.constant 0 : i32
      %dma_wait3A_1031 = tpu.memref_slice %arg5[%dma_wait3A_1021, %dma_wait3A_1028, %dma_wait3A_1029, %dma_wait3A_1030] : memref<2048x4x100x64xf32, #tpu.memory_space<hbm>> -> memref<1x4x100x64xf32, #tpu.memory_space<hbm>>
      %dma_wait3A_1032 = tpu.memref_squeeze %dma_wait3A_1031 : memref<1x4x100x64xf32, #tpu.memory_space<hbm>> -> memref<4x100x64xf32, #tpu.memory_space<hbm>>
      %dma_wait3A_1033 = arith.constant 0 : i32
      %dma_wait3A_1034 = arith.constant 0 : i32
      %dma_wait3A_1035 = arith.constant 0 : i32
      %dma_wait3A_1036 = tpu.memref_slice %arg8[%dma_wait3A_1022, %dma_wait3A_1033, %dma_wait3A_1034, %dma_wait3A_1035] : memref<3x4x100x64xf32, #tpu.memory_space<vmem>> -> memref<1x4x100x64xf32, #tpu.memory_space<vmem>>
      %dma_wait3A_1037 = tpu.memref_squeeze %dma_wait3A_1036 : memref<1x4x100x64xf32, #tpu.memory_space<vmem>> -> memref<4x100x64xf32, #tpu.memory_space<vmem>>
      %dma_wait3A_1038 = arith.constant 0 : i32
      %dma_wait3A_1039 = arith.constant 0 : i32
      %dma_wait3A_1040 = arith.constant 0 : i32
      %dma_wait3A_1041 = tpu.memref_slice %arg5[%dma_wait3A_1021, %dma_wait3A_1038, %dma_wait3A_1039, %dma_wait3A_1040] : memref<2048x4x100x64xf32, #tpu.memory_space<hbm>> -> memref<1x4x100x64xf32, #tpu.memory_space<hbm>>
      %dma_wait3A_1042 = tpu.memref_squeeze %dma_wait3A_1041 : memref<1x4x100x64xf32, #tpu.memory_space<hbm>> -> memref<4x100x64xf32, #tpu.memory_space<hbm>>
      tpu.wait_dma2 semaphore(%arg9 : memref<!tpu.dma_semaphore, #tpu.memory_space<semaphore_mem>>) src(%dma_wait3A_1042 : memref<4x100x64xf32, #tpu.memory_space<hbm>>) dst(%dma_wait3A_1037 : memref<4x100x64xf32, #tpu.memory_space<vmem>>)
      %dma_wait3A_1043 = arith.constant 0 : i32
      %dma_wait3A_1044 = arith.constant 2 : i32
      %dma_wait3A_1045 = arith.constant 0 : i32
      %dma_wait3A_1046 = arith.constant 0 : i32
      %dma_wait3A_1047 = arith.constant 0 : i32
      %dma_wait3A_1048 = tpu.memref_slice %arg8[%dma_wait3A_1044, %dma_wait3A_1045, %dma_wait3A_1046, %dma_wait3A_1047] : memref<3x4x100x64xf32, #tpu.memory_space<vmem>> -> memref<1x4x100x64xf32, #tpu.memory_space<vmem>>
      %dma_wait3A_1049 = tpu.memref_squeeze %dma_wait3A_1048 : memref<1x4x100x64xf32, #tpu.memory_space<vmem>> -> memref<4x100x64xf32, #tpu.memory_space<vmem>>
      %dma_wait3A_1050 = arith.constant 0 : i32
      %dma_wait3A_1051 = arith.constant 0 : i32
      %dma_wait3A_1052 = arith.constant 0 : i32
      %dma_wait3A_1053 = tpu.memref_slice %arg5[%dma_wait3A_1043, %dma_wait3A_1050, %dma_wait3A_1051, %dma_wait3A_1052] : memref<2048x4x100x64xf32, #tpu.memory_space<hbm>> -> memref<1x4x100x64xf32, #tpu.memory_space<hbm>>
      %dma_wait3A_1054 = tpu.memref_squeeze %dma_wait3A_1053 : memref<1x4x100x64xf32, #tpu.memory_space<hbm>> -> memref<4x100x64xf32, #tpu.memory_space<hbm>>
      %dma_wait3A_1055 = arith.constant 0 : i32
      %dma_wait3A_1056 = arith.constant 0 : i32
      %dma_wait3A_1057 = arith.constant 0 : i32
      %dma_wait3A_1058 = tpu.memref_slice %arg8[%dma_wait3A_1044, %dma_wait3A_1055, %dma_wait3A_1056, %dma_wait3A_1057] : memref<3x4x100x64xf32, #tpu.memory_space<vmem>> -> memref<1x4x100x64xf32, #tpu.memory_space<vmem>>
      %dma_wait3A_1059 = tpu.memref_squeeze %dma_wait3A_1058 : memref<1x4x100x64xf32, #tpu.memory_space<vmem>> -> memref<4x100x64xf32, #tpu.memory_space<vmem>>
      %dma_wait3A_1060 = arith.constant 0 : i32
      %dma_wait3A_1061 = arith.constant 0 : i32
      %dma_wait3A_1062 = arith.constant 0 : i32
      %dma_wait3A_1063 = tpu.memref_slice %arg5[%dma_wait3A_1043, %dma_wait3A_1060, %dma_wait3A_1061, %dma_wait3A_1062] : memref<2048x4x100x64xf32, #tpu.memory_space<hbm>> -> memref<1x4x100x64xf32, #tpu.memory_space<hbm>>
      %dma_wait3A_1064 = tpu.memref_squeeze %dma_wait3A_1063 : memref<1x4x100x64xf32, #tpu.memory_space<hbm>> -> memref<4x100x64xf32, #tpu.memory_space<hbm>>
      tpu.wait_dma2 semaphore(%arg14 : memref<!tpu.dma_semaphore, #tpu.memory_space<semaphore_mem>>) src(%dma_wait3A_1064 : memref<4x100x64xf32, #tpu.memory_space<hbm>>) dst(%dma_wait3A_1059 : memref<4x100x64xf32, #tpu.memory_space<vmem>>)
      %add3A_1065 = arith.constant 2 : i32
      %add3A_1066 = arith.addi %add3A_1020, %add3A_1065 : i32
      %mul3A_1067 = arith.constant 4 : i32
      %mul3A_1068 = arith.muli %add3A_1066, %mul3A_1067 : i32
      %add3A_1069 = arith.constant 0 : i32
      %add3A_1070 = arith.addi %mul3A_1068, %add3A_1069 : i32
      %dma_start3A_1071 = arith.constant 2 : i32
      %dma_start3A_1072 = arith.constant 0 : i32
      %dma_start3A_1073 = arith.constant 0 : i32
      %dma_start3A_1074 = arith.constant 0 : i32
      %dma_start3A_1075 = arith.constant 0 : i32
      %dma_start3A_1076 = tpu.memref_slice %arg8[%dma_start3A_1071, %dma_start3A_1073, %dma_start3A_1074, %dma_start3A_1075] : memref<3x4x100x64xf32, #tpu.memory_space<vmem>> -> memref<1x4x100x64xf32, #tpu.memory_space<vmem>>
      %dma_start3A_1077 = tpu.memref_squeeze %dma_start3A_1076 : memref<1x4x100x64xf32, #tpu.memory_space<vmem>> -> memref<4x100x64xf32, #tpu.memory_space<vmem>>
      %dma_start3A_1078 = arith.constant 0 : i32
      %dma_start3A_1079 = arith.constant 0 : i32
      %dma_start3A_1080 = tpu.memref_slice %dma_start3A_1077[%dma_start3A_1072, %dma_start3A_1078, %dma_start3A_1079] : memref<4x100x64xf32, #tpu.memory_space<vmem>> -> memref<1x100x64xf32, #tpu.memory_space<vmem>>
      %dma_start3A_1081 = tpu.memref_squeeze %dma_start3A_1080 : memref<1x100x64xf32, #tpu.memory_space<vmem>> -> memref<100x64xf32, #tpu.memory_space<vmem>>
      %dma_start3A_1082 = arith.constant 0 : i32
      %dma_start3A_1083 = tpu.memref_slice %arg6[%add3A_1070, %dma_start3A_1082] : memref<256x100xi32, #tpu.memory_space<vmem>> -> memref<1x100xi32, #tpu.memory_space<vmem>>
      %dma_start3A_1084 = tpu.memref_squeeze %dma_start3A_1083 : memref<1x100xi32, #tpu.memory_space<vmem>> -> memref<100xi32, #tpu.memory_space<vmem>>
      %dma_start3A_1085 = arith.constant 0 : i32
      %dma_start3A_1086 = arith.constant 0 : i32
      %dma_start3A_1087 = tpu.memref_slice %arg3[%dma_start3A_1085, %dma_start3A_1086] : memref<1000000x64xf32, #tpu.memory_space<hbm>> -> memref<1000000x64xf32, #tpu.memory_space<hbm>>
      tpu.enqueue_indirect_dma source(%dma_start3A_1087 : memref<1000000x64xf32, #tpu.memory_space<hbm>>) target(%dma_start3A_1081 : memref<100x64xf32, #tpu.memory_space<vmem>>) offsets(%dma_start3A_1084 : memref<100xi32, #tpu.memory_space<vmem>>) semaphore(%arg11 : memref<!tpu.dma_semaphore, #tpu.memory_space<semaphore_mem>>)
      %mul3A_1088 = arith.constant 4 : i32
      %mul3A_1089 = arith.muli %add3A_1066, %mul3A_1088 : i32
      %add3A_1090 = arith.constant 1 : i32
      %add3A_1091 = arith.addi %mul3A_1089, %add3A_1090 : i32
      %dma_start3A_1092 = arith.constant 2 : i32
      %dma_start3A_1093 = arith.constant 1 : i32
      %dma_start3A_1094 = arith.constant 0 : i32
      %dma_start3A_1095 = arith.constant 0 : i32
      %dma_start3A_1096 = arith.constant 0 : i32
      %dma_start3A_1097 = tpu.memref_slice %arg8[%dma_start3A_1092, %dma_start3A_1094, %dma_start3A_1095, %dma_start3A_1096] : memref<3x4x100x64xf32, #tpu.memory_space<vmem>> -> memref<1x4x100x64xf32, #tpu.memory_space<vmem>>
      %dma_start3A_1098 = tpu.memref_squeeze %dma_start3A_1097 : memref<1x4x100x64xf32, #tpu.memory_space<vmem>> -> memref<4x100x64xf32, #tpu.memory_space<vmem>>
      %dma_start3A_1099 = arith.constant 0 : i32
      %dma_start3A_1100 = arith.constant 0 : i32
      %dma_start3A_1101 = tpu.memref_slice %dma_start3A_1098[%dma_start3A_1093, %dma_start3A_1099, %dma_start3A_1100] : memref<4x100x64xf32, #tpu.memory_space<vmem>> -> memref<1x100x64xf32, #tpu.memory_space<vmem>>
      %dma_start3A_1102 = tpu.memref_squeeze %dma_start3A_1101 : memref<1x100x64xf32, #tpu.memory_space<vmem>> -> memref<100x64xf32, #tpu.memory_space<vmem>>
      %dma_start3A_1103 = arith.constant 0 : i32
      %dma_start3A_1104 = tpu.memref_slice %arg6[%add3A_1091, %dma_start3A_1103] : memref<256x100xi32, #tpu.memory_space<vmem>> -> memref<1x100xi32, #tpu.memory_space<vmem>>
      %dma_start3A_1105 = tpu.memref_squeeze %dma_start3A_1104 : memref<1x100xi32, #tpu.memory_space<vmem>> -> memref<100xi32, #tpu.memory_space<vmem>>
      %dma_start3A_1106 = arith.constant 0 : i32
      %dma_start3A_1107 = arith.constant 0 : i32
      %dma_start3A_1108 = tpu.memref_slice %arg3[%dma_start3A_1106, %dma_start3A_1107] : memref<1000000x64xf32, #tpu.memory_space<hbm>> -> memref<1000000x64xf32, #tpu.memory_space<hbm>>
      tpu.enqueue_indirect_dma source(%dma_start3A_1108 : memref<1000000x64xf32, #tpu.memory_space<hbm>>) target(%dma_start3A_1102 : memref<100x64xf32, #tpu.memory_space<vmem>>) offsets(%dma_start3A_1105 : memref<100xi32, #tpu.memory_space<vmem>>) semaphore(%arg11 : memref<!tpu.dma_semaphore, #tpu.memory_space<semaphore_mem>>)
      %mul3A_1109 = arith.constant 4 : i32
      %mul3A_1110 = arith.muli %add3A_1066, %mul3A_1109 : i32
      %add3A_1111 = arith.constant 2 : i32
      %add3A_1112 = arith.addi %mul3A_1110, %add3A_1111 : i32
      %dma_start3A_1113 = arith.constant 2 : i32
      %dma_start3A_1114 = arith.constant 2 : i32
      %dma_start3A_1115 = arith.constant 0 : i32
      %dma_start3A_1116 = arith.constant 0 : i32
      %dma_start3A_1117 = arith.constant 0 : i32
      %dma_start3A_1118 = tpu.memref_slice %arg8[%dma_start3A_1113, %dma_start3A_1115, %dma_start3A_1116, %dma_start3A_1117] : memref<3x4x100x64xf32, #tpu.memory_space<vmem>> -> memref<1x4x100x64xf32, #tpu.memory_space<vmem>>
      %dma_start3A_1119 = tpu.memref_squeeze %dma_start3A_1118 : memref<1x4x100x64xf32, #tpu.memory_space<vmem>> -> memref<4x100x64xf32, #tpu.memory_space<vmem>>
      %dma_start3A_1120 = arith.constant 0 : i32
      %dma_start3A_1121 = arith.constant 0 : i32
      %dma_start3A_1122 = tpu.memref_slice %dma_start3A_1119[%dma_start3A_1114, %dma_start3A_1120, %dma_start3A_1121] : memref<4x100x64xf32, #tpu.memory_space<vmem>> -> memref<1x100x64xf32, #tpu.memory_space<vmem>>
      %dma_start3A_1123 = tpu.memref_squeeze %dma_start3A_1122 : memref<1x100x64xf32, #tpu.memory_space<vmem>> -> memref<100x64xf32, #tpu.memory_space<vmem>>
      %dma_start3A_1124 = arith.constant 0 : i32
      %dma_start3A_1125 = tpu.memref_slice %arg6[%add3A_1112, %dma_start3A_1124] : memref<256x100xi32, #tpu.memory_space<vmem>> -> memref<1x100xi32, #tpu.memory_space<vmem>>
      %dma_start3A_1126 = tpu.memref_squeeze %dma_start3A_1125 : memref<1x100xi32, #tpu.memory_space<vmem>> -> memref<100xi32, #tpu.memory_space<vmem>>
      %dma_start3A_1127 = arith.constant 0 : i32
      %dma_start3A_1128 = arith.constant 0 : i32
      %dma_start3A_1129 = tpu.memref_slice %arg3[%dma_start3A_1127, %dma_start3A_1128] : memref<1000000x64xf32, #tpu.memory_space<hbm>> -> memref<1000000x64xf32, #tpu.memory_space<hbm>>
      tpu.enqueue_indirect_dma source(%dma_start3A_1129 : memref<1000000x64xf32, #tpu.memory_space<hbm>>) target(%dma_start3A_1123 : memref<100x64xf32, #tpu.memory_space<vmem>>) offsets(%dma_start3A_1126 : memref<100xi32, #tpu.memory_space<vmem>>) semaphore(%arg11 : memref<!tpu.dma_semaphore, #tpu.memory_space<semaphore_mem>>)
      %mul3A_1130 = arith.constant 4 : i32
      %mul3A_1131 = arith.muli %add3A_1066, %mul3A_1130 : i32
      %add3A_1132 = arith.constant 3 : i32
      %add3A_1133 = arith.addi %mul3A_1131, %add3A_1132 : i32
      %dma_start3A_1134 = arith.constant 2 : i32
      %dma_start3A_1135 = arith.constant 3 : i32
      %dma_start3A_1136 = arith.constant 0 : i32
      %dma_start3A_1137 = arith.constant 0 : i32
      %dma_start3A_1138 = arith.constant 0 : i32
      %dma_start3A_1139 = tpu.memref_slice %arg8[%dma_start3A_1134, %dma_start3A_1136, %dma_start3A_1137, %dma_start3A_1138] : memref<3x4x100x64xf32, #tpu.memory_space<vmem>> -> memref<1x4x100x64xf32, #tpu.memory_space<vmem>>
      %dma_start3A_1140 = tpu.memref_squeeze %dma_start3A_1139 : memref<1x4x100x64xf32, #tpu.memory_space<vmem>> -> memref<4x100x64xf32, #tpu.memory_space<vmem>>
      %dma_start3A_1141 = arith.constant 0 : i32
      %dma_start3A_1142 = arith.constant 0 : i32
      %dma_start3A_1143 = tpu.memref_slice %dma_start3A_1140[%dma_start3A_1135, %dma_start3A_1141, %dma_start3A_1142] : memref<4x100x64xf32, #tpu.memory_space<vmem>> -> memref<1x100x64xf32, #tpu.memory_space<vmem>>
      %dma_start3A_1144 = tpu.memref_squeeze %dma_start3A_1143 : memref<1x100x64xf32, #tpu.memory_space<vmem>> -> memref<100x64xf32, #tpu.memory_space<vmem>>
      %dma_start3A_1145 = arith.constant 0 : i32
      %dma_start3A_1146 = tpu.memref_slice %arg6[%add3A_1133, %dma_start3A_1145] : memref<256x100xi32, #tpu.memory_space<vmem>> -> memref<1x100xi32, #tpu.memory_space<vmem>>
      %dma_start3A_1147 = tpu.memref_squeeze %dma_start3A_1146 : memref<1x100xi32, #tpu.memory_space<vmem>> -> memref<100xi32, #tpu.memory_space<vmem>>
      %dma_start3A_1148 = arith.constant 0 : i32
      %dma_start3A_1149 = arith.constant 0 : i32
      %dma_start3A_1150 = tpu.memref_slice %arg3[%dma_start3A_1148, %dma_start3A_1149] : memref<1000000x64xf32, #tpu.memory_space<hbm>> -> memref<1000000x64xf32, #tpu.memory_space<hbm>>
      tpu.enqueue_indirect_dma source(%dma_start3A_1150 : memref<1000000x64xf32, #tpu.memory_space<hbm>>) target(%dma_start3A_1144 : memref<100x64xf32, #tpu.memory_space<vmem>>) offsets(%dma_start3A_1147 : memref<100xi32, #tpu.memory_space<vmem>>) semaphore(%arg11 : memref<!tpu.dma_semaphore, #tpu.memory_space<semaphore_mem>>)
      %scan3A_1151 = arith.constant 0 : i32
      %scan3A_1152 = arith.constant 0 : i32
      %scan3A_1153 = arith.constant 100 : i32
      %scan3A_1154 = arith.addi %scan3A_1152, %scan3A_1153 : i32
      %scan3A_1155 = arith.constant 1 : i32
      scf.for %scan3A_1197 = %scan3A_1152 to %scan3A_1154 step %scan3A_1155  : i32 {
        %get3A = arith.constant 0 : i32
        %get3A_1198 = arith.constant 0 : i32
        %get3A_1199 = arith.index_cast %get3A : i32 to index
        %get3A_1200 = arith.index_cast %get3A_1198 : i32 to index
        %get3A_1201 = arith.index_cast %scan3A_1197 : i32 to index
        %get3A_1202 = arith.constant 0 : index
        %get3A_1203 = tpu.vector_load %arg8[%get3A_1199, %get3A_1200, %get3A_1201, %get3A_1202] {strides = array<i32>} : memref<3x4x100x64xf32, #tpu.memory_space<vmem>>, vector<1x1x1x16xf32>,
        %get3A_1204 = vector.shape_cast %get3A_1203 : vector<1x1x1x16xf32> to vector<16xf32>
        %get3A_1205 = arith.constant 0 : i32
        %get3A_1206 = arith.index_cast %get3A_1205 : i32 to index
        %get3A_1207 = arith.index_cast %scan3A_1197 : i32 to index
        %get3A_1208 = arith.constant 0 : index
        %get3A_1209 = tpu.vector_load %arg7[%get3A_1206, %get3A_1207, %get3A_1208] {strides = array<i32>} : memref<2x100x64xf32, #tpu.memory_space<vmem>>, vector<1x1x16xf32>,
        %get3A_1210 = vector.shape_cast %get3A_1209 : vector<1x1x16xf32> to vector<16xf32>
        %add3A_1211 = arith.addf %get3A_1204, %get3A_1210 : vector<16xf32>
        %swap3A = arith.constant 0 : i32
        %swap3A_1212 = arith.constant 0 : i32
        %swap3A_1213 = arith.index_cast %swap3A : i32 to index
        %swap3A_1214 = arith.index_cast %swap3A_1212 : i32 to index
        %swap3A_1215 = arith.index_cast %scan3A_1197 : i32 to index
        %swap3A_1216 = arith.constant 0 : index
        %swap3A_1217 = tpu.vector_load %arg8[%swap3A_1213, %swap3A_1214, %swap3A_1215, %swap3A_1216] {strides = array<i32>} : memref<3x4x100x64xf32, #tpu.memory_space<vmem>>, vector<1x1x1x16xf32>,
        %swap3A_1218 = vector.shape_cast %swap3A_1217 : vector<1x1x1x16xf32> to vector<16xf32>
        %swap3A_1219 = vector.shape_cast %add3A_1211 : vector<16xf32> to vector<1x1x1x16xf32>
        tpu.vector_store %arg8[%swap3A_1213, %swap3A_1214, %swap3A_1215, %swap3A_1216], %swap3A_1219 {strides = array<i32>} : memref<3x4x100x64xf32, #tpu.memory_space<vmem>>, vector<1x1x1x16xf32>,
        %get3A_1220 = arith.constant 0 : i32
        %get3A_1221 = arith.constant 0 : i32
        %get3A_1222 = arith.index_cast %get3A_1220 : i32 to index
        %get3A_1223 = arith.index_cast %get3A_1221 : i32 to index
        %get3A_1224 = arith.index_cast %scan3A_1197 : i32 to index
        %get3A_1225 = arith.constant 16 : index
        %get3A_1226 = tpu.vector_load %arg8[%get3A_1222, %get3A_1223, %get3A_1224, %get3A_1225] {strides = array<i32>} : memref<3x4x100x64xf32, #tpu.memory_space<vmem>>, vector<1x1x1x16xf32>,
        %get3A_1227 = vector.shape_cast %get3A_1226 : vector<1x1x1x16xf32> to vector<16xf32>
        %get3A_1228 = arith.constant 0 : i32
        %get3A_1229 = arith.index_cast %get3A_1228 : i32 to index
        %get3A_1230 = arith.index_cast %scan3A_1197 : i32 to index
        %get3A_1231 = arith.constant 16 : index
        %get3A_1232 = tpu.vector_load %arg7[%get3A_1229, %get3A_1230, %get3A_1231] {strides = array<i32>} : memref<2x100x64xf32, #tpu.memory_space<vmem>>, vector<1x1x16xf32>,
        %get3A_1233 = vector.shape_cast %get3A_1232 : vector<1x1x16xf32> to vector<16xf32>
        %add3A_1234 = arith.addf %get3A_1227, %get3A_1233 : vector<16xf32>
        %swap3A_1235 = arith.constant 0 : i32
        %swap3A_1236 = arith.constant 0 : i32
        %swap3A_1237 = arith.index_cast %swap3A_1235 : i32 to index
        %swap3A_1238 = arith.index_cast %swap3A_1236 : i32 to index
        %swap3A_1239 = arith.index_cast %scan3A_1197 : i32 to index
        %swap3A_1240 = arith.constant 16 : index
        %swap3A_1241 = tpu.vector_load %arg8[%swap3A_1237, %swap3A_1238, %swap3A_1239, %swap3A_1240] {strides = array<i32>} : memref<3x4x100x64xf32, #tpu.memory_space<vmem>>, vector<1x1x1x16xf32>,
        %swap3A_1242 = vector.shape_cast %swap3A_1241 : vector<1x1x1x16xf32> to vector<16xf32>
        %swap3A_1243 = vector.shape_cast %add3A_1234 : vector<16xf32> to vector<1x1x1x16xf32>
        tpu.vector_store %arg8[%swap3A_1237, %swap3A_1238, %swap3A_1239, %swap3A_1240], %swap3A_1243 {strides = array<i32>} : memref<3x4x100x64xf32, #tpu.memory_space<vmem>>, vector<1x1x1x16xf32>,
        %get3A_1244 = arith.constant 0 : i32
        %get3A_1245 = arith.constant 0 : i32
        %get3A_1246 = arith.index_cast %get3A_1244 : i32 to index
        %get3A_1247 = arith.index_cast %get3A_1245 : i32 to index
        %get3A_1248 = arith.index_cast %scan3A_1197 : i32 to index
        %get3A_1249 = arith.constant 32 : index
        %get3A_1250 = tpu.vector_load %arg8[%get3A_1246, %get3A_1247, %get3A_1248, %get3A_1249] {strides = array<i32>} : memref<3x4x100x64xf32, #tpu.memory_space<vmem>>, vector<1x1x1x16xf32>,
        %get3A_1251 = vector.shape_cast %get3A_1250 : vector<1x1x1x16xf32> to vector<16xf32>
        %get3A_1252 = arith.constant 0 : i32
        %get3A_1253 = arith.index_cast %get3A_1252 : i32 to index
        %get3A_1254 = arith.index_cast %scan3A_1197 : i32 to index
        %get3A_1255 = arith.constant 32 : index
        %get3A_1256 = tpu.vector_load %arg7[%get3A_1253, %get3A_1254, %get3A_1255] {strides = array<i32>} : memref<2x100x64xf32, #tpu.memory_space<vmem>>, vector<1x1x16xf32>,
        %get3A_1257 = vector.shape_cast %get3A_1256 : vector<1x1x16xf32> to vector<16xf32>
        %add3A_1258 = arith.addf %get3A_1251, %get3A_1257 : vector<16xf32>
        %swap3A_1259 = arith.constant 0 : i32
        %swap3A_1260 = arith.constant 0 : i32
        %swap3A_1261 = arith.index_cast %swap3A_1259 : i32 to index
        %swap3A_1262 = arith.index_cast %swap3A_1260 : i32 to index
        %swap3A_1263 = arith.index_cast %scan3A_1197 : i32 to index
        %swap3A_1264 = arith.constant 32 : index
        %swap3A_1265 = tpu.vector_load %arg8[%swap3A_1261, %swap3A_1262, %swap3A_1263, %swap3A_1264] {strides = array<i32>} : memref<3x4x100x64xf32, #tpu.memory_space<vmem>>, vector<1x1x1x16xf32>,
        %swap3A_1266 = vector.shape_cast %swap3A_1265 : vector<1x1x1x16xf32> to vector<16xf32>
        %swap3A_1267 = vector.shape_cast %add3A_1258 : vector<16xf32> to vector<1x1x1x16xf32>
        tpu.vector_store %arg8[%swap3A_1261, %swap3A_1262, %swap3A_1263, %swap3A_1264], %swap3A_1267 {strides = array<i32>} : memref<3x4x100x64xf32, #tpu.memory_space<vmem>>, vector<1x1x1x16xf32>,
        %get3A_1268 = arith.constant 0 : i32
        %get3A_1269 = arith.constant 0 : i32
        %get3A_1270 = arith.index_cast %get3A_1268 : i32 to index
        %get3A_1271 = arith.index_cast %get3A_1269 : i32 to index
        %get3A_1272 = arith.index_cast %scan3A_1197 : i32 to index
        %get3A_1273 = arith.constant 48 : index
        %get3A_1274 = tpu.vector_load %arg8[%get3A_1270, %get3A_1271, %get3A_1272, %get3A_1273] {strides = array<i32>} : memref<3x4x100x64xf32, #tpu.memory_space<vmem>>, vector<1x1x1x16xf32>,
        %get3A_1275 = vector.shape_cast %get3A_1274 : vector<1x1x1x16xf32> to vector<16xf32>
        %get3A_1276 = arith.constant 0 : i32
        %get3A_1277 = arith.index_cast %get3A_1276 : i32 to index
        %get3A_1278 = arith.index_cast %scan3A_1197 : i32 to index
        %get3A_1279 = arith.constant 48 : index
        %get3A_1280 = tpu.vector_load %arg7[%get3A_1277, %get3A_1278, %get3A_1279] {strides = array<i32>} : memref<2x100x64xf32, #tpu.memory_space<vmem>>, vector<1x1x16xf32>,
        %get3A_1281 = vector.shape_cast %get3A_1280 : vector<1x1x16xf32> to vector<16xf32>
        %add3A_1282 = arith.addf %get3A_1275, %get3A_1281 : vector<16xf32>
        %swap3A_1283 = arith.constant 0 : i32
        %swap3A_1284 = arith.constant 0 : i32
        %swap3A_1285 = arith.index_cast %swap3A_1283 : i32 to index
        %swap3A_1286 = arith.index_cast %swap3A_1284 : i32 to index
        %swap3A_1287 = arith.index_cast %scan3A_1197 : i32 to index
        %swap3A_1288 = arith.constant 48 : index
        %swap3A_1289 = tpu.vector_load %arg8[%swap3A_1285, %swap3A_1286, %swap3A_1287, %swap3A_1288] {strides = array<i32>} : memref<3x4x100x64xf32, #tpu.memory_space<vmem>>, vector<1x1x1x16xf32>,
        %swap3A_1290 = vector.shape_cast %swap3A_1289 : vector<1x1x1x16xf32> to vector<16xf32>
        %swap3A_1291 = vector.shape_cast %add3A_1282 : vector<16xf32> to vector<1x1x1x16xf32>
        tpu.vector_store %arg8[%swap3A_1285, %swap3A_1286, %swap3A_1287, %swap3A_1288], %swap3A_1291 {strides = array<i32>} : memref<3x4x100x64xf32, #tpu.memory_space<vmem>>, vector<1x1x1x16xf32>,
      }
      %scan3A_1156 = arith.constant 100 : i32
      %scan3A_1157 = arith.constant 0 : i32
      %scan3A_1158 = arith.constant 0 : i32
      %scan3A_1159 = arith.constant 100 : i32
      %scan3A_1160 = arith.addi %scan3A_1158, %scan3A_1159 : i32
      %scan3A_1161 = arith.constant 1 : i32
      scf.for %scan3A_1197 = %scan3A_1158 to %scan3A_1160 step %scan3A_1161  : i32 {
        %get3A = arith.constant 0 : i32
        %get3A_1198 = arith.constant 1 : i32
        %get3A_1199 = arith.index_cast %get3A : i32 to index
        %get3A_1200 = arith.index_cast %get3A_1198 : i32 to index
        %get3A_1201 = arith.index_cast %scan3A_1197 : i32 to index
        %get3A_1202 = arith.constant 0 : index
        %get3A_1203 = tpu.vector_load %arg8[%get3A_1199, %get3A_1200, %get3A_1201, %get3A_1202] {strides = array<i32>} : memref<3x4x100x64xf32, #tpu.memory_space<vmem>>, vector<1x1x1x16xf32>,
        %get3A_1204 = vector.shape_cast %get3A_1203 : vector<1x1x1x16xf32> to vector<16xf32>
        %get3A_1205 = arith.constant 1 : i32
        %get3A_1206 = arith.index_cast %get3A_1205 : i32 to index
        %get3A_1207 = arith.index_cast %scan3A_1197 : i32 to index
        %get3A_1208 = arith.constant 0 : index
        %get3A_1209 = tpu.vector_load %arg7[%get3A_1206, %get3A_1207, %get3A_1208] {strides = array<i32>} : memref<2x100x64xf32, #tpu.memory_space<vmem>>, vector<1x1x16xf32>,
        %get3A_1210 = vector.shape_cast %get3A_1209 : vector<1x1x16xf32> to vector<16xf32>
        %add3A_1211 = arith.addf %get3A_1204, %get3A_1210 : vector<16xf32>
        %swap3A = arith.constant 0 : i32
        %swap3A_1212 = arith.constant 1 : i32
        %swap3A_1213 = arith.index_cast %swap3A : i32 to index
        %swap3A_1214 = arith.index_cast %swap3A_1212 : i32 to index
        %swap3A_1215 = arith.index_cast %scan3A_1197 : i32 to index
        %swap3A_1216 = arith.constant 0 : index
        %swap3A_1217 = tpu.vector_load %arg8[%swap3A_1213, %swap3A_1214, %swap3A_1215, %swap3A_1216] {strides = array<i32>} : memref<3x4x100x64xf32, #tpu.memory_space<vmem>>, vector<1x1x1x16xf32>,
        %swap3A_1218 = vector.shape_cast %swap3A_1217 : vector<1x1x1x16xf32> to vector<16xf32>
        %swap3A_1219 = vector.shape_cast %add3A_1211 : vector<16xf32> to vector<1x1x1x16xf32>
        tpu.vector_store %arg8[%swap3A_1213, %swap3A_1214, %swap3A_1215, %swap3A_1216], %swap3A_1219 {strides = array<i32>} : memref<3x4x100x64xf32, #tpu.memory_space<vmem>>, vector<1x1x1x16xf32>,
        %get3A_1220 = arith.constant 0 : i32
        %get3A_1221 = arith.constant 1 : i32
        %get3A_1222 = arith.index_cast %get3A_1220 : i32 to index
        %get3A_1223 = arith.index_cast %get3A_1221 : i32 to index
        %get3A_1224 = arith.index_cast %scan3A_1197 : i32 to index
        %get3A_1225 = arith.constant 16 : index
        %get3A_1226 = tpu.vector_load %arg8[%get3A_1222, %get3A_1223, %get3A_1224, %get3A_1225] {strides = array<i32>} : memref<3x4x100x64xf32, #tpu.memory_space<vmem>>, vector<1x1x1x16xf32>,
        %get3A_1227 = vector.shape_cast %get3A_1226 : vector<1x1x1x16xf32> to vector<16xf32>
        %get3A_1228 = arith.constant 1 : i32
        %get3A_1229 = arith.index_cast %get3A_1228 : i32 to index
        %get3A_1230 = arith.index_cast %scan3A_1197 : i32 to index
        %get3A_1231 = arith.constant 16 : index
        %get3A_1232 = tpu.vector_load %arg7[%get3A_1229, %get3A_1230, %get3A_1231] {strides = array<i32>} : memref<2x100x64xf32, #tpu.memory_space<vmem>>, vector<1x1x16xf32>,
        %get3A_1233 = vector.shape_cast %get3A_1232 : vector<1x1x16xf32> to vector<16xf32>
        %add3A_1234 = arith.addf %get3A_1227, %get3A_1233 : vector<16xf32>
        %swap3A_1235 = arith.constant 0 : i32
        %swap3A_1236 = arith.constant 1 : i32
        %swap3A_1237 = arith.index_cast %swap3A_1235 : i32 to index
        %swap3A_1238 = arith.index_cast %swap3A_1236 : i32 to index
        %swap3A_1239 = arith.index_cast %scan3A_1197 : i32 to index
        %swap3A_1240 = arith.constant 16 : index
        %swap3A_1241 = tpu.vector_load %arg8[%swap3A_1237, %swap3A_1238, %swap3A_1239, %swap3A_1240] {strides = array<i32>} : memref<3x4x100x64xf32, #tpu.memory_space<vmem>>, vector<1x1x1x16xf32>,
        %swap3A_1242 = vector.shape_cast %swap3A_1241 : vector<1x1x1x16xf32> to vector<16xf32>
        %swap3A_1243 = vector.shape_cast %add3A_1234 : vector<16xf32> to vector<1x1x1x16xf32>
        tpu.vector_store %arg8[%swap3A_1237, %swap3A_1238, %swap3A_1239, %swap3A_1240], %swap3A_1243 {strides = array<i32>} : memref<3x4x100x64xf32, #tpu.memory_space<vmem>>, vector<1x1x1x16xf32>,
        %get3A_1244 = arith.constant 0 : i32
        %get3A_1245 = arith.constant 1 : i32
        %get3A_1246 = arith.index_cast %get3A_1244 : i32 to index
        %get3A_1247 = arith.index_cast %get3A_1245 : i32 to index
        %get3A_1248 = arith.index_cast %scan3A_1197 : i32 to index
        %get3A_1249 = arith.constant 32 : index
        %get3A_1250 = tpu.vector_load %arg8[%get3A_1246, %get3A_1247, %get3A_1248, %get3A_1249] {strides = array<i32>} : memref<3x4x100x64xf32, #tpu.memory_space<vmem>>, vector<1x1x1x16xf32>,
        %get3A_1251 = vector.shape_cast %get3A_1250 : vector<1x1x1x16xf32> to vector<16xf32>
        %get3A_1252 = arith.constant 1 : i32
        %get3A_1253 = arith.index_cast %get3A_1252 : i32 to index
        %get3A_1254 = arith.index_cast %scan3A_1197 : i32 to index
        %get3A_1255 = arith.constant 32 : index
        %get3A_1256 = tpu.vector_load %arg7[%get3A_1253, %get3A_1254, %get3A_1255] {strides = array<i32>} : memref<2x100x64xf32, #tpu.memory_space<vmem>>, vector<1x1x16xf32>,
        %get3A_1257 = vector.shape_cast %get3A_1256 : vector<1x1x16xf32> to vector<16xf32>
        %add3A_1258 = arith.addf %get3A_1251, %get3A_1257 : vector<16xf32>
        %swap3A_1259 = arith.constant 0 : i32
        %swap3A_1260 = arith.constant 1 : i32
        %swap3A_1261 = arith.index_cast %swap3A_1259 : i32 to index
        %swap3A_1262 = arith.index_cast %swap3A_1260 : i32 to index
        %swap3A_1263 = arith.index_cast %scan3A_1197 : i32 to index
        %swap3A_1264 = arith.constant 32 : index
        %swap3A_1265 = tpu.vector_load %arg8[%swap3A_1261, %swap3A_1262, %swap3A_1263, %swap3A_1264] {strides = array<i32>} : memref<3x4x100x64xf32, #tpu.memory_space<vmem>>, vector<1x1x1x16xf32>,
        %swap3A_1266 = vector.shape_cast %swap3A_1265 : vector<1x1x1x16xf32> to vector<16xf32>
        %swap3A_1267 = vector.shape_cast %add3A_1258 : vector<16xf32> to vector<1x1x1x16xf32>
        tpu.vector_store %arg8[%swap3A_1261, %swap3A_1262, %swap3A_1263, %swap3A_1264], %swap3A_1267 {strides = array<i32>} : memref<3x4x100x64xf32, #tpu.memory_space<vmem>>, vector<1x1x1x16xf32>,
        %get3A_1268 = arith.constant 0 : i32
        %get3A_1269 = arith.constant 1 : i32
        %get3A_1270 = arith.index_cast %get3A_1268 : i32 to index
        %get3A_1271 = arith.index_cast %get3A_1269 : i32 to index
        %get3A_1272 = arith.index_cast %scan3A_1197 : i32 to index
        %get3A_1273 = arith.constant 48 : index
        %get3A_1274 = tpu.vector_load %arg8[%get3A_1270, %get3A_1271, %get3A_1272, %get3A_1273] {strides = array<i32>} : memref<3x4x100x64xf32, #tpu.memory_space<vmem>>, vector<1x1x1x16xf32>,
        %get3A_1275 = vector.shape_cast %get3A_1274 : vector<1x1x1x16xf32> to vector<16xf32>
        %get3A_1276 = arith.constant 1 : i32
        %get3A_1277 = arith.index_cast %get3A_1276 : i32 to index
        %get3A_1278 = arith.index_cast %scan3A_1197 : i32 to index
        %get3A_1279 = arith.constant 48 : index
        %get3A_1280 = tpu.vector_load %arg7[%get3A_1277, %get3A_1278, %get3A_1279] {strides = array<i32>} : memref<2x100x64xf32, #tpu.memory_space<vmem>>, vector<1x1x16xf32>,
        %get3A_1281 = vector.shape_cast %get3A_1280 : vector<1x1x16xf32> to vector<16xf32>
        %add3A_1282 = arith.addf %get3A_1275, %get3A_1281 : vector<16xf32>
        %swap3A_1283 = arith.constant 0 : i32
        %swap3A_1284 = arith.constant 1 : i32
        %swap3A_1285 = arith.index_cast %swap3A_1283 : i32 to index
        %swap3A_1286 = arith.index_cast %swap3A_1284 : i32 to index
        %swap3A_1287 = arith.index_cast %scan3A_1197 : i32 to index
        %swap3A_1288 = arith.constant 48 : index
        %swap3A_1289 = tpu.vector_load %arg8[%swap3A_1285, %swap3A_1286, %swap3A_1287, %swap3A_1288] {strides = array<i32>} : memref<3x4x100x64xf32, #tpu.memory_space<vmem>>, vector<1x1x1x16xf32>,
        %swap3A_1290 = vector.shape_cast %swap3A_1289 : vector<1x1x1x16xf32> to vector<16xf32>
        %swap3A_1291 = vector.shape_cast %add3A_1282 : vector<16xf32> to vector<1x1x1x16xf32>
        tpu.vector_store %arg8[%swap3A_1285, %swap3A_1286, %swap3A_1287, %swap3A_1288], %swap3A_1291 {strides = array<i32>} : memref<3x4x100x64xf32, #tpu.memory_space<vmem>>, vector<1x1x1x16xf32>,
      }
      %scan3A_1162 = arith.constant 100 : i32
      %scan3A_1163 = arith.constant 0 : i32
      %scan3A_1164 = arith.constant 0 : i32
      %scan3A_1165 = arith.constant 100 : i32
      %scan3A_1166 = arith.addi %scan3A_1164, %scan3A_1165 : i32
      %scan3A_1167 = arith.constant 1 : i32
      scf.for %scan3A_1197 = %scan3A_1164 to %scan3A_1166 step %scan3A_1167  : i32 {
        %get3A = arith.constant 0 : i32
        %get3A_1198 = arith.constant 2 : i32
        %get3A_1199 = arith.index_cast %get3A : i32 to index
        %get3A_1200 = arith.index_cast %get3A_1198 : i32 to index
        %get3A_1201 = arith.index_cast %scan3A_1197 : i32 to index
        %get3A_1202 = arith.constant 0 : index
        %get3A_1203 = tpu.vector_load %arg8[%get3A_1199, %get3A_1200, %get3A_1201, %get3A_1202] {strides = array<i32>} : memref<3x4x100x64xf32, #tpu.memory_space<vmem>>, vector<1x1x1x16xf32>,
        %get3A_1204 = vector.shape_cast %get3A_1203 : vector<1x1x1x16xf32> to vector<16xf32>
        %get3A_1205 = arith.constant 0 : i32
        %get3A_1206 = arith.index_cast %get3A_1205 : i32 to index
        %get3A_1207 = arith.index_cast %scan3A_1197 : i32 to index
        %get3A_1208 = arith.constant 0 : index
        %get3A_1209 = tpu.vector_load %arg7[%get3A_1206, %get3A_1207, %get3A_1208] {strides = array<i32>} : memref<2x100x64xf32, #tpu.memory_space<vmem>>, vector<1x1x16xf32>,
        %get3A_1210 = vector.shape_cast %get3A_1209 : vector<1x1x16xf32> to vector<16xf32>
        %add3A_1211 = arith.addf %get3A_1204, %get3A_1210 : vector<16xf32>
        %swap3A = arith.constant 0 : i32
        %swap3A_1212 = arith.constant 2 : i32
        %swap3A_1213 = arith.index_cast %swap3A : i32 to index
        %swap3A_1214 = arith.index_cast %swap3A_1212 : i32 to index
        %swap3A_1215 = arith.index_cast %scan3A_1197 : i32 to index
        %swap3A_1216 = arith.constant 0 : index
        %swap3A_1217 = tpu.vector_load %arg8[%swap3A_1213, %swap3A_1214, %swap3A_1215, %swap3A_1216] {strides = array<i32>} : memref<3x4x100x64xf32, #tpu.memory_space<vmem>>, vector<1x1x1x16xf32>,
        %swap3A_1218 = vector.shape_cast %swap3A_1217 : vector<1x1x1x16xf32> to vector<16xf32>
        %swap3A_1219 = vector.shape_cast %add3A_1211 : vector<16xf32> to vector<1x1x1x16xf32>
        tpu.vector_store %arg8[%swap3A_1213, %swap3A_1214, %swap3A_1215, %swap3A_1216], %swap3A_1219 {strides = array<i32>} : memref<3x4x100x64xf32, #tpu.memory_space<vmem>>, vector<1x1x1x16xf32>,
        %get3A_1220 = arith.constant 0 : i32
        %get3A_1221 = arith.constant 2 : i32
        %get3A_1222 = arith.index_cast %get3A_1220 : i32 to index
        %get3A_1223 = arith.index_cast %get3A_1221 : i32 to index
        %get3A_1224 = arith.index_cast %scan3A_1197 : i32 to index
        %get3A_1225 = arith.constant 16 : index
        %get3A_1226 = tpu.vector_load %arg8[%get3A_1222, %get3A_1223, %get3A_1224, %get3A_1225] {strides = array<i32>} : memref<3x4x100x64xf32, #tpu.memory_space<vmem>>, vector<1x1x1x16xf32>,
        %get3A_1227 = vector.shape_cast %get3A_1226 : vector<1x1x1x16xf32> to vector<16xf32>
        %get3A_1228 = arith.constant 0 : i32
        %get3A_1229 = arith.index_cast %get3A_1228 : i32 to index
        %get3A_1230 = arith.index_cast %scan3A_1197 : i32 to index
        %get3A_1231 = arith.constant 16 : index
        %get3A_1232 = tpu.vector_load %arg7[%get3A_1229, %get3A_1230, %get3A_1231] {strides = array<i32>} : memref<2x100x64xf32, #tpu.memory_space<vmem>>, vector<1x1x16xf32>,
        %get3A_1233 = vector.shape_cast %get3A_1232 : vector<1x1x16xf32> to vector<16xf32>
        %add3A_1234 = arith.addf %get3A_1227, %get3A_1233 : vector<16xf32>
        %swap3A_1235 = arith.constant 0 : i32
        %swap3A_1236 = arith.constant 2 : i32
        %swap3A_1237 = arith.index_cast %swap3A_1235 : i32 to index
        %swap3A_1238 = arith.index_cast %swap3A_1236 : i32 to index
        %swap3A_1239 = arith.index_cast %scan3A_1197 : i32 to index
        %swap3A_1240 = arith.constant 16 : index
        %swap3A_1241 = tpu.vector_load %arg8[%swap3A_1237, %swap3A_1238, %swap3A_1239, %swap3A_1240] {strides = array<i32>} : memref<3x4x100x64xf32, #tpu.memory_space<vmem>>, vector<1x1x1x16xf32>,
        %swap3A_1242 = vector.shape_cast %swap3A_1241 : vector<1x1x1x16xf32> to vector<16xf32>
        %swap3A_1243 = vector.shape_cast %add3A_1234 : vector<16xf32> to vector<1x1x1x16xf32>
        tpu.vector_store %arg8[%swap3A_1237, %swap3A_1238, %swap3A_1239, %swap3A_1240], %swap3A_1243 {strides = array<i32>} : memref<3x4x100x64xf32, #tpu.memory_space<vmem>>, vector<1x1x1x16xf32>,
        %get3A_1244 = arith.constant 0 : i32
        %get3A_1245 = arith.constant 2 : i32
        %get3A_1246 = arith.index_cast %get3A_1244 : i32 to index
        %get3A_1247 = arith.index_cast %get3A_1245 : i32 to index
        %get3A_1248 = arith.index_cast %scan3A_1197 : i32 to index
        %get3A_1249 = arith.constant 32 : index
        %get3A_1250 = tpu.vector_load %arg8[%get3A_1246, %get3A_1247, %get3A_1248, %get3A_1249] {strides = array<i32>} : memref<3x4x100x64xf32, #tpu.memory_space<vmem>>, vector<1x1x1x16xf32>,
        %get3A_1251 = vector.shape_cast %get3A_1250 : vector<1x1x1x16xf32> to vector<16xf32>
        %get3A_1252 = arith.constant 0 : i32
        %get3A_1253 = arith.index_cast %get3A_1252 : i32 to index
        %get3A_1254 = arith.index_cast %scan3A_1197 : i32 to index
        %get3A_1255 = arith.constant 32 : index
        %get3A_1256 = tpu.vector_load %arg7[%get3A_1253, %get3A_1254, %get3A_1255] {strides = array<i32>} : memref<2x100x64xf32, #tpu.memory_space<vmem>>, vector<1x1x16xf32>,
        %get3A_1257 = vector.shape_cast %get3A_1256 : vector<1x1x16xf32> to vector<16xf32>
        %add3A_1258 = arith.addf %get3A_1251, %get3A_1257 : vector<16xf32>
        %swap3A_1259 = arith.constant 0 : i32
        %swap3A_1260 = arith.constant 2 : i32
        %swap3A_1261 = arith.index_cast %swap3A_1259 : i32 to index
        %swap3A_1262 = arith.index_cast %swap3A_1260 : i32 to index
        %swap3A_1263 = arith.index_cast %scan3A_1197 : i32 to index
        %swap3A_1264 = arith.constant 32 : index
        %swap3A_1265 = tpu.vector_load %arg8[%swap3A_1261, %swap3A_1262, %swap3A_1263, %swap3A_1264] {strides = array<i32>} : memref<3x4x100x64xf32, #tpu.memory_space<vmem>>, vector<1x1x1x16xf32>,
        %swap3A_1266 = vector.shape_cast %swap3A_1265 : vector<1x1x1x16xf32> to vector<16xf32>
        %swap3A_1267 = vector.shape_cast %add3A_1258 : vector<16xf32> to vector<1x1x1x16xf32>
        tpu.vector_store %arg8[%swap3A_1261, %swap3A_1262, %swap3A_1263, %swap3A_1264], %swap3A_1267 {strides = array<i32>} : memref<3x4x100x64xf32, #tpu.memory_space<vmem>>, vector<1x1x1x16xf32>,
        %get3A_1268 = arith.constant 0 : i32
        %get3A_1269 = arith.constant 2 : i32
        %get3A_1270 = arith.index_cast %get3A_1268 : i32 to index
        %get3A_1271 = arith.index_cast %get3A_1269 : i32 to index
        %get3A_1272 = arith.index_cast %scan3A_1197 : i32 to index
        %get3A_1273 = arith.constant 48 : index
        %get3A_1274 = tpu.vector_load %arg8[%get3A_1270, %get3A_1271, %get3A_1272, %get3A_1273] {strides = array<i32>} : memref<3x4x100x64xf32, #tpu.memory_space<vmem>>, vector<1x1x1x16xf32>,
        %get3A_1275 = vector.shape_cast %get3A_1274 : vector<1x1x1x16xf32> to vector<16xf32>
        %get3A_1276 = arith.constant 0 : i32
        %get3A_1277 = arith.index_cast %get3A_1276 : i32 to index
        %get3A_1278 = arith.index_cast %scan3A_1197 : i32 to index
        %get3A_1279 = arith.constant 48 : index
        %get3A_1280 = tpu.vector_load %arg7[%get3A_1277, %get3A_1278, %get3A_1279] {strides = array<i32>} : memref<2x100x64xf32, #tpu.memory_space<vmem>>, vector<1x1x16xf32>,
        %get3A_1281 = vector.shape_cast %get3A_1280 : vector<1x1x16xf32> to vector<16xf32>
        %add3A_1282 = arith.addf %get3A_1275, %get3A_1281 : vector<16xf32>
        %swap3A_1283 = arith.constant 0 : i32
        %swap3A_1284 = arith.constant 2 : i32
        %swap3A_1285 = arith.index_cast %swap3A_1283 : i32 to index
        %swap3A_1286 = arith.index_cast %swap3A_1284 : i32 to index
        %swap3A_1287 = arith.index_cast %scan3A_1197 : i32 to index
        %swap3A_1288 = arith.constant 48 : index
        %swap3A_1289 = tpu.vector_load %arg8[%swap3A_1285, %swap3A_1286, %swap3A_1287, %swap3A_1288] {strides = array<i32>} : memref<3x4x100x64xf32, #tpu.memory_space<vmem>>, vector<1x1x1x16xf32>,
        %swap3A_1290 = vector.shape_cast %swap3A_1289 : vector<1x1x1x16xf32> to vector<16xf32>
        %swap3A_1291 = vector.shape_cast %add3A_1282 : vector<16xf32> to vector<1x1x1x16xf32>
        tpu.vector_store %arg8[%swap3A_1285, %swap3A_1286, %swap3A_1287, %swap3A_1288], %swap3A_1291 {strides = array<i32>} : memref<3x4x100x64xf32, #tpu.memory_space<vmem>>, vector<1x1x1x16xf32>,
      }
      %scan3A_1168 = arith.constant 100 : i32
      %scan3A_1169 = arith.constant 0 : i32
      %scan3A_1170 = arith.constant 0 : i32
      %scan3A_1171 = arith.constant 100 : i32
      %scan3A_1172 = arith.addi %scan3A_1170, %scan3A_1171 : i32
      %scan3A_1173 = arith.constant 1 : i32
      scf.for %scan3A_1197 = %scan3A_1170 to %scan3A_1172 step %scan3A_1173  : i32 {
        %get3A = arith.constant 0 : i32
        %get3A_1198 = arith.constant 3 : i32
        %get3A_1199 = arith.index_cast %get3A : i32 to index
        %get3A_1200 = arith.index_cast %get3A_1198 : i32 to index
        %get3A_1201 = arith.index_cast %scan3A_1197 : i32 to index
        %get3A_1202 = arith.constant 0 : index
        %get3A_1203 = tpu.vector_load %arg8[%get3A_1199, %get3A_1200, %get3A_1201, %get3A_1202] {strides = array<i32>} : memref<3x4x100x64xf32, #tpu.memory_space<vmem>>, vector<1x1x1x16xf32>,
        %get3A_1204 = vector.shape_cast %get3A_1203 : vector<1x1x1x16xf32> to vector<16xf32>
        %get3A_1205 = arith.constant 1 : i32
        %get3A_1206 = arith.index_cast %get3A_1205 : i32 to index
        %get3A_1207 = arith.index_cast %scan3A_1197 : i32 to index
        %get3A_1208 = arith.constant 0 : index
        %get3A_1209 = tpu.vector_load %arg7[%get3A_1206, %get3A_1207, %get3A_1208] {strides = array<i32>} : memref<2x100x64xf32, #tpu.memory_space<vmem>>, vector<1x1x16xf32>,
        %get3A_1210 = vector.shape_cast %get3A_1209 : vector<1x1x16xf32> to vector<16xf32>
        %add3A_1211 = arith.addf %get3A_1204, %get3A_1210 : vector<16xf32>
        %swap3A = arith.constant 0 : i32
        %swap3A_1212 = arith.constant 3 : i32
        %swap3A_1213 = arith.index_cast %swap3A : i32 to index
        %swap3A_1214 = arith.index_cast %swap3A_1212 : i32 to index
        %swap3A_1215 = arith.index_cast %scan3A_1197 : i32 to index
        %swap3A_1216 = arith.constant 0 : index
        %swap3A_1217 = tpu.vector_load %arg8[%swap3A_1213, %swap3A_1214, %swap3A_1215, %swap3A_1216] {strides = array<i32>} : memref<3x4x100x64xf32, #tpu.memory_space<vmem>>, vector<1x1x1x16xf32>,
        %swap3A_1218 = vector.shape_cast %swap3A_1217 : vector<1x1x1x16xf32> to vector<16xf32>
        %swap3A_1219 = vector.shape_cast %add3A_1211 : vector<16xf32> to vector<1x1x1x16xf32>
        tpu.vector_store %arg8[%swap3A_1213, %swap3A_1214, %swap3A_1215, %swap3A_1216], %swap3A_1219 {strides = array<i32>} : memref<3x4x100x64xf32, #tpu.memory_space<vmem>>, vector<1x1x1x16xf32>,
        %get3A_1220 = arith.constant 0 : i32
        %get3A_1221 = arith.constant 3 : i32
        %get3A_1222 = arith.index_cast %get3A_1220 : i32 to index
        %get3A_1223 = arith.index_cast %get3A_1221 : i32 to index
        %get3A_1224 = arith.index_cast %scan3A_1197 : i32 to index
        %get3A_1225 = arith.constant 16 : index
        %get3A_1226 = tpu.vector_load %arg8[%get3A_1222, %get3A_1223, %get3A_1224, %get3A_1225] {strides = array<i32>} : memref<3x4x100x64xf32, #tpu.memory_space<vmem>>, vector<1x1x1x16xf32>,
        %get3A_1227 = vector.shape_cast %get3A_1226 : vector<1x1x1x16xf32> to vector<16xf32>
        %get3A_1228 = arith.constant 1 : i32
        %get3A_1229 = arith.index_cast %get3A_1228 : i32 to index
        %get3A_1230 = arith.index_cast %scan3A_1197 : i32 to index
        %get3A_1231 = arith.constant 16 : index
        %get3A_1232 = tpu.vector_load %arg7[%get3A_1229, %get3A_1230, %get3A_1231] {strides = array<i32>} : memref<2x100x64xf32, #tpu.memory_space<vmem>>, vector<1x1x16xf32>,
        %get3A_1233 = vector.shape_cast %get3A_1232 : vector<1x1x16xf32> to vector<16xf32>
        %add3A_1234 = arith.addf %get3A_1227, %get3A_1233 : vector<16xf32>
        %swap3A_1235 = arith.constant 0 : i32
        %swap3A_1236 = arith.constant 3 : i32
        %swap3A_1237 = arith.index_cast %swap3A_1235 : i32 to index
        %swap3A_1238 = arith.index_cast %swap3A_1236 : i32 to index
        %swap3A_1239 = arith.index_cast %scan3A_1197 : i32 to index
        %swap3A_1240 = arith.constant 16 : index
        %swap3A_1241 = tpu.vector_load %arg8[%swap3A_1237, %swap3A_1238, %swap3A_1239, %swap3A_1240] {strides = array<i32>} : memref<3x4x100x64xf32, #tpu.memory_space<vmem>>, vector<1x1x1x16xf32>,
        %swap3A_1242 = vector.shape_cast %swap3A_1241 : vector<1x1x1x16xf32> to vector<16xf32>
        %swap3A_1243 = vector.shape_cast %add3A_1234 : vector<16xf32> to vector<1x1x1x16xf32>
        tpu.vector_store %arg8[%swap3A_1237, %swap3A_1238, %swap3A_1239, %swap3A_1240], %swap3A_1243 {strides = array<i32>} : memref<3x4x100x64xf32, #tpu.memory_space<vmem>>, vector<1x1x1x16xf32>,
        %get3A_1244 = arith.constant 0 : i32
        %get3A_1245 = arith.constant 3 : i32
        %get3A_1246 = arith.index_cast %get3A_1244 : i32 to index
        %get3A_1247 = arith.index_cast %get3A_1245 : i32 to index
        %get3A_1248 = arith.index_cast %scan3A_1197 : i32 to index
        %get3A_1249 = arith.constant 32 : index
        %get3A_1250 = tpu.vector_load %arg8[%get3A_1246, %get3A_1247, %get3A_1248, %get3A_1249] {strides = array<i32>} : memref<3x4x100x64xf32, #tpu.memory_space<vmem>>, vector<1x1x1x16xf32>,
        %get3A_1251 = vector.shape_cast %get3A_1250 : vector<1x1x1x16xf32> to vector<16xf32>
        %get3A_1252 = arith.constant 1 : i32
        %get3A_1253 = arith.index_cast %get3A_1252 : i32 to index
        %get3A_1254 = arith.index_cast %scan3A_1197 : i32 to index
        %get3A_1255 = arith.constant 32 : index
        %get3A_1256 = tpu.vector_load %arg7[%get3A_1253, %get3A_1254, %get3A_1255] {strides = array<i32>} : memref<2x100x64xf32, #tpu.memory_space<vmem>>, vector<1x1x16xf32>,
        %get3A_1257 = vector.shape_cast %get3A_1256 : vector<1x1x16xf32> to vector<16xf32>
        %add3A_1258 = arith.addf %get3A_1251, %get3A_1257 : vector<16xf32>
        %swap3A_1259 = arith.constant 0 : i32
        %swap3A_1260 = arith.constant 3 : i32
        %swap3A_1261 = arith.index_cast %swap3A_1259 : i32 to index
        %swap3A_1262 = arith.index_cast %swap3A_1260 : i32 to index
        %swap3A_1263 = arith.index_cast %scan3A_1197 : i32 to index
        %swap3A_1264 = arith.constant 32 : index
        %swap3A_1265 = tpu.vector_load %arg8[%swap3A_1261, %swap3A_1262, %swap3A_1263, %swap3A_1264] {strides = array<i32>} : memref<3x4x100x64xf32, #tpu.memory_space<vmem>>, vector<1x1x1x16xf32>,
        %swap3A_1266 = vector.shape_cast %swap3A_1265 : vector<1x1x1x16xf32> to vector<16xf32>
        %swap3A_1267 = vector.shape_cast %add3A_1258 : vector<16xf32> to vector<1x1x1x16xf32>
        tpu.vector_store %arg8[%swap3A_1261, %swap3A_1262, %swap3A_1263, %swap3A_1264], %swap3A_1267 {strides = array<i32>} : memref<3x4x100x64xf32, #tpu.memory_space<vmem>>, vector<1x1x1x16xf32>,
        %get3A_1268 = arith.constant 0 : i32
        %get3A_1269 = arith.constant 3 : i32
        %get3A_1270 = arith.index_cast %get3A_1268 : i32 to index
        %get3A_1271 = arith.index_cast %get3A_1269 : i32 to index
        %get3A_1272 = arith.index_cast %scan3A_1197 : i32 to index
        %get3A_1273 = arith.constant 48 : index
        %get3A_1274 = tpu.vector_load %arg8[%get3A_1270, %get3A_1271, %get3A_1272, %get3A_1273] {strides = array<i32>} : memref<3x4x100x64xf32, #tpu.memory_space<vmem>>, vector<1x1x1x16xf32>,
        %get3A_1275 = vector.shape_cast %get3A_1274 : vector<1x1x1x16xf32> to vector<16xf32>
        %get3A_1276 = arith.constant 1 : i32
        %get3A_1277 = arith.index_cast %get3A_1276 : i32 to index
        %get3A_1278 = arith.index_cast %scan3A_1197 : i32 to index
        %get3A_1279 = arith.constant 48 : index
        %get3A_1280 = tpu.vector_load %arg7[%get3A_1277, %get3A_1278, %get3A_1279] {strides = array<i32>} : memref<2x100x64xf32, #tpu.memory_space<vmem>>, vector<1x1x16xf32>,
        %get3A_1281 = vector.shape_cast %get3A_1280 : vector<1x1x16xf32> to vector<16xf32>
        %add3A_1282 = arith.addf %get3A_1275, %get3A_1281 : vector<16xf32>
        %swap3A_1283 = arith.constant 0 : i32
        %swap3A_1284 = arith.constant 3 : i32
        %swap3A_1285 = arith.index_cast %swap3A_1283 : i32 to index
        %swap3A_1286 = arith.index_cast %swap3A_1284 : i32 to index
        %swap3A_1287 = arith.index_cast %scan3A_1197 : i32 to index
        %swap3A_1288 = arith.constant 48 : index
        %swap3A_1289 = tpu.vector_load %arg8[%swap3A_1285, %swap3A_1286, %swap3A_1287, %swap3A_1288] {strides = array<i32>} : memref<3x4x100x64xf32, #tpu.memory_space<vmem>>, vector<1x1x1x16xf32>,
        %swap3A_1290 = vector.shape_cast %swap3A_1289 : vector<1x1x1x16xf32> to vector<16xf32>
        %swap3A_1291 = vector.shape_cast %add3A_1282 : vector<16xf32> to vector<1x1x1x16xf32>
        tpu.vector_store %arg8[%swap3A_1285, %swap3A_1286, %swap3A_1287, %swap3A_1288], %swap3A_1291 {strides = array<i32>} : memref<3x4x100x64xf32, #tpu.memory_space<vmem>>, vector<1x1x1x16xf32>,
      }
      %scan3A_1174 = arith.constant 100 : i32
      %add3A_1175 = arith.addi %mul3A_2, %add3A_1020 : i32
      %dma_start3A_1176 = arith.constant 0 : i32
      %dma_start3A_1177 = arith.constant 0 : i32
      %dma_start3A_1178 = arith.constant 0 : i32
      %dma_start3A_1179 = arith.constant 0 : i32
      %dma_start3A_1180 = tpu.memref_slice %arg8[%dma_start3A_1176, %dma_start3A_1177, %dma_start3A_1178, %dma_start3A_1179] : memref<3x4x100x64xf32, #tpu.memory_space<vmem>> -> memref<1x4x100x64xf32, #tpu.memory_space<vmem>>
      %dma_start3A_1181 = tpu.memref_squeeze %dma_start3A_1180 : memref<1x4x100x64xf32, #tpu.memory_space<vmem>> -> memref<4x100x64xf32, #tpu.memory_space<vmem>>
      %dma_start3A_1182 = arith.constant 0 : i32
      %dma_start3A_1183 = arith.constant 0 : i32
      %dma_start3A_1184 = arith.constant 0 : i32
      %dma_start3A_1185 = tpu.memref_slice %arg5[%add3A_1175, %dma_start3A_1182, %dma_start3A_1183, %dma_start3A_1184] : memref<2048x4x100x64xf32, #tpu.memory_space<hbm>> -> memref<1x4x100x64xf32, #tpu.memory_space<hbm>>
      %dma_start3A_1186 = tpu.memref_squeeze %dma_start3A_1185 : memref<1x4x100x64xf32, #tpu.memory_space<hbm>> -> memref<4x100x64xf32, #tpu.memory_space<hbm>>
      %dma_start3A_1187 = arith.constant 0 : i32
      %dma_start3A_1188 = arith.constant 0 : i32
      %dma_start3A_1189 = arith.constant 0 : i32
      %dma_start3A_1190 = tpu.memref_slice %arg5[%add3A_1175, %dma_start3A_1187, %dma_start3A_1188, %dma_start3A_1189] : memref<2048x4x100x64xf32, #tpu.memory_space<hbm>> -> memref<1x4x100x64xf32, #tpu.memory_space<hbm>>
      %dma_start3A_1191 = tpu.memref_squeeze %dma_start3A_1190 : memref<1x4x100x64xf32, #tpu.memory_space<hbm>> -> memref<4x100x64xf32, #tpu.memory_space<hbm>>
      %dma_start3A_1192 = arith.constant 0 : i32
      %dma_start3A_1193 = arith.constant 0 : i32
      %dma_start3A_1194 = arith.constant 0 : i32
      %dma_start3A_1195 = tpu.memref_slice %arg8[%dma_start3A_1176, %dma_start3A_1192, %dma_start3A_1193, %dma_start3A_1194] : memref<3x4x100x64xf32, #tpu.memory_space<vmem>> -> memref<1x4x100x64xf32, #tpu.memory_space<vmem>>
      %dma_start3A_1196 = tpu.memref_squeeze %dma_start3A_1195 : memref<1x4x100x64xf32, #tpu.memory_space<vmem>> -> memref<4x100x64xf32, #tpu.memory_space<vmem>>
      tpu.enqueue_dma source(%dma_start3A_1196 : memref<4x100x64xf32, #tpu.memory_space<vmem>>) target(%dma_start3A_1191 : memref<4x100x64xf32, #tpu.memory_space<hbm>>) target_semaphore(%arg12 : memref<!tpu.dma_semaphore, #tpu.memory_space<semaphore_mem>>)
    }
    %scan3A_292 = arith.constant 20 : i32
    %dma_wait3A_293 = arith.constant 0 : i32
    %dma_wait3A_294 = arith.constant 1 : i32
    %dma_wait3A_295 = arith.constant 0 : i32
    %dma_wait3A_296 = arith.constant 0 : i32
    %dma_wait3A_297 = arith.constant 0 : i32
    %dma_wait3A_298 = tpu.memref_slice %arg8[%dma_wait3A_294, %dma_wait3A_295, %dma_wait3A_296, %dma_wait3A_297] : memref<3x4x100x64xf32, #tpu.memory_space<vmem>> -> memref<1x4x100x64xf32, #tpu.memory_space<vmem>>
    %dma_wait3A_299 = tpu.memref_squeeze %dma_wait3A_298 : memref<1x4x100x64xf32, #tpu.memory_space<vmem>> -> memref<4x100x64xf32, #tpu.memory_space<vmem>>
    %dma_wait3A_300 = arith.constant 0 : i32
    %dma_wait3A_301 = arith.constant 0 : i32
    %dma_wait3A_302 = arith.constant 0 : i32
    %dma_wait3A_303 = tpu.memref_slice %arg5[%dma_wait3A_293, %dma_wait3A_300, %dma_wait3A_301, %dma_wait3A_302] : memref<2048x4x100x64xf32, #tpu.memory_space<hbm>> -> memref<1x4x100x64xf32, #tpu.memory_space<hbm>>
    %dma_wait3A_304 = tpu.memref_squeeze %dma_wait3A_303 : memref<1x4x100x64xf32, #tpu.memory_space<hbm>> -> memref<4x100x64xf32, #tpu.memory_space<hbm>>
    %dma_wait3A_305 = arith.constant 0 : i32
    %dma_wait3A_306 = arith.constant 0 : i32
    %dma_wait3A_307 = arith.constant 0 : i32
    %dma_wait3A_308 = tpu.memref_slice %arg8[%dma_wait3A_294, %dma_wait3A_305, %dma_wait3A_306, %dma_wait3A_307] : memref<3x4x100x64xf32, #tpu.memory_space<vmem>> -> memref<1x4x100x64xf32, #tpu.memory_space<vmem>>
    %dma_wait3A_309 = tpu.memref_squeeze %dma_wait3A_308 : memref<1x4x100x64xf32, #tpu.memory_space<vmem>> -> memref<4x100x64xf32, #tpu.memory_space<vmem>>
    %dma_wait3A_310 = arith.constant 0 : i32
    %dma_wait3A_311 = arith.constant 0 : i32
    %dma_wait3A_312 = arith.constant 0 : i32
    %dma_wait3A_313 = tpu.memref_slice %arg5[%dma_wait3A_293, %dma_wait3A_310, %dma_wait3A_311, %dma_wait3A_312] : memref<2048x4x100x64xf32, #tpu.memory_space<hbm>> -> memref<1x4x100x64xf32, #tpu.memory_space<hbm>>
    %dma_wait3A_314 = tpu.memref_squeeze %dma_wait3A_313 : memref<1x4x100x64xf32, #tpu.memory_space<hbm>> -> memref<4x100x64xf32, #tpu.memory_space<hbm>>
    tpu.wait_dma2 semaphore(%arg10 : memref<!tpu.dma_semaphore, #tpu.memory_space<semaphore_mem>>) src(%dma_wait3A_314 : memref<4x100x64xf32, #tpu.memory_space<hbm>>) dst(%dma_wait3A_309 : memref<4x100x64xf32, #tpu.memory_space<vmem>>)
    %dma_wait3A_315 = arith.constant 0 : i32
    %dma_wait3A_316 = arith.constant 0 : i32
    %dma_wait3A_317 = arith.constant 0 : i32
    %dma_wait3A_318 = arith.constant 0 : i32
    %dma_wait3A_319 = arith.constant 0 : i32
    %dma_wait3A_320 = tpu.memref_slice %arg8[%dma_wait3A_316, %dma_wait3A_317, %dma_wait3A_318, %dma_wait3A_319] : memref<3x4x100x64xf32, #tpu.memory_space<vmem>> -> memref<1x4x100x64xf32, #tpu.memory_space<vmem>>
    %dma_wait3A_321 = tpu.memref_squeeze %dma_wait3A_320 : memref<1x4x100x64xf32, #tpu.memory_space<vmem>> -> memref<4x100x64xf32, #tpu.memory_space<vmem>>
    %dma_wait3A_322 = arith.constant 0 : i32
    %dma_wait3A_323 = arith.constant 0 : i32
    %dma_wait3A_324 = arith.constant 0 : i32
    %dma_wait3A_325 = tpu.memref_slice %arg5[%dma_wait3A_315, %dma_wait3A_322, %dma_wait3A_323, %dma_wait3A_324] : memref<2048x4x100x64xf32, #tpu.memory_space<hbm>> -> memref<1x4x100x64xf32, #tpu.memory_space<hbm>>
    %dma_wait3A_326 = tpu.memref_squeeze %dma_wait3A_325 : memref<1x4x100x64xf32, #tpu.memory_space<hbm>> -> memref<4x100x64xf32, #tpu.memory_space<hbm>>
    %dma_wait3A_327 = arith.constant 0 : i32
    %dma_wait3A_328 = arith.constant 0 : i32
    %dma_wait3A_329 = arith.constant 0 : i32
    %dma_wait3A_330 = tpu.memref_slice %arg8[%dma_wait3A_316, %dma_wait3A_327, %dma_wait3A_328, %dma_wait3A_329] : memref<3x4x100x64xf32, #tpu.memory_space<vmem>> -> memref<1x4x100x64xf32, #tpu.memory_space<vmem>>
    %dma_wait3A_331 = tpu.memref_squeeze %dma_wait3A_330 : memref<1x4x100x64xf32, #tpu.memory_space<vmem>> -> memref<4x100x64xf32, #tpu.memory_space<vmem>>
    %dma_wait3A_332 = arith.constant 0 : i32
    %dma_wait3A_333 = arith.constant 0 : i32
    %dma_wait3A_334 = arith.constant 0 : i32
    %dma_wait3A_335 = tpu.memref_slice %arg5[%dma_wait3A_315, %dma_wait3A_332, %dma_wait3A_333, %dma_wait3A_334] : memref<2048x4x100x64xf32, #tpu.memory_space<hbm>> -> memref<1x4x100x64xf32, #tpu.memory_space<hbm>>
    %dma_wait3A_336 = tpu.memref_squeeze %dma_wait3A_335 : memref<1x4x100x64xf32, #tpu.memory_space<hbm>> -> memref<4x100x64xf32, #tpu.memory_space<hbm>>
    tpu.wait_dma2 semaphore(%arg12 : memref<!tpu.dma_semaphore, #tpu.memory_space<semaphore_mem>>) src(%dma_wait3A_336 : memref<4x100x64xf32, #tpu.memory_space<hbm>>) dst(%dma_wait3A_331 : memref<4x100x64xf32, #tpu.memory_space<vmem>>)
    %dma_start3A_337 = arith.constant 252 : i32
    %dma_start3A_338 = arith.constant 0 : i32
    %dma_start3A_339 = arith.constant 0 : i32
    %dma_start3A_340 = arith.constant 0 : i32
    %dma_start3A_341 = arith.constant 0 : i32
    %dma_start3A_342 = arith.constant 0 : i32
    %dma_start3A_343 = tpu.memref_slice %arg8[%dma_start3A_338, %dma_start3A_340, %dma_start3A_341, %dma_start3A_342] : memref<3x4x100x64xf32, #tpu.memory_space<vmem>> -> memref<1x4x100x64xf32, #tpu.memory_space<vmem>>
    %dma_start3A_344 = tpu.memref_squeeze %dma_start3A_343 : memref<1x4x100x64xf32, #tpu.memory_space<vmem>> -> memref<4x100x64xf32, #tpu.memory_space<vmem>>
    %dma_start3A_345 = arith.constant 0 : i32
    %dma_start3A_346 = arith.constant 0 : i32
    %dma_start3A_347 = tpu.memref_slice %dma_start3A_344[%dma_start3A_339, %dma_start3A_345, %dma_start3A_346] : memref<4x100x64xf32, #tpu.memory_space<vmem>> -> memref<1x100x64xf32, #tpu.memory_space<vmem>>
    %dma_start3A_348 = tpu.memref_squeeze %dma_start3A_347 : memref<1x100x64xf32, #tpu.memory_space<vmem>> -> memref<100x64xf32, #tpu.memory_space<vmem>>
    %dma_start3A_349 = arith.constant 0 : i32
    %dma_start3A_350 = tpu.memref_slice %arg6[%dma_start3A_337, %dma_start3A_349] : memref<256x100xi32, #tpu.memory_space<vmem>> -> memref<1x100xi32, #tpu.memory_space<vmem>>
    %dma_start3A_351 = tpu.memref_squeeze %dma_start3A_350 : memref<1x100xi32, #tpu.memory_space<vmem>> -> memref<100xi32, #tpu.memory_space<vmem>>
    %dma_start3A_352 = arith.constant 0 : i32
    %dma_start3A_353 = arith.constant 0 : i32
    %dma_start3A_354 = tpu.memref_slice %arg3[%dma_start3A_352, %dma_start3A_353] : memref<1000000x64xf32, #tpu.memory_space<hbm>> -> memref<1000000x64xf32, #tpu.memory_space<hbm>>
    tpu.enqueue_indirect_dma source(%dma_start3A_354 : memref<1000000x64xf32, #tpu.memory_space<hbm>>) target(%dma_start3A_348 : memref<100x64xf32, #tpu.memory_space<vmem>>) offsets(%dma_start3A_351 : memref<100xi32, #tpu.memory_space<vmem>>) semaphore(%arg9 : memref<!tpu.dma_semaphore, #tpu.memory_space<semaphore_mem>>)
    %dma_start3A_355 = arith.constant 253 : i32
    %dma_start3A_356 = arith.constant 0 : i32
    %dma_start3A_357 = arith.constant 1 : i32
    %dma_start3A_358 = arith.constant 0 : i32
    %dma_start3A_359 = arith.constant 0 : i32
    %dma_start3A_360 = arith.constant 0 : i32
    %dma_start3A_361 = tpu.memref_slice %arg8[%dma_start3A_356, %dma_start3A_358, %dma_start3A_359, %dma_start3A_360] : memref<3x4x100x64xf32, #tpu.memory_space<vmem>> -> memref<1x4x100x64xf32, #tpu.memory_space<vmem>>
    %dma_start3A_362 = tpu.memref_squeeze %dma_start3A_361 : memref<1x4x100x64xf32, #tpu.memory_space<vmem>> -> memref<4x100x64xf32, #tpu.memory_space<vmem>>
    %dma_start3A_363 = arith.constant 0 : i32
    %dma_start3A_364 = arith.constant 0 : i32
    %dma_start3A_365 = tpu.memref_slice %dma_start3A_362[%dma_start3A_357, %dma_start3A_363, %dma_start3A_364] : memref<4x100x64xf32, #tpu.memory_space<vmem>> -> memref<1x100x64xf32, #tpu.memory_space<vmem>>
    %dma_start3A_366 = tpu.memref_squeeze %dma_start3A_365 : memref<1x100x64xf32, #tpu.memory_space<vmem>> -> memref<100x64xf32, #tpu.memory_space<vmem>>
    %dma_start3A_367 = arith.constant 0 : i32
    %dma_start3A_368 = tpu.memref_slice %arg6[%dma_start3A_355, %dma_start3A_367] : memref<256x100xi32, #tpu.memory_space<vmem>> -> memref<1x100xi32, #tpu.memory_space<vmem>>
    %dma_start3A_369 = tpu.memref_squeeze %dma_start3A_368 : memref<1x100xi32, #tpu.memory_space<vmem>> -> memref<100xi32, #tpu.memory_space<vmem>>
    %dma_start3A_370 = arith.constant 0 : i32
    %dma_start3A_371 = arith.constant 0 : i32
    %dma_start3A_372 = tpu.memref_slice %arg3[%dma_start3A_370, %dma_start3A_371] : memref<1000000x64xf32, #tpu.memory_space<hbm>> -> memref<1000000x64xf32, #tpu.memory_space<hbm>>
    tpu.enqueue_indirect_dma source(%dma_start3A_372 : memref<1000000x64xf32, #tpu.memory_space<hbm>>) target(%dma_start3A_366 : memref<100x64xf32, #tpu.memory_space<vmem>>) offsets(%dma_start3A_369 : memref<100xi32, #tpu.memory_space<vmem>>) semaphore(%arg9 : memref<!tpu.dma_semaphore, #tpu.memory_space<semaphore_mem>>)
    %dma_start3A_373 = arith.constant 254 : i32
    %dma_start3A_374 = arith.constant 0 : i32
    %dma_start3A_375 = arith.constant 2 : i32
    %dma_start3A_376 = arith.constant 0 : i32
    %dma_start3A_377 = arith.constant 0 : i32
    %dma_start3A_378 = arith.constant 0 : i32
    %dma_start3A_379 = tpu.memref_slice %arg8[%dma_start3A_374, %dma_start3A_376, %dma_start3A_377, %dma_start3A_378] : memref<3x4x100x64xf32, #tpu.memory_space<vmem>> -> memref<1x4x100x64xf32, #tpu.memory_space<vmem>>
    %dma_start3A_380 = tpu.memref_squeeze %dma_start3A_379 : memref<1x4x100x64xf32, #tpu.memory_space<vmem>> -> memref<4x100x64xf32, #tpu.memory_space<vmem>>
    %dma_start3A_381 = arith.constant 0 : i32
    %dma_start3A_382 = arith.constant 0 : i32
    %dma_start3A_383 = tpu.memref_slice %dma_start3A_380[%dma_start3A_375, %dma_start3A_381, %dma_start3A_382] : memref<4x100x64xf32, #tpu.memory_space<vmem>> -> memref<1x100x64xf32, #tpu.memory_space<vmem>>
    %dma_start3A_384 = tpu.memref_squeeze %dma_start3A_383 : memref<1x100x64xf32, #tpu.memory_space<vmem>> -> memref<100x64xf32, #tpu.memory_space<vmem>>
    %dma_start3A_385 = arith.constant 0 : i32
    %dma_start3A_386 = tpu.memref_slice %arg6[%dma_start3A_373, %dma_start3A_385] : memref<256x100xi32, #tpu.memory_space<vmem>> -> memref<1x100xi32, #tpu.memory_space<vmem>>
    %dma_start3A_387 = tpu.memref_squeeze %dma_start3A_386 : memref<1x100xi32, #tpu.memory_space<vmem>> -> memref<100xi32, #tpu.memory_space<vmem>>
    %dma_start3A_388 = arith.constant 0 : i32
    %dma_start3A_389 = arith.constant 0 : i32
    %dma_start3A_390 = tpu.memref_slice %arg3[%dma_start3A_388, %dma_start3A_389] : memref<1000000x64xf32, #tpu.memory_space<hbm>> -> memref<1000000x64xf32, #tpu.memory_space<hbm>>
    tpu.enqueue_indirect_dma source(%dma_start3A_390 : memref<1000000x64xf32, #tpu.memory_space<hbm>>) target(%dma_start3A_384 : memref<100x64xf32, #tpu.memory_space<vmem>>) offsets(%dma_start3A_387 : memref<100xi32, #tpu.memory_space<vmem>>) semaphore(%arg9 : memref<!tpu.dma_semaphore, #tpu.memory_space<semaphore_mem>>)
    %dma_start3A_391 = arith.constant 255 : i32
    %dma_start3A_392 = arith.constant 0 : i32
    %dma_start3A_393 = arith.constant 3 : i32
    %dma_start3A_394 = arith.constant 0 : i32
    %dma_start3A_395 = arith.constant 0 : i32
    %dma_start3A_396 = arith.constant 0 : i32
    %dma_start3A_397 = tpu.memref_slice %arg8[%dma_start3A_392, %dma_start3A_394, %dma_start3A_395, %dma_start3A_396] : memref<3x4x100x64xf32, #tpu.memory_space<vmem>> -> memref<1x4x100x64xf32, #tpu.memory_space<vmem>>
    %dma_start3A_398 = tpu.memref_squeeze %dma_start3A_397 : memref<1x4x100x64xf32, #tpu.memory_space<vmem>> -> memref<4x100x64xf32, #tpu.memory_space<vmem>>
    %dma_start3A_399 = arith.constant 0 : i32
    %dma_start3A_400 = arith.constant 0 : i32
    %dma_start3A_401 = tpu.memref_slice %dma_start3A_398[%dma_start3A_393, %dma_start3A_399, %dma_start3A_400] : memref<4x100x64xf32, #tpu.memory_space<vmem>> -> memref<1x100x64xf32, #tpu.memory_space<vmem>>
    %dma_start3A_402 = tpu.memref_squeeze %dma_start3A_401 : memref<1x100x64xf32, #tpu.memory_space<vmem>> -> memref<100x64xf32, #tpu.memory_space<vmem>>
    %dma_start3A_403 = arith.constant 0 : i32
    %dma_start3A_404 = tpu.memref_slice %arg6[%dma_start3A_391, %dma_start3A_403] : memref<256x100xi32, #tpu.memory_space<vmem>> -> memref<1x100xi32, #tpu.memory_space<vmem>>
    %dma_start3A_405 = tpu.memref_squeeze %dma_start3A_404 : memref<1x100xi32, #tpu.memory_space<vmem>> -> memref<100xi32, #tpu.memory_space<vmem>>
    %dma_start3A_406 = arith.constant 0 : i32
    %dma_start3A_407 = arith.constant 0 : i32
    %dma_start3A_408 = tpu.memref_slice %arg3[%dma_start3A_406, %dma_start3A_407] : memref<1000000x64xf32, #tpu.memory_space<hbm>> -> memref<1000000x64xf32, #tpu.memory_space<hbm>>
    tpu.enqueue_indirect_dma source(%dma_start3A_408 : memref<1000000x64xf32, #tpu.memory_space<hbm>>) target(%dma_start3A_402 : memref<100x64xf32, #tpu.memory_space<vmem>>) offsets(%dma_start3A_405 : memref<100xi32, #tpu.memory_space<vmem>>) semaphore(%arg9 : memref<!tpu.dma_semaphore, #tpu.memory_space<semaphore_mem>>)
    %scan3A_409 = arith.constant 0 : i32
    %scan3A_410 = arith.constant 0 : i32
    %scan3A_411 = arith.constant 100 : i32
    %scan3A_412 = arith.addi %scan3A_410, %scan3A_411 : i32
    %scan3A_413 = arith.constant 1 : i32
    scf.for %scan3A_660 = %scan3A_410 to %scan3A_412 step %scan3A_413  : i32 {
      %get3A = arith.constant 1 : i32
      %get3A_661 = arith.constant 0 : i32
      %get3A_662 = arith.index_cast %get3A : i32 to index
      %get3A_663 = arith.index_cast %get3A_661 : i32 to index
      %get3A_664 = arith.index_cast %scan3A_660 : i32 to index
      %get3A_665 = arith.constant 0 : index
      %get3A_666 = tpu.vector_load %arg8[%get3A_662, %get3A_663, %get3A_664, %get3A_665] {strides = array<i32>} : memref<3x4x100x64xf32, #tpu.memory_space<vmem>>, vector<1x1x1x16xf32>,
      %get3A_667 = vector.shape_cast %get3A_666 : vector<1x1x1x16xf32> to vector<16xf32>
      %get3A_668 = arith.constant 0 : i32
      %get3A_669 = arith.index_cast %get3A_668 : i32 to index
      %get3A_670 = arith.index_cast %scan3A_660 : i32 to index
      %get3A_671 = arith.constant 0 : index
      %get3A_672 = tpu.vector_load %arg7[%get3A_669, %get3A_670, %get3A_671] {strides = array<i32>} : memref<2x100x64xf32, #tpu.memory_space<vmem>>, vector<1x1x16xf32>,
      %get3A_673 = vector.shape_cast %get3A_672 : vector<1x1x16xf32> to vector<16xf32>
      %add3A_674 = arith.addf %get3A_667, %get3A_673 : vector<16xf32>
      %swap3A = arith.constant 1 : i32
      %swap3A_675 = arith.constant 0 : i32
      %swap3A_676 = arith.index_cast %swap3A : i32 to index
      %swap3A_677 = arith.index_cast %swap3A_675 : i32 to index
      %swap3A_678 = arith.index_cast %scan3A_660 : i32 to index
      %swap3A_679 = arith.constant 0 : index
      %swap3A_680 = tpu.vector_load %arg8[%swap3A_676, %swap3A_677, %swap3A_678, %swap3A_679] {strides = array<i32>} : memref<3x4x100x64xf32, #tpu.memory_space<vmem>>, vector<1x1x1x16xf32>,
      %swap3A_681 = vector.shape_cast %swap3A_680 : vector<1x1x1x16xf32> to vector<16xf32>
      %swap3A_682 = vector.shape_cast %add3A_674 : vector<16xf32> to vector<1x1x1x16xf32>
      tpu.vector_store %arg8[%swap3A_676, %swap3A_677, %swap3A_678, %swap3A_679], %swap3A_682 {strides = array<i32>} : memref<3x4x100x64xf32, #tpu.memory_space<vmem>>, vector<1x1x1x16xf32>,
      %get3A_683 = arith.constant 1 : i32
      %get3A_684 = arith.constant 0 : i32
      %get3A_685 = arith.index_cast %get3A_683 : i32 to index
      %get3A_686 = arith.index_cast %get3A_684 : i32 to index
      %get3A_687 = arith.index_cast %scan3A_660 : i32 to index
      %get3A_688 = arith.constant 16 : index
      %get3A_689 = tpu.vector_load %arg8[%get3A_685, %get3A_686, %get3A_687, %get3A_688] {strides = array<i32>} : memref<3x4x100x64xf32, #tpu.memory_space<vmem>>, vector<1x1x1x16xf32>,
      %get3A_690 = vector.shape_cast %get3A_689 : vector<1x1x1x16xf32> to vector<16xf32>
      %get3A_691 = arith.constant 0 : i32
      %get3A_692 = arith.index_cast %get3A_691 : i32 to index
      %get3A_693 = arith.index_cast %scan3A_660 : i32 to index
      %get3A_694 = arith.constant 16 : index
      %get3A_695 = tpu.vector_load %arg7[%get3A_692, %get3A_693, %get3A_694] {strides = array<i32>} : memref<2x100x64xf32, #tpu.memory_space<vmem>>, vector<1x1x16xf32>,
      %get3A_696 = vector.shape_cast %get3A_695 : vector<1x1x16xf32> to vector<16xf32>
      %add3A_697 = arith.addf %get3A_690, %get3A_696 : vector<16xf32>
      %swap3A_698 = arith.constant 1 : i32
      %swap3A_699 = arith.constant 0 : i32
      %swap3A_700 = arith.index_cast %swap3A_698 : i32 to index
      %swap3A_701 = arith.index_cast %swap3A_699 : i32 to index
      %swap3A_702 = arith.index_cast %scan3A_660 : i32 to index
      %swap3A_703 = arith.constant 16 : index
      %swap3A_704 = tpu.vector_load %arg8[%swap3A_700, %swap3A_701, %swap3A_702, %swap3A_703] {strides = array<i32>} : memref<3x4x100x64xf32, #tpu.memory_space<vmem>>, vector<1x1x1x16xf32>,
      %swap3A_705 = vector.shape_cast %swap3A_704 : vector<1x1x1x16xf32> to vector<16xf32>
      %swap3A_706 = vector.shape_cast %add3A_697 : vector<16xf32> to vector<1x1x1x16xf32>
      tpu.vector_store %arg8[%swap3A_700, %swap3A_701, %swap3A_702, %swap3A_703], %swap3A_706 {strides = array<i32>} : memref<3x4x100x64xf32, #tpu.memory_space<vmem>>, vector<1x1x1x16xf32>,
      %get3A_707 = arith.constant 1 : i32
      %get3A_708 = arith.constant 0 : i32
      %get3A_709 = arith.index_cast %get3A_707 : i32 to index
      %get3A_710 = arith.index_cast %get3A_708 : i32 to index
      %get3A_711 = arith.index_cast %scan3A_660 : i32 to index
      %get3A_712 = arith.constant 32 : index
      %get3A_713 = tpu.vector_load %arg8[%get3A_709, %get3A_710, %get3A_711, %get3A_712] {strides = array<i32>} : memref<3x4x100x64xf32, #tpu.memory_space<vmem>>, vector<1x1x1x16xf32>,
      %get3A_714 = vector.shape_cast %get3A_713 : vector<1x1x1x16xf32> to vector<16xf32>
      %get3A_715 = arith.constant 0 : i32
      %get3A_716 = arith.index_cast %get3A_715 : i32 to index
      %get3A_717 = arith.index_cast %scan3A_660 : i32 to index
      %get3A_718 = arith.constant 32 : index
      %get3A_719 = tpu.vector_load %arg7[%get3A_716, %get3A_717, %get3A_718] {strides = array<i32>} : memref<2x100x64xf32, #tpu.memory_space<vmem>>, vector<1x1x16xf32>,
      %get3A_720 = vector.shape_cast %get3A_719 : vector<1x1x16xf32> to vector<16xf32>
      %add3A_721 = arith.addf %get3A_714, %get3A_720 : vector<16xf32>
      %swap3A_722 = arith.constant 1 : i32
      %swap3A_723 = arith.constant 0 : i32
      %swap3A_724 = arith.index_cast %swap3A_722 : i32 to index
      %swap3A_725 = arith.index_cast %swap3A_723 : i32 to index
      %swap3A_726 = arith.index_cast %scan3A_660 : i32 to index
      %swap3A_727 = arith.constant 32 : index
      %swap3A_728 = tpu.vector_load %arg8[%swap3A_724, %swap3A_725, %swap3A_726, %swap3A_727] {strides = array<i32>} : memref<3x4x100x64xf32, #tpu.memory_space<vmem>>, vector<1x1x1x16xf32>,
      %swap3A_729 = vector.shape_cast %swap3A_728 : vector<1x1x1x16xf32> to vector<16xf32>
      %swap3A_730 = vector.shape_cast %add3A_721 : vector<16xf32> to vector<1x1x1x16xf32>
      tpu.vector_store %arg8[%swap3A_724, %swap3A_725, %swap3A_726, %swap3A_727], %swap3A_730 {strides = array<i32>} : memref<3x4x100x64xf32, #tpu.memory_space<vmem>>, vector<1x1x1x16xf32>,
      %get3A_731 = arith.constant 1 : i32
      %get3A_732 = arith.constant 0 : i32
      %get3A_733 = arith.index_cast %get3A_731 : i32 to index
      %get3A_734 = arith.index_cast %get3A_732 : i32 to index
      %get3A_735 = arith.index_cast %scan3A_660 : i32 to index
      %get3A_736 = arith.constant 48 : index
      %get3A_737 = tpu.vector_load %arg8[%get3A_733, %get3A_734, %get3A_735, %get3A_736] {strides = array<i32>} : memref<3x4x100x64xf32, #tpu.memory_space<vmem>>, vector<1x1x1x16xf32>,
      %get3A_738 = vector.shape_cast %get3A_737 : vector<1x1x1x16xf32> to vector<16xf32>
      %get3A_739 = arith.constant 0 : i32
      %get3A_740 = arith.index_cast %get3A_739 : i32 to index
      %get3A_741 = arith.index_cast %scan3A_660 : i32 to index
      %get3A_742 = arith.constant 48 : index
      %get3A_743 = tpu.vector_load %arg7[%get3A_740, %get3A_741, %get3A_742] {strides = array<i32>} : memref<2x100x64xf32, #tpu.memory_space<vmem>>, vector<1x1x16xf32>,
      %get3A_744 = vector.shape_cast %get3A_743 : vector<1x1x16xf32> to vector<16xf32>
      %add3A_745 = arith.addf %get3A_738, %get3A_744 : vector<16xf32>
      %swap3A_746 = arith.constant 1 : i32
      %swap3A_747 = arith.constant 0 : i32
      %swap3A_748 = arith.index_cast %swap3A_746 : i32 to index
      %swap3A_749 = arith.index_cast %swap3A_747 : i32 to index
      %swap3A_750 = arith.index_cast %scan3A_660 : i32 to index
      %swap3A_751 = arith.constant 48 : index
      %swap3A_752 = tpu.vector_load %arg8[%swap3A_748, %swap3A_749, %swap3A_750, %swap3A_751] {strides = array<i32>} : memref<3x4x100x64xf32, #tpu.memory_space<vmem>>, vector<1x1x1x16xf32>,
      %swap3A_753 = vector.shape_cast %swap3A_752 : vector<1x1x1x16xf32> to vector<16xf32>
      %swap3A_754 = vector.shape_cast %add3A_745 : vector<16xf32> to vector<1x1x1x16xf32>
      tpu.vector_store %arg8[%swap3A_748, %swap3A_749, %swap3A_750, %swap3A_751], %swap3A_754 {strides = array<i32>} : memref<3x4x100x64xf32, #tpu.memory_space<vmem>>, vector<1x1x1x16xf32>,
    }
    %scan3A_414 = arith.constant 100 : i32
    %scan3A_415 = arith.constant 0 : i32
    %scan3A_416 = arith.constant 0 : i32
    %scan3A_417 = arith.constant 100 : i32
    %scan3A_418 = arith.addi %scan3A_416, %scan3A_417 : i32
    %scan3A_419 = arith.constant 1 : i32
    scf.for %scan3A_660 = %scan3A_416 to %scan3A_418 step %scan3A_419  : i32 {
      %get3A = arith.constant 1 : i32
      %get3A_661 = arith.constant 1 : i32
      %get3A_662 = arith.index_cast %get3A : i32 to index
      %get3A_663 = arith.index_cast %get3A_661 : i32 to index
      %get3A_664 = arith.index_cast %scan3A_660 : i32 to index
      %get3A_665 = arith.constant 0 : index
      %get3A_666 = tpu.vector_load %arg8[%get3A_662, %get3A_663, %get3A_664, %get3A_665] {strides = array<i32>} : memref<3x4x100x64xf32, #tpu.memory_space<vmem>>, vector<1x1x1x16xf32>,
      %get3A_667 = vector.shape_cast %get3A_666 : vector<1x1x1x16xf32> to vector<16xf32>
      %get3A_668 = arith.constant 1 : i32
      %get3A_669 = arith.index_cast %get3A_668 : i32 to index
      %get3A_670 = arith.index_cast %scan3A_660 : i32 to index
      %get3A_671 = arith.constant 0 : index
      %get3A_672 = tpu.vector_load %arg7[%get3A_669, %get3A_670, %get3A_671] {strides = array<i32>} : memref<2x100x64xf32, #tpu.memory_space<vmem>>, vector<1x1x16xf32>,
      %get3A_673 = vector.shape_cast %get3A_672 : vector<1x1x16xf32> to vector<16xf32>
      %add3A_674 = arith.addf %get3A_667, %get3A_673 : vector<16xf32>
      %swap3A = arith.constant 1 : i32
      %swap3A_675 = arith.constant 1 : i32
      %swap3A_676 = arith.index_cast %swap3A : i32 to index
      %swap3A_677 = arith.index_cast %swap3A_675 : i32 to index
      %swap3A_678 = arith.index_cast %scan3A_660 : i32 to index
      %swap3A_679 = arith.constant 0 : index
      %swap3A_680 = tpu.vector_load %arg8[%swap3A_676, %swap3A_677, %swap3A_678, %swap3A_679] {strides = array<i32>} : memref<3x4x100x64xf32, #tpu.memory_space<vmem>>, vector<1x1x1x16xf32>,
      %swap3A_681 = vector.shape_cast %swap3A_680 : vector<1x1x1x16xf32> to vector<16xf32>
      %swap3A_682 = vector.shape_cast %add3A_674 : vector<16xf32> to vector<1x1x1x16xf32>
      tpu.vector_store %arg8[%swap3A_676, %swap3A_677, %swap3A_678, %swap3A_679], %swap3A_682 {strides = array<i32>} : memref<3x4x100x64xf32, #tpu.memory_space<vmem>>, vector<1x1x1x16xf32>,
      %get3A_683 = arith.constant 1 : i32
      %get3A_684 = arith.constant 1 : i32
      %get3A_685 = arith.index_cast %get3A_683 : i32 to index
      %get3A_686 = arith.index_cast %get3A_684 : i32 to index
      %get3A_687 = arith.index_cast %scan3A_660 : i32 to index
      %get3A_688 = arith.constant 16 : index
      %get3A_689 = tpu.vector_load %arg8[%get3A_685, %get3A_686, %get3A_687, %get3A_688] {strides = array<i32>} : memref<3x4x100x64xf32, #tpu.memory_space<vmem>>, vector<1x1x1x16xf32>,
      %get3A_690 = vector.shape_cast %get3A_689 : vector<1x1x1x16xf32> to vector<16xf32>
      %get3A_691 = arith.constant 1 : i32
      %get3A_692 = arith.index_cast %get3A_691 : i32 to index
      %get3A_693 = arith.index_cast %scan3A_660 : i32 to index
      %get3A_694 = arith.constant 16 : index
      %get3A_695 = tpu.vector_load %arg7[%get3A_692, %get3A_693, %get3A_694] {strides = array<i32>} : memref<2x100x64xf32, #tpu.memory_space<vmem>>, vector<1x1x16xf32>,
      %get3A_696 = vector.shape_cast %get3A_695 : vector<1x1x16xf32> to vector<16xf32>
      %add3A_697 = arith.addf %get3A_690, %get3A_696 : vector<16xf32>
      %swap3A_698 = arith.constant 1 : i32
      %swap3A_699 = arith.constant 1 : i32
      %swap3A_700 = arith.index_cast %swap3A_698 : i32 to index
      %swap3A_701 = arith.index_cast %swap3A_699 : i32 to index
      %swap3A_702 = arith.index_cast %scan3A_660 : i32 to index
      %swap3A_703 = arith.constant 16 : index
      %swap3A_704 = tpu.vector_load %arg8[%swap3A_700, %swap3A_701, %swap3A_702, %swap3A_703] {strides = array<i32>} : memref<3x4x100x64xf32, #tpu.memory_space<vmem>>, vector<1x1x1x16xf32>,
      %swap3A_705 = vector.shape_cast %swap3A_704 : vector<1x1x1x16xf32> to vector<16xf32>
      %swap3A_706 = vector.shape_cast %add3A_697 : vector<16xf32> to vector<1x1x1x16xf32>
      tpu.vector_store %arg8[%swap3A_700, %swap3A_701, %swap3A_702, %swap3A_703], %swap3A_706 {strides = array<i32>} : memref<3x4x100x64xf32, #tpu.memory_space<vmem>>, vector<1x1x1x16xf32>,
      %get3A_707 = arith.constant 1 : i32
      %get3A_708 = arith.constant 1 : i32
      %get3A_709 = arith.index_cast %get3A_707 : i32 to index
      %get3A_710 = arith.index_cast %get3A_708 : i32 to index
      %get3A_711 = arith.index_cast %scan3A_660 : i32 to index
      %get3A_712 = arith.constant 32 : index
      %get3A_713 = tpu.vector_load %arg8[%get3A_709, %get3A_710, %get3A_711, %get3A_712] {strides = array<i32>} : memref<3x4x100x64xf32, #tpu.memory_space<vmem>>, vector<1x1x1x16xf32>,
      %get3A_714 = vector.shape_cast %get3A_713 : vector<1x1x1x16xf32> to vector<16xf32>
      %get3A_715 = arith.constant 1 : i32
      %get3A_716 = arith.index_cast %get3A_715 : i32 to index
      %get3A_717 = arith.index_cast %scan3A_660 : i32 to index
      %get3A_718 = arith.constant 32 : index
      %get3A_719 = tpu.vector_load %arg7[%get3A_716, %get3A_717, %get3A_718] {strides = array<i32>} : memref<2x100x64xf32, #tpu.memory_space<vmem>>, vector<1x1x16xf32>,
      %get3A_720 = vector.shape_cast %get3A_719 : vector<1x1x16xf32> to vector<16xf32>
      %add3A_721 = arith.addf %get3A_714, %get3A_720 : vector<16xf32>
      %swap3A_722 = arith.constant 1 : i32
      %swap3A_723 = arith.constant 1 : i32
      %swap3A_724 = arith.index_cast %swap3A_722 : i32 to index
      %swap3A_725 = arith.index_cast %swap3A_723 : i32 to index
      %swap3A_726 = arith.index_cast %scan3A_660 : i32 to index
      %swap3A_727 = arith.constant 32 : index
      %swap3A_728 = tpu.vector_load %arg8[%swap3A_724, %swap3A_725, %swap3A_726, %swap3A_727] {strides = array<i32>} : memref<3x4x100x64xf32, #tpu.memory_space<vmem>>, vector<1x1x1x16xf32>,
      %swap3A_729 = vector.shape_cast %swap3A_728 : vector<1x1x1x16xf32> to vector<16xf32>
      %swap3A_730 = vector.shape_cast %add3A_721 : vector<16xf32> to vector<1x1x1x16xf32>
      tpu.vector_store %arg8[%swap3A_724, %swap3A_725, %swap3A_726, %swap3A_727], %swap3A_730 {strides = array<i32>} : memref<3x4x100x64xf32, #tpu.memory_space<vmem>>, vector<1x1x1x16xf32>,
      %get3A_731 = arith.constant 1 : i32
      %get3A_732 = arith.constant 1 : i32
      %get3A_733 = arith.index_cast %get3A_731 : i32 to index
      %get3A_734 = arith.index_cast %get3A_732 : i32 to index
      %get3A_735 = arith.index_cast %scan3A_660 : i32 to index
      %get3A_736 = arith.constant 48 : index
      %get3A_737 = tpu.vector_load %arg8[%get3A_733, %get3A_734, %get3A_735, %get3A_736] {strides = array<i32>} : memref<3x4x100x64xf32, #tpu.memory_space<vmem>>, vector<1x1x1x16xf32>,
      %get3A_738 = vector.shape_cast %get3A_737 : vector<1x1x1x16xf32> to vector<16xf32>
      %get3A_739 = arith.constant 1 : i32
      %get3A_740 = arith.index_cast %get3A_739 : i32 to index
      %get3A_741 = arith.index_cast %scan3A_660 : i32 to index
      %get3A_742 = arith.constant 48 : index
      %get3A_743 = tpu.vector_load %arg7[%get3A_740, %get3A_741, %get3A_742] {strides = array<i32>} : memref<2x100x64xf32, #tpu.memory_space<vmem>>, vector<1x1x16xf32>,
      %get3A_744 = vector.shape_cast %get3A_743 : vector<1x1x16xf32> to vector<16xf32>
      %add3A_745 = arith.addf %get3A_738, %get3A_744 : vector<16xf32>
      %swap3A_746 = arith.constant 1 : i32
      %swap3A_747 = arith.constant 1 : i32
      %swap3A_748 = arith.index_cast %swap3A_746 : i32 to index
      %swap3A_749 = arith.index_cast %swap3A_747 : i32 to index
      %swap3A_750 = arith.index_cast %scan3A_660 : i32 to index
      %swap3A_751 = arith.constant 48 : index
      %swap3A_752 = tpu.vector_load %arg8[%swap3A_748, %swap3A_749, %swap3A_750, %swap3A_751] {strides = array<i32>} : memref<3x4x100x64xf32, #tpu.memory_space<vmem>>, vector<1x1x1x16xf32>,
      %swap3A_753 = vector.shape_cast %swap3A_752 : vector<1x1x1x16xf32> to vector<16xf32>
      %swap3A_754 = vector.shape_cast %add3A_745 : vector<16xf32> to vector<1x1x1x16xf32>
      tpu.vector_store %arg8[%swap3A_748, %swap3A_749, %swap3A_750, %swap3A_751], %swap3A_754 {strides = array<i32>} : memref<3x4x100x64xf32, #tpu.memory_space<vmem>>, vector<1x1x1x16xf32>,
    }
    %scan3A_420 = arith.constant 100 : i32
    %scan3A_421 = arith.constant 0 : i32
    %scan3A_422 = arith.constant 0 : i32
    %scan3A_423 = arith.constant 100 : i32
    %scan3A_424 = arith.addi %scan3A_422, %scan3A_423 : i32
    %scan3A_425 = arith.constant 1 : i32
    scf.for %scan3A_660 = %scan3A_422 to %scan3A_424 step %scan3A_425  : i32 {
      %get3A = arith.constant 1 : i32
      %get3A_661 = arith.constant 2 : i32
      %get3A_662 = arith.index_cast %get3A : i32 to index
      %get3A_663 = arith.index_cast %get3A_661 : i32 to index
      %get3A_664 = arith.index_cast %scan3A_660 : i32 to index
      %get3A_665 = arith.constant 0 : index
      %get3A_666 = tpu.vector_load %arg8[%get3A_662, %get3A_663, %get3A_664, %get3A_665] {strides = array<i32>} : memref<3x4x100x64xf32, #tpu.memory_space<vmem>>, vector<1x1x1x16xf32>,
      %get3A_667 = vector.shape_cast %get3A_666 : vector<1x1x1x16xf32> to vector<16xf32>
      %get3A_668 = arith.constant 0 : i32
      %get3A_669 = arith.index_cast %get3A_668 : i32 to index
      %get3A_670 = arith.index_cast %scan3A_660 : i32 to index
      %get3A_671 = arith.constant 0 : index
      %get3A_672 = tpu.vector_load %arg7[%get3A_669, %get3A_670, %get3A_671] {strides = array<i32>} : memref<2x100x64xf32, #tpu.memory_space<vmem>>, vector<1x1x16xf32>,
      %get3A_673 = vector.shape_cast %get3A_672 : vector<1x1x16xf32> to vector<16xf32>
      %add3A_674 = arith.addf %get3A_667, %get3A_673 : vector<16xf32>
      %swap3A = arith.constant 1 : i32
      %swap3A_675 = arith.constant 2 : i32
      %swap3A_676 = arith.index_cast %swap3A : i32 to index
      %swap3A_677 = arith.index_cast %swap3A_675 : i32 to index
      %swap3A_678 = arith.index_cast %scan3A_660 : i32 to index
      %swap3A_679 = arith.constant 0 : index
      %swap3A_680 = tpu.vector_load %arg8[%swap3A_676, %swap3A_677, %swap3A_678, %swap3A_679] {strides = array<i32>} : memref<3x4x100x64xf32, #tpu.memory_space<vmem>>, vector<1x1x1x16xf32>,
      %swap3A_681 = vector.shape_cast %swap3A_680 : vector<1x1x1x16xf32> to vector<16xf32>
      %swap3A_682 = vector.shape_cast %add3A_674 : vector<16xf32> to vector<1x1x1x16xf32>
      tpu.vector_store %arg8[%swap3A_676, %swap3A_677, %swap3A_678, %swap3A_679], %swap3A_682 {strides = array<i32>} : memref<3x4x100x64xf32, #tpu.memory_space<vmem>>, vector<1x1x1x16xf32>,
      %get3A_683 = arith.constant 1 : i32
      %get3A_684 = arith.constant 2 : i32
      %get3A_685 = arith.index_cast %get3A_683 : i32 to index
      %get3A_686 = arith.index_cast %get3A_684 : i32 to index
      %get3A_687 = arith.index_cast %scan3A_660 : i32 to index
      %get3A_688 = arith.constant 16 : index
      %get3A_689 = tpu.vector_load %arg8[%get3A_685, %get3A_686, %get3A_687, %get3A_688] {strides = array<i32>} : memref<3x4x100x64xf32, #tpu.memory_space<vmem>>, vector<1x1x1x16xf32>,
      %get3A_690 = vector.shape_cast %get3A_689 : vector<1x1x1x16xf32> to vector<16xf32>
      %get3A_691 = arith.constant 0 : i32
      %get3A_692 = arith.index_cast %get3A_691 : i32 to index
      %get3A_693 = arith.index_cast %scan3A_660 : i32 to index
      %get3A_694 = arith.constant 16 : index
      %get3A_695 = tpu.vector_load %arg7[%get3A_692, %get3A_693, %get3A_694] {strides = array<i32>} : memref<2x100x64xf32, #tpu.memory_space<vmem>>, vector<1x1x16xf32>,
      %get3A_696 = vector.shape_cast %get3A_695 : vector<1x1x16xf32> to vector<16xf32>
      %add3A_697 = arith.addf %get3A_690, %get3A_696 : vector<16xf32>
      %swap3A_698 = arith.constant 1 : i32
      %swap3A_699 = arith.constant 2 : i32
      %swap3A_700 = arith.index_cast %swap3A_698 : i32 to index
      %swap3A_701 = arith.index_cast %swap3A_699 : i32 to index
      %swap3A_702 = arith.index_cast %scan3A_660 : i32 to index
      %swap3A_703 = arith.constant 16 : index
      %swap3A_704 = tpu.vector_load %arg8[%swap3A_700, %swap3A_701, %swap3A_702, %swap3A_703] {strides = array<i32>} : memref<3x4x100x64xf32, #tpu.memory_space<vmem>>, vector<1x1x1x16xf32>,
      %swap3A_705 = vector.shape_cast %swap3A_704 : vector<1x1x1x16xf32> to vector<16xf32>
      %swap3A_706 = vector.shape_cast %add3A_697 : vector<16xf32> to vector<1x1x1x16xf32>
      tpu.vector_store %arg8[%swap3A_700, %swap3A_701, %swap3A_702, %swap3A_703], %swap3A_706 {strides = array<i32>} : memref<3x4x100x64xf32, #tpu.memory_space<vmem>>, vector<1x1x1x16xf32>,
      %get3A_707 = arith.constant 1 : i32
      %get3A_708 = arith.constant 2 : i32
      %get3A_709 = arith.index_cast %get3A_707 : i32 to index
      %get3A_710 = arith.index_cast %get3A_708 : i32 to index
      %get3A_711 = arith.index_cast %scan3A_660 : i32 to index
      %get3A_712 = arith.constant 32 : index
      %get3A_713 = tpu.vector_load %arg8[%get3A_709, %get3A_710, %get3A_711, %get3A_712] {strides = array<i32>} : memref<3x4x100x64xf32, #tpu.memory_space<vmem>>, vector<1x1x1x16xf32>,
      %get3A_714 = vector.shape_cast %get3A_713 : vector<1x1x1x16xf32> to vector<16xf32>
      %get3A_715 = arith.constant 0 : i32
      %get3A_716 = arith.index_cast %get3A_715 : i32 to index
      %get3A_717 = arith.index_cast %scan3A_660 : i32 to index
      %get3A_718 = arith.constant 32 : index
      %get3A_719 = tpu.vector_load %arg7[%get3A_716, %get3A_717, %get3A_718] {strides = array<i32>} : memref<2x100x64xf32, #tpu.memory_space<vmem>>, vector<1x1x16xf32>,
      %get3A_720 = vector.shape_cast %get3A_719 : vector<1x1x16xf32> to vector<16xf32>
      %add3A_721 = arith.addf %get3A_714, %get3A_720 : vector<16xf32>
      %swap3A_722 = arith.constant 1 : i32
      %swap3A_723 = arith.constant 2 : i32
      %swap3A_724 = arith.index_cast %swap3A_722 : i32 to index
      %swap3A_725 = arith.index_cast %swap3A_723 : i32 to index
      %swap3A_726 = arith.index_cast %scan3A_660 : i32 to index
      %swap3A_727 = arith.constant 32 : index
      %swap3A_728 = tpu.vector_load %arg8[%swap3A_724, %swap3A_725, %swap3A_726, %swap3A_727] {strides = array<i32>} : memref<3x4x100x64xf32, #tpu.memory_space<vmem>>, vector<1x1x1x16xf32>,
      %swap3A_729 = vector.shape_cast %swap3A_728 : vector<1x1x1x16xf32> to vector<16xf32>
      %swap3A_730 = vector.shape_cast %add3A_721 : vector<16xf32> to vector<1x1x1x16xf32>
      tpu.vector_store %arg8[%swap3A_724, %swap3A_725, %swap3A_726, %swap3A_727], %swap3A_730 {strides = array<i32>} : memref<3x4x100x64xf32, #tpu.memory_space<vmem>>, vector<1x1x1x16xf32>,
      %get3A_731 = arith.constant 1 : i32
      %get3A_732 = arith.constant 2 : i32
      %get3A_733 = arith.index_cast %get3A_731 : i32 to index
      %get3A_734 = arith.index_cast %get3A_732 : i32 to index
      %get3A_735 = arith.index_cast %scan3A_660 : i32 to index
      %get3A_736 = arith.constant 48 : index
      %get3A_737 = tpu.vector_load %arg8[%get3A_733, %get3A_734, %get3A_735, %get3A_736] {strides = array<i32>} : memref<3x4x100x64xf32, #tpu.memory_space<vmem>>, vector<1x1x1x16xf32>,
      %get3A_738 = vector.shape_cast %get3A_737 : vector<1x1x1x16xf32> to vector<16xf32>
      %get3A_739 = arith.constant 0 : i32
      %get3A_740 = arith.index_cast %get3A_739 : i32 to index
      %get3A_741 = arith.index_cast %scan3A_660 : i32 to index
      %get3A_742 = arith.constant 48 : index
      %get3A_743 = tpu.vector_load %arg7[%get3A_740, %get3A_741, %get3A_742] {strides = array<i32>} : memref<2x100x64xf32, #tpu.memory_space<vmem>>, vector<1x1x16xf32>,
      %get3A_744 = vector.shape_cast %get3A_743 : vector<1x1x16xf32> to vector<16xf32>
      %add3A_745 = arith.addf %get3A_738, %get3A_744 : vector<16xf32>
      %swap3A_746 = arith.constant 1 : i32
      %swap3A_747 = arith.constant 2 : i32
      %swap3A_748 = arith.index_cast %swap3A_746 : i32 to index
      %swap3A_749 = arith.index_cast %swap3A_747 : i32 to index
      %swap3A_750 = arith.index_cast %scan3A_660 : i32 to index
      %swap3A_751 = arith.constant 48 : index
      %swap3A_752 = tpu.vector_load %arg8[%swap3A_748, %swap3A_749, %swap3A_750, %swap3A_751] {strides = array<i32>} : memref<3x4x100x64xf32, #tpu.memory_space<vmem>>, vector<1x1x1x16xf32>,
      %swap3A_753 = vector.shape_cast %swap3A_752 : vector<1x1x1x16xf32> to vector<16xf32>
      %swap3A_754 = vector.shape_cast %add3A_745 : vector<16xf32> to vector<1x1x1x16xf32>
      tpu.vector_store %arg8[%swap3A_748, %swap3A_749, %swap3A_750, %swap3A_751], %swap3A_754 {strides = array<i32>} : memref<3x4x100x64xf32, #tpu.memory_space<vmem>>, vector<1x1x1x16xf32>,
    }
    %scan3A_426 = arith.constant 100 : i32
    %scan3A_427 = arith.constant 0 : i32
    %scan3A_428 = arith.constant 0 : i32
    %scan3A_429 = arith.constant 100 : i32
    %scan3A_430 = arith.addi %scan3A_428, %scan3A_429 : i32
    %scan3A_431 = arith.constant 1 : i32
    scf.for %scan3A_660 = %scan3A_428 to %scan3A_430 step %scan3A_431  : i32 {
      %get3A = arith.constant 1 : i32
      %get3A_661 = arith.constant 3 : i32
      %get3A_662 = arith.index_cast %get3A : i32 to index
      %get3A_663 = arith.index_cast %get3A_661 : i32 to index
      %get3A_664 = arith.index_cast %scan3A_660 : i32 to index
      %get3A_665 = arith.constant 0 : index
      %get3A_666 = tpu.vector_load %arg8[%get3A_662, %get3A_663, %get3A_664, %get3A_665] {strides = array<i32>} : memref<3x4x100x64xf32, #tpu.memory_space<vmem>>, vector<1x1x1x16xf32>,
      %get3A_667 = vector.shape_cast %get3A_666 : vector<1x1x1x16xf32> to vector<16xf32>
      %get3A_668 = arith.constant 1 : i32
      %get3A_669 = arith.index_cast %get3A_668 : i32 to index
      %get3A_670 = arith.index_cast %scan3A_660 : i32 to index
      %get3A_671 = arith.constant 0 : index
      %get3A_672 = tpu.vector_load %arg7[%get3A_669, %get3A_670, %get3A_671] {strides = array<i32>} : memref<2x100x64xf32, #tpu.memory_space<vmem>>, vector<1x1x16xf32>,
      %get3A_673 = vector.shape_cast %get3A_672 : vector<1x1x16xf32> to vector<16xf32>
      %add3A_674 = arith.addf %get3A_667, %get3A_673 : vector<16xf32>
      %swap3A = arith.constant 1 : i32
      %swap3A_675 = arith.constant 3 : i32
      %swap3A_676 = arith.index_cast %swap3A : i32 to index
      %swap3A_677 = arith.index_cast %swap3A_675 : i32 to index
      %swap3A_678 = arith.index_cast %scan3A_660 : i32 to index
      %swap3A_679 = arith.constant 0 : index
      %swap3A_680 = tpu.vector_load %arg8[%swap3A_676, %swap3A_677, %swap3A_678, %swap3A_679] {strides = array<i32>} : memref<3x4x100x64xf32, #tpu.memory_space<vmem>>, vector<1x1x1x16xf32>,
      %swap3A_681 = vector.shape_cast %swap3A_680 : vector<1x1x1x16xf32> to vector<16xf32>
      %swap3A_682 = vector.shape_cast %add3A_674 : vector<16xf32> to vector<1x1x1x16xf32>
      tpu.vector_store %arg8[%swap3A_676, %swap3A_677, %swap3A_678, %swap3A_679], %swap3A_682 {strides = array<i32>} : memref<3x4x100x64xf32, #tpu.memory_space<vmem>>, vector<1x1x1x16xf32>,
      %get3A_683 = arith.constant 1 : i32
      %get3A_684 = arith.constant 3 : i32
      %get3A_685 = arith.index_cast %get3A_683 : i32 to index
      %get3A_686 = arith.index_cast %get3A_684 : i32 to index
      %get3A_687 = arith.index_cast %scan3A_660 : i32 to index
      %get3A_688 = arith.constant 16 : index
      %get3A_689 = tpu.vector_load %arg8[%get3A_685, %get3A_686, %get3A_687, %get3A_688] {strides = array<i32>} : memref<3x4x100x64xf32, #tpu.memory_space<vmem>>, vector<1x1x1x16xf32>,
      %get3A_690 = vector.shape_cast %get3A_689 : vector<1x1x1x16xf32> to vector<16xf32>
      %get3A_691 = arith.constant 1 : i32
      %get3A_692 = arith.index_cast %get3A_691 : i32 to index
      %get3A_693 = arith.index_cast %scan3A_660 : i32 to index
      %get3A_694 = arith.constant 16 : index
      %get3A_695 = tpu.vector_load %arg7[%get3A_692, %get3A_693, %get3A_694] {strides = array<i32>} : memref<2x100x64xf32, #tpu.memory_space<vmem>>, vector<1x1x16xf32>,
      %get3A_696 = vector.shape_cast %get3A_695 : vector<1x1x16xf32> to vector<16xf32>
      %add3A_697 = arith.addf %get3A_690, %get3A_696 : vector<16xf32>
      %swap3A_698 = arith.constant 1 : i32
      %swap3A_699 = arith.constant 3 : i32
      %swap3A_700 = arith.index_cast %swap3A_698 : i32 to index
      %swap3A_701 = arith.index_cast %swap3A_699 : i32 to index
      %swap3A_702 = arith.index_cast %scan3A_660 : i32 to index
      %swap3A_703 = arith.constant 16 : index
      %swap3A_704 = tpu.vector_load %arg8[%swap3A_700, %swap3A_701, %swap3A_702, %swap3A_703] {strides = array<i32>} : memref<3x4x100x64xf32, #tpu.memory_space<vmem>>, vector<1x1x1x16xf32>,
      %swap3A_705 = vector.shape_cast %swap3A_704 : vector<1x1x1x16xf32> to vector<16xf32>
      %swap3A_706 = vector.shape_cast %add3A_697 : vector<16xf32> to vector<1x1x1x16xf32>
      tpu.vector_store %arg8[%swap3A_700, %swap3A_701, %swap3A_702, %swap3A_703], %swap3A_706 {strides = array<i32>} : memref<3x4x100x64xf32, #tpu.memory_space<vmem>>, vector<1x1x1x16xf32>,
      %get3A_707 = arith.constant 1 : i32
      %get3A_708 = arith.constant 3 : i32
      %get3A_709 = arith.index_cast %get3A_707 : i32 to index
      %get3A_710 = arith.index_cast %get3A_708 : i32 to index
      %get3A_711 = arith.index_cast %scan3A_660 : i32 to index
      %get3A_712 = arith.constant 32 : index
      %get3A_713 = tpu.vector_load %arg8[%get3A_709, %get3A_710, %get3A_711, %get3A_712] {strides = array<i32>} : memref<3x4x100x64xf32, #tpu.memory_space<vmem>>, vector<1x1x1x16xf32>,
      %get3A_714 = vector.shape_cast %get3A_713 : vector<1x1x1x16xf32> to vector<16xf32>
      %get3A_715 = arith.constant 1 : i32
      %get3A_716 = arith.index_cast %get3A_715 : i32 to index
      %get3A_717 = arith.index_cast %scan3A_660 : i32 to index
      %get3A_718 = arith.constant 32 : index
      %get3A_719 = tpu.vector_load %arg7[%get3A_716, %get3A_717, %get3A_718] {strides = array<i32>} : memref<2x100x64xf32, #tpu.memory_space<vmem>>, vector<1x1x16xf32>,
      %get3A_720 = vector.shape_cast %get3A_719 : vector<1x1x16xf32> to vector<16xf32>
      %add3A_721 = arith.addf %get3A_714, %get3A_720 : vector<16xf32>
      %swap3A_722 = arith.constant 1 : i32
      %swap3A_723 = arith.constant 3 : i32
      %swap3A_724 = arith.index_cast %swap3A_722 : i32 to index
      %swap3A_725 = arith.index_cast %swap3A_723 : i32 to index
      %swap3A_726 = arith.index_cast %scan3A_660 : i32 to index
      %swap3A_727 = arith.constant 32 : index
      %swap3A_728 = tpu.vector_load %arg8[%swap3A_724, %swap3A_725, %swap3A_726, %swap3A_727] {strides = array<i32>} : memref<3x4x100x64xf32, #tpu.memory_space<vmem>>, vector<1x1x1x16xf32>,
      %swap3A_729 = vector.shape_cast %swap3A_728 : vector<1x1x1x16xf32> to vector<16xf32>
      %swap3A_730 = vector.shape_cast %add3A_721 : vector<16xf32> to vector<1x1x1x16xf32>
      tpu.vector_store %arg8[%swap3A_724, %swap3A_725, %swap3A_726, %swap3A_727], %swap3A_730 {strides = array<i32>} : memref<3x4x100x64xf32, #tpu.memory_space<vmem>>, vector<1x1x1x16xf32>,
      %get3A_731 = arith.constant 1 : i32
      %get3A_732 = arith.constant 3 : i32
      %get3A_733 = arith.index_cast %get3A_731 : i32 to index
      %get3A_734 = arith.index_cast %get3A_732 : i32 to index
      %get3A_735 = arith.index_cast %scan3A_660 : i32 to index
      %get3A_736 = arith.constant 48 : index
      %get3A_737 = tpu.vector_load %arg8[%get3A_733, %get3A_734, %get3A_735, %get3A_736] {strides = array<i32>} : memref<3x4x100x64xf32, #tpu.memory_space<vmem>>, vector<1x1x1x16xf32>,
      %get3A_738 = vector.shape_cast %get3A_737 : vector<1x1x1x16xf32> to vector<16xf32>
      %get3A_739 = arith.constant 1 : i32
      %get3A_740 = arith.index_cast %get3A_739 : i32 to index
      %get3A_741 = arith.index_cast %scan3A_660 : i32 to index
      %get3A_742 = arith.constant 48 : index
      %get3A_743 = tpu.vector_load %arg7[%get3A_740, %get3A_741, %get3A_742] {strides = array<i32>} : memref<2x100x64xf32, #tpu.memory_space<vmem>>, vector<1x1x16xf32>,
      %get3A_744 = vector.shape_cast %get3A_743 : vector<1x1x16xf32> to vector<16xf32>
      %add3A_745 = arith.addf %get3A_738, %get3A_744 : vector<16xf32>
      %swap3A_746 = arith.constant 1 : i32
      %swap3A_747 = arith.constant 3 : i32
      %swap3A_748 = arith.index_cast %swap3A_746 : i32 to index
      %swap3A_749 = arith.index_cast %swap3A_747 : i32 to index
      %swap3A_750 = arith.index_cast %scan3A_660 : i32 to index
      %swap3A_751 = arith.constant 48 : index
      %swap3A_752 = tpu.vector_load %arg8[%swap3A_748, %swap3A_749, %swap3A_750, %swap3A_751] {strides = array<i32>} : memref<3x4x100x64xf32, #tpu.memory_space<vmem>>, vector<1x1x1x16xf32>,
      %swap3A_753 = vector.shape_cast %swap3A_752 : vector<1x1x1x16xf32> to vector<16xf32>
      %swap3A_754 = vector.shape_cast %add3A_745 : vector<16xf32> to vector<1x1x1x16xf32>
      tpu.vector_store %arg8[%swap3A_748, %swap3A_749, %swap3A_750, %swap3A_751], %swap3A_754 {strides = array<i32>} : memref<3x4x100x64xf32, #tpu.memory_space<vmem>>, vector<1x1x1x16xf32>,
    }
    %scan3A_432 = arith.constant 100 : i32
    %add3A_433 = arith.constant 61 : i32
    %add3A_434 = arith.addi %mul3A_2, %add3A_433 : i32
    %dma_start3A_435 = arith.constant 1 : i32
    %dma_start3A_436 = arith.constant 0 : i32
    %dma_start3A_437 = arith.constant 0 : i32
    %dma_start3A_438 = arith.constant 0 : i32
    %dma_start3A_439 = tpu.memref_slice %arg8[%dma_start3A_435, %dma_start3A_436, %dma_start3A_437, %dma_start3A_438] : memref<3x4x100x64xf32, #tpu.memory_space<vmem>> -> memref<1x4x100x64xf32, #tpu.memory_space<vmem>>
    %dma_start3A_440 = tpu.memref_squeeze %dma_start3A_439 : memref<1x4x100x64xf32, #tpu.memory_space<vmem>> -> memref<4x100x64xf32, #tpu.memory_space<vmem>>
    %dma_start3A_441 = arith.constant 0 : i32
    %dma_start3A_442 = arith.constant 0 : i32
    %dma_start3A_443 = arith.constant 0 : i32
    %dma_start3A_444 = tpu.memref_slice %arg5[%add3A_434, %dma_start3A_441, %dma_start3A_442, %dma_start3A_443] : memref<2048x4x100x64xf32, #tpu.memory_space<hbm>> -> memref<1x4x100x64xf32, #tpu.memory_space<hbm>>
    %dma_start3A_445 = tpu.memref_squeeze %dma_start3A_444 : memref<1x4x100x64xf32, #tpu.memory_space<hbm>> -> memref<4x100x64xf32, #tpu.memory_space<hbm>>
    %dma_start3A_446 = arith.constant 0 : i32
    %dma_start3A_447 = arith.constant 0 : i32
    %dma_start3A_448 = arith.constant 0 : i32
    %dma_start3A_449 = tpu.memref_slice %arg5[%add3A_434, %dma_start3A_446, %dma_start3A_447, %dma_start3A_448] : memref<2048x4x100x64xf32, #tpu.memory_space<hbm>> -> memref<1x4x100x64xf32, #tpu.memory_space<hbm>>
    %dma_start3A_450 = tpu.memref_squeeze %dma_start3A_449 : memref<1x4x100x64xf32, #tpu.memory_space<hbm>> -> memref<4x100x64xf32, #tpu.memory_space<hbm>>
    %dma_start3A_451 = arith.constant 0 : i32
    %dma_start3A_452 = arith.constant 0 : i32
    %dma_start3A_453 = arith.constant 0 : i32
    %dma_start3A_454 = tpu.memref_slice %arg8[%dma_start3A_435, %dma_start3A_451, %dma_start3A_452, %dma_start3A_453] : memref<3x4x100x64xf32, #tpu.memory_space<vmem>> -> memref<1x4x100x64xf32, #tpu.memory_space<vmem>>
    %dma_start3A_455 = tpu.memref_squeeze %dma_start3A_454 : memref<1x4x100x64xf32, #tpu.memory_space<vmem>> -> memref<4x100x64xf32, #tpu.memory_space<vmem>>
    tpu.enqueue_dma source(%dma_start3A_455 : memref<4x100x64xf32, #tpu.memory_space<vmem>>) target(%dma_start3A_450 : memref<4x100x64xf32, #tpu.memory_space<hbm>>) target_semaphore(%arg13 : memref<!tpu.dma_semaphore, #tpu.memory_space<semaphore_mem>>)
    %dma_wait3A_456 = arith.constant 0 : i32
    %dma_wait3A_457 = arith.constant 2 : i32
    %dma_wait3A_458 = arith.constant 0 : i32
    %dma_wait3A_459 = arith.constant 0 : i32
    %dma_wait3A_460 = arith.constant 0 : i32
    %dma_wait3A_461 = tpu.memref_slice %arg8[%dma_wait3A_457, %dma_wait3A_458, %dma_wait3A_459, %dma_wait3A_460] : memref<3x4x100x64xf32, #tpu.memory_space<vmem>> -> memref<1x4x100x64xf32, #tpu.memory_space<vmem>>
    %dma_wait3A_462 = tpu.memref_squeeze %dma_wait3A_461 : memref<1x4x100x64xf32, #tpu.memory_space<vmem>> -> memref<4x100x64xf32, #tpu.memory_space<vmem>>
    %dma_wait3A_463 = arith.constant 0 : i32
    %dma_wait3A_464 = arith.constant 0 : i32
    %dma_wait3A_465 = arith.constant 0 : i32
    %dma_wait3A_466 = tpu.memref_slice %arg5[%dma_wait3A_456, %dma_wait3A_463, %dma_wait3A_464, %dma_wait3A_465] : memref<2048x4x100x64xf32, #tpu.memory_space<hbm>> -> memref<1x4x100x64xf32, #tpu.memory_space<hbm>>
    %dma_wait3A_467 = tpu.memref_squeeze %dma_wait3A_466 : memref<1x4x100x64xf32, #tpu.memory_space<hbm>> -> memref<4x100x64xf32, #tpu.memory_space<hbm>>
    %dma_wait3A_468 = arith.constant 0 : i32
    %dma_wait3A_469 = arith.constant 0 : i32
    %dma_wait3A_470 = arith.constant 0 : i32
    %dma_wait3A_471 = tpu.memref_slice %arg8[%dma_wait3A_457, %dma_wait3A_468, %dma_wait3A_469, %dma_wait3A_470] : memref<3x4x100x64xf32, #tpu.memory_space<vmem>> -> memref<1x4x100x64xf32, #tpu.memory_space<vmem>>
    %dma_wait3A_472 = tpu.memref_squeeze %dma_wait3A_471 : memref<1x4x100x64xf32, #tpu.memory_space<vmem>> -> memref<4x100x64xf32, #tpu.memory_space<vmem>>
    %dma_wait3A_473 = arith.constant 0 : i32
    %dma_wait3A_474 = arith.constant 0 : i32
    %dma_wait3A_475 = arith.constant 0 : i32
    %dma_wait3A_476 = tpu.memref_slice %arg5[%dma_wait3A_456, %dma_wait3A_473, %dma_wait3A_474, %dma_wait3A_475] : memref<2048x4x100x64xf32, #tpu.memory_space<hbm>> -> memref<1x4x100x64xf32, #tpu.memory_space<hbm>>
    %dma_wait3A_477 = tpu.memref_squeeze %dma_wait3A_476 : memref<1x4x100x64xf32, #tpu.memory_space<hbm>> -> memref<4x100x64xf32, #tpu.memory_space<hbm>>
    tpu.wait_dma2 semaphore(%arg11 : memref<!tpu.dma_semaphore, #tpu.memory_space<semaphore_mem>>) src(%dma_wait3A_477 : memref<4x100x64xf32, #tpu.memory_space<hbm>>) dst(%dma_wait3A_472 : memref<4x100x64xf32, #tpu.memory_space<vmem>>)
    %scan3A_478 = arith.constant 0 : i32
    %scan3A_479 = arith.constant 0 : i32
    %scan3A_480 = arith.constant 100 : i32
    %scan3A_481 = arith.addi %scan3A_479, %scan3A_480 : i32
    %scan3A_482 = arith.constant 1 : i32
    scf.for %scan3A_660 = %scan3A_479 to %scan3A_481 step %scan3A_482  : i32 {
      %get3A = arith.constant 2 : i32
      %get3A_661 = arith.constant 0 : i32
      %get3A_662 = arith.index_cast %get3A : i32 to index
      %get3A_663 = arith.index_cast %get3A_661 : i32 to index
      %get3A_664 = arith.index_cast %scan3A_660 : i32 to index
      %get3A_665 = arith.constant 0 : index
      %get3A_666 = tpu.vector_load %arg8[%get3A_662, %get3A_663, %get3A_664, %get3A_665] {strides = array<i32>} : memref<3x4x100x64xf32, #tpu.memory_space<vmem>>, vector<1x1x1x16xf32>,
      %get3A_667 = vector.shape_cast %get3A_666 : vector<1x1x1x16xf32> to vector<16xf32>
      %get3A_668 = arith.constant 0 : i32
      %get3A_669 = arith.index_cast %get3A_668 : i32 to index
      %get3A_670 = arith.index_cast %scan3A_660 : i32 to index
      %get3A_671 = arith.constant 0 : index
      %get3A_672 = tpu.vector_load %arg7[%get3A_669, %get3A_670, %get3A_671] {strides = array<i32>} : memref<2x100x64xf32, #tpu.memory_space<vmem>>, vector<1x1x16xf32>,
      %get3A_673 = vector.shape_cast %get3A_672 : vector<1x1x16xf32> to vector<16xf32>
      %add3A_674 = arith.addf %get3A_667, %get3A_673 : vector<16xf32>
      %swap3A = arith.constant 2 : i32
      %swap3A_675 = arith.constant 0 : i32
      %swap3A_676 = arith.index_cast %swap3A : i32 to index
      %swap3A_677 = arith.index_cast %swap3A_675 : i32 to index
      %swap3A_678 = arith.index_cast %scan3A_660 : i32 to index
      %swap3A_679 = arith.constant 0 : index
      %swap3A_680 = tpu.vector_load %arg8[%swap3A_676, %swap3A_677, %swap3A_678, %swap3A_679] {strides = array<i32>} : memref<3x4x100x64xf32, #tpu.memory_space<vmem>>, vector<1x1x1x16xf32>,
      %swap3A_681 = vector.shape_cast %swap3A_680 : vector<1x1x1x16xf32> to vector<16xf32>
      %swap3A_682 = vector.shape_cast %add3A_674 : vector<16xf32> to vector<1x1x1x16xf32>
      tpu.vector_store %arg8[%swap3A_676, %swap3A_677, %swap3A_678, %swap3A_679], %swap3A_682 {strides = array<i32>} : memref<3x4x100x64xf32, #tpu.memory_space<vmem>>, vector<1x1x1x16xf32>,
      %get3A_683 = arith.constant 2 : i32
      %get3A_684 = arith.constant 0 : i32
      %get3A_685 = arith.index_cast %get3A_683 : i32 to index
      %get3A_686 = arith.index_cast %get3A_684 : i32 to index
      %get3A_687 = arith.index_cast %scan3A_660 : i32 to index
      %get3A_688 = arith.constant 16 : index
      %get3A_689 = tpu.vector_load %arg8[%get3A_685, %get3A_686, %get3A_687, %get3A_688] {strides = array<i32>} : memref<3x4x100x64xf32, #tpu.memory_space<vmem>>, vector<1x1x1x16xf32>,
      %get3A_690 = vector.shape_cast %get3A_689 : vector<1x1x1x16xf32> to vector<16xf32>
      %get3A_691 = arith.constant 0 : i32
      %get3A_692 = arith.index_cast %get3A_691 : i32 to index
      %get3A_693 = arith.index_cast %scan3A_660 : i32 to index
      %get3A_694 = arith.constant 16 : index
      %get3A_695 = tpu.vector_load %arg7[%get3A_692, %get3A_693, %get3A_694] {strides = array<i32>} : memref<2x100x64xf32, #tpu.memory_space<vmem>>, vector<1x1x16xf32>,
      %get3A_696 = vector.shape_cast %get3A_695 : vector<1x1x16xf32> to vector<16xf32>
      %add3A_697 = arith.addf %get3A_690, %get3A_696 : vector<16xf32>
      %swap3A_698 = arith.constant 2 : i32
      %swap3A_699 = arith.constant 0 : i32
      %swap3A_700 = arith.index_cast %swap3A_698 : i32 to index
      %swap3A_701 = arith.index_cast %swap3A_699 : i32 to index
      %swap3A_702 = arith.index_cast %scan3A_660 : i32 to index
      %swap3A_703 = arith.constant 16 : index
      %swap3A_704 = tpu.vector_load %arg8[%swap3A_700, %swap3A_701, %swap3A_702, %swap3A_703] {strides = array<i32>} : memref<3x4x100x64xf32, #tpu.memory_space<vmem>>, vector<1x1x1x16xf32>,
      %swap3A_705 = vector.shape_cast %swap3A_704 : vector<1x1x1x16xf32> to vector<16xf32>
      %swap3A_706 = vector.shape_cast %add3A_697 : vector<16xf32> to vector<1x1x1x16xf32>
      tpu.vector_store %arg8[%swap3A_700, %swap3A_701, %swap3A_702, %swap3A_703], %swap3A_706 {strides = array<i32>} : memref<3x4x100x64xf32, #tpu.memory_space<vmem>>, vector<1x1x1x16xf32>,
      %get3A_707 = arith.constant 2 : i32
      %get3A_708 = arith.constant 0 : i32
      %get3A_709 = arith.index_cast %get3A_707 : i32 to index
      %get3A_710 = arith.index_cast %get3A_708 : i32 to index
      %get3A_711 = arith.index_cast %scan3A_660 : i32 to index
      %get3A_712 = arith.constant 32 : index
      %get3A_713 = tpu.vector_load %arg8[%get3A_709, %get3A_710, %get3A_711, %get3A_712] {strides = array<i32>} : memref<3x4x100x64xf32, #tpu.memory_space<vmem>>, vector<1x1x1x16xf32>,
      %get3A_714 = vector.shape_cast %get3A_713 : vector<1x1x1x16xf32> to vector<16xf32>
      %get3A_715 = arith.constant 0 : i32
      %get3A_716 = arith.index_cast %get3A_715 : i32 to index
      %get3A_717 = arith.index_cast %scan3A_660 : i32 to index
      %get3A_718 = arith.constant 32 : index
      %get3A_719 = tpu.vector_load %arg7[%get3A_716, %get3A_717, %get3A_718] {strides = array<i32>} : memref<2x100x64xf32, #tpu.memory_space<vmem>>, vector<1x1x16xf32>,
      %get3A_720 = vector.shape_cast %get3A_719 : vector<1x1x16xf32> to vector<16xf32>
      %add3A_721 = arith.addf %get3A_714, %get3A_720 : vector<16xf32>
      %swap3A_722 = arith.constant 2 : i32
      %swap3A_723 = arith.constant 0 : i32
      %swap3A_724 = arith.index_cast %swap3A_722 : i32 to index
      %swap3A_725 = arith.index_cast %swap3A_723 : i32 to index
      %swap3A_726 = arith.index_cast %scan3A_660 : i32 to index
      %swap3A_727 = arith.constant 32 : index
      %swap3A_728 = tpu.vector_load %arg8[%swap3A_724, %swap3A_725, %swap3A_726, %swap3A_727] {strides = array<i32>} : memref<3x4x100x64xf32, #tpu.memory_space<vmem>>, vector<1x1x1x16xf32>,
      %swap3A_729 = vector.shape_cast %swap3A_728 : vector<1x1x1x16xf32> to vector<16xf32>
      %swap3A_730 = vector.shape_cast %add3A_721 : vector<16xf32> to vector<1x1x1x16xf32>
      tpu.vector_store %arg8[%swap3A_724, %swap3A_725, %swap3A_726, %swap3A_727], %swap3A_730 {strides = array<i32>} : memref<3x4x100x64xf32, #tpu.memory_space<vmem>>, vector<1x1x1x16xf32>,
      %get3A_731 = arith.constant 2 : i32
      %get3A_732 = arith.constant 0 : i32
      %get3A_733 = arith.index_cast %get3A_731 : i32 to index
      %get3A_734 = arith.index_cast %get3A_732 : i32 to index
      %get3A_735 = arith.index_cast %scan3A_660 : i32 to index
      %get3A_736 = arith.constant 48 : index
      %get3A_737 = tpu.vector_load %arg8[%get3A_733, %get3A_734, %get3A_735, %get3A_736] {strides = array<i32>} : memref<3x4x100x64xf32, #tpu.memory_space<vmem>>, vector<1x1x1x16xf32>,
      %get3A_738 = vector.shape_cast %get3A_737 : vector<1x1x1x16xf32> to vector<16xf32>
      %get3A_739 = arith.constant 0 : i32
      %get3A_740 = arith.index_cast %get3A_739 : i32 to index
      %get3A_741 = arith.index_cast %scan3A_660 : i32 to index
      %get3A_742 = arith.constant 48 : index
      %get3A_743 = tpu.vector_load %arg7[%get3A_740, %get3A_741, %get3A_742] {strides = array<i32>} : memref<2x100x64xf32, #tpu.memory_space<vmem>>, vector<1x1x16xf32>,
      %get3A_744 = vector.shape_cast %get3A_743 : vector<1x1x16xf32> to vector<16xf32>
      %add3A_745 = arith.addf %get3A_738, %get3A_744 : vector<16xf32>
      %swap3A_746 = arith.constant 2 : i32
      %swap3A_747 = arith.constant 0 : i32
      %swap3A_748 = arith.index_cast %swap3A_746 : i32 to index
      %swap3A_749 = arith.index_cast %swap3A_747 : i32 to index
      %swap3A_750 = arith.index_cast %scan3A_660 : i32 to index
      %swap3A_751 = arith.constant 48 : index
      %swap3A_752 = tpu.vector_load %arg8[%swap3A_748, %swap3A_749, %swap3A_750, %swap3A_751] {strides = array<i32>} : memref<3x4x100x64xf32, #tpu.memory_space<vmem>>, vector<1x1x1x16xf32>,
      %swap3A_753 = vector.shape_cast %swap3A_752 : vector<1x1x1x16xf32> to vector<16xf32>
      %swap3A_754 = vector.shape_cast %add3A_745 : vector<16xf32> to vector<1x1x1x16xf32>
      tpu.vector_store %arg8[%swap3A_748, %swap3A_749, %swap3A_750, %swap3A_751], %swap3A_754 {strides = array<i32>} : memref<3x4x100x64xf32, #tpu.memory_space<vmem>>, vector<1x1x1x16xf32>,
    }
    %scan3A_483 = arith.constant 100 : i32
    %scan3A_484 = arith.constant 0 : i32
    %scan3A_485 = arith.constant 0 : i32
    %scan3A_486 = arith.constant 100 : i32
    %scan3A_487 = arith.addi %scan3A_485, %scan3A_486 : i32
    %scan3A_488 = arith.constant 1 : i32
    scf.for %scan3A_660 = %scan3A_485 to %scan3A_487 step %scan3A_488  : i32 {
      %get3A = arith.constant 2 : i32
      %get3A_661 = arith.constant 1 : i32
      %get3A_662 = arith.index_cast %get3A : i32 to index
      %get3A_663 = arith.index_cast %get3A_661 : i32 to index
      %get3A_664 = arith.index_cast %scan3A_660 : i32 to index
      %get3A_665 = arith.constant 0 : index
      %get3A_666 = tpu.vector_load %arg8[%get3A_662, %get3A_663, %get3A_664, %get3A_665] {strides = array<i32>} : memref<3x4x100x64xf32, #tpu.memory_space<vmem>>, vector<1x1x1x16xf32>,
      %get3A_667 = vector.shape_cast %get3A_666 : vector<1x1x1x16xf32> to vector<16xf32>
      %get3A_668 = arith.constant 1 : i32
      %get3A_669 = arith.index_cast %get3A_668 : i32 to index
      %get3A_670 = arith.index_cast %scan3A_660 : i32 to index
      %get3A_671 = arith.constant 0 : index
      %get3A_672 = tpu.vector_load %arg7[%get3A_669, %get3A_670, %get3A_671] {strides = array<i32>} : memref<2x100x64xf32, #tpu.memory_space<vmem>>, vector<1x1x16xf32>,
      %get3A_673 = vector.shape_cast %get3A_672 : vector<1x1x16xf32> to vector<16xf32>
      %add3A_674 = arith.addf %get3A_667, %get3A_673 : vector<16xf32>
      %swap3A = arith.constant 2 : i32
      %swap3A_675 = arith.constant 1 : i32
      %swap3A_676 = arith.index_cast %swap3A : i32 to index
      %swap3A_677 = arith.index_cast %swap3A_675 : i32 to index
      %swap3A_678 = arith.index_cast %scan3A_660 : i32 to index
      %swap3A_679 = arith.constant 0 : index
      %swap3A_680 = tpu.vector_load %arg8[%swap3A_676, %swap3A_677, %swap3A_678, %swap3A_679] {strides = array<i32>} : memref<3x4x100x64xf32, #tpu.memory_space<vmem>>, vector<1x1x1x16xf32>,
      %swap3A_681 = vector.shape_cast %swap3A_680 : vector<1x1x1x16xf32> to vector<16xf32>
      %swap3A_682 = vector.shape_cast %add3A_674 : vector<16xf32> to vector<1x1x1x16xf32>
      tpu.vector_store %arg8[%swap3A_676, %swap3A_677, %swap3A_678, %swap3A_679], %swap3A_682 {strides = array<i32>} : memref<3x4x100x64xf32, #tpu.memory_space<vmem>>, vector<1x1x1x16xf32>,
      %get3A_683 = arith.constant 2 : i32
      %get3A_684 = arith.constant 1 : i32
      %get3A_685 = arith.index_cast %get3A_683 : i32 to index
      %get3A_686 = arith.index_cast %get3A_684 : i32 to index
      %get3A_687 = arith.index_cast %scan3A_660 : i32 to index
      %get3A_688 = arith.constant 16 : index
      %get3A_689 = tpu.vector_load %arg8[%get3A_685, %get3A_686, %get3A_687, %get3A_688] {strides = array<i32>} : memref<3x4x100x64xf32, #tpu.memory_space<vmem>>, vector<1x1x1x16xf32>,
      %get3A_690 = vector.shape_cast %get3A_689 : vector<1x1x1x16xf32> to vector<16xf32>
      %get3A_691 = arith.constant 1 : i32
      %get3A_692 = arith.index_cast %get3A_691 : i32 to index
      %get3A_693 = arith.index_cast %scan3A_660 : i32 to index
      %get3A_694 = arith.constant 16 : index
      %get3A_695 = tpu.vector_load %arg7[%get3A_692, %get3A_693, %get3A_694] {strides = array<i32>} : memref<2x100x64xf32, #tpu.memory_space<vmem>>, vector<1x1x16xf32>,
      %get3A_696 = vector.shape_cast %get3A_695 : vector<1x1x16xf32> to vector<16xf32>
      %add3A_697 = arith.addf %get3A_690, %get3A_696 : vector<16xf32>
      %swap3A_698 = arith.constant 2 : i32
      %swap3A_699 = arith.constant 1 : i32
      %swap3A_700 = arith.index_cast %swap3A_698 : i32 to index
      %swap3A_701 = arith.index_cast %swap3A_699 : i32 to index
      %swap3A_702 = arith.index_cast %scan3A_660 : i32 to index
      %swap3A_703 = arith.constant 16 : index
      %swap3A_704 = tpu.vector_load %arg8[%swap3A_700, %swap3A_701, %swap3A_702, %swap3A_703] {strides = array<i32>} : memref<3x4x100x64xf32, #tpu.memory_space<vmem>>, vector<1x1x1x16xf32>,
      %swap3A_705 = vector.shape_cast %swap3A_704 : vector<1x1x1x16xf32> to vector<16xf32>
      %swap3A_706 = vector.shape_cast %add3A_697 : vector<16xf32> to vector<1x1x1x16xf32>
      tpu.vector_store %arg8[%swap3A_700, %swap3A_701, %swap3A_702, %swap3A_703], %swap3A_706 {strides = array<i32>} : memref<3x4x100x64xf32, #tpu.memory_space<vmem>>, vector<1x1x1x16xf32>,
      %get3A_707 = arith.constant 2 : i32
      %get3A_708 = arith.constant 1 : i32
      %get3A_709 = arith.index_cast %get3A_707 : i32 to index
      %get3A_710 = arith.index_cast %get3A_708 : i32 to index
      %get3A_711 = arith.index_cast %scan3A_660 : i32 to index
      %get3A_712 = arith.constant 32 : index
      %get3A_713 = tpu.vector_load %arg8[%get3A_709, %get3A_710, %get3A_711, %get3A_712] {strides = array<i32>} : memref<3x4x100x64xf32, #tpu.memory_space<vmem>>, vector<1x1x1x16xf32>,
      %get3A_714 = vector.shape_cast %get3A_713 : vector<1x1x1x16xf32> to vector<16xf32>
      %get3A_715 = arith.constant 1 : i32
      %get3A_716 = arith.index_cast %get3A_715 : i32 to index
      %get3A_717 = arith.index_cast %scan3A_660 : i32 to index
      %get3A_718 = arith.constant 32 : index
      %get3A_719 = tpu.vector_load %arg7[%get3A_716, %get3A_717, %get3A_718] {strides = array<i32>} : memref<2x100x64xf32, #tpu.memory_space<vmem>>, vector<1x1x16xf32>,
      %get3A_720 = vector.shape_cast %get3A_719 : vector<1x1x16xf32> to vector<16xf32>
      %add3A_721 = arith.addf %get3A_714, %get3A_720 : vector<16xf32>
      %swap3A_722 = arith.constant 2 : i32
      %swap3A_723 = arith.constant 1 : i32
      %swap3A_724 = arith.index_cast %swap3A_722 : i32 to index
      %swap3A_725 = arith.index_cast %swap3A_723 : i32 to index
      %swap3A_726 = arith.index_cast %scan3A_660 : i32 to index
      %swap3A_727 = arith.constant 32 : index
      %swap3A_728 = tpu.vector_load %arg8[%swap3A_724, %swap3A_725, %swap3A_726, %swap3A_727] {strides = array<i32>} : memref<3x4x100x64xf32, #tpu.memory_space<vmem>>, vector<1x1x1x16xf32>,
      %swap3A_729 = vector.shape_cast %swap3A_728 : vector<1x1x1x16xf32> to vector<16xf32>
      %swap3A_730 = vector.shape_cast %add3A_721 : vector<16xf32> to vector<1x1x1x16xf32>
      tpu.vector_store %arg8[%swap3A_724, %swap3A_725, %swap3A_726, %swap3A_727], %swap3A_730 {strides = array<i32>} : memref<3x4x100x64xf32, #tpu.memory_space<vmem>>, vector<1x1x1x16xf32>,
      %get3A_731 = arith.constant 2 : i32
      %get3A_732 = arith.constant 1 : i32
      %get3A_733 = arith.index_cast %get3A_731 : i32 to index
      %get3A_734 = arith.index_cast %get3A_732 : i32 to index
      %get3A_735 = arith.index_cast %scan3A_660 : i32 to index
      %get3A_736 = arith.constant 48 : index
      %get3A_737 = tpu.vector_load %arg8[%get3A_733, %get3A_734, %get3A_735, %get3A_736] {strides = array<i32>} : memref<3x4x100x64xf32, #tpu.memory_space<vmem>>, vector<1x1x1x16xf32>,
      %get3A_738 = vector.shape_cast %get3A_737 : vector<1x1x1x16xf32> to vector<16xf32>
      %get3A_739 = arith.constant 1 : i32
      %get3A_740 = arith.index_cast %get3A_739 : i32 to index
      %get3A_741 = arith.index_cast %scan3A_660 : i32 to index
      %get3A_742 = arith.constant 48 : index
      %get3A_743 = tpu.vector_load %arg7[%get3A_740, %get3A_741, %get3A_742] {strides = array<i32>} : memref<2x100x64xf32, #tpu.memory_space<vmem>>, vector<1x1x16xf32>,
      %get3A_744 = vector.shape_cast %get3A_743 : vector<1x1x16xf32> to vector<16xf32>
      %add3A_745 = arith.addf %get3A_738, %get3A_744 : vector<16xf32>
      %swap3A_746 = arith.constant 2 : i32
      %swap3A_747 = arith.constant 1 : i32
      %swap3A_748 = arith.index_cast %swap3A_746 : i32 to index
      %swap3A_749 = arith.index_cast %swap3A_747 : i32 to index
      %swap3A_750 = arith.index_cast %scan3A_660 : i32 to index
      %swap3A_751 = arith.constant 48 : index
      %swap3A_752 = tpu.vector_load %arg8[%swap3A_748, %swap3A_749, %swap3A_750, %swap3A_751] {strides = array<i32>} : memref<3x4x100x64xf32, #tpu.memory_space<vmem>>, vector<1x1x1x16xf32>,
      %swap3A_753 = vector.shape_cast %swap3A_752 : vector<1x1x1x16xf32> to vector<16xf32>
      %swap3A_754 = vector.shape_cast %add3A_745 : vector<16xf32> to vector<1x1x1x16xf32>
      tpu.vector_store %arg8[%swap3A_748, %swap3A_749, %swap3A_750, %swap3A_751], %swap3A_754 {strides = array<i32>} : memref<3x4x100x64xf32, #tpu.memory_space<vmem>>, vector<1x1x1x16xf32>,
    }
    %scan3A_489 = arith.constant 100 : i32
    %scan3A_490 = arith.constant 0 : i32
    %scan3A_491 = arith.constant 0 : i32
    %scan3A_492 = arith.constant 100 : i32
    %scan3A_493 = arith.addi %scan3A_491, %scan3A_492 : i32
    %scan3A_494 = arith.constant 1 : i32
    scf.for %scan3A_660 = %scan3A_491 to %scan3A_493 step %scan3A_494  : i32 {
      %get3A = arith.constant 2 : i32
      %get3A_661 = arith.constant 2 : i32
      %get3A_662 = arith.index_cast %get3A : i32 to index
      %get3A_663 = arith.index_cast %get3A_661 : i32 to index
      %get3A_664 = arith.index_cast %scan3A_660 : i32 to index
      %get3A_665 = arith.constant 0 : index
      %get3A_666 = tpu.vector_load %arg8[%get3A_662, %get3A_663, %get3A_664, %get3A_665] {strides = array<i32>} : memref<3x4x100x64xf32, #tpu.memory_space<vmem>>, vector<1x1x1x16xf32>,
      %get3A_667 = vector.shape_cast %get3A_666 : vector<1x1x1x16xf32> to vector<16xf32>
      %get3A_668 = arith.constant 0 : i32
      %get3A_669 = arith.index_cast %get3A_668 : i32 to index
      %get3A_670 = arith.index_cast %scan3A_660 : i32 to index
      %get3A_671 = arith.constant 0 : index
      %get3A_672 = tpu.vector_load %arg7[%get3A_669, %get3A_670, %get3A_671] {strides = array<i32>} : memref<2x100x64xf32, #tpu.memory_space<vmem>>, vector<1x1x16xf32>,
      %get3A_673 = vector.shape_cast %get3A_672 : vector<1x1x16xf32> to vector<16xf32>
      %add3A_674 = arith.addf %get3A_667, %get3A_673 : vector<16xf32>
      %swap3A = arith.constant 2 : i32
      %swap3A_675 = arith.constant 2 : i32
      %swap3A_676 = arith.index_cast %swap3A : i32 to index
      %swap3A_677 = arith.index_cast %swap3A_675 : i32 to index
      %swap3A_678 = arith.index_cast %scan3A_660 : i32 to index
      %swap3A_679 = arith.constant 0 : index
      %swap3A_680 = tpu.vector_load %arg8[%swap3A_676, %swap3A_677, %swap3A_678, %swap3A_679] {strides = array<i32>} : memref<3x4x100x64xf32, #tpu.memory_space<vmem>>, vector<1x1x1x16xf32>,
      %swap3A_681 = vector.shape_cast %swap3A_680 : vector<1x1x1x16xf32> to vector<16xf32>
      %swap3A_682 = vector.shape_cast %add3A_674 : vector<16xf32> to vector<1x1x1x16xf32>
      tpu.vector_store %arg8[%swap3A_676, %swap3A_677, %swap3A_678, %swap3A_679], %swap3A_682 {strides = array<i32>} : memref<3x4x100x64xf32, #tpu.memory_space<vmem>>, vector<1x1x1x16xf32>,
      %get3A_683 = arith.constant 2 : i32
      %get3A_684 = arith.constant 2 : i32
      %get3A_685 = arith.index_cast %get3A_683 : i32 to index
      %get3A_686 = arith.index_cast %get3A_684 : i32 to index
      %get3A_687 = arith.index_cast %scan3A_660 : i32 to index
      %get3A_688 = arith.constant 16 : index
      %get3A_689 = tpu.vector_load %arg8[%get3A_685, %get3A_686, %get3A_687, %get3A_688] {strides = array<i32>} : memref<3x4x100x64xf32, #tpu.memory_space<vmem>>, vector<1x1x1x16xf32>,
      %get3A_690 = vector.shape_cast %get3A_689 : vector<1x1x1x16xf32> to vector<16xf32>
      %get3A_691 = arith.constant 0 : i32
      %get3A_692 = arith.index_cast %get3A_691 : i32 to index
      %get3A_693 = arith.index_cast %scan3A_660 : i32 to index
      %get3A_694 = arith.constant 16 : index
      %get3A_695 = tpu.vector_load %arg7[%get3A_692, %get3A_693, %get3A_694] {strides = array<i32>} : memref<2x100x64xf32, #tpu.memory_space<vmem>>, vector<1x1x16xf32>,
      %get3A_696 = vector.shape_cast %get3A_695 : vector<1x1x16xf32> to vector<16xf32>
      %add3A_697 = arith.addf %get3A_690, %get3A_696 : vector<16xf32>
      %swap3A_698 = arith.constant 2 : i32
      %swap3A_699 = arith.constant 2 : i32
      %swap3A_700 = arith.index_cast %swap3A_698 : i32 to index
      %swap3A_701 = arith.index_cast %swap3A_699 : i32 to index
      %swap3A_702 = arith.index_cast %scan3A_660 : i32 to index
      %swap3A_703 = arith.constant 16 : index
      %swap3A_704 = tpu.vector_load %arg8[%swap3A_700, %swap3A_701, %swap3A_702, %swap3A_703] {strides = array<i32>} : memref<3x4x100x64xf32, #tpu.memory_space<vmem>>, vector<1x1x1x16xf32>,
      %swap3A_705 = vector.shape_cast %swap3A_704 : vector<1x1x1x16xf32> to vector<16xf32>
      %swap3A_706 = vector.shape_cast %add3A_697 : vector<16xf32> to vector<1x1x1x16xf32>
      tpu.vector_store %arg8[%swap3A_700, %swap3A_701, %swap3A_702, %swap3A_703], %swap3A_706 {strides = array<i32>} : memref<3x4x100x64xf32, #tpu.memory_space<vmem>>, vector<1x1x1x16xf32>,
      %get3A_707 = arith.constant 2 : i32
      %get3A_708 = arith.constant 2 : i32
      %get3A_709 = arith.index_cast %get3A_707 : i32 to index
      %get3A_710 = arith.index_cast %get3A_708 : i32 to index
      %get3A_711 = arith.index_cast %scan3A_660 : i32 to index
      %get3A_712 = arith.constant 32 : index
      %get3A_713 = tpu.vector_load %arg8[%get3A_709, %get3A_710, %get3A_711, %get3A_712] {strides = array<i32>} : memref<3x4x100x64xf32, #tpu.memory_space<vmem>>, vector<1x1x1x16xf32>,
      %get3A_714 = vector.shape_cast %get3A_713 : vector<1x1x1x16xf32> to vector<16xf32>
      %get3A_715 = arith.constant 0 : i32
      %get3A_716 = arith.index_cast %get3A_715 : i32 to index
      %get3A_717 = arith.index_cast %scan3A_660 : i32 to index
      %get3A_718 = arith.constant 32 : index
      %get3A_719 = tpu.vector_load %arg7[%get3A_716, %get3A_717, %get3A_718] {strides = array<i32>} : memref<2x100x64xf32, #tpu.memory_space<vmem>>, vector<1x1x16xf32>,
      %get3A_720 = vector.shape_cast %get3A_719 : vector<1x1x16xf32> to vector<16xf32>
      %add3A_721 = arith.addf %get3A_714, %get3A_720 : vector<16xf32>
      %swap3A_722 = arith.constant 2 : i32
      %swap3A_723 = arith.constant 2 : i32
      %swap3A_724 = arith.index_cast %swap3A_722 : i32 to index
      %swap3A_725 = arith.index_cast %swap3A_723 : i32 to index
      %swap3A_726 = arith.index_cast %scan3A_660 : i32 to index
      %swap3A_727 = arith.constant 32 : index
      %swap3A_728 = tpu.vector_load %arg8[%swap3A_724, %swap3A_725, %swap3A_726, %swap3A_727] {strides = array<i32>} : memref<3x4x100x64xf32, #tpu.memory_space<vmem>>, vector<1x1x1x16xf32>,
      %swap3A_729 = vector.shape_cast %swap3A_728 : vector<1x1x1x16xf32> to vector<16xf32>
      %swap3A_730 = vector.shape_cast %add3A_721 : vector<16xf32> to vector<1x1x1x16xf32>
      tpu.vector_store %arg8[%swap3A_724, %swap3A_725, %swap3A_726, %swap3A_727], %swap3A_730 {strides = array<i32>} : memref<3x4x100x64xf32, #tpu.memory_space<vmem>>, vector<1x1x1x16xf32>,
      %get3A_731 = arith.constant 2 : i32
      %get3A_732 = arith.constant 2 : i32
      %get3A_733 = arith.index_cast %get3A_731 : i32 to index
      %get3A_734 = arith.index_cast %get3A_732 : i32 to index
      %get3A_735 = arith.index_cast %scan3A_660 : i32 to index
      %get3A_736 = arith.constant 48 : index
      %get3A_737 = tpu.vector_load %arg8[%get3A_733, %get3A_734, %get3A_735, %get3A_736] {strides = array<i32>} : memref<3x4x100x64xf32, #tpu.memory_space<vmem>>, vector<1x1x1x16xf32>,
      %get3A_738 = vector.shape_cast %get3A_737 : vector<1x1x1x16xf32> to vector<16xf32>
      %get3A_739 = arith.constant 0 : i32
      %get3A_740 = arith.index_cast %get3A_739 : i32 to index
      %get3A_741 = arith.index_cast %scan3A_660 : i32 to index
      %get3A_742 = arith.constant 48 : index
      %get3A_743 = tpu.vector_load %arg7[%get3A_740, %get3A_741, %get3A_742] {strides = array<i32>} : memref<2x100x64xf32, #tpu.memory_space<vmem>>, vector<1x1x16xf32>,
      %get3A_744 = vector.shape_cast %get3A_743 : vector<1x1x16xf32> to vector<16xf32>
      %add3A_745 = arith.addf %get3A_738, %get3A_744 : vector<16xf32>
      %swap3A_746 = arith.constant 2 : i32
      %swap3A_747 = arith.constant 2 : i32
      %swap3A_748 = arith.index_cast %swap3A_746 : i32 to index
      %swap3A_749 = arith.index_cast %swap3A_747 : i32 to index
      %swap3A_750 = arith.index_cast %scan3A_660 : i32 to index
      %swap3A_751 = arith.constant 48 : index
      %swap3A_752 = tpu.vector_load %arg8[%swap3A_748, %swap3A_749, %swap3A_750, %swap3A_751] {strides = array<i32>} : memref<3x4x100x64xf32, #tpu.memory_space<vmem>>, vector<1x1x1x16xf32>,
      %swap3A_753 = vector.shape_cast %swap3A_752 : vector<1x1x1x16xf32> to vector<16xf32>
      %swap3A_754 = vector.shape_cast %add3A_745 : vector<16xf32> to vector<1x1x1x16xf32>
      tpu.vector_store %arg8[%swap3A_748, %swap3A_749, %swap3A_750, %swap3A_751], %swap3A_754 {strides = array<i32>} : memref<3x4x100x64xf32, #tpu.memory_space<vmem>>, vector<1x1x1x16xf32>,
    }
    %scan3A_495 = arith.constant 100 : i32
    %scan3A_496 = arith.constant 0 : i32
    %scan3A_497 = arith.constant 0 : i32
    %scan3A_498 = arith.constant 100 : i32
    %scan3A_499 = arith.addi %scan3A_497, %scan3A_498 : i32
    %scan3A_500 = arith.constant 1 : i32
    scf.for %scan3A_660 = %scan3A_497 to %scan3A_499 step %scan3A_500  : i32 {
      %get3A = arith.constant 2 : i32
      %get3A_661 = arith.constant 3 : i32
      %get3A_662 = arith.index_cast %get3A : i32 to index
      %get3A_663 = arith.index_cast %get3A_661 : i32 to index
      %get3A_664 = arith.index_cast %scan3A_660 : i32 to index
      %get3A_665 = arith.constant 0 : index
      %get3A_666 = tpu.vector_load %arg8[%get3A_662, %get3A_663, %get3A_664, %get3A_665] {strides = array<i32>} : memref<3x4x100x64xf32, #tpu.memory_space<vmem>>, vector<1x1x1x16xf32>,
      %get3A_667 = vector.shape_cast %get3A_666 : vector<1x1x1x16xf32> to vector<16xf32>
      %get3A_668 = arith.constant 1 : i32
      %get3A_669 = arith.index_cast %get3A_668 : i32 to index
      %get3A_670 = arith.index_cast %scan3A_660 : i32 to index
      %get3A_671 = arith.constant 0 : index
      %get3A_672 = tpu.vector_load %arg7[%get3A_669, %get3A_670, %get3A_671] {strides = array<i32>} : memref<2x100x64xf32, #tpu.memory_space<vmem>>, vector<1x1x16xf32>,
      %get3A_673 = vector.shape_cast %get3A_672 : vector<1x1x16xf32> to vector<16xf32>
      %add3A_674 = arith.addf %get3A_667, %get3A_673 : vector<16xf32>
      %swap3A = arith.constant 2 : i32
      %swap3A_675 = arith.constant 3 : i32
      %swap3A_676 = arith.index_cast %swap3A : i32 to index
      %swap3A_677 = arith.index_cast %swap3A_675 : i32 to index
      %swap3A_678 = arith.index_cast %scan3A_660 : i32 to index
      %swap3A_679 = arith.constant 0 : index
      %swap3A_680 = tpu.vector_load %arg8[%swap3A_676, %swap3A_677, %swap3A_678, %swap3A_679] {strides = array<i32>} : memref<3x4x100x64xf32, #tpu.memory_space<vmem>>, vector<1x1x1x16xf32>,
      %swap3A_681 = vector.shape_cast %swap3A_680 : vector<1x1x1x16xf32> to vector<16xf32>
      %swap3A_682 = vector.shape_cast %add3A_674 : vector<16xf32> to vector<1x1x1x16xf32>
      tpu.vector_store %arg8[%swap3A_676, %swap3A_677, %swap3A_678, %swap3A_679], %swap3A_682 {strides = array<i32>} : memref<3x4x100x64xf32, #tpu.memory_space<vmem>>, vector<1x1x1x16xf32>,
      %get3A_683 = arith.constant 2 : i32
      %get3A_684 = arith.constant 3 : i32
      %get3A_685 = arith.index_cast %get3A_683 : i32 to index
      %get3A_686 = arith.index_cast %get3A_684 : i32 to index
      %get3A_687 = arith.index_cast %scan3A_660 : i32 to index
      %get3A_688 = arith.constant 16 : index
      %get3A_689 = tpu.vector_load %arg8[%get3A_685, %get3A_686, %get3A_687, %get3A_688] {strides = array<i32>} : memref<3x4x100x64xf32, #tpu.memory_space<vmem>>, vector<1x1x1x16xf32>,
      %get3A_690 = vector.shape_cast %get3A_689 : vector<1x1x1x16xf32> to vector<16xf32>
      %get3A_691 = arith.constant 1 : i32
      %get3A_692 = arith.index_cast %get3A_691 : i32 to index
      %get3A_693 = arith.index_cast %scan3A_660 : i32 to index
      %get3A_694 = arith.constant 16 : index
      %get3A_695 = tpu.vector_load %arg7[%get3A_692, %get3A_693, %get3A_694] {strides = array<i32>} : memref<2x100x64xf32, #tpu.memory_space<vmem>>, vector<1x1x16xf32>,
      %get3A_696 = vector.shape_cast %get3A_695 : vector<1x1x16xf32> to vector<16xf32>
      %add3A_697 = arith.addf %get3A_690, %get3A_696 : vector<16xf32>
      %swap3A_698 = arith.constant 2 : i32
      %swap3A_699 = arith.constant 3 : i32
      %swap3A_700 = arith.index_cast %swap3A_698 : i32 to index
      %swap3A_701 = arith.index_cast %swap3A_699 : i32 to index
      %swap3A_702 = arith.index_cast %scan3A_660 : i32 to index
      %swap3A_703 = arith.constant 16 : index
      %swap3A_704 = tpu.vector_load %arg8[%swap3A_700, %swap3A_701, %swap3A_702, %swap3A_703] {strides = array<i32>} : memref<3x4x100x64xf32, #tpu.memory_space<vmem>>, vector<1x1x1x16xf32>,
      %swap3A_705 = vector.shape_cast %swap3A_704 : vector<1x1x1x16xf32> to vector<16xf32>
      %swap3A_706 = vector.shape_cast %add3A_697 : vector<16xf32> to vector<1x1x1x16xf32>
      tpu.vector_store %arg8[%swap3A_700, %swap3A_701, %swap3A_702, %swap3A_703], %swap3A_706 {strides = array<i32>} : memref<3x4x100x64xf32, #tpu.memory_space<vmem>>, vector<1x1x1x16xf32>,
      %get3A_707 = arith.constant 2 : i32
      %get3A_708 = arith.constant 3 : i32
      %get3A_709 = arith.index_cast %get3A_707 : i32 to index
      %get3A_710 = arith.index_cast %get3A_708 : i32 to index
      %get3A_711 = arith.index_cast %scan3A_660 : i32 to index
      %get3A_712 = arith.constant 32 : index
      %get3A_713 = tpu.vector_load %arg8[%get3A_709, %get3A_710, %get3A_711, %get3A_712] {strides = array<i32>} : memref<3x4x100x64xf32, #tpu.memory_space<vmem>>, vector<1x1x1x16xf32>,
      %get3A_714 = vector.shape_cast %get3A_713 : vector<1x1x1x16xf32> to vector<16xf32>
      %get3A_715 = arith.constant 1 : i32
      %get3A_716 = arith.index_cast %get3A_715 : i32 to index
      %get3A_717 = arith.index_cast %scan3A_660 : i32 to index
      %get3A_718 = arith.constant 32 : index
      %get3A_719 = tpu.vector_load %arg7[%get3A_716, %get3A_717, %get3A_718] {strides = array<i32>} : memref<2x100x64xf32, #tpu.memory_space<vmem>>, vector<1x1x16xf32>,
      %get3A_720 = vector.shape_cast %get3A_719 : vector<1x1x16xf32> to vector<16xf32>
      %add3A_721 = arith.addf %get3A_714, %get3A_720 : vector<16xf32>
      %swap3A_722 = arith.constant 2 : i32
      %swap3A_723 = arith.constant 3 : i32
      %swap3A_724 = arith.index_cast %swap3A_722 : i32 to index
      %swap3A_725 = arith.index_cast %swap3A_723 : i32 to index
      %swap3A_726 = arith.index_cast %scan3A_660 : i32 to index
      %swap3A_727 = arith.constant 32 : index
      %swap3A_728 = tpu.vector_load %arg8[%swap3A_724, %swap3A_725, %swap3A_726, %swap3A_727] {strides = array<i32>} : memref<3x4x100x64xf32, #tpu.memory_space<vmem>>, vector<1x1x1x16xf32>,
      %swap3A_729 = vector.shape_cast %swap3A_728 : vector<1x1x1x16xf32> to vector<16xf32>
      %swap3A_730 = vector.shape_cast %add3A_721 : vector<16xf32> to vector<1x1x1x16xf32>
      tpu.vector_store %arg8[%swap3A_724, %swap3A_725, %swap3A_726, %swap3A_727], %swap3A_730 {strides = array<i32>} : memref<3x4x100x64xf32, #tpu.memory_space<vmem>>, vector<1x1x1x16xf32>,
      %get3A_731 = arith.constant 2 : i32
      %get3A_732 = arith.constant 3 : i32
      %get3A_733 = arith.index_cast %get3A_731 : i32 to index
      %get3A_734 = arith.index_cast %get3A_732 : i32 to index
      %get3A_735 = arith.index_cast %scan3A_660 : i32 to index
      %get3A_736 = arith.constant 48 : index
      %get3A_737 = tpu.vector_load %arg8[%get3A_733, %get3A_734, %get3A_735, %get3A_736] {strides = array<i32>} : memref<3x4x100x64xf32, #tpu.memory_space<vmem>>, vector<1x1x1x16xf32>,
      %get3A_738 = vector.shape_cast %get3A_737 : vector<1x1x1x16xf32> to vector<16xf32>
      %get3A_739 = arith.constant 1 : i32
      %get3A_740 = arith.index_cast %get3A_739 : i32 to index
      %get3A_741 = arith.index_cast %scan3A_660 : i32 to index
      %get3A_742 = arith.constant 48 : index
      %get3A_743 = tpu.vector_load %arg7[%get3A_740, %get3A_741, %get3A_742] {strides = array<i32>} : memref<2x100x64xf32, #tpu.memory_space<vmem>>, vector<1x1x16xf32>,
      %get3A_744 = vector.shape_cast %get3A_743 : vector<1x1x16xf32> to vector<16xf32>
      %add3A_745 = arith.addf %get3A_738, %get3A_744 : vector<16xf32>
      %swap3A_746 = arith.constant 2 : i32
      %swap3A_747 = arith.constant 3 : i32
      %swap3A_748 = arith.index_cast %swap3A_746 : i32 to index
      %swap3A_749 = arith.index_cast %swap3A_747 : i32 to index
      %swap3A_750 = arith.index_cast %scan3A_660 : i32 to index
      %swap3A_751 = arith.constant 48 : index
      %swap3A_752 = tpu.vector_load %arg8[%swap3A_748, %swap3A_749, %swap3A_750, %swap3A_751] {strides = array<i32>} : memref<3x4x100x64xf32, #tpu.memory_space<vmem>>, vector<1x1x1x16xf32>,
      %swap3A_753 = vector.shape_cast %swap3A_752 : vector<1x1x1x16xf32> to vector<16xf32>
      %swap3A_754 = vector.shape_cast %add3A_745 : vector<16xf32> to vector<1x1x1x16xf32>
      tpu.vector_store %arg8[%swap3A_748, %swap3A_749, %swap3A_750, %swap3A_751], %swap3A_754 {strides = array<i32>} : memref<3x4x100x64xf32, #tpu.memory_space<vmem>>, vector<1x1x1x16xf32>,
    }
    %scan3A_501 = arith.constant 100 : i32
    %add3A_502 = arith.constant 62 : i32
    %add3A_503 = arith.addi %mul3A_2, %add3A_502 : i32
    %dma_start3A_504 = arith.constant 2 : i32
    %dma_start3A_505 = arith.constant 0 : i32
    %dma_start3A_506 = arith.constant 0 : i32
    %dma_start3A_507 = arith.constant 0 : i32
    %dma_start3A_508 = tpu.memref_slice %arg8[%dma_start3A_504, %dma_start3A_505, %dma_start3A_506, %dma_start3A_507] : memref<3x4x100x64xf32, #tpu.memory_space<vmem>> -> memref<1x4x100x64xf32, #tpu.memory_space<vmem>>
    %dma_start3A_509 = tpu.memref_squeeze %dma_start3A_508 : memref<1x4x100x64xf32, #tpu.memory_space<vmem>> -> memref<4x100x64xf32, #tpu.memory_space<vmem>>
    %dma_start3A_510 = arith.constant 0 : i32
    %dma_start3A_511 = arith.constant 0 : i32
    %dma_start3A_512 = arith.constant 0 : i32
    %dma_start3A_513 = tpu.memref_slice %arg5[%add3A_503, %dma_start3A_510, %dma_start3A_511, %dma_start3A_512] : memref<2048x4x100x64xf32, #tpu.memory_space<hbm>> -> memref<1x4x100x64xf32, #tpu.memory_space<hbm>>
    %dma_start3A_514 = tpu.memref_squeeze %dma_start3A_513 : memref<1x4x100x64xf32, #tpu.memory_space<hbm>> -> memref<4x100x64xf32, #tpu.memory_space<hbm>>
    %dma_start3A_515 = arith.constant 0 : i32
    %dma_start3A_516 = arith.constant 0 : i32
    %dma_start3A_517 = arith.constant 0 : i32
    %dma_start3A_518 = tpu.memref_slice %arg5[%add3A_503, %dma_start3A_515, %dma_start3A_516, %dma_start3A_517] : memref<2048x4x100x64xf32, #tpu.memory_space<hbm>> -> memref<1x4x100x64xf32, #tpu.memory_space<hbm>>
    %dma_start3A_519 = tpu.memref_squeeze %dma_start3A_518 : memref<1x4x100x64xf32, #tpu.memory_space<hbm>> -> memref<4x100x64xf32, #tpu.memory_space<hbm>>
    %dma_start3A_520 = arith.constant 0 : i32
    %dma_start3A_521 = arith.constant 0 : i32
    %dma_start3A_522 = arith.constant 0 : i32
    %dma_start3A_523 = tpu.memref_slice %arg8[%dma_start3A_504, %dma_start3A_520, %dma_start3A_521, %dma_start3A_522] : memref<3x4x100x64xf32, #tpu.memory_space<vmem>> -> memref<1x4x100x64xf32, #tpu.memory_space<vmem>>
    %dma_start3A_524 = tpu.memref_squeeze %dma_start3A_523 : memref<1x4x100x64xf32, #tpu.memory_space<vmem>> -> memref<4x100x64xf32, #tpu.memory_space<vmem>>
    tpu.enqueue_dma source(%dma_start3A_524 : memref<4x100x64xf32, #tpu.memory_space<vmem>>) target(%dma_start3A_519 : memref<4x100x64xf32, #tpu.memory_space<hbm>>) target_semaphore(%arg14 : memref<!tpu.dma_semaphore, #tpu.memory_space<semaphore_mem>>)
    %dma_wait3A_525 = arith.constant 0 : i32
    %dma_wait3A_526 = arith.constant 0 : i32
    %dma_wait3A_527 = arith.constant 0 : i32
    %dma_wait3A_528 = arith.constant 0 : i32
    %dma_wait3A_529 = arith.constant 0 : i32
    %dma_wait3A_530 = tpu.memref_slice %arg8[%dma_wait3A_526, %dma_wait3A_527, %dma_wait3A_528, %dma_wait3A_529] : memref<3x4x100x64xf32, #tpu.memory_space<vmem>> -> memref<1x4x100x64xf32, #tpu.memory_space<vmem>>
    %dma_wait3A_531 = tpu.memref_squeeze %dma_wait3A_530 : memref<1x4x100x64xf32, #tpu.memory_space<vmem>> -> memref<4x100x64xf32, #tpu.memory_space<vmem>>
    %dma_wait3A_532 = arith.constant 0 : i32
    %dma_wait3A_533 = arith.constant 0 : i32
    %dma_wait3A_534 = arith.constant 0 : i32
    %dma_wait3A_535 = tpu.memref_slice %arg5[%dma_wait3A_525, %dma_wait3A_532, %dma_wait3A_533, %dma_wait3A_534] : memref<2048x4x100x64xf32, #tpu.memory_space<hbm>> -> memref<1x4x100x64xf32, #tpu.memory_space<hbm>>
    %dma_wait3A_536 = tpu.memref_squeeze %dma_wait3A_535 : memref<1x4x100x64xf32, #tpu.memory_space<hbm>> -> memref<4x100x64xf32, #tpu.memory_space<hbm>>
    %dma_wait3A_537 = arith.constant 0 : i32
    %dma_wait3A_538 = arith.constant 0 : i32
    %dma_wait3A_539 = arith.constant 0 : i32
    %dma_wait3A_540 = tpu.memref_slice %arg8[%dma_wait3A_526, %dma_wait3A_537, %dma_wait3A_538, %dma_wait3A_539] : memref<3x4x100x64xf32, #tpu.memory_space<vmem>> -> memref<1x4x100x64xf32, #tpu.memory_space<vmem>>
    %dma_wait3A_541 = tpu.memref_squeeze %dma_wait3A_540 : memref<1x4x100x64xf32, #tpu.memory_space<vmem>> -> memref<4x100x64xf32, #tpu.memory_space<vmem>>
    %dma_wait3A_542 = arith.constant 0 : i32
    %dma_wait3A_543 = arith.constant 0 : i32
    %dma_wait3A_544 = arith.constant 0 : i32
    %dma_wait3A_545 = tpu.memref_slice %arg5[%dma_wait3A_525, %dma_wait3A_542, %dma_wait3A_543, %dma_wait3A_544] : memref<2048x4x100x64xf32, #tpu.memory_space<hbm>> -> memref<1x4x100x64xf32, #tpu.memory_space<hbm>>
    %dma_wait3A_546 = tpu.memref_squeeze %dma_wait3A_545 : memref<1x4x100x64xf32, #tpu.memory_space<hbm>> -> memref<4x100x64xf32, #tpu.memory_space<hbm>>
    tpu.wait_dma2 semaphore(%arg9 : memref<!tpu.dma_semaphore, #tpu.memory_space<semaphore_mem>>) src(%dma_wait3A_546 : memref<4x100x64xf32, #tpu.memory_space<hbm>>) dst(%dma_wait3A_541 : memref<4x100x64xf32, #tpu.memory_space<vmem>>)
    %scan3A_547 = arith.constant 0 : i32
    %scan3A_548 = arith.constant 0 : i32
    %scan3A_549 = arith.constant 100 : i32
    %scan3A_550 = arith.addi %scan3A_548, %scan3A_549 : i32
    %scan3A_551 = arith.constant 1 : i32
    scf.for %scan3A_660 = %scan3A_548 to %scan3A_550 step %scan3A_551  : i32 {
      %get3A = arith.constant 0 : i32
      %get3A_661 = arith.constant 0 : i32
      %get3A_662 = arith.index_cast %get3A : i32 to index
      %get3A_663 = arith.index_cast %get3A_661 : i32 to index
      %get3A_664 = arith.index_cast %scan3A_660 : i32 to index
      %get3A_665 = arith.constant 0 : index
      %get3A_666 = tpu.vector_load %arg8[%get3A_662, %get3A_663, %get3A_664, %get3A_665] {strides = array<i32>} : memref<3x4x100x64xf32, #tpu.memory_space<vmem>>, vector<1x1x1x16xf32>,
      %get3A_667 = vector.shape_cast %get3A_666 : vector<1x1x1x16xf32> to vector<16xf32>
      %get3A_668 = arith.constant 0 : i32
      %get3A_669 = arith.index_cast %get3A_668 : i32 to index
      %get3A_670 = arith.index_cast %scan3A_660 : i32 to index
      %get3A_671 = arith.constant 0 : index
      %get3A_672 = tpu.vector_load %arg7[%get3A_669, %get3A_670, %get3A_671] {strides = array<i32>} : memref<2x100x64xf32, #tpu.memory_space<vmem>>, vector<1x1x16xf32>,
      %get3A_673 = vector.shape_cast %get3A_672 : vector<1x1x16xf32> to vector<16xf32>
      %add3A_674 = arith.addf %get3A_667, %get3A_673 : vector<16xf32>
      %swap3A = arith.constant 0 : i32
      %swap3A_675 = arith.constant 0 : i32
      %swap3A_676 = arith.index_cast %swap3A : i32 to index
      %swap3A_677 = arith.index_cast %swap3A_675 : i32 to index
      %swap3A_678 = arith.index_cast %scan3A_660 : i32 to index
      %swap3A_679 = arith.constant 0 : index
      %swap3A_680 = tpu.vector_load %arg8[%swap3A_676, %swap3A_677, %swap3A_678, %swap3A_679] {strides = array<i32>} : memref<3x4x100x64xf32, #tpu.memory_space<vmem>>, vector<1x1x1x16xf32>,
      %swap3A_681 = vector.shape_cast %swap3A_680 : vector<1x1x1x16xf32> to vector<16xf32>
      %swap3A_682 = vector.shape_cast %add3A_674 : vector<16xf32> to vector<1x1x1x16xf32>
      tpu.vector_store %arg8[%swap3A_676, %swap3A_677, %swap3A_678, %swap3A_679], %swap3A_682 {strides = array<i32>} : memref<3x4x100x64xf32, #tpu.memory_space<vmem>>, vector<1x1x1x16xf32>,
      %get3A_683 = arith.constant 0 : i32
      %get3A_684 = arith.constant 0 : i32
      %get3A_685 = arith.index_cast %get3A_683 : i32 to index
      %get3A_686 = arith.index_cast %get3A_684 : i32 to index
      %get3A_687 = arith.index_cast %scan3A_660 : i32 to index
      %get3A_688 = arith.constant 16 : index
      %get3A_689 = tpu.vector_load %arg8[%get3A_685, %get3A_686, %get3A_687, %get3A_688] {strides = array<i32>} : memref<3x4x100x64xf32, #tpu.memory_space<vmem>>, vector<1x1x1x16xf32>,
      %get3A_690 = vector.shape_cast %get3A_689 : vector<1x1x1x16xf32> to vector<16xf32>
      %get3A_691 = arith.constant 0 : i32
      %get3A_692 = arith.index_cast %get3A_691 : i32 to index
      %get3A_693 = arith.index_cast %scan3A_660 : i32 to index
      %get3A_694 = arith.constant 16 : index
      %get3A_695 = tpu.vector_load %arg7[%get3A_692, %get3A_693, %get3A_694] {strides = array<i32>} : memref<2x100x64xf32, #tpu.memory_space<vmem>>, vector<1x1x16xf32>,
      %get3A_696 = vector.shape_cast %get3A_695 : vector<1x1x16xf32> to vector<16xf32>
      %add3A_697 = arith.addf %get3A_690, %get3A_696 : vector<16xf32>
      %swap3A_698 = arith.constant 0 : i32
      %swap3A_699 = arith.constant 0 : i32
      %swap3A_700 = arith.index_cast %swap3A_698 : i32 to index
      %swap3A_701 = arith.index_cast %swap3A_699 : i32 to index
      %swap3A_702 = arith.index_cast %scan3A_660 : i32 to index
      %swap3A_703 = arith.constant 16 : index
      %swap3A_704 = tpu.vector_load %arg8[%swap3A_700, %swap3A_701, %swap3A_702, %swap3A_703] {strides = array<i32>} : memref<3x4x100x64xf32, #tpu.memory_space<vmem>>, vector<1x1x1x16xf32>,
      %swap3A_705 = vector.shape_cast %swap3A_704 : vector<1x1x1x16xf32> to vector<16xf32>
      %swap3A_706 = vector.shape_cast %add3A_697 : vector<16xf32> to vector<1x1x1x16xf32>
      tpu.vector_store %arg8[%swap3A_700, %swap3A_701, %swap3A_702, %swap3A_703], %swap3A_706 {strides = array<i32>} : memref<3x4x100x64xf32, #tpu.memory_space<vmem>>, vector<1x1x1x16xf32>,
      %get3A_707 = arith.constant 0 : i32
      %get3A_708 = arith.constant 0 : i32
      %get3A_709 = arith.index_cast %get3A_707 : i32 to index
      %get3A_710 = arith.index_cast %get3A_708 : i32 to index
      %get3A_711 = arith.index_cast %scan3A_660 : i32 to index
      %get3A_712 = arith.constant 32 : index
      %get3A_713 = tpu.vector_load %arg8[%get3A_709, %get3A_710, %get3A_711, %get3A_712] {strides = array<i32>} : memref<3x4x100x64xf32, #tpu.memory_space<vmem>>, vector<1x1x1x16xf32>,
      %get3A_714 = vector.shape_cast %get3A_713 : vector<1x1x1x16xf32> to vector<16xf32>
      %get3A_715 = arith.constant 0 : i32
      %get3A_716 = arith.index_cast %get3A_715 : i32 to index
      %get3A_717 = arith.index_cast %scan3A_660 : i32 to index
      %get3A_718 = arith.constant 32 : index
      %get3A_719 = tpu.vector_load %arg7[%get3A_716, %get3A_717, %get3A_718] {strides = array<i32>} : memref<2x100x64xf32, #tpu.memory_space<vmem>>, vector<1x1x16xf32>,
      %get3A_720 = vector.shape_cast %get3A_719 : vector<1x1x16xf32> to vector<16xf32>
      %add3A_721 = arith.addf %get3A_714, %get3A_720 : vector<16xf32>
      %swap3A_722 = arith.constant 0 : i32
      %swap3A_723 = arith.constant 0 : i32
      %swap3A_724 = arith.index_cast %swap3A_722 : i32 to index
      %swap3A_725 = arith.index_cast %swap3A_723 : i32 to index
      %swap3A_726 = arith.index_cast %scan3A_660 : i32 to index
      %swap3A_727 = arith.constant 32 : index
      %swap3A_728 = tpu.vector_load %arg8[%swap3A_724, %swap3A_725, %swap3A_726, %swap3A_727] {strides = array<i32>} : memref<3x4x100x64xf32, #tpu.memory_space<vmem>>, vector<1x1x1x16xf32>,
      %swap3A_729 = vector.shape_cast %swap3A_728 : vector<1x1x1x16xf32> to vector<16xf32>
      %swap3A_730 = vector.shape_cast %add3A_721 : vector<16xf32> to vector<1x1x1x16xf32>
      tpu.vector_store %arg8[%swap3A_724, %swap3A_725, %swap3A_726, %swap3A_727], %swap3A_730 {strides = array<i32>} : memref<3x4x100x64xf32, #tpu.memory_space<vmem>>, vector<1x1x1x16xf32>,
      %get3A_731 = arith.constant 0 : i32
      %get3A_732 = arith.constant 0 : i32
      %get3A_733 = arith.index_cast %get3A_731 : i32 to index
      %get3A_734 = arith.index_cast %get3A_732 : i32 to index
      %get3A_735 = arith.index_cast %scan3A_660 : i32 to index
      %get3A_736 = arith.constant 48 : index
      %get3A_737 = tpu.vector_load %arg8[%get3A_733, %get3A_734, %get3A_735, %get3A_736] {strides = array<i32>} : memref<3x4x100x64xf32, #tpu.memory_space<vmem>>, vector<1x1x1x16xf32>,
      %get3A_738 = vector.shape_cast %get3A_737 : vector<1x1x1x16xf32> to vector<16xf32>
      %get3A_739 = arith.constant 0 : i32
      %get3A_740 = arith.index_cast %get3A_739 : i32 to index
      %get3A_741 = arith.index_cast %scan3A_660 : i32 to index
      %get3A_742 = arith.constant 48 : index
      %get3A_743 = tpu.vector_load %arg7[%get3A_740, %get3A_741, %get3A_742] {strides = array<i32>} : memref<2x100x64xf32, #tpu.memory_space<vmem>>, vector<1x1x16xf32>,
      %get3A_744 = vector.shape_cast %get3A_743 : vector<1x1x16xf32> to vector<16xf32>
      %add3A_745 = arith.addf %get3A_738, %get3A_744 : vector<16xf32>
      %swap3A_746 = arith.constant 0 : i32
      %swap3A_747 = arith.constant 0 : i32
      %swap3A_748 = arith.index_cast %swap3A_746 : i32 to index
      %swap3A_749 = arith.index_cast %swap3A_747 : i32 to index
      %swap3A_750 = arith.index_cast %scan3A_660 : i32 to index
      %swap3A_751 = arith.constant 48 : index
      %swap3A_752 = tpu.vector_load %arg8[%swap3A_748, %swap3A_749, %swap3A_750, %swap3A_751] {strides = array<i32>} : memref<3x4x100x64xf32, #tpu.memory_space<vmem>>, vector<1x1x1x16xf32>,
      %swap3A_753 = vector.shape_cast %swap3A_752 : vector<1x1x1x16xf32> to vector<16xf32>
      %swap3A_754 = vector.shape_cast %add3A_745 : vector<16xf32> to vector<1x1x1x16xf32>
      tpu.vector_store %arg8[%swap3A_748, %swap3A_749, %swap3A_750, %swap3A_751], %swap3A_754 {strides = array<i32>} : memref<3x4x100x64xf32, #tpu.memory_space<vmem>>, vector<1x1x1x16xf32>,
    }
    %scan3A_552 = arith.constant 100 : i32
    %scan3A_553 = arith.constant 0 : i32
    %scan3A_554 = arith.constant 0 : i32
    %scan3A_555 = arith.constant 100 : i32
    %scan3A_556 = arith.addi %scan3A_554, %scan3A_555 : i32
    %scan3A_557 = arith.constant 1 : i32
    scf.for %scan3A_660 = %scan3A_554 to %scan3A_556 step %scan3A_557  : i32 {
      %get3A = arith.constant 0 : i32
      %get3A_661 = arith.constant 1 : i32
      %get3A_662 = arith.index_cast %get3A : i32 to index
      %get3A_663 = arith.index_cast %get3A_661 : i32 to index
      %get3A_664 = arith.index_cast %scan3A_660 : i32 to index
      %get3A_665 = arith.constant 0 : index
      %get3A_666 = tpu.vector_load %arg8[%get3A_662, %get3A_663, %get3A_664, %get3A_665] {strides = array<i32>} : memref<3x4x100x64xf32, #tpu.memory_space<vmem>>, vector<1x1x1x16xf32>,
      %get3A_667 = vector.shape_cast %get3A_666 : vector<1x1x1x16xf32> to vector<16xf32>
      %get3A_668 = arith.constant 1 : i32
      %get3A_669 = arith.index_cast %get3A_668 : i32 to index
      %get3A_670 = arith.index_cast %scan3A_660 : i32 to index
      %get3A_671 = arith.constant 0 : index
      %get3A_672 = tpu.vector_load %arg7[%get3A_669, %get3A_670, %get3A_671] {strides = array<i32>} : memref<2x100x64xf32, #tpu.memory_space<vmem>>, vector<1x1x16xf32>,
      %get3A_673 = vector.shape_cast %get3A_672 : vector<1x1x16xf32> to vector<16xf32>
      %add3A_674 = arith.addf %get3A_667, %get3A_673 : vector<16xf32>
      %swap3A = arith.constant 0 : i32
      %swap3A_675 = arith.constant 1 : i32
      %swap3A_676 = arith.index_cast %swap3A : i32 to index
      %swap3A_677 = arith.index_cast %swap3A_675 : i32 to index
      %swap3A_678 = arith.index_cast %scan3A_660 : i32 to index
      %swap3A_679 = arith.constant 0 : index
      %swap3A_680 = tpu.vector_load %arg8[%swap3A_676, %swap3A_677, %swap3A_678, %swap3A_679] {strides = array<i32>} : memref<3x4x100x64xf32, #tpu.memory_space<vmem>>, vector<1x1x1x16xf32>,
      %swap3A_681 = vector.shape_cast %swap3A_680 : vector<1x1x1x16xf32> to vector<16xf32>
      %swap3A_682 = vector.shape_cast %add3A_674 : vector<16xf32> to vector<1x1x1x16xf32>
      tpu.vector_store %arg8[%swap3A_676, %swap3A_677, %swap3A_678, %swap3A_679], %swap3A_682 {strides = array<i32>} : memref<3x4x100x64xf32, #tpu.memory_space<vmem>>, vector<1x1x1x16xf32>,
      %get3A_683 = arith.constant 0 : i32
      %get3A_684 = arith.constant 1 : i32
      %get3A_685 = arith.index_cast %get3A_683 : i32 to index
      %get3A_686 = arith.index_cast %get3A_684 : i32 to index
      %get3A_687 = arith.index_cast %scan3A_660 : i32 to index
      %get3A_688 = arith.constant 16 : index
      %get3A_689 = tpu.vector_load %arg8[%get3A_685, %get3A_686, %get3A_687, %get3A_688] {strides = array<i32>} : memref<3x4x100x64xf32, #tpu.memory_space<vmem>>, vector<1x1x1x16xf32>,
      %get3A_690 = vector.shape_cast %get3A_689 : vector<1x1x1x16xf32> to vector<16xf32>
      %get3A_691 = arith.constant 1 : i32
      %get3A_692 = arith.index_cast %get3A_691 : i32 to index
      %get3A_693 = arith.index_cast %scan3A_660 : i32 to index
      %get3A_694 = arith.constant 16 : index
      %get3A_695 = tpu.vector_load %arg7[%get3A_692, %get3A_693, %get3A_694] {strides = array<i32>} : memref<2x100x64xf32, #tpu.memory_space<vmem>>, vector<1x1x16xf32>,
      %get3A_696 = vector.shape_cast %get3A_695 : vector<1x1x16xf32> to vector<16xf32>
      %add3A_697 = arith.addf %get3A_690, %get3A_696 : vector<16xf32>
      %swap3A_698 = arith.constant 0 : i32
      %swap3A_699 = arith.constant 1 : i32
      %swap3A_700 = arith.index_cast %swap3A_698 : i32 to index
      %swap3A_701 = arith.index_cast %swap3A_699 : i32 to index
      %swap3A_702 = arith.index_cast %scan3A_660 : i32 to index
      %swap3A_703 = arith.constant 16 : index
      %swap3A_704 = tpu.vector_load %arg8[%swap3A_700, %swap3A_701, %swap3A_702, %swap3A_703] {strides = array<i32>} : memref<3x4x100x64xf32, #tpu.memory_space<vmem>>, vector<1x1x1x16xf32>,
      %swap3A_705 = vector.shape_cast %swap3A_704 : vector<1x1x1x16xf32> to vector<16xf32>
      %swap3A_706 = vector.shape_cast %add3A_697 : vector<16xf32> to vector<1x1x1x16xf32>
      tpu.vector_store %arg8[%swap3A_700, %swap3A_701, %swap3A_702, %swap3A_703], %swap3A_706 {strides = array<i32>} : memref<3x4x100x64xf32, #tpu.memory_space<vmem>>, vector<1x1x1x16xf32>,
      %get3A_707 = arith.constant 0 : i32
      %get3A_708 = arith.constant 1 : i32
      %get3A_709 = arith.index_cast %get3A_707 : i32 to index
      %get3A_710 = arith.index_cast %get3A_708 : i32 to index
      %get3A_711 = arith.index_cast %scan3A_660 : i32 to index
      %get3A_712 = arith.constant 32 : index
      %get3A_713 = tpu.vector_load %arg8[%get3A_709, %get3A_710, %get3A_711, %get3A_712] {strides = array<i32>} : memref<3x4x100x64xf32, #tpu.memory_space<vmem>>, vector<1x1x1x16xf32>,
      %get3A_714 = vector.shape_cast %get3A_713 : vector<1x1x1x16xf32> to vector<16xf32>
      %get3A_715 = arith.constant 1 : i32
      %get3A_716 = arith.index_cast %get3A_715 : i32 to index
      %get3A_717 = arith.index_cast %scan3A_660 : i32 to index
      %get3A_718 = arith.constant 32 : index
      %get3A_719 = tpu.vector_load %arg7[%get3A_716, %get3A_717, %get3A_718] {strides = array<i32>} : memref<2x100x64xf32, #tpu.memory_space<vmem>>, vector<1x1x16xf32>,
      %get3A_720 = vector.shape_cast %get3A_719 : vector<1x1x16xf32> to vector<16xf32>
      %add3A_721 = arith.addf %get3A_714, %get3A_720 : vector<16xf32>
      %swap3A_722 = arith.constant 0 : i32
      %swap3A_723 = arith.constant 1 : i32
      %swap3A_724 = arith.index_cast %swap3A_722 : i32 to index
      %swap3A_725 = arith.index_cast %swap3A_723 : i32 to index
      %swap3A_726 = arith.index_cast %scan3A_660 : i32 to index
      %swap3A_727 = arith.constant 32 : index
      %swap3A_728 = tpu.vector_load %arg8[%swap3A_724, %swap3A_725, %swap3A_726, %swap3A_727] {strides = array<i32>} : memref<3x4x100x64xf32, #tpu.memory_space<vmem>>, vector<1x1x1x16xf32>,
      %swap3A_729 = vector.shape_cast %swap3A_728 : vector<1x1x1x16xf32> to vector<16xf32>
      %swap3A_730 = vector.shape_cast %add3A_721 : vector<16xf32> to vector<1x1x1x16xf32>
      tpu.vector_store %arg8[%swap3A_724, %swap3A_725, %swap3A_726, %swap3A_727], %swap3A_730 {strides = array<i32>} : memref<3x4x100x64xf32, #tpu.memory_space<vmem>>, vector<1x1x1x16xf32>,
      %get3A_731 = arith.constant 0 : i32
      %get3A_732 = arith.constant 1 : i32
      %get3A_733 = arith.index_cast %get3A_731 : i32 to index
      %get3A_734 = arith.index_cast %get3A_732 : i32 to index
      %get3A_735 = arith.index_cast %scan3A_660 : i32 to index
      %get3A_736 = arith.constant 48 : index
      %get3A_737 = tpu.vector_load %arg8[%get3A_733, %get3A_734, %get3A_735, %get3A_736] {strides = array<i32>} : memref<3x4x100x64xf32, #tpu.memory_space<vmem>>, vector<1x1x1x16xf32>,
      %get3A_738 = vector.shape_cast %get3A_737 : vector<1x1x1x16xf32> to vector<16xf32>
      %get3A_739 = arith.constant 1 : i32
      %get3A_740 = arith.index_cast %get3A_739 : i32 to index
      %get3A_741 = arith.index_cast %scan3A_660 : i32 to index
      %get3A_742 = arith.constant 48 : index
      %get3A_743 = tpu.vector_load %arg7[%get3A_740, %get3A_741, %get3A_742] {strides = array<i32>} : memref<2x100x64xf32, #tpu.memory_space<vmem>>, vector<1x1x16xf32>,
      %get3A_744 = vector.shape_cast %get3A_743 : vector<1x1x16xf32> to vector<16xf32>
      %add3A_745 = arith.addf %get3A_738, %get3A_744 : vector<16xf32>
      %swap3A_746 = arith.constant 0 : i32
      %swap3A_747 = arith.constant 1 : i32
      %swap3A_748 = arith.index_cast %swap3A_746 : i32 to index
      %swap3A_749 = arith.index_cast %swap3A_747 : i32 to index
      %swap3A_750 = arith.index_cast %scan3A_660 : i32 to index
      %swap3A_751 = arith.constant 48 : index
      %swap3A_752 = tpu.vector_load %arg8[%swap3A_748, %swap3A_749, %swap3A_750, %swap3A_751] {strides = array<i32>} : memref<3x4x100x64xf32, #tpu.memory_space<vmem>>, vector<1x1x1x16xf32>,
      %swap3A_753 = vector.shape_cast %swap3A_752 : vector<1x1x1x16xf32> to vector<16xf32>
      %swap3A_754 = vector.shape_cast %add3A_745 : vector<16xf32> to vector<1x1x1x16xf32>
      tpu.vector_store %arg8[%swap3A_748, %swap3A_749, %swap3A_750, %swap3A_751], %swap3A_754 {strides = array<i32>} : memref<3x4x100x64xf32, #tpu.memory_space<vmem>>, vector<1x1x1x16xf32>,
    }
    %scan3A_558 = arith.constant 100 : i32
    %scan3A_559 = arith.constant 0 : i32
    %scan3A_560 = arith.constant 0 : i32
    %scan3A_561 = arith.constant 100 : i32
    %scan3A_562 = arith.addi %scan3A_560, %scan3A_561 : i32
    %scan3A_563 = arith.constant 1 : i32
    scf.for %scan3A_660 = %scan3A_560 to %scan3A_562 step %scan3A_563  : i32 {
      %get3A = arith.constant 0 : i32
      %get3A_661 = arith.constant 2 : i32
      %get3A_662 = arith.index_cast %get3A : i32 to index
      %get3A_663 = arith.index_cast %get3A_661 : i32 to index
      %get3A_664 = arith.index_cast %scan3A_660 : i32 to index
      %get3A_665 = arith.constant 0 : index
      %get3A_666 = tpu.vector_load %arg8[%get3A_662, %get3A_663, %get3A_664, %get3A_665] {strides = array<i32>} : memref<3x4x100x64xf32, #tpu.memory_space<vmem>>, vector<1x1x1x16xf32>,
      %get3A_667 = vector.shape_cast %get3A_666 : vector<1x1x1x16xf32> to vector<16xf32>
      %get3A_668 = arith.constant 0 : i32
      %get3A_669 = arith.index_cast %get3A_668 : i32 to index
      %get3A_670 = arith.index_cast %scan3A_660 : i32 to index
      %get3A_671 = arith.constant 0 : index
      %get3A_672 = tpu.vector_load %arg7[%get3A_669, %get3A_670, %get3A_671] {strides = array<i32>} : memref<2x100x64xf32, #tpu.memory_space<vmem>>, vector<1x1x16xf32>,
      %get3A_673 = vector.shape_cast %get3A_672 : vector<1x1x16xf32> to vector<16xf32>
      %add3A_674 = arith.addf %get3A_667, %get3A_673 : vector<16xf32>
      %swap3A = arith.constant 0 : i32
      %swap3A_675 = arith.constant 2 : i32
      %swap3A_676 = arith.index_cast %swap3A : i32 to index
      %swap3A_677 = arith.index_cast %swap3A_675 : i32 to index
      %swap3A_678 = arith.index_cast %scan3A_660 : i32 to index
      %swap3A_679 = arith.constant 0 : index
      %swap3A_680 = tpu.vector_load %arg8[%swap3A_676, %swap3A_677, %swap3A_678, %swap3A_679] {strides = array<i32>} : memref<3x4x100x64xf32, #tpu.memory_space<vmem>>, vector<1x1x1x16xf32>,
      %swap3A_681 = vector.shape_cast %swap3A_680 : vector<1x1x1x16xf32> to vector<16xf32>
      %swap3A_682 = vector.shape_cast %add3A_674 : vector<16xf32> to vector<1x1x1x16xf32>
      tpu.vector_store %arg8[%swap3A_676, %swap3A_677, %swap3A_678, %swap3A_679], %swap3A_682 {strides = array<i32>} : memref<3x4x100x64xf32, #tpu.memory_space<vmem>>, vector<1x1x1x16xf32>,
      %get3A_683 = arith.constant 0 : i32
      %get3A_684 = arith.constant 2 : i32
      %get3A_685 = arith.index_cast %get3A_683 : i32 to index
      %get3A_686 = arith.index_cast %get3A_684 : i32 to index
      %get3A_687 = arith.index_cast %scan3A_660 : i32 to index
      %get3A_688 = arith.constant 16 : index
      %get3A_689 = tpu.vector_load %arg8[%get3A_685, %get3A_686, %get3A_687, %get3A_688] {strides = array<i32>} : memref<3x4x100x64xf32, #tpu.memory_space<vmem>>, vector<1x1x1x16xf32>,
      %get3A_690 = vector.shape_cast %get3A_689 : vector<1x1x1x16xf32> to vector<16xf32>
      %get3A_691 = arith.constant 0 : i32
      %get3A_692 = arith.index_cast %get3A_691 : i32 to index
      %get3A_693 = arith.index_cast %scan3A_660 : i32 to index
      %get3A_694 = arith.constant 16 : index
      %get3A_695 = tpu.vector_load %arg7[%get3A_692, %get3A_693, %get3A_694] {strides = array<i32>} : memref<2x100x64xf32, #tpu.memory_space<vmem>>, vector<1x1x16xf32>,
      %get3A_696 = vector.shape_cast %get3A_695 : vector<1x1x16xf32> to vector<16xf32>
      %add3A_697 = arith.addf %get3A_690, %get3A_696 : vector<16xf32>
      %swap3A_698 = arith.constant 0 : i32
      %swap3A_699 = arith.constant 2 : i32
      %swap3A_700 = arith.index_cast %swap3A_698 : i32 to index
      %swap3A_701 = arith.index_cast %swap3A_699 : i32 to index
      %swap3A_702 = arith.index_cast %scan3A_660 : i32 to index
      %swap3A_703 = arith.constant 16 : index
      %swap3A_704 = tpu.vector_load %arg8[%swap3A_700, %swap3A_701, %swap3A_702, %swap3A_703] {strides = array<i32>} : memref<3x4x100x64xf32, #tpu.memory_space<vmem>>, vector<1x1x1x16xf32>,
      %swap3A_705 = vector.shape_cast %swap3A_704 : vector<1x1x1x16xf32> to vector<16xf32>
      %swap3A_706 = vector.shape_cast %add3A_697 : vector<16xf32> to vector<1x1x1x16xf32>
      tpu.vector_store %arg8[%swap3A_700, %swap3A_701, %swap3A_702, %swap3A_703], %swap3A_706 {strides = array<i32>} : memref<3x4x100x64xf32, #tpu.memory_space<vmem>>, vector<1x1x1x16xf32>,
      %get3A_707 = arith.constant 0 : i32
      %get3A_708 = arith.constant 2 : i32
      %get3A_709 = arith.index_cast %get3A_707 : i32 to index
      %get3A_710 = arith.index_cast %get3A_708 : i32 to index
      %get3A_711 = arith.index_cast %scan3A_660 : i32 to index
      %get3A_712 = arith.constant 32 : index
      %get3A_713 = tpu.vector_load %arg8[%get3A_709, %get3A_710, %get3A_711, %get3A_712] {strides = array<i32>} : memref<3x4x100x64xf32, #tpu.memory_space<vmem>>, vector<1x1x1x16xf32>,
      %get3A_714 = vector.shape_cast %get3A_713 : vector<1x1x1x16xf32> to vector<16xf32>
      %get3A_715 = arith.constant 0 : i32
      %get3A_716 = arith.index_cast %get3A_715 : i32 to index
      %get3A_717 = arith.index_cast %scan3A_660 : i32 to index
      %get3A_718 = arith.constant 32 : index
      %get3A_719 = tpu.vector_load %arg7[%get3A_716, %get3A_717, %get3A_718] {strides = array<i32>} : memref<2x100x64xf32, #tpu.memory_space<vmem>>, vector<1x1x16xf32>,
      %get3A_720 = vector.shape_cast %get3A_719 : vector<1x1x16xf32> to vector<16xf32>
      %add3A_721 = arith.addf %get3A_714, %get3A_720 : vector<16xf32>
      %swap3A_722 = arith.constant 0 : i32
      %swap3A_723 = arith.constant 2 : i32
      %swap3A_724 = arith.index_cast %swap3A_722 : i32 to index
      %swap3A_725 = arith.index_cast %swap3A_723 : i32 to index
      %swap3A_726 = arith.index_cast %scan3A_660 : i32 to index
      %swap3A_727 = arith.constant 32 : index
      %swap3A_728 = tpu.vector_load %arg8[%swap3A_724, %swap3A_725, %swap3A_726, %swap3A_727] {strides = array<i32>} : memref<3x4x100x64xf32, #tpu.memory_space<vmem>>, vector<1x1x1x16xf32>,
      %swap3A_729 = vector.shape_cast %swap3A_728 : vector<1x1x1x16xf32> to vector<16xf32>
      %swap3A_730 = vector.shape_cast %add3A_721 : vector<16xf32> to vector<1x1x1x16xf32>
      tpu.vector_store %arg8[%swap3A_724, %swap3A_725, %swap3A_726, %swap3A_727], %swap3A_730 {strides = array<i32>} : memref<3x4x100x64xf32, #tpu.memory_space<vmem>>, vector<1x1x1x16xf32>,
      %get3A_731 = arith.constant 0 : i32
      %get3A_732 = arith.constant 2 : i32
      %get3A_733 = arith.index_cast %get3A_731 : i32 to index
      %get3A_734 = arith.index_cast %get3A_732 : i32 to index
      %get3A_735 = arith.index_cast %scan3A_660 : i32 to index
      %get3A_736 = arith.constant 48 : index
      %get3A_737 = tpu.vector_load %arg8[%get3A_733, %get3A_734, %get3A_735, %get3A_736] {strides = array<i32>} : memref<3x4x100x64xf32, #tpu.memory_space<vmem>>, vector<1x1x1x16xf32>,
      %get3A_738 = vector.shape_cast %get3A_737 : vector<1x1x1x16xf32> to vector<16xf32>
      %get3A_739 = arith.constant 0 : i32
      %get3A_740 = arith.index_cast %get3A_739 : i32 to index
      %get3A_741 = arith.index_cast %scan3A_660 : i32 to index
      %get3A_742 = arith.constant 48 : index
      %get3A_743 = tpu.vector_load %arg7[%get3A_740, %get3A_741, %get3A_742] {strides = array<i32>} : memref<2x100x64xf32, #tpu.memory_space<vmem>>, vector<1x1x16xf32>,
      %get3A_744 = vector.shape_cast %get3A_743 : vector<1x1x16xf32> to vector<16xf32>
      %add3A_745 = arith.addf %get3A_738, %get3A_744 : vector<16xf32>
      %swap3A_746 = arith.constant 0 : i32
      %swap3A_747 = arith.constant 2 : i32
      %swap3A_748 = arith.index_cast %swap3A_746 : i32 to index
      %swap3A_749 = arith.index_cast %swap3A_747 : i32 to index
      %swap3A_750 = arith.index_cast %scan3A_660 : i32 to index
      %swap3A_751 = arith.constant 48 : index
      %swap3A_752 = tpu.vector_load %arg8[%swap3A_748, %swap3A_749, %swap3A_750, %swap3A_751] {strides = array<i32>} : memref<3x4x100x64xf32, #tpu.memory_space<vmem>>, vector<1x1x1x16xf32>,
      %swap3A_753 = vector.shape_cast %swap3A_752 : vector<1x1x1x16xf32> to vector<16xf32>
      %swap3A_754 = vector.shape_cast %add3A_745 : vector<16xf32> to vector<1x1x1x16xf32>
      tpu.vector_store %arg8[%swap3A_748, %swap3A_749, %swap3A_750, %swap3A_751], %swap3A_754 {strides = array<i32>} : memref<3x4x100x64xf32, #tpu.memory_space<vmem>>, vector<1x1x1x16xf32>,
    }
    %scan3A_564 = arith.constant 100 : i32
    %scan3A_565 = arith.constant 0 : i32
    %scan3A_566 = arith.constant 0 : i32
    %scan3A_567 = arith.constant 100 : i32
    %scan3A_568 = arith.addi %scan3A_566, %scan3A_567 : i32
    %scan3A_569 = arith.constant 1 : i32
    scf.for %scan3A_660 = %scan3A_566 to %scan3A_568 step %scan3A_569  : i32 {
      %get3A = arith.constant 0 : i32
      %get3A_661 = arith.constant 3 : i32
      %get3A_662 = arith.index_cast %get3A : i32 to index
      %get3A_663 = arith.index_cast %get3A_661 : i32 to index
      %get3A_664 = arith.index_cast %scan3A_660 : i32 to index
      %get3A_665 = arith.constant 0 : index
      %get3A_666 = tpu.vector_load %arg8[%get3A_662, %get3A_663, %get3A_664, %get3A_665] {strides = array<i32>} : memref<3x4x100x64xf32, #tpu.memory_space<vmem>>, vector<1x1x1x16xf32>,
      %get3A_667 = vector.shape_cast %get3A_666 : vector<1x1x1x16xf32> to vector<16xf32>
      %get3A_668 = arith.constant 1 : i32
      %get3A_669 = arith.index_cast %get3A_668 : i32 to index
      %get3A_670 = arith.index_cast %scan3A_660 : i32 to index
      %get3A_671 = arith.constant 0 : index
      %get3A_672 = tpu.vector_load %arg7[%get3A_669, %get3A_670, %get3A_671] {strides = array<i32>} : memref<2x100x64xf32, #tpu.memory_space<vmem>>, vector<1x1x16xf32>,
      %get3A_673 = vector.shape_cast %get3A_672 : vector<1x1x16xf32> to vector<16xf32>
      %add3A_674 = arith.addf %get3A_667, %get3A_673 : vector<16xf32>
      %swap3A = arith.constant 0 : i32
      %swap3A_675 = arith.constant 3 : i32
      %swap3A_676 = arith.index_cast %swap3A : i32 to index
      %swap3A_677 = arith.index_cast %swap3A_675 : i32 to index
      %swap3A_678 = arith.index_cast %scan3A_660 : i32 to index
      %swap3A_679 = arith.constant 0 : index
      %swap3A_680 = tpu.vector_load %arg8[%swap3A_676, %swap3A_677, %swap3A_678, %swap3A_679] {strides = array<i32>} : memref<3x4x100x64xf32, #tpu.memory_space<vmem>>, vector<1x1x1x16xf32>,
      %swap3A_681 = vector.shape_cast %swap3A_680 : vector<1x1x1x16xf32> to vector<16xf32>
      %swap3A_682 = vector.shape_cast %add3A_674 : vector<16xf32> to vector<1x1x1x16xf32>
      tpu.vector_store %arg8[%swap3A_676, %swap3A_677, %swap3A_678, %swap3A_679], %swap3A_682 {strides = array<i32>} : memref<3x4x100x64xf32, #tpu.memory_space<vmem>>, vector<1x1x1x16xf32>,
      %get3A_683 = arith.constant 0 : i32
      %get3A_684 = arith.constant 3 : i32
      %get3A_685 = arith.index_cast %get3A_683 : i32 to index
      %get3A_686 = arith.index_cast %get3A_684 : i32 to index
      %get3A_687 = arith.index_cast %scan3A_660 : i32 to index
      %get3A_688 = arith.constant 16 : index
      %get3A_689 = tpu.vector_load %arg8[%get3A_685, %get3A_686, %get3A_687, %get3A_688] {strides = array<i32>} : memref<3x4x100x64xf32, #tpu.memory_space<vmem>>, vector<1x1x1x16xf32>,
      %get3A_690 = vector.shape_cast %get3A_689 : vector<1x1x1x16xf32> to vector<16xf32>
      %get3A_691 = arith.constant 1 : i32
      %get3A_692 = arith.index_cast %get3A_691 : i32 to index
      %get3A_693 = arith.index_cast %scan3A_660 : i32 to index
      %get3A_694 = arith.constant 16 : index
      %get3A_695 = tpu.vector_load %arg7[%get3A_692, %get3A_693, %get3A_694] {strides = array<i32>} : memref<2x100x64xf32, #tpu.memory_space<vmem>>, vector<1x1x16xf32>,
      %get3A_696 = vector.shape_cast %get3A_695 : vector<1x1x16xf32> to vector<16xf32>
      %add3A_697 = arith.addf %get3A_690, %get3A_696 : vector<16xf32>
      %swap3A_698 = arith.constant 0 : i32
      %swap3A_699 = arith.constant 3 : i32
      %swap3A_700 = arith.index_cast %swap3A_698 : i32 to index
      %swap3A_701 = arith.index_cast %swap3A_699 : i32 to index
      %swap3A_702 = arith.index_cast %scan3A_660 : i32 to index
      %swap3A_703 = arith.constant 16 : index
      %swap3A_704 = tpu.vector_load %arg8[%swap3A_700, %swap3A_701, %swap3A_702, %swap3A_703] {strides = array<i32>} : memref<3x4x100x64xf32, #tpu.memory_space<vmem>>, vector<1x1x1x16xf32>,
      %swap3A_705 = vector.shape_cast %swap3A_704 : vector<1x1x1x16xf32> to vector<16xf32>
      %swap3A_706 = vector.shape_cast %add3A_697 : vector<16xf32> to vector<1x1x1x16xf32>
      tpu.vector_store %arg8[%swap3A_700, %swap3A_701, %swap3A_702, %swap3A_703], %swap3A_706 {strides = array<i32>} : memref<3x4x100x64xf32, #tpu.memory_space<vmem>>, vector<1x1x1x16xf32>,
      %get3A_707 = arith.constant 0 : i32
      %get3A_708 = arith.constant 3 : i32
      %get3A_709 = arith.index_cast %get3A_707 : i32 to index
      %get3A_710 = arith.index_cast %get3A_708 : i32 to index
      %get3A_711 = arith.index_cast %scan3A_660 : i32 to index
      %get3A_712 = arith.constant 32 : index
      %get3A_713 = tpu.vector_load %arg8[%get3A_709, %get3A_710, %get3A_711, %get3A_712] {strides = array<i32>} : memref<3x4x100x64xf32, #tpu.memory_space<vmem>>, vector<1x1x1x16xf32>,
      %get3A_714 = vector.shape_cast %get3A_713 : vector<1x1x1x16xf32> to vector<16xf32>
      %get3A_715 = arith.constant 1 : i32
      %get3A_716 = arith.index_cast %get3A_715 : i32 to index
      %get3A_717 = arith.index_cast %scan3A_660 : i32 to index
      %get3A_718 = arith.constant 32 : index
      %get3A_719 = tpu.vector_load %arg7[%get3A_716, %get3A_717, %get3A_718] {strides = array<i32>} : memref<2x100x64xf32, #tpu.memory_space<vmem>>, vector<1x1x16xf32>,
      %get3A_720 = vector.shape_cast %get3A_719 : vector<1x1x16xf32> to vector<16xf32>
      %add3A_721 = arith.addf %get3A_714, %get3A_720 : vector<16xf32>
      %swap3A_722 = arith.constant 0 : i32
      %swap3A_723 = arith.constant 3 : i32
      %swap3A_724 = arith.index_cast %swap3A_722 : i32 to index
      %swap3A_725 = arith.index_cast %swap3A_723 : i32 to index
      %swap3A_726 = arith.index_cast %scan3A_660 : i32 to index
      %swap3A_727 = arith.constant 32 : index
      %swap3A_728 = tpu.vector_load %arg8[%swap3A_724, %swap3A_725, %swap3A_726, %swap3A_727] {strides = array<i32>} : memref<3x4x100x64xf32, #tpu.memory_space<vmem>>, vector<1x1x1x16xf32>,
      %swap3A_729 = vector.shape_cast %swap3A_728 : vector<1x1x1x16xf32> to vector<16xf32>
      %swap3A_730 = vector.shape_cast %add3A_721 : vector<16xf32> to vector<1x1x1x16xf32>
      tpu.vector_store %arg8[%swap3A_724, %swap3A_725, %swap3A_726, %swap3A_727], %swap3A_730 {strides = array<i32>} : memref<3x4x100x64xf32, #tpu.memory_space<vmem>>, vector<1x1x1x16xf32>,
      %get3A_731 = arith.constant 0 : i32
      %get3A_732 = arith.constant 3 : i32
      %get3A_733 = arith.index_cast %get3A_731 : i32 to index
      %get3A_734 = arith.index_cast %get3A_732 : i32 to index
      %get3A_735 = arith.index_cast %scan3A_660 : i32 to index
      %get3A_736 = arith.constant 48 : index
      %get3A_737 = tpu.vector_load %arg8[%get3A_733, %get3A_734, %get3A_735, %get3A_736] {strides = array<i32>} : memref<3x4x100x64xf32, #tpu.memory_space<vmem>>, vector<1x1x1x16xf32>,
      %get3A_738 = vector.shape_cast %get3A_737 : vector<1x1x1x16xf32> to vector<16xf32>
      %get3A_739 = arith.constant 1 : i32
      %get3A_740 = arith.index_cast %get3A_739 : i32 to index
      %get3A_741 = arith.index_cast %scan3A_660 : i32 to index
      %get3A_742 = arith.constant 48 : index
      %get3A_743 = tpu.vector_load %arg7[%get3A_740, %get3A_741, %get3A_742] {strides = array<i32>} : memref<2x100x64xf32, #tpu.memory_space<vmem>>, vector<1x1x16xf32>,
      %get3A_744 = vector.shape_cast %get3A_743 : vector<1x1x16xf32> to vector<16xf32>
      %add3A_745 = arith.addf %get3A_738, %get3A_744 : vector<16xf32>
      %swap3A_746 = arith.constant 0 : i32
      %swap3A_747 = arith.constant 3 : i32
      %swap3A_748 = arith.index_cast %swap3A_746 : i32 to index
      %swap3A_749 = arith.index_cast %swap3A_747 : i32 to index
      %swap3A_750 = arith.index_cast %scan3A_660 : i32 to index
      %swap3A_751 = arith.constant 48 : index
      %swap3A_752 = tpu.vector_load %arg8[%swap3A_748, %swap3A_749, %swap3A_750, %swap3A_751] {strides = array<i32>} : memref<3x4x100x64xf32, #tpu.memory_space<vmem>>, vector<1x1x1x16xf32>,
      %swap3A_753 = vector.shape_cast %swap3A_752 : vector<1x1x1x16xf32> to vector<16xf32>
      %swap3A_754 = vector.shape_cast %add3A_745 : vector<16xf32> to vector<1x1x1x16xf32>
      tpu.vector_store %arg8[%swap3A_748, %swap3A_749, %swap3A_750, %swap3A_751], %swap3A_754 {strides = array<i32>} : memref<3x4x100x64xf32, #tpu.memory_space<vmem>>, vector<1x1x1x16xf32>,
    }
    %scan3A_570 = arith.constant 100 : i32
    %add3A_571 = arith.constant 63 : i32
    %add3A_572 = arith.addi %mul3A_2, %add3A_571 : i32
    %dma_start3A_573 = arith.constant 0 : i32
    %dma_start3A_574 = arith.constant 0 : i32
    %dma_start3A_575 = arith.constant 0 : i32
    %dma_start3A_576 = arith.constant 0 : i32
    %dma_start3A_577 = tpu.memref_slice %arg8[%dma_start3A_573, %dma_start3A_574, %dma_start3A_575, %dma_start3A_576] : memref<3x4x100x64xf32, #tpu.memory_space<vmem>> -> memref<1x4x100x64xf32, #tpu.memory_space<vmem>>
    %dma_start3A_578 = tpu.memref_squeeze %dma_start3A_577 : memref<1x4x100x64xf32, #tpu.memory_space<vmem>> -> memref<4x100x64xf32, #tpu.memory_space<vmem>>
    %dma_start3A_579 = arith.constant 0 : i32
    %dma_start3A_580 = arith.constant 0 : i32
    %dma_start3A_581 = arith.constant 0 : i32
    %dma_start3A_582 = tpu.memref_slice %arg5[%add3A_572, %dma_start3A_579, %dma_start3A_580, %dma_start3A_581] : memref<2048x4x100x64xf32, #tpu.memory_space<hbm>> -> memref<1x4x100x64xf32, #tpu.memory_space<hbm>>
    %dma_start3A_583 = tpu.memref_squeeze %dma_start3A_582 : memref<1x4x100x64xf32, #tpu.memory_space<hbm>> -> memref<4x100x64xf32, #tpu.memory_space<hbm>>
    %dma_start3A_584 = arith.constant 0 : i32
    %dma_start3A_585 = arith.constant 0 : i32
    %dma_start3A_586 = arith.constant 0 : i32
    %dma_start3A_587 = tpu.memref_slice %arg5[%add3A_572, %dma_start3A_584, %dma_start3A_585, %dma_start3A_586] : memref<2048x4x100x64xf32, #tpu.memory_space<hbm>> -> memref<1x4x100x64xf32, #tpu.memory_space<hbm>>
    %dma_start3A_588 = tpu.memref_squeeze %dma_start3A_587 : memref<1x4x100x64xf32, #tpu.memory_space<hbm>> -> memref<4x100x64xf32, #tpu.memory_space<hbm>>
    %dma_start3A_589 = arith.constant 0 : i32
    %dma_start3A_590 = arith.constant 0 : i32
    %dma_start3A_591 = arith.constant 0 : i32
    %dma_start3A_592 = tpu.memref_slice %arg8[%dma_start3A_573, %dma_start3A_589, %dma_start3A_590, %dma_start3A_591] : memref<3x4x100x64xf32, #tpu.memory_space<vmem>> -> memref<1x4x100x64xf32, #tpu.memory_space<vmem>>
    %dma_start3A_593 = tpu.memref_squeeze %dma_start3A_592 : memref<1x4x100x64xf32, #tpu.memory_space<vmem>> -> memref<4x100x64xf32, #tpu.memory_space<vmem>>
    tpu.enqueue_dma source(%dma_start3A_593 : memref<4x100x64xf32, #tpu.memory_space<vmem>>) target(%dma_start3A_588 : memref<4x100x64xf32, #tpu.memory_space<hbm>>) target_semaphore(%arg12 : memref<!tpu.dma_semaphore, #tpu.memory_space<semaphore_mem>>)
    %dma_wait3A_594 = arith.constant 0 : i32
    %dma_wait3A_595 = arith.constant 0 : i32
    %dma_wait3A_596 = arith.constant 0 : i32
    %dma_wait3A_597 = arith.constant 0 : i32
    %dma_wait3A_598 = arith.constant 0 : i32
    %dma_wait3A_599 = tpu.memref_slice %arg8[%dma_wait3A_595, %dma_wait3A_596, %dma_wait3A_597, %dma_wait3A_598] : memref<3x4x100x64xf32, #tpu.memory_space<vmem>> -> memref<1x4x100x64xf32, #tpu.memory_space<vmem>>
    %dma_wait3A_600 = tpu.memref_squeeze %dma_wait3A_599 : memref<1x4x100x64xf32, #tpu.memory_space<vmem>> -> memref<4x100x64xf32, #tpu.memory_space<vmem>>
    %dma_wait3A_601 = arith.constant 0 : i32
    %dma_wait3A_602 = arith.constant 0 : i32
    %dma_wait3A_603 = arith.constant 0 : i32
    %dma_wait3A_604 = tpu.memref_slice %arg5[%dma_wait3A_594, %dma_wait3A_601, %dma_wait3A_602, %dma_wait3A_603] : memref<2048x4x100x64xf32, #tpu.memory_space<hbm>> -> memref<1x4x100x64xf32, #tpu.memory_space<hbm>>
    %dma_wait3A_605 = tpu.memref_squeeze %dma_wait3A_604 : memref<1x4x100x64xf32, #tpu.memory_space<hbm>> -> memref<4x100x64xf32, #tpu.memory_space<hbm>>
    %dma_wait3A_606 = arith.constant 0 : i32
    %dma_wait3A_607 = arith.constant 0 : i32
    %dma_wait3A_608 = arith.constant 0 : i32
    %dma_wait3A_609 = tpu.memref_slice %arg8[%dma_wait3A_595, %dma_wait3A_606, %dma_wait3A_607, %dma_wait3A_608] : memref<3x4x100x64xf32, #tpu.memory_space<vmem>> -> memref<1x4x100x64xf32, #tpu.memory_space<vmem>>
    %dma_wait3A_610 = tpu.memref_squeeze %dma_wait3A_609 : memref<1x4x100x64xf32, #tpu.memory_space<vmem>> -> memref<4x100x64xf32, #tpu.memory_space<vmem>>
    %dma_wait3A_611 = arith.constant 0 : i32
    %dma_wait3A_612 = arith.constant 0 : i32
    %dma_wait3A_613 = arith.constant 0 : i32
    %dma_wait3A_614 = tpu.memref_slice %arg5[%dma_wait3A_594, %dma_wait3A_611, %dma_wait3A_612, %dma_wait3A_613] : memref<2048x4x100x64xf32, #tpu.memory_space<hbm>> -> memref<1x4x100x64xf32, #tpu.memory_space<hbm>>
    %dma_wait3A_615 = tpu.memref_squeeze %dma_wait3A_614 : memref<1x4x100x64xf32, #tpu.memory_space<hbm>> -> memref<4x100x64xf32, #tpu.memory_space<hbm>>
    tpu.wait_dma2 semaphore(%arg12 : memref<!tpu.dma_semaphore, #tpu.memory_space<semaphore_mem>>) src(%dma_wait3A_615 : memref<4x100x64xf32, #tpu.memory_space<hbm>>) dst(%dma_wait3A_610 : memref<4x100x64xf32, #tpu.memory_space<vmem>>)
    %dma_wait3A_616 = arith.constant 0 : i32
    %dma_wait3A_617 = arith.constant 1 : i32
    %dma_wait3A_618 = arith.constant 0 : i32
    %dma_wait3A_619 = arith.constant 0 : i32
    %dma_wait3A_620 = arith.constant 0 : i32
    %dma_wait3A_621 = tpu.memref_slice %arg8[%dma_wait3A_617, %dma_wait3A_618, %dma_wait3A_619, %dma_wait3A_620] : memref<3x4x100x64xf32, #tpu.memory_space<vmem>> -> memref<1x4x100x64xf32, #tpu.memory_space<vmem>>
    %dma_wait3A_622 = tpu.memref_squeeze %dma_wait3A_621 : memref<1x4x100x64xf32, #tpu.memory_space<vmem>> -> memref<4x100x64xf32, #tpu.memory_space<vmem>>
    %dma_wait3A_623 = arith.constant 0 : i32
    %dma_wait3A_624 = arith.constant 0 : i32
    %dma_wait3A_625 = arith.constant 0 : i32
    %dma_wait3A_626 = tpu.memref_slice %arg5[%dma_wait3A_616, %dma_wait3A_623, %dma_wait3A_624, %dma_wait3A_625] : memref<2048x4x100x64xf32, #tpu.memory_space<hbm>> -> memref<1x4x100x64xf32, #tpu.memory_space<hbm>>
    %dma_wait3A_627 = tpu.memref_squeeze %dma_wait3A_626 : memref<1x4x100x64xf32, #tpu.memory_space<hbm>> -> memref<4x100x64xf32, #tpu.memory_space<hbm>>
    %dma_wait3A_628 = arith.constant 0 : i32
    %dma_wait3A_629 = arith.constant 0 : i32
    %dma_wait3A_630 = arith.constant 0 : i32
    %dma_wait3A_631 = tpu.memref_slice %arg8[%dma_wait3A_617, %dma_wait3A_628, %dma_wait3A_629, %dma_wait3A_630] : memref<3x4x100x64xf32, #tpu.memory_space<vmem>> -> memref<1x4x100x64xf32, #tpu.memory_space<vmem>>
    %dma_wait3A_632 = tpu.memref_squeeze %dma_wait3A_631 : memref<1x4x100x64xf32, #tpu.memory_space<vmem>> -> memref<4x100x64xf32, #tpu.memory_space<vmem>>
    %dma_wait3A_633 = arith.constant 0 : i32
    %dma_wait3A_634 = arith.constant 0 : i32
    %dma_wait3A_635 = arith.constant 0 : i32
    %dma_wait3A_636 = tpu.memref_slice %arg5[%dma_wait3A_616, %dma_wait3A_633, %dma_wait3A_634, %dma_wait3A_635] : memref<2048x4x100x64xf32, #tpu.memory_space<hbm>> -> memref<1x4x100x64xf32, #tpu.memory_space<hbm>>
    %dma_wait3A_637 = tpu.memref_squeeze %dma_wait3A_636 : memref<1x4x100x64xf32, #tpu.memory_space<hbm>> -> memref<4x100x64xf32, #tpu.memory_space<hbm>>
    tpu.wait_dma2 semaphore(%arg13 : memref<!tpu.dma_semaphore, #tpu.memory_space<semaphore_mem>>) src(%dma_wait3A_637 : memref<4x100x64xf32, #tpu.memory_space<hbm>>) dst(%dma_wait3A_632 : memref<4x100x64xf32, #tpu.memory_space<vmem>>)
    %dma_wait3A_638 = arith.constant 0 : i32
    %dma_wait3A_639 = arith.constant 2 : i32
    %dma_wait3A_640 = arith.constant 0 : i32
    %dma_wait3A_641 = arith.constant 0 : i32
    %dma_wait3A_642 = arith.constant 0 : i32
    %dma_wait3A_643 = tpu.memref_slice %arg8[%dma_wait3A_639, %dma_wait3A_640, %dma_wait3A_641, %dma_wait3A_642] : memref<3x4x100x64xf32, #tpu.memory_space<vmem>> -> memref<1x4x100x64xf32, #tpu.memory_space<vmem>>
    %dma_wait3A_644 = tpu.memref_squeeze %dma_wait3A_643 : memref<1x4x100x64xf32, #tpu.memory_space<vmem>> -> memref<4x100x64xf32, #tpu.memory_space<vmem>>
    %dma_wait3A_645 = arith.constant 0 : i32
    %dma_wait3A_646 = arith.constant 0 : i32
    %dma_wait3A_647 = arith.constant 0 : i32
    %dma_wait3A_648 = tpu.memref_slice %arg5[%dma_wait3A_638, %dma_wait3A_645, %dma_wait3A_646, %dma_wait3A_647] : memref<2048x4x100x64xf32, #tpu.memory_space<hbm>> -> memref<1x4x100x64xf32, #tpu.memory_space<hbm>>
    %dma_wait3A_649 = tpu.memref_squeeze %dma_wait3A_648 : memref<1x4x100x64xf32, #tpu.memory_space<hbm>> -> memref<4x100x64xf32, #tpu.memory_space<hbm>>
    %dma_wait3A_650 = arith.constant 0 : i32
    %dma_wait3A_651 = arith.constant 0 : i32
    %dma_wait3A_652 = arith.constant 0 : i32
    %dma_wait3A_653 = tpu.memref_slice %arg8[%dma_wait3A_639, %dma_wait3A_650, %dma_wait3A_651, %dma_wait3A_652] : memref<3x4x100x64xf32, #tpu.memory_space<vmem>> -> memref<1x4x100x64xf32, #tpu.memory_space<vmem>>
    %dma_wait3A_654 = tpu.memref_squeeze %dma_wait3A_653 : memref<1x4x100x64xf32, #tpu.memory_space<vmem>> -> memref<4x100x64xf32, #tpu.memory_space<vmem>>
    %dma_wait3A_655 = arith.constant 0 : i32
    %dma_wait3A_656 = arith.constant 0 : i32
    %dma_wait3A_657 = arith.constant 0 : i32
    %dma_wait3A_658 = tpu.memref_slice %arg5[%dma_wait3A_638, %dma_wait3A_655, %dma_wait3A_656, %dma_wait3A_657] : memref<2048x4x100x64xf32, #tpu.memory_space<hbm>> -> memref<1x4x100x64xf32, #tpu.memory_space<hbm>>
    %dma_wait3A_659 = tpu.memref_squeeze %dma_wait3A_658 : memref<1x4x100x64xf32, #tpu.memory_space<hbm>> -> memref<4x100x64xf32, #tpu.memory_space<hbm>>
    tpu.wait_dma2 semaphore(%arg14 : memref<!tpu.dma_semaphore, #tpu.memory_space<semaphore_mem>>) src(%dma_wait3A_659 : memref<4x100x64xf32, #tpu.memory_space<hbm>>) dst(%dma_wait3A_654 : memref<4x100x64xf32, #tpu.memory_space<vmem>>)
    return
  }
}

</mosaic_0001>

<sc_bundles>
// kernel: kernel.3.cloned.1.call-start
scs
__scs_entry_jumppad:
0x0: {  	(pc) =	sbr.rel $0x88, $3  }
0x1: {  	(tag) =	ssettag $0x0;
	lr =	simm.s32 $0x1  }
0x2: {  	[smem:$0x3F9E] =	sst lr;
	_ =	strace $0xD0000000  }
0x3: {  	_ = 	snop  }
0x4: {  	_ = 	snop  }
0x5: {  	_ = 	snop  }
0x6: {  	_ = 	snop  }
0x7: {  	_ = 	snop  }
__scs_overlays_trampoline_lowered:
0x8: {  	[smem:$0x3FAD] =	sst s0  }
0x9: {  	[smem:$0x3FAE] =	sst s1  }
0xa: {  	[smem:$0x3FAF] =	sst s2  }
0xb: {  	[smem:$0x3FB0] =	sst s3  }
0xc: {  	[smem:$0x3FB1] =	sst s4  }
0xd: {  	[smem:$0x3FB2] =	sst s5  }
0xe: {  	[smem:$0x3FB3] =	sst s6  }
0xf: {  	[smem:$0x3FB4] =	sst s7  }
0x10: {  	[smem:$0x3FB5] =	sst s8  }
0x11: {  	[smem:$0x3FB6] =	sst s9;
	s0 =	simm.s32 @!p0 $0x0  }
0x12: {  	s1 =	sld [smem:$0x3F9C];
	s0 =	simm.s32 @p0 $0x1  }
0x13: {  	[smem:$0x3FB7] =	sst s0;
	s0 =	simm.s32 @!p1 $0x0  }
0x14: {  	s2 =	sld [smem:$0x3F9B];
	s0 =	simm.s32 @p1 $0x1  }
0x15: {  	[smem:$0x3FB8] =	sst s0;
	s0 =	simm.s32 @!p2 $0x0  }
0x16: {  	s3 =	sld [smem:$0x3FDB];
	s0 =	simm.s32 @p2 $0x1  }
0x17: {  	s4 =	simm.s32 $0x1BF5;
	[smem:$0x3FBA] =	sst s0  }
0x18: {  	s0 =	sld [smem:$0x3F9D];
	_ =	swait.ge [sflag:s4], $0x0  }
0x19: {  	s7 =	sld [smem:$0x3F9E]  }
0x1a: {  	s8 =	sadd.s32 $0xFFFFE003, lr  }
0x1b: {  	s9 =	sadd.s32 $0xFFFFFEF7, lr;
	s5 =	simm.s32 $0xFFFFFFFF;
	p2 =	slt.u32 s8, $0xFFFFF086  }
0x1c: {  	p1 =	slt.u32 s9, $0xF7A;
	s5 =	simm.s32 @!p2 $0x0  }
0x1d: {  	s5 =	simm.s32 @p1 $0x1;
	p0 =	seq.s32 s7, s2  }
0x1e: {  	s7 =	smul.u32 @!p0 $0xF7A, s2;
	p2 =	seq.s32 @!p0 s5, $0x0  }
0x1f: {  	s9 =	smul.u32 $0xF7A, s1;
	s8 =	simm.s32 @!p0 $0x1BF5;
	p2 =	por !p2, p0  }
0x20: {  	[sflag:s8] =	ssyncset.s32 @!p0 $0xFFFFF086;
	s6 =	sadd.s32 @!p0 s3, s7;
	s7 =	simm.s32 @!p0 $0x108  }
0x21: {  	s3 =	sadd.s32 s3, s9;
	s6 =	sadd.s32 @!p0 $0x88, s6;
	s7 =	simm.s32 @p2 $0x1082  }
0x22: {  	[simem:s7], [sflag:s8] =	dma.local @!p0 [hbm:s6], $0xF7A  }
0x23: {  	s9 =	sor.u32 $0xD0000000, s2;
	s6 =	simm.s32 $0x108;
	_ =	swait.ge @!p0 [sflag:s8], $0x0  }
0x24: {  	s3 =	sadd.s32 $0x88, s3;
	s6 =	simm.s32 @!p1 $0x1082;
	[sflag:s4] =	ssyncset.s32 $0xFFFFF086  }
0x25: {  	[simem:s6], [sflag:s4] =	dma.local [hbm:s3], $0xF7A  }
0x26: {  	[smem:$0x3F9E] =	sst s1;
	(tag) =	ssettag s2;
	_ =	strace s9  }
0x27: {  	s1 =	sld [smem:$0x3FAE]  }
0x28: {  	s2 =	sld [smem:$0x3FAF]  }
0x29: {  	s4 =	sld [smem:$0x3FB1]  }
0x2a: {  	p0 =	seq.s32 s5, $0x0;
	s5 =	sld [smem:$0x3FB2]  }
0x2b: {  	s6 =	sld [smem:$0x3FB3]  }
0x2c: {  	s7 =	sld [smem:$0x3FB4]  }
0x2d: {  	s3 =	simm.s32 $0x108;
	s8 =	sld [smem:$0x3FB5]  }
0x2e: {  	s3 =	simm.s32 @!p0 $0x1082;
	s9 =	sld [smem:$0x3FB6]  }
0x2f: {  	lr =	sadd.s32 s0, s3;
	s0 =	sld [smem:$0x3FAD]  }
0x30: {  	s3 =	sld [smem:$0x3FB0]  }
0x31: {  	[smem:$0x3FB9] =	sst s10  }
0x32: {  	s10 =	sld [smem:$0x3FB7];
	_ =	sdelay $0x3  }
0x33: {  	p0 =	seq.s32 s10, $0x1;
	s10 =	sld [smem:$0x3FB9];
	_ =	sdelay $0x3  }
0x34: {  	[smem:$0x3FB9] =	sst s10  }
0x35: {  	s10 =	sld [smem:$0x3FB8];
	_ =	sdelay $0x3  }
0x36: {  	p1 =	seq.s32 s10, $0x1;
	s10 =	sld [smem:$0x3FB9];
	_ =	sdelay $0x3  }
0x37: {  	[smem:$0x3FB9] =	sst s10  }
0x38: {  	s10 =	sld [smem:$0x3FBA]  }
0x39: {  	_ = 	snop;
	(pc) =	sbr.ind lr, $3  }
0x3a: {  	_ = 	snop  }
0x3b: {  	_ = 	snop  }
0x3c: {  	p2 =	seq.s32 s10, $0x1;
	s10 =	sld [smem:$0x3FB9]  }
0x3d: {  	_ =	shalt  }
0x3e: {  	_ =	shalt  }
0x3f: {  	_ =	shalt  }
0x40: {  	_ =	shalt  }
0x41: {  	_ =	shalt  }
0x42: {  	_ =	shalt  }
0x43: {  	_ =	shalt  }
0x44: {  	_ =	shalt  }
0x45: {  	_ =	shalt  }
0x46: {  	_ =	shalt  }
0x47: {  	_ =	shalt  }
0x48: {  	_ =	shalt  }
0x49: {  	_ =	shalt  }
0x4a: {  	_ =	shalt  }
0x4b: {  	_ =	shalt  }
0x4c: {  	_ =	shalt  }
0x4d: {  	_ =	shalt  }
0x4e: {  	_ =	shalt  }
0x4f: {  	_ =	shalt  }
0x50: {  	_ =	shalt  }
0x51: {  	_ =	shalt  }
0x52: {  	_ =	shalt  }
0x53: {  	_ =	shalt  }
0x54: {  	_ =	shalt  }
0x55: {  	_ =	shalt  }
0x56: {  	_ =	shalt  }
0x57: {  	_ =	shalt  }
0x58: {  	_ =	shalt  }
0x59: {  	_ =	shalt  }
0x5a: {  	_ =	shalt  }
0x5b: {  	_ =	shalt  }
0x5c: {  	_ =	shalt  }
0x5d: {  	_ =	shalt  }
0x5e: {  	_ =	shalt  }
0x5f: {  	_ =	shalt  }
0x60: {  	_ =	shalt  }
0x61: {  	_ =	shalt  }
0x62: {  	_ =	shalt  }
0x63: {  	_ =	shalt  }
0x64: {  	_ =	shalt  }
0x65: {  	_ =	shalt  }
0x66: {  	_ =	shalt  }
0x67: {  	_ =	shalt  }
0x68: {  	_ =	shalt  }
0x69: {  	_ =	shalt  }
0x6a: {  	_ =	shalt  }
0x6b: {  	_ =	shalt  }
0x6c: {  	_ =	shalt  }
0x6d: {  	_ =	shalt  }
0x6e: {  	_ =	shalt  }
0x6f: {  	_ =	shalt  }
0x70: {  	_ =	shalt  }
0x71: {  	_ =	shalt  }
0x72: {  	_ =	shalt  }
0x73: {  	_ =	shalt  }
0x74: {  	_ =	shalt  }
0x75: {  	_ =	shalt  }
0x76: {  	_ =	shalt  }
0x77: {  	_ =	shalt  }
0x78: {  	_ =	shalt  }
0x79: {  	_ =	shalt  }
0x7a: {  	_ =	shalt  }
0x7b: {  	_ =	shalt  }
0x7c: {  	_ =	shalt  }
0x7d: {  	_ =	shalt  }
0x7e: {  	_ =	shalt  }
0x7f: {  	_ =	shalt  }
0x80: {  	_ =	shalt  }
0x81: {  	_ =	shalt  }
0x82: {  	_ =	shalt  }
0x83: {  	_ =	shalt  }
0x84: {  	_ =	shalt  }
0x85: {  	_ =	shalt  }
0x86: {  	_ =	shalt  }
0x87: {  	_ =	shalt  }
.Lfunc_end0:
.L_simem_size_0:
called_computation.1_lowered:
.L_overlay_start_0:
0x88: {  	s2 =	sld [smem:$0x3FD9]  }
0x89: {  	s3 =	sld [smem:$0x3FFE];
	_ =	sdelay $0x1  }
0x8a: {  	s1 =	srdreg.scid  }
0x8b: {  	s0 =	sand.u32 $0x1, s1  }
0x8c: {  	s17 =	sshll.u32 s0, $0xA;
	s2 =	sadd.s32 s3, s2  }
0x8d: {  	s2 =	sadd.s32 s2, s17  }
0x8e: {  	[smem:$0x3FC5] =	sst s2  }
0x8f: {  	_ = 	snop  }
0x90: {  	s2 =	sld [smem:$0x3FD0];
	(tm) =	ssettm $0x1  }
0x91: {  	s18 =	sld [smem:$0x3FFB];
	_ =	sdelay $0x3  }
0x92: {  	_ =	strace s18  }
0x93: {  	s3 =	sld [smem:$0x3FFC];
	_ =	sdelay $0x3  }
0x94: {  	_ =	strace s3  }
0x95: {  	s3 =	sld [smem:$0x3FFD];
	_ =	sdelay $0x3  }
0x96: {  	_ =	strace s3  }
0x97: {  	_ =	strace $0x8FFFFFFF  }
0x98: {  	s19 =	sld [smem:$0x3FDB];
	_ =	sdelay $0x1  }
0x99: {  	s4 =	simm.s32 $_scs_section_size  }
0x9a: {  	s5 =	simm.s32 $_size__tile_overlayer_lowered;
	s6 =	simm.s32 $_tile_overlayer_lowered  }
0x9b: {  	s22 =	simm.s32 $0x1BFF;
	s21 =	sshll.u32 s6, $0x1;
	s3 =	sadd.s32 s4, s19  }
0x9c: {  	s7 =	simm.s32 $0x0;
	s20 =	sshll.u32 s5, $0x1;
	s5 =	sadd.s32 s21, s3  }
0x9d: {  	[timem:s7], [sflag:s22] =	dma.local [hbm:s5], s20  }
0x9e: {  	_ =	swait.ge [sflag:s22], s20  }
0x9f: {  	s4 =	ssub.s32 $0x0, s20;
	[sflag:s22] =	ssyncset.done $0x0  }
0xa0: {  	[sflag:s22] =	ssyncadd.s32 s4;
	_ =	sdelay $0x1  }
0xa1: {  	s23 =	simm.s32 $0x1B8B  }
0xa2: {  	_ =	swait.ge [sflag:s23], $0x1  }
0xa3: {  	[sflag:s23] =	ssyncset.done $0x0  }
0xa4: {  	s25 =	simm.s32 $0x1B8E;
	s24 =	sld [smem:$0x3FFE];
	[sflag:s23] =	ssyncadd.s32 $0xFFFFFFFF  }
0xa5: {  	s26 =	simm.s32 $execute0_lowered;
	[smem:$0x3FD2] =	sst s25  }
0xa6: {  	s5 =	sshll.u32 s26, $0x1;
	_ =	strace $0x80000046;
	[dreg:$0x1] =	wrdreg $0xFFFFFFFF  }
0xa7: {  	s28 =	simm.s32 $_size_execute0_lowered;
	s3 =	sadd.s32 s3, s5;
	[dreg:$0x0] =	wrdreg $0x0  }
0xa8: {  	s5 =	sshll.u32 s28, $0x1;
	[dreg:$0x2] =	wrdreg s3  }
0xa9: {  	[dreg:$0x3] =	wrdreg s5  }
0xaa: {  	[dreg:$0x4] =	wrdreg $0xC0  }
0xab: {  	_ =	task [dreg:s7], $0x5FFFF  }
0xac: {  	[dreg:$0x1] =	wrdreg $0xFFFFFFFF  }
0xad: {  	[dreg:$0x0] =	wrdreg $0x60  }
0xae: {  	[dreg:$0x2] =	wrdreg s24  }
0xaf: {  	[dreg:$0x3] =	wrdreg s2  }
0xb0: {  	[dreg:$0x4] =	wrdreg $0x9  }
0xb1: {  	_ =	task.clear_ibuf [dreg:s7], $0x5FFFF;
	_ =	strace $0x90000046  }
0xb2: {  	s29 =	simm.s32 $0x9;
	_ =	strace $0x80000048  }
0xb3: {  	_ =	swait.ge [sflag:s29], $0x1  }
0xb4: {  	[sflag:s29] =	ssyncadd.s32 $0xFFFFFFFF  }
0xb5: {  	_ =	strace $0x90000048  }
0xb6: {  	_ =	sfence  }
0xb7: {  	s30 =	sld [smem:$0x0];
	_ =	sdelay $0x2  }
0xb8: {  	s31 =	sshll.u32 s1, $0xD;
	s1 =	sshrl.u32 s1, $0x2  }
0xb9: {  	s3 =	sand.u32 $0x4000, s31;
	s1 =	sadd.s32 s1, s30  }
0xba: {  	s0 =	sor.u32 s3, s0;
	s1 =	sshll.u32 s1, $0x11  }
0xbb: {  	s0 =	sor.u32 s1, s0  }
0xbc: {  	s0 =	sadd.s32 $0x8F2B, s0  }
0xbd: {  	[sflag:s0] =	ssyncadd.remote.s32 $0x1  }
0xbe: {  	_ =	sfence.sel $0xFFFF  }
0xbf: {  	[dreg:$0x0] =	wrdreg $0xFFFFFFFF;
	(pc) =	sbr.abs _section_cstart, $3  }
0xc0: {  	[dreg:$0x1] =	wrdreg $0xFFFFFFFF  }
0xc1: {  	_ =	task.clear_ibuf [dreg:s7], $0x2FFFF;
	_ =	strace $0x9FFFFFFF  }
0xc2: {  	(tm) =	ssettm $0x7FFFFFFF  }
0xc3: {  	_ =	shalt  }
tec
execute0_lowered:
.L_overlay_start_1:
0x0: {  	(tag) =	ssettag $0x1  }
0x1: {  	s0 =	srdreg.scid  }
0x2: {  	s2 =	stileid.u32;
	s1 =	rddreg [dreg:$0x0];
	s17 =	simm.s32 $0x64  }
0x3: {  	s18 =	simm.s32 $0x9A00;
	s20 =	simm.s32 $0xB300;
	s22 =	simm.s32 $0xCC00  }
0x4: {  	s15 =	simm.s32 $0x1;
	s21 =	simm.s32 $0x16200;
	s30 =	simm.s32 $0x19400  }
0x5: {  	s19 =	simm.s32 $0x1AD00;
	s0 =	sand.u32 $0x1, s0;
	s3 =	sshll.u32 s2, $0x1  }
0x6: {  	s23 =	simm.s32 $0x2;
	s28 =	simm.s32 $0x4;
	s5 =	sor.u32 s0, s3  }
0x7: {  	s11 =	simm.s32 $0x0;
	s2 =	rddreg [dreg:$0x1];
	s4 =	smul.u32 $0xD00, s5  }
0x8: {  	s3 =	simm.s32 $0x0;
	s0 =	ssub.s32 $0x2, s0;
	s8 =	smul.u32 $0x190000, s5  }
0x9: {  	[smem:$0x7FF] =	sst s3;
	s6 =	sshrl.u32 s0, $0x1;
	s24 =	smul.u32 $0x32000, s5  }
0xa: {  	_ =	strace $0x80000047;
	s0 =	ssub.s32 s0, s6;
	s6 =	sshll.u32 s5, $0x6  }
0xb: {  	s7 =	sadd.s32 s4, s1;
	s4 =	sadd.s32 $0xF43000, s1;
	s1 =	sadd.s32 $0x1AC00, s1  }
0xc: {  	s26 =	sshrl.u32 s8, $0x3;
	s9 =	sor.u32 $0x1, s6;
	s10 =	sor.u32 $0x2, s6  }
0xd: {  	s0 =	smax.u32 s0, $0x1;
	[dreg:$0x3] =	wrdreg s1;
	s25 =	sadd.s32 $0xC00, s7  }
0xe: {  	s1 =	sadd.s32 s2, s24;
	s29 =	sadd.s32 s2, s26;
	[dreg:$0x9] =	wrdreg s0  }
0xf: {  	s24 =	simm.s32 $0xE500;
	s26 =	simm.s32 $0xFE00;
	[dreg:$0x4] =	wrdreg s25  }
0x10: {  	s0 =	simm.s32 $0x14900;
	[dreg:$0x5] =	wrdreg s1;
	s5 =	sadd.s32 $0x2FA80, s29  }
0x11: {  	s7 =	simm.s32 $0x6;
	s31 =	sadd.s32 $0x30700, s29;
	[dreg:$0x6] =	wrdreg s5  }
0x12: {  	s1 =	sadd.s32 $0x31380, s29;
	s25 =	simm.s32 $0x17B00;
	[dreg:$0x7] =	wrdreg s31  }
0x13: {  	[dreg:$0x8] =	wrdreg s1;
	s1 =	simm.s32 $0x3;
	s5 =	simm.s32 $0x5  }
.LBB2_1:
0x14: {  	[dreg:$0xa] =	wrdreg s11  }
0x15: {  	s8 =	rddreg [dreg:$0x3];
	s16 =	simm.s32 $0x6800;
	s29 =	simm.s32 $0x7  }
0x16: {  	[tilespmem:s16], [sflag:$0x7] =	stream.linear.gather [hbm4b:s8+s3], $0x3200, $0x38;
	[tilespmem:$0x1C600] =	vst v63  }
0x17: {  	_ =	swait.ge [sflag:s29], $0x3200  }
0x18: {  	[sflag:s29] =	ssyncset.done $0x0  }
0x19: {  	s31 =	rddreg [dreg:$0x4];
	[sflag:s29] =	ssyncadd.s32 $0xFFFFCE00  }
0x1a: {  	[tilespmem:s3], [sflag:$0x7] =	stream.linear.gather [hbm4b:s31+s3], $0x6800, $0x38;
	[tilespmem:$0x1C600] =	vst v63  }
0x1b: {  	_ =	swait.ge [sflag:s29], $0x6800  }
0x1c: {  	[sflag:s29] =	ssyncset.done $0x0  }
0x1d: {  	[sflag:s29] =	ssyncadd.s32 $0xFFFF9800  }
0x1e: {  	[tilespmem:s18], [sflag:$0x1] =	stream.indirect.gather [hbm4b:s4+s17], $0x40, s3, s17, $0xb8;
	[tilespmem:$0x1C600] =	vst v63  }
0x1f: {  	s12 =	simm.s32 $0x68  }
0x20: {  	[tilespmem:s20], [sflag:$0x1] =	stream.indirect.gather [hbm4b:s4+s17], $0x40, s12, s17, $0xb8;
	[tilespmem:$0x1C600] =	vst v63  }
0x21: {  	s13 =	simm.s32 $0xD0  }
0x22: {  	[tilespmem:s22], [sflag:$0x1] =	stream.indirect.gather [hbm4b:s4+s17], $0x40, s13, s17, $0xb8;
	[tilespmem:$0x1C600] =	vst v63  }
0x23: {  	s14 =	simm.s32 $0x138  }
0x24: {  	[tilespmem:s24], [sflag:$0x1] =	stream.indirect.gather [hbm4b:s4+s17], $0x40, s14, s17, $0xb8;
	[tilespmem:$0x1C600] =	vst v63  }
0x25: {  	s16 =	simm.s32 $0x1A0  }
0x26: {  	[tilespmem:s26], [sflag:$0x2] =	stream.indirect.gather [hbm4b:s4+s17], $0x40, s16, s17, $0xb8;
	[tilespmem:$0x1C600] =	vst v63  }
0x27: {  	s31 =	simm.s32 $0x11700;
	s29 =	simm.s32 $0x208  }
0x28: {  	[tilespmem:s31], [sflag:$0x2] =	stream.indirect.gather [hbm4b:s4+s17], $0x40, s29, s17, $0xb8;
	[tilespmem:$0x1C600] =	vst v63  }
0x29: {  	s11 =	simm.s32 $0x270;
	s12 =	simm.s32 $0x13000  }
0x2a: {  	[tilespmem:s12], [sflag:$0x2] =	stream.indirect.gather [hbm4b:s4+s17], $0x40, s11, s17, $0xb8;
	[tilespmem:$0x1C600] =	vst v63  }
0x2b: {  	s13 =	simm.s32 $0x2D8  }
0x2c: {  	[tilespmem:s0], [sflag:$0x2] =	stream.indirect.gather [hbm4b:s4+s17], $0x40, s13, s17, $0xb8;
	[tilespmem:$0x1C600] =	vst v63  }
0x2d: {  	_ =	swait.ge [sflag:s15], $0x6400  }
0x2e: {  	[sflag:s15] =	ssyncset.done $0x0  }
0x2f: {  	s14 =	simm.s32 $0x340;
	[sflag:s15] =	ssyncadd.s32 $0xFFFF9C00  }
0x30: {  	[tilespmem:s21], [sflag:$0x3] =	stream.indirect.gather [hbm4b:s4+s17], $0x40, s14, s17, $0xb8;
	[tilespmem:$0x1C600] =	vst v63  }
0x31: {  	s16 =	simm.s32 $0x3A8  }
0x32: {  	[tilespmem:s25], [sflag:$0x3] =	stream.indirect.gather [hbm4b:s4+s17], $0x40, s16, s17, $0xb8;
	[tilespmem:$0x1C600] =	vst v63  }
0x33: {  	s29 =	simm.s32 $0x410  }
0x34: {  	[tilespmem:s30], [sflag:$0x3] =	stream.indirect.gather [hbm4b:s4+s17], $0x40, s29, s17, $0xb8;
	[tilespmem:$0x1C600] =	vst v63  }
0x35: {  	s31 =	simm.s32 $0x478;
	s11 =	simm.s32 $0x0  }
0x36: {  	[tilespmem:s19], [sflag:$0x3] =	stream.indirect.gather [hbm4b:s4+s17], $0x40, s31, s17, $0xb8;
	[tilespmem:$0x1C600] =	vst v63  }
0x37: {  	v5 =	vld [tilespmem:s11+$0x6800]  }
0x38: {  	v6 =	vld [tilespmem:s11+$0x6810]  }
0x39: {  	v1 =	vld [tilespmem:s11+$0x6820]  }
0x3a: {  	v0 =	vld [tilespmem:s11+$0x6830]  }
0x3b: {  	v2 =	vld [tilespmem:s11+$0x9A00]  }
0x3c: {  	v4 =	vld [tilespmem:s11+$0x9A10]  }
0x3d: {  	s8 =	simm.s32 $0x100;
	v3 =	vld [tilespmem:s11+$0x9A20]  }
.LBB2_2:
0x3e: {  	s12 =	sshra.s32 s8, $0x2;
	p0 =	sne.s32 s8, $0x6300;
	v7 =	vld [tilespmem:s11+$0x9A30];
	v8 =	vmov v1  }
0x3f: {  	v9 =	vld [tilespmem:s12+$0x6800];
	v10 =	vmov v0  }
0x40: {  	v11 =	vld [tilespmem:s12+$0x6810];
	v2 =	vadd.f32 v5, v2  }
.Ltmp0:
0x41: {  	v1 =	vld [tilespmem:s12+$0x6820];
	v4 =	vadd.f32 v6, v4;
	(pc) =	sbr.rel @p0 .LBB2_2-.Ltmp0, $4  }
0x42: {  	v0 =	vld [tilespmem:s12+$0x6830];
	[tilespmem:s11+$0x9A00] =	vst v2;
	v3 =	vadd.f32 v8, v3  }
0x43: {  	v2 =	vld [tilespmem:s12+$0x9A00];
	[tilespmem:s11+$0x9A10] =	vst v4;
	v7 =	vadd.f32 v10, v7  }
0x44: {  	v4 =	vld [tilespmem:s12+$0x9A10];
	[tilespmem:s11+$0x9A20] =	vst v3;
	v5 =	vmov v9  }
0x45: {  	s8 =	sadd.s32 $0x100, s8;
	v3 =	vld [tilespmem:s12+$0x9A20];
	[tilespmem:s11+$0x9A30] =	vst v7;
	v6 =	vmov v11;
	s11 =	smov.u32 s12  }
0x46: {  	v7 =	vld [tilespmem:s11+$0x9A30];
	_ =	sdelay $0x1  }
0x47: {  	v2 =	vadd.f32 v5, v2  }
0x48: {  	v4 =	vadd.f32 v6, v4  }
0x49: {  	[tilespmem:s11+$0x9A00] =	vst v2;
	v1 =	vadd.f32 v1, v3  }
0x4a: {  	[tilespmem:s11+$0x9A10] =	vst v4;
	v0 =	vadd.f32 v0, v7  }
0x4b: {  	[tilespmem:s11+$0x9A20] =	vst v1  }
0x4c: {  	[tilespmem:s11+$0x9A30] =	vst v0;
	s11 =	simm.s32 $0x0  }
0x4d: {  	v5 =	vld [tilespmem:s11+$0x8100]  }
0x4e: {  	v6 =	vld [tilespmem:s11+$0x8110]  }
0x4f: {  	v1 =	vld [tilespmem:s11+$0x8120]  }
0x50: {  	v0 =	vld [tilespmem:s11+$0x8130]  }
0x51: {  	v2 =	vld [tilespmem:s11+$0xB300]  }
0x52: {  	v4 =	vld [tilespmem:s11+$0xB310]  }
0x53: {  	s8 =	simm.s32 $0x100;
	s12 =	simm.s32 $0x0;
	v3 =	vld [tilespmem:s11+$0xB320]  }
.LBB2_4:
0x54: {  	s13 =	sshra.s32 s8, $0x2;
	p0 =	sne.s32 s8, $0x6300;
	v7 =	vld [tilespmem:s12+$0xB330];
	v8 =	vmov v1  }
0x55: {  	v9 =	vld [tilespmem:s13+$0x8100];
	v10 =	vmov v0  }
0x56: {  	v11 =	vld [tilespmem:s13+$0x8110];
	v2 =	vadd.f32 v5, v2  }
.Ltmp1:
0x57: {  	v1 =	vld [tilespmem:s13+$0x8120];
	v4 =	vadd.f32 v6, v4;
	(pc) =	sbr.rel @p0 .LBB2_4-.Ltmp1, $4  }
0x58: {  	v0 =	vld [tilespmem:s13+$0x8130];
	[tilespmem:s12+$0xB300] =	vst v2;
	v3 =	vadd.f32 v8, v3  }
0x59: {  	v2 =	vld [tilespmem:s13+$0xB300];
	[tilespmem:s12+$0xB310] =	vst v4;
	v7 =	vadd.f32 v10, v7  }
0x5a: {  	v4 =	vld [tilespmem:s13+$0xB310];
	[tilespmem:s12+$0xB320] =	vst v3;
	v5 =	vmov v9  }
0x5b: {  	s8 =	sadd.s32 $0x100, s8;
	v3 =	vld [tilespmem:s13+$0xB320];
	[tilespmem:s12+$0xB330] =	vst v7;
	v6 =	vmov v11;
	s12 =	smov.u32 s13  }
0x5c: {  	v7 =	vld [tilespmem:s12+$0xB330];
	_ =	sdelay $0x1  }
0x5d: {  	v2 =	vadd.f32 v5, v2  }
0x5e: {  	v4 =	vadd.f32 v6, v4  }
0x5f: {  	[tilespmem:s12+$0xB300] =	vst v2;
	v1 =	vadd.f32 v1, v3  }
0x60: {  	[tilespmem:s12+$0xB310] =	vst v4;
	v0 =	vadd.f32 v0, v7  }
0x61: {  	[tilespmem:s12+$0xB320] =	vst v1  }
0x62: {  	[tilespmem:s12+$0xB330] =	vst v0  }
0x63: {  	v5 =	vld [tilespmem:s11+$0x6800]  }
0x64: {  	v6 =	vld [tilespmem:s11+$0x6810]  }
0x65: {  	v1 =	vld [tilespmem:s11+$0x6820]  }
0x66: {  	v0 =	vld [tilespmem:s11+$0x6830]  }
0x67: {  	v2 =	vld [tilespmem:s11+$0xCC00]  }
0x68: {  	v4 =	vld [tilespmem:s11+$0xCC10]  }
0x69: {  	s8 =	simm.s32 $0x100;
	v3 =	vld [tilespmem:s11+$0xCC20]  }
.LBB2_6:
0x6a: {  	s12 =	sshra.s32 s8, $0x2;
	p0 =	sne.s32 s8, $0x6300;
	v7 =	vld [tilespmem:s11+$0xCC30];
	v8 =	vmov v1  }
0x6b: {  	v9 =	vld [tilespmem:s12+$0x6800];
	v10 =	vmov v0  }
0x6c: {  	v11 =	vld [tilespmem:s12+$0x6810];
	v2 =	vadd.f32 v5, v2  }
.Ltmp2:
0x6d: {  	v1 =	vld [tilespmem:s12+$0x6820];
	v4 =	vadd.f32 v6, v4;
	(pc) =	sbr.rel @p0 .LBB2_6-.Ltmp2, $4  }
0x6e: {  	v0 =	vld [tilespmem:s12+$0x6830];
	[tilespmem:s11+$0xCC00] =	vst v2;
	v3 =	vadd.f32 v8, v3  }
0x6f: {  	v2 =	vld [tilespmem:s12+$0xCC00];
	[tilespmem:s11+$0xCC10] =	vst v4;
	v7 =	vadd.f32 v10, v7  }
0x70: {  	v4 =	vld [tilespmem:s12+$0xCC10];
	[tilespmem:s11+$0xCC20] =	vst v3;
	v5 =	vmov v9  }
0x71: {  	s8 =	sadd.s32 $0x100, s8;
	v3 =	vld [tilespmem:s12+$0xCC20];
	[tilespmem:s11+$0xCC30] =	vst v7;
	v6 =	vmov v11;
	s11 =	smov.u32 s12  }
0x72: {  	v7 =	vld [tilespmem:s11+$0xCC30];
	_ =	sdelay $0x1  }
0x73: {  	v2 =	vadd.f32 v5, v2  }
0x74: {  	v4 =	vadd.f32 v6, v4  }
0x75: {  	[tilespmem:s11+$0xCC00] =	vst v2;
	v1 =	vadd.f32 v1, v3  }
0x76: {  	[tilespmem:s11+$0xCC10] =	vst v4;
	v0 =	vadd.f32 v0, v7  }
0x77: {  	[tilespmem:s11+$0xCC20] =	vst v1  }
0x78: {  	[tilespmem:s11+$0xCC30] =	vst v0;
	s11 =	simm.s32 $0x0  }
0x79: {  	v5 =	vld [tilespmem:s11+$0x8100]  }
0x7a: {  	v6 =	vld [tilespmem:s11+$0x8110]  }
0x7b: {  	v1 =	vld [tilespmem:s11+$0x8120]  }
0x7c: {  	v0 =	vld [tilespmem:s11+$0x8130]  }
0x7d: {  	v2 =	vld [tilespmem:s11+$0xE500]  }
0x7e: {  	v4 =	vld [tilespmem:s11+$0xE510]  }
0x7f: {  	s8 =	simm.s32 $0x100;
	v3 =	vld [tilespmem:s11+$0xE520]  }
.LBB2_8:
0x80: {  	s12 =	sshra.s32 s8, $0x2;
	p0 =	sne.s32 s8, $0x6300;
	v7 =	vld [tilespmem:s11+$0xE530];
	v8 =	vmov v1  }
0x81: {  	v9 =	vld [tilespmem:s12+$0x8100];
	v10 =	vmov v0  }
0x82: {  	v11 =	vld [tilespmem:s12+$0x8110];
	v2 =	vadd.f32 v5, v2  }
.Ltmp3:
0x83: {  	v1 =	vld [tilespmem:s12+$0x8120];
	v4 =	vadd.f32 v6, v4;
	(pc) =	sbr.rel @p0 .LBB2_8-.Ltmp3, $4  }
0x84: {  	v0 =	vld [tilespmem:s12+$0x8130];
	[tilespmem:s11+$0xE500] =	vst v2;
	v3 =	vadd.f32 v8, v3  }
0x85: {  	v2 =	vld [tilespmem:s12+$0xE500];
	[tilespmem:s11+$0xE510] =	vst v4;
	v7 =	vadd.f32 v10, v7  }
0x86: {  	v4 =	vld [tilespmem:s12+$0xE510];
	[tilespmem:s11+$0xE520] =	vst v3;
	v5 =	vmov v9  }
0x87: {  	s8 =	sadd.s32 $0x100, s8;
	v3 =	vld [tilespmem:s12+$0xE520];
	[tilespmem:s11+$0xE530] =	vst v7;
	v6 =	vmov v11;
	s11 =	smov.u32 s12  }
0x88: {  	v7 =	vld [tilespmem:s11+$0xE530];
	_ =	sdelay $0x1  }
0x89: {  	v2 =	vadd.f32 v5, v2  }
0x8a: {  	v4 =	vadd.f32 v6, v4  }
0x8b: {  	[tilespmem:s11+$0xE500] =	vst v2;
	v1 =	vadd.f32 v1, v3  }
0x8c: {  	[tilespmem:s11+$0xE510] =	vst v4;
	v0 =	vadd.f32 v0, v7  }
0x8d: {  	[tilespmem:s11+$0xE520] =	vst v1  }
0x8e: {  	s8 =	rddreg [dreg:$0x5];
	[tilespmem:s11+$0xE530] =	vst v0;
	s11 =	simm.s32 $0x0  }
0x8f: {  	[hbm4b:s8+s11] =	stream.linear.scatter [tilespmem:s18], [sflag:$0x4], $0x6400, $0x38;
	[tilespmem:$0x1C600] =	vst v63  }
.LBB2_10:
0x90: {  	s13 =	smul.u32 $0x3, s11;
	_ =	swait.ge [sflag:s23], $0x6400  }
0x91: {  	[sflag:s23] =	ssyncset.done $0x0  }
0x92: {  	[sflag:s23] =	ssyncadd.s32 $0xFFFF9C00;
	s12 =	sadd.s32 $0x3, s13  }
0x93: {  	_ =	swait.ge [sflag:s28], $0x6400;
	s8 =	smul.u32 $0x680, s12  }
0x94: {  	[sflag:s28] =	ssyncset.done $0x0  }
0x95: {  	[sflag:s28] =	ssyncadd.s32 $0xFFFF9C00;
	s8 =	sshra.s32 s8, $0x2  }
0x96: {  	[tilespmem:s18], [sflag:$0x1] =	stream.indirect.gather [hbm4b:s4+s17], $0x40, s8, s17, $0xb8;
	[tilespmem:$0x1C600] =	vst v63  }
0x97: {  	s14 =	sadd.s32 $0x68, s8  }
0x98: {  	[tilespmem:s20], [sflag:$0x1] =	stream.indirect.gather [hbm4b:s4+s17], $0x40, s14, s17, $0xb8;
	[tilespmem:$0x1C600] =	vst v63  }
0x99: {  	s31 =	sadd.s32 $0xD0, s8  }
0x9a: {  	[tilespmem:s22], [sflag:$0x1] =	stream.indirect.gather [hbm4b:s4+s17], $0x40, s31, s17, $0xb8;
	[tilespmem:$0x1C600] =	vst v63  }
0x9b: {  	s8 =	sadd.s32 $0x138, s8;
	s14 =	simm.s32 $0x0  }
0x9c: {  	[tilespmem:s24], [sflag:$0x1] =	stream.indirect.gather [hbm4b:s4+s17], $0x40, s8, s17, $0xb8;
	[tilespmem:$0x1C600] =	vst v63  }
0x9d: {  	v5 =	vld [tilespmem:s14+$0x6800]  }
0x9e: {  	v6 =	vld [tilespmem:s14+$0x6810]  }
0x9f: {  	v1 =	vld [tilespmem:s14+$0x6820]  }
0xa0: {  	v0 =	vld [tilespmem:s14+$0x6830]  }
0xa1: {  	v2 =	vld [tilespmem:s14+$0xFE00]  }
0xa2: {  	v4 =	vld [tilespmem:s14+$0xFE10]  }
0xa3: {  	s8 =	simm.s32 $0x100;
	v3 =	vld [tilespmem:s14+$0xFE20]  }
.LBB2_11:
0xa4: {  	s16 =	sshra.s32 s8, $0x2;
	p0 =	sne.s32 s8, $0x6300;
	v7 =	vld [tilespmem:s14+$0xFE30];
	v8 =	vmov v1  }
0xa5: {  	v9 =	vld [tilespmem:s16+$0x6800];
	v10 =	vmov v0  }
0xa6: {  	v11 =	vld [tilespmem:s16+$0x6810];
	v2 =	vadd.f32 v5, v2  }
.Ltmp4:
0xa7: {  	v1 =	vld [tilespmem:s16+$0x6820];
	v4 =	vadd.f32 v6, v4;
	(pc) =	sbr.rel @p0 .LBB2_11-.Ltmp4, $4  }
0xa8: {  	v0 =	vld [tilespmem:s16+$0x6830];
	[tilespmem:s14+$0xFE00] =	vst v2;
	v3 =	vadd.f32 v8, v3  }
0xa9: {  	v2 =	vld [tilespmem:s16+$0xFE00];
	[tilespmem:s14+$0xFE10] =	vst v4;
	v7 =	vadd.f32 v10, v7  }
0xaa: {  	v4 =	vld [tilespmem:s16+$0xFE10];
	[tilespmem:s14+$0xFE20] =	vst v3;
	v5 =	vmov v9  }
0xab: {  	s8 =	sadd.s32 $0x100, s8;
	v3 =	vld [tilespmem:s16+$0xFE20];
	[tilespmem:s14+$0xFE30] =	vst v7;
	v6 =	vmov v11;
	s14 =	smov.u32 s16  }
0xac: {  	v7 =	vld [tilespmem:s14+$0xFE30];
	_ =	sdelay $0x1  }
0xad: {  	v2 =	vadd.f32 v5, v2  }
0xae: {  	v4 =	vadd.f32 v6, v4  }
0xaf: {  	[tilespmem:s14+$0xFE00] =	vst v2;
	v1 =	vadd.f32 v1, v3  }
0xb0: {  	[tilespmem:s14+$0xFE10] =	vst v4;
	v0 =	vadd.f32 v0, v7  }
0xb1: {  	[tilespmem:s14+$0xFE20] =	vst v1  }
0xb2: {  	[tilespmem:s14+$0xFE30] =	vst v0;
	s14 =	simm.s32 $0x0  }
0xb3: {  	v5 =	vld [tilespmem:s14+$0x8100]  }
0xb4: {  	v6 =	vld [tilespmem:s14+$0x8110]  }
0xb5: {  	v1 =	vld [tilespmem:s14+$0x8120]  }
0xb6: {  	v0 =	vld [tilespmem:s14+$0x8130]  }
0xb7: {  	v2 =	vld [tilespmem:s14+$0x11700]  }
0xb8: {  	v4 =	vld [tilespmem:s14+$0x11710]  }
0xb9: {  	s8 =	simm.s32 $0x100;
	s16 =	simm.s32 $0x0;
	v3 =	vld [tilespmem:s14+$0x11720]  }
.LBB2_13:
0xba: {  	s29 =	sshra.s32 s8, $0x2;
	p0 =	sne.s32 s8, $0x6300;
	v7 =	vld [tilespmem:s16+$0x11730];
	v8 =	vmov v1  }
0xbb: {  	v9 =	vld [tilespmem:s29+$0x8100];
	v10 =	vmov v0  }
0xbc: {  	v11 =	vld [tilespmem:s29+$0x8110];
	v2 =	vadd.f32 v5, v2  }
.Ltmp5:
0xbd: {  	v1 =	vld [tilespmem:s29+$0x8120];
	v4 =	vadd.f32 v6, v4;
	(pc) =	sbr.rel @p0 .LBB2_13-.Ltmp5, $4  }
0xbe: {  	v0 =	vld [tilespmem:s29+$0x8130];
	[tilespmem:s16+$0x11700] =	vst v2;
	v3 =	vadd.f32 v8, v3  }
0xbf: {  	v2 =	vld [tilespmem:s29+$0x11700];
	[tilespmem:s16+$0x11710] =	vst v4;
	v7 =	vadd.f32 v10, v7  }
0xc0: {  	v4 =	vld [tilespmem:s29+$0x11710];
	[tilespmem:s16+$0x11720] =	vst v3;
	v5 =	vmov v9  }
0xc1: {  	s8 =	sadd.s32 $0x100, s8;
	v3 =	vld [tilespmem:s29+$0x11720];
	[tilespmem:s16+$0x11730] =	vst v7;
	v6 =	vmov v11;
	s16 =	smov.u32 s29  }
0xc2: {  	v7 =	vld [tilespmem:s16+$0x11730];
	_ =	sdelay $0x1  }
0xc3: {  	v2 =	vadd.f32 v5, v2  }
0xc4: {  	v4 =	vadd.f32 v6, v4  }
0xc5: {  	[tilespmem:s16+$0x11700] =	vst v2;
	v1 =	vadd.f32 v1, v3  }
0xc6: {  	[tilespmem:s16+$0x11710] =	vst v4;
	v0 =	vadd.f32 v0, v7  }
0xc7: {  	[tilespmem:s16+$0x11720] =	vst v1  }
0xc8: {  	[tilespmem:s16+$0x11730] =	vst v0  }
0xc9: {  	v5 =	vld [tilespmem:s14+$0x6800]  }
0xca: {  	v6 =	vld [tilespmem:s14+$0x6810]  }
0xcb: {  	v1 =	vld [tilespmem:s14+$0x6820]  }
0xcc: {  	v0 =	vld [tilespmem:s14+$0x6830]  }
0xcd: {  	v2 =	vld [tilespmem:s14+$0x13000]  }
0xce: {  	v4 =	vld [tilespmem:s14+$0x13010]  }
0xcf: {  	s8 =	simm.s32 $0x100;
	v3 =	vld [tilespmem:s14+$0x13020]  }
.LBB2_15:
0xd0: {  	s16 =	sshra.s32 s8, $0x2;
	p0 =	sne.s32 s8, $0x6300;
	v7 =	vld [tilespmem:s14+$0x13030];
	v8 =	vmov v1  }
0xd1: {  	v9 =	vld [tilespmem:s16+$0x6800];
	v10 =	vmov v0  }
0xd2: {  	v11 =	vld [tilespmem:s16+$0x6810];
	v2 =	vadd.f32 v5, v2  }
.Ltmp6:
0xd3: {  	v1 =	vld [tilespmem:s16+$0x6820];
	v4 =	vadd.f32 v6, v4;
	(pc) =	sbr.rel @p0 .LBB2_15-.Ltmp6, $4  }
0xd4: {  	v0 =	vld [tilespmem:s16+$0x6830];
	[tilespmem:s14+$0x13000] =	vst v2;
	v3 =	vadd.f32 v8, v3  }
0xd5: {  	v2 =	vld [tilespmem:s16+$0x13000];
	[tilespmem:s14+$0x13010] =	vst v4;
	v7 =	vadd.f32 v10, v7  }
0xd6: {  	v4 =	vld [tilespmem:s16+$0x13010];
	[tilespmem:s14+$0x13020] =	vst v3;
	v5 =	vmov v9  }
0xd7: {  	s8 =	sadd.s32 $0x100, s8;
	v3 =	vld [tilespmem:s16+$0x13020];
	[tilespmem:s14+$0x13030] =	vst v7;
	v6 =	vmov v11;
	s14 =	smov.u32 s16  }
0xd8: {  	v7 =	vld [tilespmem:s14+$0x13030];
	_ =	sdelay $0x1  }
0xd9: {  	v2 =	vadd.f32 v5, v2  }
0xda: {  	v4 =	vadd.f32 v6, v4  }
0xdb: {  	[tilespmem:s14+$0x13000] =	vst v2;
	v1 =	vadd.f32 v1, v3  }
0xdc: {  	[tilespmem:s14+$0x13010] =	vst v4;
	v0 =	vadd.f32 v0, v7  }
0xdd: {  	[tilespmem:s14+$0x13020] =	vst v1  }
0xde: {  	[tilespmem:s14+$0x13030] =	vst v0;
	s14 =	simm.s32 $0x0  }
0xdf: {  	v5 =	vld [tilespmem:s14+$0x8100]  }
0xe0: {  	v6 =	vld [tilespmem:s14+$0x8110]  }
0xe1: {  	v1 =	vld [tilespmem:s14+$0x8120]  }
0xe2: {  	v0 =	vld [tilespmem:s14+$0x8130]  }
0xe3: {  	v2 =	vld [tilespmem:s14+$0x14900]  }
0xe4: {  	v4 =	vld [tilespmem:s14+$0x14910]  }
0xe5: {  	s8 =	simm.s32 $0x100;
	v3 =	vld [tilespmem:s14+$0x14920]  }
.LBB2_17:
0xe6: {  	s16 =	sshra.s32 s8, $0x2;
	p0 =	sne.s32 s8, $0x6300;
	v7 =	vld [tilespmem:s14+$0x14930];
	v8 =	vmov v1  }
0xe7: {  	v9 =	vld [tilespmem:s16+$0x8100];
	v10 =	vmov v0  }
0xe8: {  	v11 =	vld [tilespmem:s16+$0x8110];
	v2 =	vadd.f32 v5, v2  }
.Ltmp7:
0xe9: {  	v1 =	vld [tilespmem:s16+$0x8120];
	v4 =	vadd.f32 v6, v4;
	(pc) =	sbr.rel @p0 .LBB2_17-.Ltmp7, $4  }
0xea: {  	v0 =	vld [tilespmem:s16+$0x8130];
	[tilespmem:s14+$0x14900] =	vst v2;
	v3 =	vadd.f32 v8, v3  }
0xeb: {  	v2 =	vld [tilespmem:s16+$0x14900];
	[tilespmem:s14+$0x14910] =	vst v4;
	v7 =	vadd.f32 v10, v7  }
0xec: {  	v4 =	vld [tilespmem:s16+$0x14910];
	[tilespmem:s14+$0x14920] =	vst v3;
	v5 =	vmov v9  }
0xed: {  	s8 =	sadd.s32 $0x100, s8;
	v3 =	vld [tilespmem:s16+$0x14920];
	[tilespmem:s14+$0x14930] =	vst v7;
	v6 =	vmov v11;
	s14 =	smov.u32 s16  }
0xee: {  	v7 =	vld [tilespmem:s14+$0x14930];
	_ =	sdelay $0x1  }
0xef: {  	v2 =	vadd.f32 v5, v2  }
0xf0: {  	v4 =	vadd.f32 v6, v4  }
0xf1: {  	s8 =	sadd.s32 s13, s9;
	[tilespmem:s14+$0x14900] =	vst v2;
	v1 =	vadd.f32 v1, v3  }
0xf2: {  	s8 =	smul.u32 $0xC80, s8;
	[tilespmem:s14+$0x14910] =	vst v4;
	v0 =	vadd.f32 v0, v7  }
0xf3: {  	[tilespmem:s14+$0x14920] =	vst v1  }
0xf4: {  	s31 =	simm.s32 $0x0;
	s8 =	sadd.s32 s2, s8;
	[tilespmem:s14+$0x14930] =	vst v0  }
0xf5: {  	[hbm4b:s8+s31] =	stream.linear.scatter [tilespmem:s26], [sflag:$0x5], $0x6400, $0x38;
	[tilespmem:$0x1C600] =	vst v63  }
0xf6: {  	_ =	swait.ge [sflag:s1], $0x6400  }
0xf7: {  	[sflag:s1] =	ssyncset.done $0x0  }
0xf8: {  	s16 =	smul.u32 $0x1380, s11;
	[sflag:s1] =	ssyncadd.s32 $0xFFFF9C00  }
0xf9: {  	_ =	swait.ge [sflag:s5], $0x6400  }
0xfa: {  	s14 =	sshra.s32 s16, $0x2;
	[sflag:s5] =	ssyncset.done $0x0  }
0xfb: {  	s8 =	sadd.s32 $0x680, s14;
	[sflag:s5] =	ssyncadd.s32 $0xFFFF9C00  }
0xfc: {  	[tilespmem:s26], [sflag:$0x2] =	stream.indirect.gather [hbm4b:s4+s17], $0x40, s8, s17, $0xb8;
	[tilespmem:$0x1C600] =	vst v63  }
0xfd: {  	s16 =	simm.s32 $0x11700;
	s31 =	sadd.s32 $0x6E8, s14  }
0xfe: {  	[tilespmem:s16], [sflag:$0x2] =	stream.indirect.gather [hbm4b:s4+s17], $0x40, s31, s17, $0xb8;
	[tilespmem:$0x1C600] =	vst v63  }
0xff: {  	s16 =	sadd.s32 $0x750, s14;
	s31 =	simm.s32 $0x13000  }
0x100: {  	[tilespmem:s31], [sflag:$0x2] =	stream.indirect.gather [hbm4b:s4+s17], $0x40, s16, s17, $0xb8;
	[tilespmem:$0x1C600] =	vst v63  }
0x101: {  	s31 =	sadd.s32 $0x7B8, s14;
	s16 =	simm.s32 $0x0  }
0x102: {  	[tilespmem:s0], [sflag:$0x2] =	stream.indirect.gather [hbm4b:s4+s17], $0x40, s31, s17, $0xb8;
	[tilespmem:$0x1C600] =	vst v63  }
0x103: {  	v5 =	vld [tilespmem:s16+$0x6800]  }
0x104: {  	v6 =	vld [tilespmem:s16+$0x6810]  }
0x105: {  	v1 =	vld [tilespmem:s16+$0x6820]  }
0x106: {  	v0 =	vld [tilespmem:s16+$0x6830]  }
0x107: {  	v2 =	vld [tilespmem:s16+$0x16200]  }
0x108: {  	v4 =	vld [tilespmem:s16+$0x16210]  }
0x109: {  	s29 =	simm.s32 $0x100;
	s8 =	simm.s32 $0x0;
	v3 =	vld [tilespmem:s16+$0x16220]  }
.LBB2_19:
0x10a: {  	s31 =	sshra.s32 s29, $0x2;
	p0 =	sne.s32 s29, $0x6300;
	v7 =	vld [tilespmem:s8+$0x16230];
	v8 =	vmov v1  }
0x10b: {  	v9 =	vld [tilespmem:s31+$0x6800];
	v10 =	vmov v0  }
0x10c: {  	v11 =	vld [tilespmem:s31+$0x6810];
	v2 =	vadd.f32 v5, v2  }
.Ltmp8:
0x10d: {  	v1 =	vld [tilespmem:s31+$0x6820];
	v4 =	vadd.f32 v6, v4;
	(pc) =	sbr.rel @p0 .LBB2_19-.Ltmp8, $4  }
0x10e: {  	v0 =	vld [tilespmem:s31+$0x6830];
	[tilespmem:s8+$0x16200] =	vst v2;
	v3 =	vadd.f32 v8, v3  }
0x10f: {  	v2 =	vld [tilespmem:s31+$0x16200];
	[tilespmem:s8+$0x16210] =	vst v4;
	v7 =	vadd.f32 v10, v7  }
0x110: {  	v4 =	vld [tilespmem:s31+$0x16210];
	[tilespmem:s8+$0x16220] =	vst v3;
	v5 =	vmov v9  }
0x111: {  	s29 =	sadd.s32 $0x100, s29;
	v3 =	vld [tilespmem:s31+$0x16220];
	[tilespmem:s8+$0x16230] =	vst v7;
	v6 =	vmov v11;
	s8 =	smov.u32 s31  }
0x112: {  	v7 =	vld [tilespmem:s8+$0x16230];
	_ =	sdelay $0x1  }
0x113: {  	v2 =	vadd.f32 v5, v2  }
0x114: {  	v4 =	vadd.f32 v6, v4  }
0x115: {  	[tilespmem:s8+$0x16200] =	vst v2;
	v1 =	vadd.f32 v1, v3  }
0x116: {  	[tilespmem:s8+$0x16210] =	vst v4;
	v0 =	vadd.f32 v0, v7  }
0x117: {  	[tilespmem:s8+$0x16220] =	vst v1  }
0x118: {  	[tilespmem:s8+$0x16230] =	vst v0  }
0x119: {  	v5 =	vld [tilespmem:s16+$0x8100]  }
0x11a: {  	v6 =	vld [tilespmem:s16+$0x8110]  }
0x11b: {  	v1 =	vld [tilespmem:s16+$0x8120]  }
0x11c: {  	v0 =	vld [tilespmem:s16+$0x8130]  }
0x11d: {  	v2 =	vld [tilespmem:s16+$0x17B00]  }
0x11e: {  	v4 =	vld [tilespmem:s16+$0x17B10]  }
0x11f: {  	s8 =	simm.s32 $0x100;
	v3 =	vld [tilespmem:s16+$0x17B20]  }
.LBB2_21:
0x120: {  	s29 =	sshra.s32 s8, $0x2;
	p0 =	sne.s32 s8, $0x6300;
	v7 =	vld [tilespmem:s16+$0x17B30];
	v8 =	vmov v1  }
0x121: {  	v9 =	vld [tilespmem:s29+$0x8100];
	v10 =	vmov v0  }
0x122: {  	v11 =	vld [tilespmem:s29+$0x8110];
	v2 =	vadd.f32 v5, v2  }
.Ltmp9:
0x123: {  	v1 =	vld [tilespmem:s29+$0x8120];
	v4 =	vadd.f32 v6, v4;
	(pc) =	sbr.rel @p0 .LBB2_21-.Ltmp9, $4  }
0x124: {  	v0 =	vld [tilespmem:s29+$0x8130];
	[tilespmem:s16+$0x17B00] =	vst v2;
	v3 =	vadd.f32 v8, v3  }
0x125: {  	v2 =	vld [tilespmem:s29+$0x17B00];
	[tilespmem:s16+$0x17B10] =	vst v4;
	v7 =	vadd.f32 v10, v7  }
0x126: {  	v4 =	vld [tilespmem:s29+$0x17B10];
	[tilespmem:s16+$0x17B20] =	vst v3;
	v5 =	vmov v9  }
0x127: {  	s8 =	sadd.s32 $0x100, s8;
	v3 =	vld [tilespmem:s29+$0x17B20];
	[tilespmem:s16+$0x17B30] =	vst v7;
	v6 =	vmov v11;
	s16 =	smov.u32 s29  }
0x128: {  	v7 =	vld [tilespmem:s16+$0x17B30];
	_ =	sdelay $0x1  }
0x129: {  	v2 =	vadd.f32 v5, v2  }
0x12a: {  	v4 =	vadd.f32 v6, v4  }
0x12b: {  	[tilespmem:s16+$0x17B00] =	vst v2;
	v1 =	vadd.f32 v1, v3  }
0x12c: {  	[tilespmem:s16+$0x17B10] =	vst v4;
	v0 =	vadd.f32 v0, v7  }
0x12d: {  	[tilespmem:s16+$0x17B20] =	vst v1  }
0x12e: {  	[tilespmem:s16+$0x17B30] =	vst v0;
	s16 =	simm.s32 $0x0  }
0x12f: {  	v5 =	vld [tilespmem:s16+$0x6800]  }
0x130: {  	v6 =	vld [tilespmem:s16+$0x6810]  }
0x131: {  	v1 =	vld [tilespmem:s16+$0x6820]  }
0x132: {  	v0 =	vld [tilespmem:s16+$0x6830]  }
0x133: {  	v2 =	vld [tilespmem:s16+$0x19400]  }
0x134: {  	v4 =	vld [tilespmem:s16+$0x19410]  }
0x135: {  	s29 =	simm.s32 $0x100;
	s8 =	simm.s32 $0x0;
	v3 =	vld [tilespmem:s16+$0x19420]  }
.LBB2_23:
0x136: {  	s31 =	sshra.s32 s29, $0x2;
	p0 =	sne.s32 s29, $0x6300;
	v7 =	vld [tilespmem:s8+$0x19430];
	v8 =	vmov v1  }
0x137: {  	v9 =	vld [tilespmem:s31+$0x6800];
	v10 =	vmov v0  }
0x138: {  	v11 =	vld [tilespmem:s31+$0x6810];
	v2 =	vadd.f32 v5, v2  }
.Ltmp10:
0x139: {  	v1 =	vld [tilespmem:s31+$0x6820];
	v4 =	vadd.f32 v6, v4;
	(pc) =	sbr.rel @p0 .LBB2_23-.Ltmp10, $4  }
0x13a: {  	v0 =	vld [tilespmem:s31+$0x6830];
	[tilespmem:s8+$0x19400] =	vst v2;
	v3 =	vadd.f32 v8, v3  }
0x13b: {  	v2 =	vld [tilespmem:s31+$0x19400];
	[tilespmem:s8+$0x19410] =	vst v4;
	v7 =	vadd.f32 v10, v7  }
0x13c: {  	v4 =	vld [tilespmem:s31+$0x19410];
	[tilespmem:s8+$0x19420] =	vst v3;
	v5 =	vmov v9  }
0x13d: {  	s29 =	sadd.s32 $0x100, s29;
	v3 =	vld [tilespmem:s31+$0x19420];
	[tilespmem:s8+$0x19430] =	vst v7;
	v6 =	vmov v11;
	s8 =	smov.u32 s31  }
0x13e: {  	v7 =	vld [tilespmem:s8+$0x19430];
	_ =	sdelay $0x1  }
0x13f: {  	v2 =	vadd.f32 v5, v2  }
0x140: {  	v4 =	vadd.f32 v6, v4  }
0x141: {  	[tilespmem:s8+$0x19400] =	vst v2;
	v1 =	vadd.f32 v1, v3  }
0x142: {  	[tilespmem:s8+$0x19410] =	vst v4;
	v0 =	vadd.f32 v0, v7  }
0x143: {  	[tilespmem:s8+$0x19420] =	vst v1  }
0x144: {  	[tilespmem:s8+$0x19430] =	vst v0  }
0x145: {  	v5 =	vld [tilespmem:s16+$0x8100]  }
0x146: {  	v6 =	vld [tilespmem:s16+$0x8110]  }
0x147: {  	v1 =	vld [tilespmem:s16+$0x8120]  }
0x148: {  	v0 =	vld [tilespmem:s16+$0x8130]  }
0x149: {  	v2 =	vld [tilespmem:s16+$0x1AD00]  }
0x14a: {  	v4 =	vld [tilespmem:s16+$0x1AD10]  }
0x14b: {  	s8 =	simm.s32 $0x100;
	v3 =	vld [tilespmem:s16+$0x1AD20]  }
.LBB2_25:
0x14c: {  	s29 =	sshra.s32 s8, $0x2;
	p0 =	sne.s32 s8, $0x6300;
	v7 =	vld [tilespmem:s16+$0x1AD30];
	v8 =	vmov v1  }
0x14d: {  	v9 =	vld [tilespmem:s29+$0x8100];
	v10 =	vmov v0  }
0x14e: {  	v11 =	vld [tilespmem:s29+$0x8110];
	v2 =	vadd.f32 v5, v2  }
.Ltmp11:
0x14f: {  	v1 =	vld [tilespmem:s29+$0x8120];
	v4 =	vadd.f32 v6, v4;
	(pc) =	sbr.rel @p0 .LBB2_25-.Ltmp11, $4  }
0x150: {  	v0 =	vld [tilespmem:s29+$0x8130];
	[tilespmem:s16+$0x1AD00] =	vst v2;
	v3 =	vadd.f32 v8, v3  }
0x151: {  	v2 =	vld [tilespmem:s29+$0x1AD00];
	[tilespmem:s16+$0x1AD10] =	vst v4;
	v7 =	vadd.f32 v10, v7  }
0x152: {  	v4 =	vld [tilespmem:s29+$0x1AD10];
	[tilespmem:s16+$0x1AD20] =	vst v3;
	v5 =	vmov v9  }
0x153: {  	s8 =	sadd.s32 $0x100, s8;
	v3 =	vld [tilespmem:s29+$0x1AD20];
	[tilespmem:s16+$0x1AD30] =	vst v7;
	v6 =	vmov v11;
	s16 =	smov.u32 s29  }
0x154: {  	v7 =	vld [tilespmem:s16+$0x1AD30];
	_ =	sdelay $0x1  }
0x155: {  	v2 =	vadd.f32 v5, v2  }
0x156: {  	v4 =	vadd.f32 v6, v4  }
0x157: {  	s8 =	sadd.s32 s13, s10;
	[tilespmem:s16+$0x1AD00] =	vst v2;
	v1 =	vadd.f32 v1, v3  }
0x158: {  	s8 =	smul.u32 $0xC80, s8;
	[tilespmem:s16+$0x1AD10] =	vst v4;
	v0 =	vadd.f32 v0, v7  }
0x159: {  	[tilespmem:s16+$0x1AD20] =	vst v1  }
0x15a: {  	s31 =	simm.s32 $0x0;
	s8 =	sadd.s32 s2, s8;
	[tilespmem:s16+$0x1AD30] =	vst v0  }
0x15b: {  	[hbm4b:s8+s31] =	stream.linear.scatter [tilespmem:s21], [sflag:$0x6], $0x6400, $0x38;
	[tilespmem:$0x1C600] =	vst v63  }
0x15c: {  	_ =	swait.ge [sflag:s15], $0x6400  }
0x15d: {  	[sflag:s15] =	ssyncset.done $0x0  }
0x15e: {  	[sflag:s15] =	ssyncadd.s32 $0xFFFF9C00  }
0x15f: {  	_ =	swait.ge [sflag:s7], $0x6400  }
0x160: {  	[sflag:s7] =	ssyncset.done $0x0  }
0x161: {  	s13 =	sadd.s32 $0x820, s14;
	[sflag:s7] =	ssyncadd.s32 $0xFFFF9C00  }
0x162: {  	[tilespmem:s21], [sflag:$0x3] =	stream.indirect.gather [hbm4b:s4+s17], $0x40, s13, s17, $0xb8;
	[tilespmem:$0x1C600] =	vst v63  }
0x163: {  	s16 =	sadd.s32 $0x888, s14  }
0x164: {  	[tilespmem:s25], [sflag:$0x3] =	stream.indirect.gather [hbm4b:s4+s17], $0x40, s16, s17, $0xb8;
	[tilespmem:$0x1C600] =	vst v63  }
0x165: {  	s29 =	sadd.s32 $0x8F0, s14  }
0x166: {  	[tilespmem:s30], [sflag:$0x3] =	stream.indirect.gather [hbm4b:s4+s17], $0x40, s29, s17, $0xb8;
	[tilespmem:$0x1C600] =	vst v63  }
0x167: {  	s31 =	sadd.s32 $0x958, s14;
	s13 =	simm.s32 $0x0  }
0x168: {  	[tilespmem:s19], [sflag:$0x3] =	stream.indirect.gather [hbm4b:s4+s17], $0x40, s31, s17, $0xb8;
	[tilespmem:$0x1C600] =	vst v63  }
0x169: {  	v5 =	vld [tilespmem:s13+$0x6800]  }
0x16a: {  	v6 =	vld [tilespmem:s13+$0x6810]  }
0x16b: {  	v1 =	vld [tilespmem:s13+$0x6820]  }
0x16c: {  	v0 =	vld [tilespmem:s13+$0x6830]  }
0x16d: {  	v2 =	vld [tilespmem:s13+$0x9A00]  }
0x16e: {  	v4 =	vld [tilespmem:s13+$0x9A10]  }
0x16f: {  	s14 =	simm.s32 $0x100;
	s8 =	simm.s32 $0x0;
	v3 =	vld [tilespmem:s13+$0x9A20]  }
.LBB2_27:
0x170: {  	s16 =	sshra.s32 s14, $0x2;
	p0 =	sne.s32 s14, $0x6300;
	v7 =	vld [tilespmem:s8+$0x9A30];
	v8 =	vmov v1  }
0x171: {  	v9 =	vld [tilespmem:s16+$0x6800];
	v10 =	vmov v0  }
0x172: {  	v11 =	vld [tilespmem:s16+$0x6810];
	v2 =	vadd.f32 v5, v2  }
.Ltmp12:
0x173: {  	v1 =	vld [tilespmem:s16+$0x6820];
	v4 =	vadd.f32 v6, v4;
	(pc) =	sbr.rel @p0 .LBB2_27-.Ltmp12, $4  }
0x174: {  	v0 =	vld [tilespmem:s16+$0x6830];
	[tilespmem:s8+$0x9A00] =	vst v2;
	v3 =	vadd.f32 v8, v3  }
0x175: {  	v2 =	vld [tilespmem:s16+$0x9A00];
	[tilespmem:s8+$0x9A10] =	vst v4;
	v7 =	vadd.f32 v10, v7  }
0x176: {  	v4 =	vld [tilespmem:s16+$0x9A10];
	[tilespmem:s8+$0x9A20] =	vst v3;
	v5 =	vmov v9  }
0x177: {  	s14 =	sadd.s32 $0x100, s14;
	v3 =	vld [tilespmem:s16+$0x9A20];
	[tilespmem:s8+$0x9A30] =	vst v7;
	v6 =	vmov v11;
	s8 =	smov.u32 s16  }
0x178: {  	v7 =	vld [tilespmem:s8+$0x9A30];
	_ =	sdelay $0x1  }
0x179: {  	v2 =	vadd.f32 v5, v2  }
0x17a: {  	v4 =	vadd.f32 v6, v4  }
0x17b: {  	[tilespmem:s8+$0x9A00] =	vst v2;
	v1 =	vadd.f32 v1, v3  }
0x17c: {  	[tilespmem:s8+$0x9A10] =	vst v4;
	v0 =	vadd.f32 v0, v7  }
0x17d: {  	[tilespmem:s8+$0x9A20] =	vst v1  }
0x17e: {  	[tilespmem:s8+$0x9A30] =	vst v0  }
0x17f: {  	v5 =	vld [tilespmem:s13+$0x8100]  }
0x180: {  	v6 =	vld [tilespmem:s13+$0x8110]  }
0x181: {  	v1 =	vld [tilespmem:s13+$0x8120]  }
0x182: {  	v0 =	vld [tilespmem:s13+$0x8130]  }
0x183: {  	v2 =	vld [tilespmem:s13+$0xB300]  }
0x184: {  	v4 =	vld [tilespmem:s13+$0xB310]  }
0x185: {  	s8 =	simm.s32 $0x100;
	v3 =	vld [tilespmem:s13+$0xB320]  }
.LBB2_29:
0x186: {  	s14 =	sshra.s32 s8, $0x2;
	p0 =	sne.s32 s8, $0x6300;
	v7 =	vld [tilespmem:s13+$0xB330];
	v8 =	vmov v1  }
0x187: {  	v9 =	vld [tilespmem:s14+$0x8100];
	v10 =	vmov v0  }
0x188: {  	v11 =	vld [tilespmem:s14+$0x8110];
	v2 =	vadd.f32 v5, v2  }
.Ltmp13:
0x189: {  	v1 =	vld [tilespmem:s14+$0x8120];
	v4 =	vadd.f32 v6, v4;
	(pc) =	sbr.rel @p0 .LBB2_29-.Ltmp13, $4  }
0x18a: {  	v0 =	vld [tilespmem:s14+$0x8130];
	[tilespmem:s13+$0xB300] =	vst v2;
	v3 =	vadd.f32 v8, v3  }
0x18b: {  	v2 =	vld [tilespmem:s14+$0xB300];
	[tilespmem:s13+$0xB310] =	vst v4;
	v7 =	vadd.f32 v10, v7  }
0x18c: {  	v4 =	vld [tilespmem:s14+$0xB310];
	[tilespmem:s13+$0xB320] =	vst v3;
	v5 =	vmov v9  }
0x18d: {  	s8 =	sadd.s32 $0x100, s8;
	v3 =	vld [tilespmem:s14+$0xB320];
	[tilespmem:s13+$0xB330] =	vst v7;
	v6 =	vmov v11;
	s13 =	smov.u32 s14  }
0x18e: {  	v7 =	vld [tilespmem:s13+$0xB330];
	_ =	sdelay $0x1  }
0x18f: {  	v2 =	vadd.f32 v5, v2  }
0x190: {  	v4 =	vadd.f32 v6, v4  }
0x191: {  	[tilespmem:s13+$0xB300] =	vst v2;
	v1 =	vadd.f32 v1, v3  }
0x192: {  	[tilespmem:s13+$0xB310] =	vst v4;
	v0 =	vadd.f32 v0, v7  }
0x193: {  	[tilespmem:s13+$0xB320] =	vst v1  }
0x194: {  	[tilespmem:s13+$0xB330] =	vst v0;
	s13 =	simm.s32 $0x0  }
0x195: {  	v5 =	vld [tilespmem:s13+$0x6800]  }
0x196: {  	v6 =	vld [tilespmem:s13+$0x6810]  }
0x197: {  	v1 =	vld [tilespmem:s13+$0x6820]  }
0x198: {  	v0 =	vld [tilespmem:s13+$0x6830]  }
0x199: {  	v2 =	vld [tilespmem:s13+$0xCC00]  }
0x19a: {  	v4 =	vld [tilespmem:s13+$0xCC10]  }
0x19b: {  	s14 =	simm.s32 $0x100;
	s8 =	simm.s32 $0x0;
	v3 =	vld [tilespmem:s13+$0xCC20]  }
.LBB2_31:
0x19c: {  	s16 =	sshra.s32 s14, $0x2;
	p0 =	sne.s32 s14, $0x6300;
	v7 =	vld [tilespmem:s8+$0xCC30];
	v8 =	vmov v1  }
0x19d: {  	v9 =	vld [tilespmem:s16+$0x6800];
	v10 =	vmov v0  }
0x19e: {  	v11 =	vld [tilespmem:s16+$0x6810];
	v2 =	vadd.f32 v5, v2  }
.Ltmp14:
0x19f: {  	v1 =	vld [tilespmem:s16+$0x6820];
	v4 =	vadd.f32 v6, v4;
	(pc) =	sbr.rel @p0 .LBB2_31-.Ltmp14, $4  }
0x1a0: {  	v0 =	vld [tilespmem:s16+$0x6830];
	[tilespmem:s8+$0xCC00] =	vst v2;
	v3 =	vadd.f32 v8, v3  }
0x1a1: {  	v2 =	vld [tilespmem:s16+$0xCC00];
	[tilespmem:s8+$0xCC10] =	vst v4;
	v7 =	vadd.f32 v10, v7  }
0x1a2: {  	v4 =	vld [tilespmem:s16+$0xCC10];
	[tilespmem:s8+$0xCC20] =	vst v3;
	v5 =	vmov v9  }
0x1a3: {  	s14 =	sadd.s32 $0x100, s14;
	v3 =	vld [tilespmem:s16+$0xCC20];
	[tilespmem:s8+$0xCC30] =	vst v7;
	v6 =	vmov v11;
	s8 =	smov.u32 s16  }
0x1a4: {  	v7 =	vld [tilespmem:s8+$0xCC30];
	_ =	sdelay $0x1  }
0x1a5: {  	v2 =	vadd.f32 v5, v2  }
0x1a6: {  	v4 =	vadd.f32 v6, v4  }
0x1a7: {  	[tilespmem:s8+$0xCC00] =	vst v2;
	v1 =	vadd.f32 v1, v3  }
0x1a8: {  	[tilespmem:s8+$0xCC10] =	vst v4;
	v0 =	vadd.f32 v0, v7  }
0x1a9: {  	[tilespmem:s8+$0xCC20] =	vst v1  }
0x1aa: {  	[tilespmem:s8+$0xCC30] =	vst v0  }
0x1ab: {  	v5 =	vld [tilespmem:s13+$0x8100]  }
0x1ac: {  	v6 =	vld [tilespmem:s13+$0x8110]  }
0x1ad: {  	v1 =	vld [tilespmem:s13+$0x8120]  }
0x1ae: {  	v0 =	vld [tilespmem:s13+$0x8130]  }
0x1af: {  	v2 =	vld [tilespmem:s13+$0xE500]  }
0x1b0: {  	v4 =	vld [tilespmem:s13+$0xE510]  }
0x1b1: {  	s8 =	simm.s32 $0x100;
	v3 =	vld [tilespmem:s13+$0xE520]  }
.LBB2_33:
0x1b2: {  	s14 =	sshra.s32 s8, $0x2;
	p0 =	sne.s32 s8, $0x6300;
	v7 =	vld [tilespmem:s13+$0xE530];
	v8 =	vmov v1  }
0x1b3: {  	v9 =	vld [tilespmem:s14+$0x8100];
	v10 =	vmov v0  }
0x1b4: {  	v11 =	vld [tilespmem:s14+$0x8110];
	v2 =	vadd.f32 v5, v2  }
.Ltmp15:
0x1b5: {  	v1 =	vld [tilespmem:s14+$0x8120];
	v4 =	vadd.f32 v6, v4;
	(pc) =	sbr.rel @p0 .LBB2_33-.Ltmp15, $4  }
0x1b6: {  	v0 =	vld [tilespmem:s14+$0x8130];
	[tilespmem:s13+$0xE500] =	vst v2;
	v3 =	vadd.f32 v8, v3  }
0x1b7: {  	v2 =	vld [tilespmem:s14+$0xE500];
	[tilespmem:s13+$0xE510] =	vst v4;
	v7 =	vadd.f32 v10, v7  }
0x1b8: {  	v4 =	vld [tilespmem:s14+$0xE510];
	[tilespmem:s13+$0xE520] =	vst v3;
	v5 =	vmov v9  }
0x1b9: {  	s8 =	sadd.s32 $0x100, s8;
	v3 =	vld [tilespmem:s14+$0xE520];
	[tilespmem:s13+$0xE530] =	vst v7;
	v6 =	vmov v11;
	s13 =	smov.u32 s14  }
0x1ba: {  	v7 =	vld [tilespmem:s13+$0xE530];
	_ =	sdelay $0x1  }
0x1bb: {  	s11 =	sadd.s32 $0x1, s11;
	v2 =	vadd.f32 v5, v2  }
0x1bc: {  	p0 =	sne.s32 s11, $0x14;
	v4 =	vadd.f32 v6, v4  }
.Ltmp16:
0x1bd: {  	s8 =	sadd.s32 s6, s12;
	[tilespmem:s13+$0xE500] =	vst v2;
	v1 =	vadd.f32 v1, v3;
	(pc) =	sbr.rel @p0 .LBB2_10-.Ltmp16, $4  }
0x1be: {  	s8 =	smul.u32 $0xC80, s8;
	[tilespmem:s13+$0xE510] =	vst v4;
	v0 =	vadd.f32 v0, v7  }
0x1bf: {  	[tilespmem:s13+$0xE520] =	vst v1  }
0x1c0: {  	s8 =	sadd.s32 s2, s8;
	[tilespmem:s13+$0xE530] =	vst v0  }
0x1c1: {  	[hbm4b:s8+s3] =	stream.linear.scatter [tilespmem:s18], [sflag:$0x4], $0x6400, $0x38;
	[tilespmem:$0x1C600] =	vst v63  }
0x1c2: {  	_ =	swait.ge [sflag:s23], $0x6400  }
0x1c3: {  	[sflag:s23] =	ssyncset.done $0x0  }
0x1c4: {  	[sflag:s23] =	ssyncadd.s32 $0xFFFF9C00  }
0x1c5: {  	_ =	swait.ge [sflag:s28], $0x6400  }
0x1c6: {  	[sflag:s28] =	ssyncset.done $0x0  }
0x1c7: {  	s8 =	simm.s32 $0x6660;
	[sflag:s28] =	ssyncadd.s32 $0xFFFF9C00  }
0x1c8: {  	[tilespmem:s18], [sflag:$0x1] =	stream.indirect.gather [hbm4b:s4+s17], $0x40, s8, s17, $0xb8;
	[tilespmem:$0x1C600] =	vst v63  }
0x1c9: {  	s16 =	simm.s32 $0x66C8  }
0x1ca: {  	[tilespmem:s20], [sflag:$0x1] =	stream.indirect.gather [hbm4b:s4+s17], $0x40, s16, s17, $0xb8;
	[tilespmem:$0x1C600] =	vst v63  }
0x1cb: {  	s29 =	simm.s32 $0x6730  }
0x1cc: {  	[tilespmem:s22], [sflag:$0x1] =	stream.indirect.gather [hbm4b:s4+s17], $0x40, s29, s17, $0xb8;
	[tilespmem:$0x1C600] =	vst v63  }
0x1cd: {  	s31 =	simm.s32 $0x6798;
	s11 =	simm.s32 $0x0  }
0x1ce: {  	[tilespmem:s24], [sflag:$0x1] =	stream.indirect.gather [hbm4b:s4+s17], $0x40, s31, s17, $0xb8;
	[tilespmem:$0x1C600] =	vst v63  }
0x1cf: {  	v5 =	vld [tilespmem:s11+$0x6800]  }
0x1d0: {  	v6 =	vld [tilespmem:s11+$0x6810]  }
0x1d1: {  	v1 =	vld [tilespmem:s11+$0x6820]  }
0x1d2: {  	v0 =	vld [tilespmem:s11+$0x6830]  }
0x1d3: {  	v2 =	vld [tilespmem:s11+$0xFE00]  }
0x1d4: {  	v4 =	vld [tilespmem:s11+$0xFE10]  }
0x1d5: {  	s12 =	simm.s32 $0x100;
	s8 =	simm.s32 $0x0;
	v3 =	vld [tilespmem:s11+$0xFE20]  }
.LBB2_36:
0x1d6: {  	s13 =	sshra.s32 s12, $0x2;
	p0 =	sne.s32 s12, $0x6300;
	v7 =	vld [tilespmem:s8+$0xFE30];
	v8 =	vmov v1  }
0x1d7: {  	v9 =	vld [tilespmem:s13+$0x6800];
	v10 =	vmov v0  }
0x1d8: {  	v11 =	vld [tilespmem:s13+$0x6810];
	v2 =	vadd.f32 v5, v2  }
.Ltmp17:
0x1d9: {  	v1 =	vld [tilespmem:s13+$0x6820];
	v4 =	vadd.f32 v6, v4;
	(pc) =	sbr.rel @p0 .LBB2_36-.Ltmp17, $4  }
0x1da: {  	v0 =	vld [tilespmem:s13+$0x6830];
	[tilespmem:s8+$0xFE00] =	vst v2;
	v3 =	vadd.f32 v8, v3  }
0x1db: {  	v2 =	vld [tilespmem:s13+$0xFE00];
	[tilespmem:s8+$0xFE10] =	vst v4;
	v7 =	vadd.f32 v10, v7  }
0x1dc: {  	v4 =	vld [tilespmem:s13+$0xFE10];
	[tilespmem:s8+$0xFE20] =	vst v3;
	v5 =	vmov v9  }
0x1dd: {  	s12 =	sadd.s32 $0x100, s12;
	v3 =	vld [tilespmem:s13+$0xFE20];
	[tilespmem:s8+$0xFE30] =	vst v7;
	v6 =	vmov v11;
	s8 =	smov.u32 s13  }
0x1de: {  	v7 =	vld [tilespmem:s8+$0xFE30];
	_ =	sdelay $0x1  }
0x1df: {  	v2 =	vadd.f32 v5, v2  }
0x1e0: {  	v4 =	vadd.f32 v6, v4  }
0x1e1: {  	[tilespmem:s8+$0xFE00] =	vst v2;
	v1 =	vadd.f32 v1, v3  }
0x1e2: {  	[tilespmem:s8+$0xFE10] =	vst v4;
	v0 =	vadd.f32 v0, v7  }
0x1e3: {  	[tilespmem:s8+$0xFE20] =	vst v1  }
0x1e4: {  	[tilespmem:s8+$0xFE30] =	vst v0  }
0x1e5: {  	v5 =	vld [tilespmem:s11+$0x8100]  }
0x1e6: {  	v6 =	vld [tilespmem:s11+$0x8110]  }
0x1e7: {  	v1 =	vld [tilespmem:s11+$0x8120]  }
0x1e8: {  	v0 =	vld [tilespmem:s11+$0x8130]  }
0x1e9: {  	v2 =	vld [tilespmem:s11+$0x11700]  }
0x1ea: {  	v4 =	vld [tilespmem:s11+$0x11710]  }
0x1eb: {  	s8 =	simm.s32 $0x100;
	v3 =	vld [tilespmem:s11+$0x11720]  }
.LBB2_38:
0x1ec: {  	s12 =	sshra.s32 s8, $0x2;
	p0 =	sne.s32 s8, $0x6300;
	v7 =	vld [tilespmem:s11+$0x11730];
	v8 =	vmov v1  }
0x1ed: {  	v9 =	vld [tilespmem:s12+$0x8100];
	v10 =	vmov v0  }
0x1ee: {  	v11 =	vld [tilespmem:s12+$0x8110];
	v2 =	vadd.f32 v5, v2  }
.Ltmp18:
0x1ef: {  	v1 =	vld [tilespmem:s12+$0x8120];
	v4 =	vadd.f32 v6, v4;
	(pc) =	sbr.rel @p0 .LBB2_38-.Ltmp18, $4  }
0x1f0: {  	v0 =	vld [tilespmem:s12+$0x8130];
	[tilespmem:s11+$0x11700] =	vst v2;
	v3 =	vadd.f32 v8, v3  }
0x1f1: {  	v2 =	vld [tilespmem:s12+$0x11700];
	[tilespmem:s11+$0x11710] =	vst v4;
	v7 =	vadd.f32 v10, v7  }
0x1f2: {  	v4 =	vld [tilespmem:s12+$0x11710];
	[tilespmem:s11+$0x11720] =	vst v3;
	v5 =	vmov v9  }
0x1f3: {  	s8 =	sadd.s32 $0x100, s8;
	v3 =	vld [tilespmem:s12+$0x11720];
	[tilespmem:s11+$0x11730] =	vst v7;
	v6 =	vmov v11;
	s11 =	smov.u32 s12  }
0x1f4: {  	v7 =	vld [tilespmem:s11+$0x11730];
	_ =	sdelay $0x1  }
0x1f5: {  	v2 =	vadd.f32 v5, v2  }
0x1f6: {  	v4 =	vadd.f32 v6, v4  }
0x1f7: {  	[tilespmem:s11+$0x11700] =	vst v2;
	v1 =	vadd.f32 v1, v3  }
0x1f8: {  	[tilespmem:s11+$0x11710] =	vst v4;
	v0 =	vadd.f32 v0, v7  }
0x1f9: {  	[tilespmem:s11+$0x11720] =	vst v1  }
0x1fa: {  	[tilespmem:s11+$0x11730] =	vst v0;
	s11 =	simm.s32 $0x0  }
0x1fb: {  	v5 =	vld [tilespmem:s11+$0x6800]  }
0x1fc: {  	v6 =	vld [tilespmem:s11+$0x6810]  }
0x1fd: {  	v1 =	vld [tilespmem:s11+$0x6820]  }
0x1fe: {  	v0 =	vld [tilespmem:s11+$0x6830]  }
0x1ff: {  	v2 =	vld [tilespmem:s11+$0x13000]  }
0x200: {  	v4 =	vld [tilespmem:s11+$0x13010]  }
0x201: {  	s12 =	simm.s32 $0x100;
	s8 =	simm.s32 $0x0;
	v3 =	vld [tilespmem:s11+$0x13020]  }
.LBB2_40:
0x202: {  	s13 =	sshra.s32 s12, $0x2;
	p0 =	sne.s32 s12, $0x6300;
	v7 =	vld [tilespmem:s8+$0x13030];
	v8 =	vmov v1  }
0x203: {  	v9 =	vld [tilespmem:s13+$0x6800];
	v10 =	vmov v0  }
0x204: {  	v11 =	vld [tilespmem:s13+$0x6810];
	v2 =	vadd.f32 v5, v2  }
.Ltmp19:
0x205: {  	v1 =	vld [tilespmem:s13+$0x6820];
	v4 =	vadd.f32 v6, v4;
	(pc) =	sbr.rel @p0 .LBB2_40-.Ltmp19, $4  }
0x206: {  	v0 =	vld [tilespmem:s13+$0x6830];
	[tilespmem:s8+$0x13000] =	vst v2;
	v3 =	vadd.f32 v8, v3  }
0x207: {  	v2 =	vld [tilespmem:s13+$0x13000];
	[tilespmem:s8+$0x13010] =	vst v4;
	v7 =	vadd.f32 v10, v7  }
0x208: {  	v4 =	vld [tilespmem:s13+$0x13010];
	[tilespmem:s8+$0x13020] =	vst v3;
	v5 =	vmov v9  }
0x209: {  	s12 =	sadd.s32 $0x100, s12;
	v3 =	vld [tilespmem:s13+$0x13020];
	[tilespmem:s8+$0x13030] =	vst v7;
	v6 =	vmov v11;
	s8 =	smov.u32 s13  }
0x20a: {  	v7 =	vld [tilespmem:s8+$0x13030];
	_ =	sdelay $0x1  }
0x20b: {  	v2 =	vadd.f32 v5, v2  }
0x20c: {  	v4 =	vadd.f32 v6, v4  }
0x20d: {  	[tilespmem:s8+$0x13000] =	vst v2;
	v1 =	vadd.f32 v1, v3  }
0x20e: {  	[tilespmem:s8+$0x13010] =	vst v4;
	v0 =	vadd.f32 v0, v7  }
0x20f: {  	[tilespmem:s8+$0x13020] =	vst v1  }
0x210: {  	[tilespmem:s8+$0x13030] =	vst v0  }
0x211: {  	v5 =	vld [tilespmem:s11+$0x8100]  }
0x212: {  	v6 =	vld [tilespmem:s11+$0x8110]  }
0x213: {  	v1 =	vld [tilespmem:s11+$0x8120]  }
0x214: {  	v0 =	vld [tilespmem:s11+$0x8130]  }
0x215: {  	v2 =	vld [tilespmem:s11+$0x14900]  }
0x216: {  	v4 =	vld [tilespmem:s11+$0x14910]  }
0x217: {  	s8 =	simm.s32 $0x100;
	v3 =	vld [tilespmem:s11+$0x14920]  }
.LBB2_42:
0x218: {  	s12 =	sshra.s32 s8, $0x2;
	p0 =	sne.s32 s8, $0x6300;
	v7 =	vld [tilespmem:s11+$0x14930];
	v8 =	vmov v1  }
0x219: {  	v9 =	vld [tilespmem:s12+$0x8100];
	v10 =	vmov v0  }
0x21a: {  	v11 =	vld [tilespmem:s12+$0x8110];
	v2 =	vadd.f32 v5, v2  }
.Ltmp20:
0x21b: {  	v1 =	vld [tilespmem:s12+$0x8120];
	v4 =	vadd.f32 v6, v4;
	(pc) =	sbr.rel @p0 .LBB2_42-.Ltmp20, $4  }
0x21c: {  	v0 =	vld [tilespmem:s12+$0x8130];
	[tilespmem:s11+$0x14900] =	vst v2;
	v3 =	vadd.f32 v8, v3  }
0x21d: {  	v2 =	vld [tilespmem:s12+$0x14900];
	[tilespmem:s11+$0x14910] =	vst v4;
	v7 =	vadd.f32 v10, v7  }
0x21e: {  	v4 =	vld [tilespmem:s12+$0x14910];
	[tilespmem:s11+$0x14920] =	vst v3;
	v5 =	vmov v9  }
0x21f: {  	s8 =	sadd.s32 $0x100, s8;
	v3 =	vld [tilespmem:s12+$0x14920];
	[tilespmem:s11+$0x14930] =	vst v7;
	v6 =	vmov v11;
	s11 =	smov.u32 s12  }
0x220: {  	v7 =	vld [tilespmem:s11+$0x14930];
	_ =	sdelay $0x1  }
0x221: {  	v2 =	vadd.f32 v5, v2  }
0x222: {  	v4 =	vadd.f32 v6, v4  }
0x223: {  	[tilespmem:s11+$0x14900] =	vst v2;
	v1 =	vadd.f32 v1, v3  }
0x224: {  	[tilespmem:s11+$0x14910] =	vst v4;
	v0 =	vadd.f32 v0, v7  }
0x225: {  	[tilespmem:s11+$0x14920] =	vst v1  }
0x226: {  	s8 =	simm.s32 $0x0;
	s31 =	rddreg [dreg:$0x6];
	[tilespmem:s11+$0x14930] =	vst v0  }
0x227: {  	[hbm4b:s31+s8] =	stream.linear.scatter [tilespmem:s26], [sflag:$0x5], $0x6400, $0x38;
	[tilespmem:$0x1C600] =	vst v63  }
0x228: {  	_ =	swait.ge [sflag:s1], $0x6400  }
0x229: {  	[sflag:s1] =	ssyncset.done $0x0  }
0x22a: {  	s11 =	simm.s32 $0x0;
	[sflag:s1] =	ssyncadd.s32 $0xFFFF9C00  }
0x22b: {  	v5 =	vld [tilespmem:s11+$0x6800]  }
0x22c: {  	v6 =	vld [tilespmem:s11+$0x6810]  }
0x22d: {  	v1 =	vld [tilespmem:s11+$0x6820]  }
0x22e: {  	v0 =	vld [tilespmem:s11+$0x6830]  }
0x22f: {  	v2 =	vld [tilespmem:s11+$0x16200]  }
0x230: {  	v4 =	vld [tilespmem:s11+$0x16210]  }
0x231: {  	s12 =	simm.s32 $0x100;
	s8 =	simm.s32 $0x0;
	v3 =	vld [tilespmem:s11+$0x16220]  }
.LBB2_44:
0x232: {  	s13 =	sshra.s32 s12, $0x2;
	p0 =	sne.s32 s12, $0x6300;
	v7 =	vld [tilespmem:s8+$0x16230];
	v8 =	vmov v1  }
0x233: {  	v9 =	vld [tilespmem:s13+$0x6800];
	v10 =	vmov v0  }
0x234: {  	v11 =	vld [tilespmem:s13+$0x6810];
	v2 =	vadd.f32 v5, v2  }
.Ltmp21:
0x235: {  	v1 =	vld [tilespmem:s13+$0x6820];
	v4 =	vadd.f32 v6, v4;
	(pc) =	sbr.rel @p0 .LBB2_44-.Ltmp21, $4  }
0x236: {  	v0 =	vld [tilespmem:s13+$0x6830];
	[tilespmem:s8+$0x16200] =	vst v2;
	v3 =	vadd.f32 v8, v3  }
0x237: {  	v2 =	vld [tilespmem:s13+$0x16200];
	[tilespmem:s8+$0x16210] =	vst v4;
	v7 =	vadd.f32 v10, v7  }
0x238: {  	v4 =	vld [tilespmem:s13+$0x16210];
	[tilespmem:s8+$0x16220] =	vst v3;
	v5 =	vmov v9  }
0x239: {  	s12 =	sadd.s32 $0x100, s12;
	v3 =	vld [tilespmem:s13+$0x16220];
	[tilespmem:s8+$0x16230] =	vst v7;
	v6 =	vmov v11;
	s8 =	smov.u32 s13  }
0x23a: {  	v7 =	vld [tilespmem:s8+$0x16230];
	_ =	sdelay $0x1  }
0x23b: {  	v2 =	vadd.f32 v5, v2  }
0x23c: {  	v4 =	vadd.f32 v6, v4  }
0x23d: {  	[tilespmem:s8+$0x16200] =	vst v2;
	v1 =	vadd.f32 v1, v3  }
0x23e: {  	[tilespmem:s8+$0x16210] =	vst v4;
	v0 =	vadd.f32 v0, v7  }
0x23f: {  	[tilespmem:s8+$0x16220] =	vst v1  }
0x240: {  	[tilespmem:s8+$0x16230] =	vst v0  }
0x241: {  	v5 =	vld [tilespmem:s11+$0x8100]  }
0x242: {  	v6 =	vld [tilespmem:s11+$0x8110]  }
0x243: {  	v1 =	vld [tilespmem:s11+$0x8120]  }
0x244: {  	v0 =	vld [tilespmem:s11+$0x8130]  }
0x245: {  	v2 =	vld [tilespmem:s11+$0x17B00]  }
0x246: {  	v4 =	vld [tilespmem:s11+$0x17B10]  }
0x247: {  	s8 =	simm.s32 $0x100;
	v3 =	vld [tilespmem:s11+$0x17B20]  }
.LBB2_46:
0x248: {  	s12 =	sshra.s32 s8, $0x2;
	p0 =	sne.s32 s8, $0x6300;
	v7 =	vld [tilespmem:s11+$0x17B30];
	v8 =	vmov v1  }
0x249: {  	v9 =	vld [tilespmem:s12+$0x8100];
	v10 =	vmov v0  }
0x24a: {  	v11 =	vld [tilespmem:s12+$0x8110];
	v2 =	vadd.f32 v5, v2  }
.Ltmp22:
0x24b: {  	v1 =	vld [tilespmem:s12+$0x8120];
	v4 =	vadd.f32 v6, v4;
	(pc) =	sbr.rel @p0 .LBB2_46-.Ltmp22, $4  }
0x24c: {  	v0 =	vld [tilespmem:s12+$0x8130];
	[tilespmem:s11+$0x17B00] =	vst v2;
	v3 =	vadd.f32 v8, v3  }
0x24d: {  	v2 =	vld [tilespmem:s12+$0x17B00];
	[tilespmem:s11+$0x17B10] =	vst v4;
	v7 =	vadd.f32 v10, v7  }
0x24e: {  	v4 =	vld [tilespmem:s12+$0x17B10];
	[tilespmem:s11+$0x17B20] =	vst v3;
	v5 =	vmov v9  }
0x24f: {  	s8 =	sadd.s32 $0x100, s8;
	v3 =	vld [tilespmem:s12+$0x17B20];
	[tilespmem:s11+$0x17B30] =	vst v7;
	v6 =	vmov v11;
	s11 =	smov.u32 s12  }
0x250: {  	v7 =	vld [tilespmem:s11+$0x17B30];
	_ =	sdelay $0x1  }
0x251: {  	v2 =	vadd.f32 v5, v2  }
0x252: {  	v4 =	vadd.f32 v6, v4  }
0x253: {  	[tilespmem:s11+$0x17B00] =	vst v2;
	v1 =	vadd.f32 v1, v3  }
0x254: {  	[tilespmem:s11+$0x17B10] =	vst v4;
	v0 =	vadd.f32 v0, v7  }
0x255: {  	[tilespmem:s11+$0x17B20] =	vst v1  }
0x256: {  	[tilespmem:s11+$0x17B30] =	vst v0;
	s11 =	simm.s32 $0x0  }
0x257: {  	v5 =	vld [tilespmem:s11+$0x6800]  }
0x258: {  	v6 =	vld [tilespmem:s11+$0x6810]  }
0x259: {  	v1 =	vld [tilespmem:s11+$0x6820]  }
0x25a: {  	v0 =	vld [tilespmem:s11+$0x6830]  }
0x25b: {  	v2 =	vld [tilespmem:s11+$0x19400]  }
0x25c: {  	v4 =	vld [tilespmem:s11+$0x19410]  }
0x25d: {  	s12 =	simm.s32 $0x100;
	s8 =	simm.s32 $0x0;
	v3 =	vld [tilespmem:s11+$0x19420]  }
.LBB2_48:
0x25e: {  	s13 =	sshra.s32 s12, $0x2;
	p0 =	sne.s32 s12, $0x6300;
	v7 =	vld [tilespmem:s8+$0x19430];
	v8 =	vmov v1  }
0x25f: {  	v9 =	vld [tilespmem:s13+$0x6800];
	v10 =	vmov v0  }
0x260: {  	v11 =	vld [tilespmem:s13+$0x6810];
	v2 =	vadd.f32 v5, v2  }
.Ltmp23:
0x261: {  	v1 =	vld [tilespmem:s13+$0x6820];
	v4 =	vadd.f32 v6, v4;
	(pc) =	sbr.rel @p0 .LBB2_48-.Ltmp23, $4  }
0x262: {  	v0 =	vld [tilespmem:s13+$0x6830];
	[tilespmem:s8+$0x19400] =	vst v2;
	v3 =	vadd.f32 v8, v3  }
0x263: {  	v2 =	vld [tilespmem:s13+$0x19400];
	[tilespmem:s8+$0x19410] =	vst v4;
	v7 =	vadd.f32 v10, v7  }
0x264: {  	v4 =	vld [tilespmem:s13+$0x19410];
	[tilespmem:s8+$0x19420] =	vst v3;
	v5 =	vmov v9  }
0x265: {  	s12 =	sadd.s32 $0x100, s12;
	v3 =	vld [tilespmem:s13+$0x19420];
	[tilespmem:s8+$0x19430] =	vst v7;
	v6 =	vmov v11;
	s8 =	smov.u32 s13  }
0x266: {  	v7 =	vld [tilespmem:s8+$0x19430];
	_ =	sdelay $0x1  }
0x267: {  	v2 =	vadd.f32 v5, v2  }
0x268: {  	v4 =	vadd.f32 v6, v4  }
0x269: {  	[tilespmem:s8+$0x19400] =	vst v2;
	v1 =	vadd.f32 v1, v3  }
0x26a: {  	[tilespmem:s8+$0x19410] =	vst v4;
	v0 =	vadd.f32 v0, v7  }
0x26b: {  	[tilespmem:s8+$0x19420] =	vst v1  }
0x26c: {  	[tilespmem:s8+$0x19430] =	vst v0  }
0x26d: {  	v5 =	vld [tilespmem:s11+$0x8100]  }
0x26e: {  	v6 =	vld [tilespmem:s11+$0x8110]  }
0x26f: {  	v1 =	vld [tilespmem:s11+$0x8120]  }
0x270: {  	v0 =	vld [tilespmem:s11+$0x8130]  }
0x271: {  	v2 =	vld [tilespmem:s11+$0x1AD00]  }
0x272: {  	v4 =	vld [tilespmem:s11+$0x1AD10]  }
0x273: {  	s8 =	simm.s32 $0x100;
	v3 =	vld [tilespmem:s11+$0x1AD20]  }
.LBB2_50:
0x274: {  	s12 =	sshra.s32 s8, $0x2;
	p0 =	sne.s32 s8, $0x6300;
	v7 =	vld [tilespmem:s11+$0x1AD30];
	v8 =	vmov v1  }
0x275: {  	v9 =	vld [tilespmem:s12+$0x8100];
	v10 =	vmov v0  }
0x276: {  	v11 =	vld [tilespmem:s12+$0x8110];
	v2 =	vadd.f32 v5, v2  }
.Ltmp24:
0x277: {  	v1 =	vld [tilespmem:s12+$0x8120];
	v4 =	vadd.f32 v6, v4;
	(pc) =	sbr.rel @p0 .LBB2_50-.Ltmp24, $4  }
0x278: {  	v0 =	vld [tilespmem:s12+$0x8130];
	[tilespmem:s11+$0x1AD00] =	vst v2;
	v3 =	vadd.f32 v8, v3  }
0x279: {  	v2 =	vld [tilespmem:s12+$0x1AD00];
	[tilespmem:s11+$0x1AD10] =	vst v4;
	v7 =	vadd.f32 v10, v7  }
0x27a: {  	v4 =	vld [tilespmem:s12+$0x1AD10];
	[tilespmem:s11+$0x1AD20] =	vst v3;
	v5 =	vmov v9  }
0x27b: {  	s8 =	sadd.s32 $0x100, s8;
	v3 =	vld [tilespmem:s12+$0x1AD20];
	[tilespmem:s11+$0x1AD30] =	vst v7;
	v6 =	vmov v11;
	s11 =	smov.u32 s12  }
0x27c: {  	v7 =	vld [tilespmem:s11+$0x1AD30];
	_ =	sdelay $0x1  }
0x27d: {  	v2 =	vadd.f32 v5, v2  }
0x27e: {  	v4 =	vadd.f32 v6, v4  }
0x27f: {  	[tilespmem:s11+$0x1AD00] =	vst v2;
	v1 =	vadd.f32 v1, v3  }
0x280: {  	[tilespmem:s11+$0x1AD10] =	vst v4;
	v0 =	vadd.f32 v0, v7  }
0x281: {  	[tilespmem:s11+$0x1AD20] =	vst v1  }
0x282: {  	s8 =	simm.s32 $0x0;
	s31 =	rddreg [dreg:$0x7];
	[tilespmem:s11+$0x1AD30] =	vst v0  }
0x283: {  	[hbm4b:s31+s8] =	stream.linear.scatter [tilespmem:s21], [sflag:$0x6], $0x6400, $0x38;
	[tilespmem:$0x1C600] =	vst v63  }
0x284: {  	_ =	swait.ge [sflag:s15], $0x6400  }
0x285: {  	[sflag:s15] =	ssyncset.done $0x0  }
0x286: {  	s11 =	simm.s32 $0x0;
	[sflag:s15] =	ssyncadd.s32 $0xFFFF9C00  }
0x287: {  	v5 =	vld [tilespmem:s11+$0x6800]  }
0x288: {  	v6 =	vld [tilespmem:s11+$0x6810]  }
0x289: {  	v1 =	vld [tilespmem:s11+$0x6820]  }
0x28a: {  	v0 =	vld [tilespmem:s11+$0x6830]  }
0x28b: {  	v2 =	vld [tilespmem:s11+$0x9A00]  }
0x28c: {  	v4 =	vld [tilespmem:s11+$0x9A10]  }
0x28d: {  	s12 =	simm.s32 $0x100;
	s8 =	simm.s32 $0x0;
	v3 =	vld [tilespmem:s11+$0x9A20]  }
.LBB2_52:
0x28e: {  	s13 =	sshra.s32 s12, $0x2;
	p0 =	sne.s32 s12, $0x6300;
	v7 =	vld [tilespmem:s8+$0x9A30];
	v8 =	vmov v1  }
0x28f: {  	v9 =	vld [tilespmem:s13+$0x6800];
	v10 =	vmov v0  }
0x290: {  	v11 =	vld [tilespmem:s13+$0x6810];
	v2 =	vadd.f32 v5, v2  }
.Ltmp25:
0x291: {  	v1 =	vld [tilespmem:s13+$0x6820];
	v4 =	vadd.f32 v6, v4;
	(pc) =	sbr.rel @p0 .LBB2_52-.Ltmp25, $4  }
0x292: {  	v0 =	vld [tilespmem:s13+$0x6830];
	[tilespmem:s8+$0x9A00] =	vst v2;
	v3 =	vadd.f32 v8, v3  }
0x293: {  	v2 =	vld [tilespmem:s13+$0x9A00];
	[tilespmem:s8+$0x9A10] =	vst v4;
	v7 =	vadd.f32 v10, v7  }
0x294: {  	v4 =	vld [tilespmem:s13+$0x9A10];
	[tilespmem:s8+$0x9A20] =	vst v3;
	v5 =	vmov v9  }
0x295: {  	s12 =	sadd.s32 $0x100, s12;
	v3 =	vld [tilespmem:s13+$0x9A20];
	[tilespmem:s8+$0x9A30] =	vst v7;
	v6 =	vmov v11;
	s8 =	smov.u32 s13  }
0x296: {  	v7 =	vld [tilespmem:s8+$0x9A30];
	_ =	sdelay $0x1  }
0x297: {  	v2 =	vadd.f32 v5, v2  }
0x298: {  	v4 =	vadd.f32 v6, v4  }
0x299: {  	[tilespmem:s8+$0x9A00] =	vst v2;
	v1 =	vadd.f32 v1, v3  }
0x29a: {  	[tilespmem:s8+$0x9A10] =	vst v4;
	v0 =	vadd.f32 v0, v7  }
0x29b: {  	[tilespmem:s8+$0x9A20] =	vst v1  }
0x29c: {  	[tilespmem:s8+$0x9A30] =	vst v0  }
0x29d: {  	v5 =	vld [tilespmem:s11+$0x8100]  }
0x29e: {  	v6 =	vld [tilespmem:s11+$0x8110]  }
0x29f: {  	v1 =	vld [tilespmem:s11+$0x8120]  }
0x2a0: {  	v0 =	vld [tilespmem:s11+$0x8130]  }
0x2a1: {  	v2 =	vld [tilespmem:s11+$0xB300]  }
0x2a2: {  	v4 =	vld [tilespmem:s11+$0xB310]  }
0x2a3: {  	s8 =	simm.s32 $0x100;
	v3 =	vld [tilespmem:s11+$0xB320]  }
.LBB2_54:
0x2a4: {  	s12 =	sshra.s32 s8, $0x2;
	p0 =	sne.s32 s8, $0x6300;
	v7 =	vld [tilespmem:s11+$0xB330];
	v8 =	vmov v1  }
0x2a5: {  	v9 =	vld [tilespmem:s12+$0x8100];
	v10 =	vmov v0  }
0x2a6: {  	v11 =	vld [tilespmem:s12+$0x8110];
	v2 =	vadd.f32 v5, v2  }
.Ltmp26:
0x2a7: {  	v1 =	vld [tilespmem:s12+$0x8120];
	v4 =	vadd.f32 v6, v4;
	(pc) =	sbr.rel @p0 .LBB2_54-.Ltmp26, $4  }
0x2a8: {  	v0 =	vld [tilespmem:s12+$0x8130];
	[tilespmem:s11+$0xB300] =	vst v2;
	v3 =	vadd.f32 v8, v3  }
0x2a9: {  	v2 =	vld [tilespmem:s12+$0xB300];
	[tilespmem:s11+$0xB310] =	vst v4;
	v7 =	vadd.f32 v10, v7  }
0x2aa: {  	v4 =	vld [tilespmem:s12+$0xB310];
	[tilespmem:s11+$0xB320] =	vst v3;
	v5 =	vmov v9  }
0x2ab: {  	s8 =	sadd.s32 $0x100, s8;
	v3 =	vld [tilespmem:s12+$0xB320];
	[tilespmem:s11+$0xB330] =	vst v7;
	v6 =	vmov v11;
	s11 =	smov.u32 s12  }
0x2ac: {  	v7 =	vld [tilespmem:s11+$0xB330];
	_ =	sdelay $0x1  }
0x2ad: {  	v2 =	vadd.f32 v5, v2  }
0x2ae: {  	v4 =	vadd.f32 v6, v4  }
0x2af: {  	[tilespmem:s11+$0xB300] =	vst v2;
	v1 =	vadd.f32 v1, v3  }
0x2b0: {  	[tilespmem:s11+$0xB310] =	vst v4;
	v0 =	vadd.f32 v0, v7  }
0x2b1: {  	[tilespmem:s11+$0xB320] =	vst v1  }
0x2b2: {  	[tilespmem:s11+$0xB330] =	vst v0;
	s11 =	simm.s32 $0x0  }
0x2b3: {  	v5 =	vld [tilespmem:s11+$0x6800]  }
0x2b4: {  	v6 =	vld [tilespmem:s11+$0x6810]  }
0x2b5: {  	v1 =	vld [tilespmem:s11+$0x6820]  }
0x2b6: {  	v0 =	vld [tilespmem:s11+$0x6830]  }
0x2b7: {  	v2 =	vld [tilespmem:s11+$0xCC00]  }
0x2b8: {  	v4 =	vld [tilespmem:s11+$0xCC10]  }
0x2b9: {  	s12 =	simm.s32 $0x100;
	s8 =	simm.s32 $0x0;
	v3 =	vld [tilespmem:s11+$0xCC20]  }
.LBB2_56:
0x2ba: {  	s13 =	sshra.s32 s12, $0x2;
	p0 =	sne.s32 s12, $0x6300;
	v7 =	vld [tilespmem:s8+$0xCC30];
	v8 =	vmov v1  }
0x2bb: {  	v9 =	vld [tilespmem:s13+$0x6800];
	v10 =	vmov v0  }
0x2bc: {  	v11 =	vld [tilespmem:s13+$0x6810];
	v2 =	vadd.f32 v5, v2  }
.Ltmp27:
0x2bd: {  	v1 =	vld [tilespmem:s13+$0x6820];
	v4 =	vadd.f32 v6, v4;
	(pc) =	sbr.rel @p0 .LBB2_56-.Ltmp27, $4  }
0x2be: {  	v0 =	vld [tilespmem:s13+$0x6830];
	[tilespmem:s8+$0xCC00] =	vst v2;
	v3 =	vadd.f32 v8, v3  }
0x2bf: {  	v2 =	vld [tilespmem:s13+$0xCC00];
	[tilespmem:s8+$0xCC10] =	vst v4;
	v7 =	vadd.f32 v10, v7  }
0x2c0: {  	v4 =	vld [tilespmem:s13+$0xCC10];
	[tilespmem:s8+$0xCC20] =	vst v3;
	v5 =	vmov v9  }
0x2c1: {  	s12 =	sadd.s32 $0x100, s12;
	v3 =	vld [tilespmem:s13+$0xCC20];
	[tilespmem:s8+$0xCC30] =	vst v7;
	v6 =	vmov v11;
	s8 =	smov.u32 s13  }
0x2c2: {  	v7 =	vld [tilespmem:s8+$0xCC30];
	_ =	sdelay $0x1  }
0x2c3: {  	v2 =	vadd.f32 v5, v2  }
0x2c4: {  	v4 =	vadd.f32 v6, v4  }
0x2c5: {  	[tilespmem:s8+$0xCC00] =	vst v2;
	v1 =	vadd.f32 v1, v3  }
0x2c6: {  	[tilespmem:s8+$0xCC10] =	vst v4;
	v0 =	vadd.f32 v0, v7  }
0x2c7: {  	[tilespmem:s8+$0xCC20] =	vst v1  }
0x2c8: {  	[tilespmem:s8+$0xCC30] =	vst v0  }
0x2c9: {  	v5 =	vld [tilespmem:s11+$0x8100]  }
0x2ca: {  	v6 =	vld [tilespmem:s11+$0x8110]  }
0x2cb: {  	v1 =	vld [tilespmem:s11+$0x8120]  }
0x2cc: {  	v0 =	vld [tilespmem:s11+$0x8130]  }
0x2cd: {  	v2 =	vld [tilespmem:s11+$0xE500]  }
0x2ce: {  	v4 =	vld [tilespmem:s11+$0xE510]  }
0x2cf: {  	s8 =	simm.s32 $0x100;
	v3 =	vld [tilespmem:s11+$0xE520]  }
.LBB2_58:
0x2d0: {  	s12 =	sshra.s32 s8, $0x2;
	p0 =	sne.s32 s8, $0x6300;
	v7 =	vld [tilespmem:s11+$0xE530];
	v8 =	vmov v1  }
0x2d1: {  	v9 =	vld [tilespmem:s12+$0x8100];
	v10 =	vmov v0  }
0x2d2: {  	v11 =	vld [tilespmem:s12+$0x8110];
	v2 =	vadd.f32 v5, v2  }
.Ltmp28:
0x2d3: {  	v1 =	vld [tilespmem:s12+$0x8120];
	v4 =	vadd.f32 v6, v4;
	(pc) =	sbr.rel @p0 .LBB2_58-.Ltmp28, $4  }
0x2d4: {  	v0 =	vld [tilespmem:s12+$0x8130];
	[tilespmem:s11+$0xE500] =	vst v2;
	v3 =	vadd.f32 v8, v3  }
0x2d5: {  	v2 =	vld [tilespmem:s12+$0xE500];
	[tilespmem:s11+$0xE510] =	vst v4;
	v7 =	vadd.f32 v10, v7  }
0x2d6: {  	v4 =	vld [tilespmem:s12+$0xE510];
	[tilespmem:s11+$0xE520] =	vst v3;
	v5 =	vmov v9  }
0x2d7: {  	s8 =	sadd.s32 $0x100, s8;
	v3 =	vld [tilespmem:s12+$0xE520];
	[tilespmem:s11+$0xE530] =	vst v7;
	v6 =	vmov v11;
	s11 =	smov.u32 s12  }
0x2d8: {  	v7 =	vld [tilespmem:s11+$0xE530];
	_ =	sdelay $0x1  }
0x2d9: {  	v2 =	vadd.f32 v5, v2  }
0x2da: {  	v4 =	vadd.f32 v6, v4  }
0x2db: {  	[tilespmem:s11+$0xE500] =	vst v2;
	v1 =	vadd.f32 v1, v3  }
0x2dc: {  	[tilespmem:s11+$0xE510] =	vst v4;
	v0 =	vadd.f32 v0, v7  }
0x2dd: {  	[tilespmem:s11+$0xE520] =	vst v1  }
0x2de: {  	s8 =	rddreg [dreg:$0x8];
	[tilespmem:s11+$0xE530] =	vst v0  }
0x2df: {  	[hbm4b:s8+s3] =	stream.linear.scatter [tilespmem:s18], [sflag:$0x4], $0x6400, $0x38;
	[tilespmem:$0x1C600] =	vst v63  }
0x2e0: {  	_ =	swait.ge [sflag:s28], $0x6400  }
0x2e1: {  	[sflag:s28] =	ssyncset.done $0x0  }
0x2e2: {  	[sflag:s28] =	ssyncadd.s32 $0xFFFF9C00  }
0x2e3: {  	_ =	swait.ge [sflag:s5], $0x6400  }
0x2e4: {  	[sflag:s5] =	ssyncset.done $0x0  }
0x2e5: {  	[sflag:s5] =	ssyncadd.s32 $0xFFFF9C00  }
0x2e6: {  	_ =	swait.ge [sflag:s7], $0x6400  }
0x2e7: {  	s29 =	rddreg [dreg:$0xa]  }
0x2e8: {  	s31 =	rddreg [dreg:$0x9];
	s11 =	sadd.s32 $0x1, s29  }
0x2e9: {  	p0 =	sne.s32 s11, s31  }
.Ltmp29:
0x2ea: {  	_ = 	snop;
	(pc) =	sbr.rel @p0 .LBB2_1-.Ltmp29, $3  }
0x2eb: {  	_ =	sdelay $0x1  }
0x2ec: {  	[sflag:s7] =	ssyncset.done $0x0  }
0x2ed: {  	[sflag:s7] =	ssyncadd.s32 $0xFFFF9C00  }
0x2ee: {  	_ =	sfence.sel $0x180000  }
0x2ef: {  	[bflag:$0x0] =	sbarrier.arrive $0xFFFF  }
0x2f0: {  	_ =	strace $0x90000047  }
0x2f1: {  	s0 =	stileid.u32;
	[bflag:$0x2] =	sbarrier.arrive $0xFFFF  }
0x2f2: {  	p0 =	sne.s32 s0, $0x0;
	s0 =	rddreg [dreg:$0x2]  }
0x2f3: {  	s0 =	sadd.s32 @!p0 $0x100000, s0  }
0x2f4: {  	[sflag:s0] =	ssyncadd.tile.s32 @!p0 $0x1;
	_ =	shalt  }
.Lfunc_end2:
_tile_overlayer_lowered:
.L_overlay_start_2:
0x2f5: {  	(tag) =	ssettag $0x2  }
0x2f6: {  	s0 =	rddreg [dreg:$0x0];
	s2 =	stileid.u32  }
0x2f7: {  	s1 =	rddreg [dreg:$0x1];
	p0 =	sne.s32 s2, $0x0  }
0x2f8: {  	s3 =	rddreg [dreg:$0x2];
	[bflag:$0x3] =	sbarrier.arrive $0xFFFF;
	s2 =	simm.s32 @!p0 $0x1C07  }
0x2f9: {  	[timem:s3], [sflag:s2] =	dma.local @!p0 [hbm:s0], s1  }
0x2fa: {  	s0 =	simm.s32 @!p0 $0x7  }
0x2fb: {  	_ =	swait.ge @!p0 [sflag:s0], s1  }
0x2fc: {  	s1 =	ssub.s32 @!p0 $0x0, s1;
	[sflag:s0] =	ssyncset.done @!p0 $0x0  }
0x2fd: {  	[sflag:s0] =	ssyncadd.s32 @!p0 s1  }
0x2fe: {  	[bflag:$0x3] =	sbarrier.arrive $0xFFFF  }
0x2ff: {  	_ =	shalt  }

// kernel: sparse-core-data-format-call.cloned.1.call-start
scs
called_computation_lowered:
.L_overlay_start_0:
0x0: {  	s2 =	sld [smem:$0x3FD9]  }
0x1: {  	s3 =	sld [smem:$0x3FFE];
	_ =	sdelay $0x1  }
0x2: {  	s1 =	srdreg.scid  }
0x3: {  	s0 =	sand.u32 $0x1, s1  }
0x4: {  	s18 =	sshll.u32 s0, $0xA;
	s2 =	sadd.s32 s3, s2  }
0x5: {  	s2 =	sadd.s32 s2, s18  }
0x6: {  	[smem:$0x3FC5] =	sst s2  }
0x7: {  	_ = 	snop  }
0x8: {  	s2 =	sld [smem:$0x3FD0];
	(tm) =	ssettm $0x1  }
0x9: {  	s19 =	sld [smem:$0x3FFB];
	_ =	sdelay $0x3  }
0xa: {  	_ =	strace s19  }
0xb: {  	s3 =	sld [smem:$0x3FFC];
	_ =	sdelay $0x3  }
0xc: {  	_ =	strace s3  }
0xd: {  	s3 =	sld [smem:$0x3FFD];
	_ =	sdelay $0x3  }
0xe: {  	_ =	strace s3  }
0xf: {  	_ =	strace $0x8FFFFFFF  }
0x10: {  	s20 =	sld [smem:$0x3FDB];
	_ =	sdelay $0x1  }
0x11: {  	s4 =	simm.s32 $_scs_section_size  }
0x12: {  	s5 =	simm.s32 $_size__tile_overlayer_lowered;
	s6 =	simm.s32 $_tile_overlayer_lowered  }
0x13: {  	s23 =	simm.s32 $0x1BFF;
	s22 =	sshll.u32 s6, $0x1;
	s3 =	sadd.s32 s4, s20  }
0x14: {  	s7 =	simm.s32 $0x0;
	s21 =	sshll.u32 s5, $0x1;
	s5 =	sadd.s32 s22, s3  }
0x15: {  	[timem:s7], [sflag:s23] =	dma.local [hbm:s5], s21  }
0x16: {  	_ =	swait.ge [sflag:s23], s21  }
0x17: {  	s4 =	ssub.s32 $0x0, s21;
	[sflag:s23] =	ssyncset.done $0x0  }
0x18: {  	[sflag:s23] =	ssyncadd.s32 s4;
	_ =	sdelay $0x1  }
0x19: {  	s24 =	simm.s32 $0x1B8B  }
0x1a: {  	_ =	swait.ge [sflag:s24], $0x1  }
0x1b: {  	[sflag:s24] =	ssyncset.done $0x0  }
0x1c: {  	s26 =	simm.s32 $0x1B8E;
	s25 =	sld [smem:$0x3FFE];
	[sflag:s24] =	ssyncadd.s32 $0xFFFFFFFF  }
0x1d: {  	s27 =	simm.s32 $execute0_lowered;
	[smem:$0x3FD2] =	sst s26  }
0x1e: {  	s5 =	sshll.u32 s27, $0x1;
	_ =	strace $0x80000049;
	[dreg:$0x1] =	wrdreg $0xFFFFFFFF  }
0x1f: {  	s28 =	simm.s32 $_size_execute0_lowered;
	s3 =	sadd.s32 s3, s5;
	[dreg:$0x0] =	wrdreg $0x0  }
0x20: {  	s5 =	sshll.u32 s28, $0x1;
	[dreg:$0x2] =	wrdreg s3  }
0x21: {  	[dreg:$0x3] =	wrdreg s5  }
0x22: {  	[dreg:$0x4] =	wrdreg $0xC0  }
0x23: {  	_ =	task [dreg:s7], $0x5FFFF  }
0x24: {  	[dreg:$0x1] =	wrdreg $0xFFFFFFFF  }
0x25: {  	[dreg:$0x0] =	wrdreg $0x60  }
0x26: {  	[dreg:$0x2] =	wrdreg s25  }
0x27: {  	[dreg:$0x3] =	wrdreg s2  }
0x28: {  	[dreg:$0x4] =	wrdreg $0x9  }
0x29: {  	_ =	task.clear_ibuf [dreg:s7], $0x5FFFF;
	_ =	strace $0x90000049  }
0x2a: {  	s29 =	simm.s32 $0x9;
	_ =	strace $0x8000004B  }
0x2b: {  	_ =	swait.ge [sflag:s29], $0x1  }
0x2c: {  	[sflag:s29] =	ssyncadd.s32 $0xFFFFFFFF  }
0x2d: {  	_ =	strace $0x9000004B  }
0x2e: {  	_ =	sfence  }
0x2f: {  	s30 =	sld [smem:$0x0];
	_ =	sdelay $0x2  }
0x30: {  	s31 =	sshll.u32 s1, $0xD;
	s1 =	sshrl.u32 s1, $0x2  }
0x31: {  	s3 =	sand.u32 $0x4000, s31;
	s1 =	sadd.s32 s1, s30  }
0x32: {  	s0 =	sor.u32 s3, s0;
	s1 =	sshll.u32 s1, $0x11  }
0x33: {  	s0 =	sor.u32 s1, s0  }
0x34: {  	s0 =	sadd.s32 $0x8F2B, s0  }
0x35: {  	[sflag:s0] =	ssyncadd.remote.s32 $0x1  }
0x36: {  	_ =	sfence.sel $0xFFFF  }
0x37: {  	[dreg:$0x0] =	wrdreg $0xFFFFFFFF;
	(pc) =	sbr.abs _section_cstart, $3  }
0x38: {  	[dreg:$0x1] =	wrdreg $0xFFFFFFFF  }
0x39: {  	_ =	task.clear_ibuf [dreg:s7], $0x2FFFF;
	_ =	strace $0x9FFFFFFF  }
0x3a: {  	(tm) =	ssettm $0x7FFFFFFF  }
0x3b: {  	_ =	shalt  }
tec
execute0_lowered:
.L_overlay_start_1:
0x0: {  	(tag) =	ssettag $0x1  }
0x1: {  	s0 =	srdreg.scid  }
0x2: {  	s1 =	sshll.u32 s0, $0x4  }
0x3: {  	s0 =	stileid.u32;
	s1 =	sand.u32 $0x10, s1  }
0x4: {  	s1 =	sor.u32 s0, s1  }
0x5: {  	s6 =	rddreg [dreg:$0x0];
	s4 =	simm.s32 $0x1;
	s2 =	sshll.u32 s1, $0x7  }
0x6: {  	s7 =	simm.s32 $0x2;
	s12 =	simm.s32 $0x0;
	s1 =	ssub.s32 $0x1000, s2  }
0x7: {  	s8 =	simm.s32 $0x8000;
	s13 =	simm.s32 $0x0;
	s3 =	sand.u32 $0xF80, s1  }
0x8: {  	s9 =	simm.s32 $0x0;
	s5 =	sshrl.u32 s1, $0xC;
	p0 =	sne.s32 s3, $0x0  }
.Ltmp0:
0x9: {  	s1 =	rddreg [dreg:$0x2];
	s4 =	simm.s32 @!p0 $0x0;
	(pc) =	sbr.rel .LBB1_1-.Ltmp0, $4  }
0xa: {  	s11 =	simm.s32 $0x0;
	s3 =	rddreg [dreg:$0x1];
	s5 =	sadd.s32 s4, s5  }
0xb: {  	_ =	strace $0x8000004A;
	s4 =	simm.s32 $0x1;
	s5 =	smul.u32 $0xC8, s5  }
0xc: {  	s6 =	sadd.s32 $0xC00, s6;
	s10 =	smov.u32 s2;
	[sflag:s4] =	ssyncpa.u1 $0x0  }
0xd: {  	p0 =	por $0x0, $0x0;
	[sflag:s7] =	ssyncpa.u1 $0x0;
	s7 =	sor.u32 $0x1, s5  }
.LBB1_4:
0xe: {  	s16 =	sshll.u32 s13, $0x3;
	s17 =	sand.u32 $0x78, s13  }
0xf: {  	s30 =	sand.u32 $0x7E00, s13;
	s12 =	sshll.u32 s12, $0xF;
	s16 =	sand.u32 $0xC00, s16  }
0x10: {  	[tilespmem:s15+$0x810 ss:$0x81] =	vst.msk $0xffff, v2;
	s31 =	sand.u32 $0x7, s13;
	s16 =	sor.u32 s17, s16;
	s17 =	sadd.s32 s3, s30  }
0x11: {  	[tilespmem:s15+$0x1020 ss:$0x81] =	vst.msk $0xffff, v0;
	s13 =	sshll.u32 s31, $0x12;
	s12 =	sadd.s32 s12, s17;
	s16 =	sshrl.u32 s16, $0x3  }
0x12: {  	[tilespmem:s15+$0x0 ss:$0x81] =	vst.msk $0xffff, v1;
	s13 =	sor.u32 $0x400, s13;
	s12 =	sadd.s32 s16, s12  }
0x13: {  	[hbm4b:s12+s13] =	stream.strided.scatter [tilespmem:s14], [sflag:$0x2], $0x2000, s8, s13, $0x20;
	[tilespmem:$0x8080] =	vst v63  }
.LBB1_5:
0x14: {  	s14 =	sadd.s32 $0x1, s9  }
0x15: {  	s12 =	sadd.s32 $0x1000, s10;
	s16 =	smov.u32 s10;
	p2 =	sgt.s32 s14, $0xC7  }
0x16: {  	s16 =	smov.u32 @p2 s12  }
0x17: {  	s14 =	simm.s32 @p2 $0x0;
	p2 =	sgt.s32 s16, $0xFFF  }
0x18: {  	s16 =	smov.u32 @p2 s2;
	p2 =	sne.s32 s11, s7  }
.Ltmp1:
0x19: {  	p1 =	slt.u32 s11, $0x2;
	(pc) =	sbr.rel @!p2 .LBB1_6-.Ltmp1, $4  }
0x1a: {  	s15 =	simm.s32 @!p1 $0x2  }
0x1b: {  	s13 =	smov.u32 s10;
	p0 =	por !p0, !p0;
	_ =	swait.ge @!p1 [sflag:s15], $0x2000  }
0x1c: {  	s12 =	smov.u32 s9;
	[sflag:s15] =	ssyncset.done @!p1 $0x0;
	s9 =	smov.u32 s14  }
0x1d: {  	s11 =	sadd.s32 $0x1, s11;
	[sflag:s15] =	ssyncadd.s32 @!p1 $0xFFFFE000;
	s10 =	smov.u32 s16  }
.LBB1_1:
0x1e: {  	p1 =	sge.u32 s11, s5  }
0x1f: {  	s14 =	sand.u32 @!p1 $0x1FFFFFF, s9  }
0x20: {  	s15 =	smulhi.u32 @!p1 $0x147AE15, s14;
	_ =	sdelay $0x1  }
0x21: {  	s15 =	smul.u32 @!p1 $0xC8, s15  }
0x22: {  	s16 =	sxor.u32 @!p1 $0xFFFFFFFF, s11;
	s17 =	smul.u32 @!p1 $0xC80, s10  }
0x23: {  	s31 =	sadd.s32 $0xFFFFFFFF, s11;
	s16 =	sshll.u32 @!p1 s16, $0xD;
	s14 =	ssub.s32 @!p1 s14, s15  }
0x24: {  	s15 =	sand.u32 @!p1 $0x2000, s16;
	s16 =	sadd.s32 @!p1 s6, s17;
	s14 =	sshll.u32 @!p1 s14, $0x4  }
0x25: {  	s17 =	simm.s32 @!p1 $0x6400;
	s14 =	sadd.s32 @!p1 s14, s16;
	s16 =	simm.s32 @!p1 $0x40  }
0x26: {  	[tilespmem:s15], [sflag:$0x1] =	stream.strided.gather @!p1 [hbm4b:s14+s16], $0x2000, s17, s16, $0x38;
	[tilespmem:$0x8080] =	vst v63  }
0x27: {  	p1 =	sge.u32 s31, s5  }
.Ltmp2:
0x28: {  	_ = 	snop;
	(pc) =	sbr.rel @p1 .LBB1_5-.Ltmp2, $1  }
0x29: {  	_ =	sdelay $0x3  }
0x2a: {  	s14 =	simm.s32 $0x1  }
0x2b: {  	_ =	swait.ge [sflag:s4], $0x2000;
	s14 =	simm.s32 @!p0 $0x0  }
0x2c: {  	[sflag:s4] =	ssyncset.done $0x0;
	s15 =	sshll.u32 s14, $0xD  }
0x2d: {  	[sflag:s4] =	ssyncadd.s32 $0xFFFFE000;
	s18 =	sor.u32 $0x20, s15  }
0x2e: {  	s14 =	smul.u32 $0x8100, s14;
	v3 =	vld [tilespmem:s18+$0x10]  }
0x2f: {  	s30 =	sand.u32 $0x1, s11;
	v2 =	vld [tilespmem:s18+$0xFFFFFFF0]  }
0x30: {  	s15 =	smul.u32 $0x8100, s30;
	s14 =	sshrl.u32 s14, $0x2;
	v0 =	vld [tilespmem:s18+$0x0]  }
0x31: {  	v1 =	vld [tilespmem:s18+$0xFFFFFFE0];
	s16 =	sor.u32 $0x4000, s14  }
0x32: {  	s31 =	sshrl.u32 s15, $0x2;
	s15 =	sadd.s32 $0x0, s16  }
0x33: {  	s17 =	simm.s32 $0x4;
	s18 =	sadd.s32 $0x40, s18;
	s14 =	sor.u32 $0x4000, s31;
	[tilespmem:s15+$0x1830 ss:$0x81] =	vst.msk $0xffff, v3  }
.LBB1_3:
0x34: {  	v3 =	vld [tilespmem:s18+$0x10];
	p1 =	sne.s32 s17, $0x1FC;
	[tilespmem:s15+$0x810 ss:$0x81] =	vst.msk $0xffff, v2;
	s19 =	smov.u32 s17;
	s17 =	sadd.s32 $0x4, s17  }
.Ltmp3:
0x35: {  	v2 =	vld [tilespmem:s18+$0xFFFFFFF0];
	[tilespmem:s15+$0x1020 ss:$0x81] =	vst.msk $0xffff, v0;
	(pc) =	sbr.rel @p1 .LBB1_3-.Ltmp3, $4  }
0x36: {  	v0 =	vld [tilespmem:s18+$0x0];
	[tilespmem:s15+$0x0 ss:$0x81] =	vst.msk $0xffff, v1  }
0x37: {  	s15 =	sshra.s32 s19, $0x2;
	v1 =	vld [tilespmem:s18+$0xFFFFFFE0]  }
0x38: {  	s15 =	sadd.s32 s15, s16  }
0x39: {  	s18 =	sadd.s32 $0x40, s18;
	[tilespmem:s15+$0x1830 ss:$0x81] =	vst.msk $0xffff, v3  }
.Ltmp4:
0x3a: {  	_ = 	snop;
	(pc) =	sbr.rel .LBB1_4-.Ltmp4, $1  }
0x3b: {  	_ =	sdelay $0x3  }
.LBB1_6:
0x3c: {  	_ =	sfence.sel $0x180000  }
0x3d: {  	s2 =	simm.s32 $0x1;
	[bflag:$0x0] =	sbarrier.arrive $0xFFFF  }
0x3e: {  	s31 =	simm.s32 $0x2;
	[sflag:s2] =	ssyncpa.u1 $0x1  }
0x3f: {  	[sflag:s31] =	ssyncpa.u1 $0x1  }
0x40: {  	p0 =	sne.s32 s0, $0x0;
	_ =	strace $0x9000004A  }
0x41: {  	s0 =	sadd.s32 @!p0 $0x100000, s1;
	[bflag:$0x2] =	sbarrier.arrive $0xFFFF  }
0x42: {  	[sflag:s0] =	ssyncadd.tile.s32 @!p0 $0x1;
	_ =	shalt  }
.Lfunc_end1:
_tile_overlayer_lowered:
.L_overlay_start_2:
0x43: {  	(tag) =	ssettag $0x2  }
0x44: {  	s0 =	rddreg [dreg:$0x0];
	s2 =	stileid.u32  }
0x45: {  	s1 =	rddreg [dreg:$0x1];
	p0 =	sne.s32 s2, $0x0  }
0x46: {  	s3 =	rddreg [dreg:$0x2];
	[bflag:$0x3] =	sbarrier.arrive $0xFFFF;
	s2 =	simm.s32 @!p0 $0x1C01  }
0x47: {  	[timem:s3], [sflag:s2] =	dma.local @!p0 [hbm:s0], s1  }
0x48: {  	s0 =	simm.s32 @!p0 $0x1  }
0x49: {  	_ =	swait.ge @!p0 [sflag:s0], s1  }
0x4a: {  	s1 =	ssub.s32 @!p0 $0x0, s1;
	[sflag:s0] =	ssyncset.done @!p0 $0x0  }
0x4b: {  	[sflag:s0] =	ssyncadd.s32 @!p0 s1  }
0x4c: {  	[bflag:$0x3] =	sbarrier.arrive $0xFFFF  }
0x4d: {  	_ =	shalt  }

</sc_bundles>
